<compile_context>
chip_gen: v7x
topology: tpu7x:2x2x1
jax: 0.10.2.dev20260603
libtpu: 0.0.44.dev20260713+nightly
codegen_flags: <defaults>
</compile_context>

<pallas_src>
import functools

import jax
import jax.numpy as jnp
from jax import lax
from jax.experimental import pallas as pl
from jax.experimental.pallas import tpu as pltpu
from jax.experimental.pallas import tpu_sc as plsc

N_PAD = 10240
NC, NS = 2, 16
EDGE_K = 128
D = 128
DEG_W = 128
NBUF = 4
DEG_NBUF = 4
RPT = N_PAD // NS


def _mesh():
    return plsc.VectorSubcoreMesh(
        core_axis_name="c", subcore_axis_name="s", num_cores=NC, num_subcores=NS
    )


def _fill16(ref, rows, width, val):
    v16 = jnp.full((16,), val, jnp.float32)

    def body(t, _):
        ref[t // (width // 16), pl.ds((t % (width // 16)) * 16, 16)] = v16
        return 0

    lax.fori_loop(0, rows * (width // 16), body, 0)


def _zero_acc(acc, zero_v, s, rows=None):
    rows = EDGE_K if rows is None else rows
    base = s * RPT
    for j in range(RPT // rows):
        pltpu.sync_copy(zero_v, acc.at[pl.ds(base + j * rows, rows)])


def _deg_kernel(dst, nchunks):
    @functools.partial(
        pl.kernel,
        out_type=jax.ShapeDtypeStruct((NC, N_PAD, DEG_W), jnp.float32),
        mesh=_mesh(),
        scratch_types=[
            pltpu.VMEM((nchunks, EDGE_K), jnp.int32),
            pltpu.VMEM((EDGE_K, DEG_W), jnp.float32),
            pltpu.VMEM_SHARED((N_PAD, DEG_W), jnp.float32),
        ]
        + [pltpu.SemaphoreType.DMA] * DEG_NBUF,
    )
    def k(dst_hbm, out_hbm, dst_v, ones_v, acc, *sems):
        c = lax.axis_index("c")
        s = lax.axis_index("s")

        pltpu.sync_copy(dst_hbm.at[c, s], dst_v)
        _fill16(ones_v, EDGE_K, DEG_W, 0.0)
        _zero_acc(acc, ones_v, s)
        _fill16(ones_v, EDGE_K, DEG_W, 1.0)
        plsc.subcore_barrier()

        ngroups = (nchunks + DEG_NBUF - 1) // DEG_NBUF

        def group(jj, _):
            t0 = jj * DEG_NBUF
            for b in range(DEG_NBUF):
                t = t0 + b

                @pl.when(t < nchunks)
                def _():
                    @pl.when(t >= DEG_NBUF)
                    def _():
                        pltpu.make_async_copy(
                            ones_v, acc.at[dst_v.at[t - DEG_NBUF]], sems[b]
                        ).wait()

                    pltpu.async_copy(ones_v, acc.at[dst_v.at[t]], sems[b], add=True)

            return 0

        lax.fori_loop(0, ngroups, group, 0)

        for t in range(max(0, nchunks - DEG_NBUF), nchunks):
            pltpu.make_async_copy(ones_v, acc.at[dst_v.at[t]], sems[t % DEG_NBUF]).wait()
        plsc.subcore_barrier()
        pltpu.sync_copy(
            acc.at[pl.ds(s * RPT, RPT)], out_hbm.at[c, pl.ds(s * RPT, RPT)]
        )

    return k(dst)


AGG_K = 64
QD = 8


def _agg_kernel(pk, h, nchunks):
    @functools.partial(
        pl.kernel,
        out_type=jax.ShapeDtypeStruct((NC, N_PAD, D), jnp.float32),
        mesh=_mesh(),
        scratch_types=[
            pltpu.VMEM((nchunks // 2, 128), jnp.int32),
            pltpu.VMEM((QD, AGG_K), jnp.int32),
            pltpu.VMEM((QD, AGG_K), jnp.int32),
            pltpu.VMEM((NBUF, AGG_K, D), jnp.float32),
            pltpu.VMEM_SHARED((N_PAD, D), jnp.float32),
        ]
        + [pltpu.SemaphoreType.DMA] * (2 * NBUF),
    )
    def k(pk_hbm, h_hbm, out_hbm, pk_v, src_u, dst_u, rows_v, acc, *sems):
        gsem = sems[:NBUF]
        ssem = sems[NBUF:]
        c = lax.axis_index("c")
        s = lax.axis_index("s")

        pltpu.sync_copy(pk_hbm.at[c, s], pk_v)
        _fill16(rows_v.at[0], AGG_K, D, 0.0)
        _zero_acc(acc, rows_v.at[0], s, AGG_K)
        plsc.subcore_barrier()

        def unpack(t):
            q = t % QD
            r = t // 2
            o = (t % 2) * AGG_K

            for l in range(AGG_K // 16):
                v = pk_v[r, pl.ds(o + l * 16, 16)]
                src_u[q, pl.ds(l * 16, 16)] = jnp.bitwise_and(v, 0xFFFF)
                dst_u[q, pl.ds(l * 16, 16)] = jnp.right_shift(v, 16)

        def gather(t, b):
            pltpu.async_copy(h_hbm.at[src_u.at[t % QD]], rows_v.at[b], gsem[b])

        def scatter(t, b):
            pltpu.async_copy(
                rows_v.at[b], acc.at[dst_u.at[t % QD]], ssem[b], add=True
            )

        LA = NBUF - 1
        for t in range(min(LA, nchunks)):
            unpack(t)
            gather(t, t)

        ngroups = (nchunks + NBUF - 1) // NBUF

        def group(jj, _):
            t0 = jj * NBUF
            for b in range(NBUF):
                t = t0 + b

                @pl.when(t < nchunks)
                def _():
                    pltpu.make_async_copy(
                        h_hbm.at[src_u.at[t % QD]], rows_v.at[b], gsem[b]
                    ).wait()
                    bl_ = (b + LA) % NBUF

                    @pl.when(t >= 1)
                    def _():
                        pltpu.make_async_copy(
                            rows_v.at[bl_], acc.at[dst_u.at[(t - 1) % QD]], ssem[bl_]
                        ).wait()

                    @pl.when(t + LA < nchunks)
                    def _():
                        unpack(t + LA)
                        gather(t + LA, bl_)

                    scatter(t, b)

            return 0

        lax.fori_loop(0, ngroups, group, 0)

        bl = (nchunks - 1) % NBUF
        pltpu.make_async_copy(
            rows_v.at[bl], acc.at[dst_u.at[(nchunks - 1) % QD]], ssem[bl]
        ).wait()
        plsc.subcore_barrier()
        pltpu.sync_copy(
            acc.at[pl.ds(s * RPT, RPT)], out_hbm.at[c, pl.ds(s * RPT, RPT)]
        )

    return k(pk, h)


_BM = 1024


def _mm_scale(x, w, deg0, deg1):
    m, kdim = x.shape
    _, d = w.shape

    def body(x_ref, w_ref, d0_ref, d1_ref, o_ref):
        dis = lax.rsqrt(d0_ref[...] + d1_ref[...] + 1.0)
        o_ref[...] = (
            jnp.dot(x_ref[...], w_ref[...], preferred_element_type=jnp.float32) * dis
        )

    return pl.pallas_call(
        body,
        grid=(m // _BM,),
        in_specs=[
            pl.BlockSpec((_BM, kdim), lambda i: (i, 0)),
            pl.BlockSpec((kdim, d), lambda i: (0, 0)),
            pl.BlockSpec((_BM, 1), lambda i: (i, 0)),
            pl.BlockSpec((_BM, 1), lambda i: (i, 0)),
        ],
        out_specs=pl.BlockSpec((_BM, d), lambda i: (i, 0)),
        out_shape=jax.ShapeDtypeStruct((m, d), jnp.float32),
    )(x, w, deg0, deg1)


def _combine_relu_mm_scale(p, h1, deg0, deg1, b1, w2):
    m, d = h1.shape
    _, d2 = w2.shape

    def body(p_ref, h1_ref, d0_ref, d1_ref, b_ref, w_ref, o_ref):
        dis = lax.rsqrt(d0_ref[...] + d1_ref[...] + 1.0)
        z = jnp.maximum(
            (p_ref[0] + p_ref[1] + h1_ref[...]) * dis + b_ref[...], 0.0
        )
        r = jnp.dot(z, w_ref[...], preferred_element_type=jnp.float32) * dis
        o_ref[...] = jnp.concatenate(
            [r, jnp.zeros((_BM, d - d2), jnp.float32)], axis=1
        )

    return pl.pallas_call(
        body,
        grid=(m // _BM,),
        in_specs=[
            pl.BlockSpec((NC, _BM, d), lambda i: (0, i, 0)),
            pl.BlockSpec((_BM, d), lambda i: (i, 0)),
            pl.BlockSpec((_BM, 1), lambda i: (i, 0)),
            pl.BlockSpec((_BM, 1), lambda i: (i, 0)),
            pl.BlockSpec((1, d), lambda i: (0, 0)),
            pl.BlockSpec((d, d2), lambda i: (0, 0)),
        ],
        out_specs=pl.BlockSpec((_BM, d), lambda i: (i, 0)),
        out_shape=jax.ShapeDtypeStruct((m, d), jnp.float32),
    )(p, h1, deg0, deg1, b1, w2)


def _combine_bias(p, h2, deg0, deg1, b2, d2):
    m, d = h2.shape

    def body(p_ref, h2_ref, d0_ref, d1_ref, b_ref, o_ref):
        dis = lax.rsqrt(d0_ref[...] + d1_ref[...] + 1.0)
        o_ref[...] = (
            p_ref[0][:, :d2] + p_ref[1][:, :d2] + h2_ref[:, :d2]
        ) * dis + b_ref[...]

    return pl.pallas_call(
        body,
        grid=(m // _BM,),
        in_specs=[
            pl.BlockSpec((NC, _BM, d), lambda i: (0, i, 0)),
            pl.BlockSpec((_BM, d), lambda i: (i, 0)),
            pl.BlockSpec((_BM, 1), lambda i: (i, 0)),
            pl.BlockSpec((_BM, 1), lambda i: (i, 0)),
            pl.BlockSpec((1, d2), lambda i: (0, 0)),
        ],
        out_specs=pl.BlockSpec((_BM, d2), lambda i: (i, 0)),
        out_shape=jax.ShapeDtypeStruct((m, d2), jnp.float32),
    )(p, h2, deg0, deg1, b2)


def kernel(x, edge_index, W1, b1, W2, b2):
    n, f_in = x.shape
    e = edge_index.shape[1]

    epw = NC * NS * EDGE_K
    e_pad = ((e + epw - 1) // epw) * epw
    nchunks = e_pad // (NC * NS * EDGE_K)
    nchunks_a = e_pad // (NC * NS * AGG_K)
    src = jnp.full((e_pad,), n, jnp.int32).at[:e].set(
        edge_index[0].astype(jnp.int32)
    )
    dst = (n + (jnp.arange(e_pad, dtype=jnp.int32) % (N_PAD - n))).at[:e].set(
        edge_index[1].astype(jnp.int32)
    )
    pk = jnp.bitwise_or(
        src, jnp.left_shift(dst, 16)
    ).reshape(NC, NS, nchunks, EDGE_K)
    dst = dst.reshape(NC, NS, nchunks, EDGE_K)

    xp = jnp.zeros((N_PAD, f_in), x.dtype).at[:n].set(x)

    degp = _deg_kernel(dst, nchunks)
    deg0 = degp[0, :, 0:1]
    deg1 = degp[1, :, 0:1]

    h1 = _mm_scale(xp, W1, deg0, deg1)
    agg1 = _agg_kernel(pk, h1, nchunks_a)
    h2 = _combine_relu_mm_scale(agg1, h1, deg0, deg1, b1.reshape(1, -1), W2)
    agg2 = _agg_kernel(pk, h2, nchunks_a)
    out = _combine_bias(agg2, h2, deg0, deg1, b2.reshape(1, -1), W2.shape[1])
    return out[:n]

# --- scband reference (transcript-rebuilt; emitter-appended) ---
"""Pipeline reference for scband-gcn-net2-43052752175666 (READ-ONLY COPY).

The authoritative reference and input builder live on the scoring server;
editing this copy changes nothing except your own understanding.
"""

import jax, jax.numpy as jnp
import numpy as np

N_NODES = 10000
N_EDGES = 160000
F_IN = 256
HIDDEN = 128
N_CLASSES = 64


def setup_inputs(seed: int = 0) -> dict:
    key = jax.random.key(seed)
    k1, k2, k3, k4, k5, k6 = jax.random.split(key, 6)
    x = jax.random.normal(k1, (N_NODES, F_IN), dtype=jnp.float32)
    edge_index = jax.random.randint(k2, (2, N_EDGES), 0, N_NODES, dtype=jnp.int64)
    # GCNConv weights (glorot-style scale)
    W1 = jax.random.normal(k3, (F_IN, HIDDEN), dtype=jnp.float32) * (1.0 / np.sqrt(F_IN))
    b1 = jnp.zeros((HIDDEN,), dtype=jnp.float32)
    W2 = jax.random.normal(k4, (HIDDEN, N_CLASSES), dtype=jnp.float32) * (1.0 / np.sqrt(HIDDEN))
    b2 = jnp.zeros((N_CLASSES,), dtype=jnp.float32)
    return {"x": x, "edge_index": edge_index, "W1": W1, "b1": b1, "W2": W2, "b2": b2}


def _gcn_conv(x, edge_index, W, b):
    # Faithful PyG GCNConv: add self-loops, symmetric normalization,
    # linear transform, scatter-add aggregation, bias.
    n = x.shape[0]
    loop = jnp.arange(n, dtype=edge_index.dtype)
    src = jnp.concatenate([edge_index[0], loop])
    dst = jnp.concatenate([edge_index[1], loop])
    deg = jnp.zeros((n,), dtype=x.dtype).at[dst].add(1.0)
    deg_inv_sqrt = jnp.where(deg > 0, jax.lax.rsqrt(deg), 0.0)
    norm = deg_inv_sqrt[src] * deg_inv_sqrt[dst]
    h = x @ W
    msg = h[src] * norm[:, None]
    out = jax.ops.segment_sum(msg, dst, num_segments=n)
    return out + b


def reference(x, edge_index, W1, b1, W2, b2):
    h = _gcn_conv(x, edge_index, W1, b1)
    h = jax.nn.relu(h)
    # F.dropout(training=self.training): identity in eval mode
    return _gcn_conv(h, edge_index, W2, b2)

if __name__ == "__main__":
    import jax
    _d = setup_inputs()
    print(jax.jit(kernel)(*tuple(_d.values())))

</pallas_src>

<mosaic_0001>
#map = affine_map<(d0, d1) -> (0, 0, 0, 0)>
#map1 = affine_map<(d0, d1) -> (0, 0)>
#map2 = affine_map<(d0, d1) -> (0, 0, 0)>
module attributes {stable_mosaic.version = 14 : i64} {
  func.func @k(%arg0: i32, %arg1: i32, %arg2: memref<2x16x40x128xi32, #tpu.memory_space<hbm>>, %arg3: memref<10240x128xf32, #tpu.memory_space<hbm>>, %arg4: memref<2x10240x128xf32, #tpu.memory_space<hbm>>, %arg5: memref<40x128xi32, #tpu.memory_space<vmem>>, %arg6: memref<8x64xi32, #tpu.memory_space<vmem>>, %arg7: memref<8x64xi32, #tpu.memory_space<vmem>>, %arg8: memref<4x64x128xf32, #tpu.memory_space<vmem>>, %arg9: memref<10240x128xf32, #tpu.memory_space<vmem_shared>>, %arg10: memref<!tpu.dma_semaphore, #tpu.memory_space<semaphore_mem>>, %arg11: memref<!tpu.dma_semaphore, #tpu.memory_space<semaphore_mem>>, %arg12: memref<!tpu.dma_semaphore, #tpu.memory_space<semaphore_mem>>, %arg13: memref<!tpu.dma_semaphore, #tpu.memory_space<semaphore_mem>>, %arg14: memref<!tpu.dma_semaphore, #tpu.memory_space<semaphore_mem>>, %arg15: memref<!tpu.dma_semaphore, #tpu.memory_space<semaphore_mem>>, %arg16: memref<!tpu.dma_semaphore, #tpu.memory_space<semaphore_mem>>, %arg17: memref<!tpu.dma_semaphore, #tpu.memory_space<semaphore_mem>>) attributes {dimension_semantics = [#tpu.dimension_semantics<core_parallel>, #tpu.dimension_semantics<subcore_parallel>], iteration_bounds = array<i64: 2, 16>, scalar_prefetch = 0 : i64, scratch_operands = 13 : i64, tpu.core_type = #tpu.core_type<sc_vector_subcore>, window_params = [{transform_indices = #map}, {transform_indices = #map1}, {transform_indices = #map2}]} {
    "tpu.region"() ({
      %run_scoped3A_367 = tpu.sem_alloc : memref<!tpu.dma_semaphore, #tpu.memory_space<semaphore_mem>>
      %dma_start3A_368 = arith.constant 0 : i32
      %dma_start3A_369 = arith.constant 0 : i32
      %dma_start3A_370 = tpu.memref_slice %arg2[%arg0, %arg1, %dma_start3A_368, %dma_start3A_369] : memref<2x16x40x128xi32, #tpu.memory_space<hbm>> -> memref<1x1x40x128xi32, #tpu.memory_space<hbm>>
      %dma_start3A_371 = tpu.memref_squeeze %dma_start3A_370 : memref<1x1x40x128xi32, #tpu.memory_space<hbm>> -> memref<40x128xi32, #tpu.memory_space<hbm>>
      %dma_start3A_372 = arith.constant 0 : i32
      %dma_start3A_373 = arith.constant 0 : i32
      %dma_start3A_374 = tpu.memref_slice %arg2[%arg0, %arg1, %dma_start3A_372, %dma_start3A_373] : memref<2x16x40x128xi32, #tpu.memory_space<hbm>> -> memref<1x1x40x128xi32, #tpu.memory_space<hbm>>
      %dma_start3A_375 = tpu.memref_squeeze %dma_start3A_374 : memref<1x1x40x128xi32, #tpu.memory_space<hbm>> -> memref<40x128xi32, #tpu.memory_space<hbm>>
      tpu.enqueue_dma source(%dma_start3A_375 : memref<40x128xi32, #tpu.memory_space<hbm>>) target(%arg5 : memref<40x128xi32, #tpu.memory_space<vmem>>) target_semaphore(%run_scoped3A_367 : memref<!tpu.dma_semaphore, #tpu.memory_space<semaphore_mem>>)
      %dma_wait3A_376 = arith.constant 0 : i32
      %dma_wait3A_377 = arith.constant 0 : i32
      %dma_wait3A_378 = tpu.memref_slice %arg2[%arg0, %arg1, %dma_wait3A_376, %dma_wait3A_377] : memref<2x16x40x128xi32, #tpu.memory_space<hbm>> -> memref<1x1x40x128xi32, #tpu.memory_space<hbm>>
      %dma_wait3A_379 = tpu.memref_squeeze %dma_wait3A_378 : memref<1x1x40x128xi32, #tpu.memory_space<hbm>> -> memref<40x128xi32, #tpu.memory_space<hbm>>
      %dma_wait3A_380 = arith.constant 0 : i32
      %dma_wait3A_381 = arith.constant 0 : i32
      %dma_wait3A_382 = tpu.memref_slice %arg2[%arg0, %arg1, %dma_wait3A_380, %dma_wait3A_381] : memref<2x16x40x128xi32, #tpu.memory_space<hbm>> -> memref<1x1x40x128xi32, #tpu.memory_space<hbm>>
      %dma_wait3A_383 = tpu.memref_squeeze %dma_wait3A_382 : memref<1x1x40x128xi32, #tpu.memory_space<hbm>> -> memref<40x128xi32, #tpu.memory_space<hbm>>
      tpu.wait_dma2 semaphore(%run_scoped3A_367 : memref<!tpu.dma_semaphore, #tpu.memory_space<semaphore_mem>>) src(%dma_wait3A_383 : memref<40x128xi32, #tpu.memory_space<hbm>>) dst(%arg5 : memref<40x128xi32, #tpu.memory_space<vmem>>)
      tpu.yield
    }) : () -> ()
    %broadcast_in_dim3A = arith.constant 0.000000e+00 : f32
    %broadcast_in_dim3A_0 = vector.broadcast %broadcast_in_dim3A : f32 to vector<16xf32>
    %scan3A = arith.constant 0 : i32
    %scan3A_1 = arith.constant 0 : i32
    %scan3A_2 = arith.constant 0 : i32
    %scan3A_3 = arith.constant 512 : i32
    %scan3A_4 = arith.addi %scan3A_2, %scan3A_3 : i32
    %scan3A_5 = arith.constant 1 : i32
    %scan3A_6 = scf.for %scan3A_367 = %scan3A_2 to %scan3A_4 step %scan3A_5 iter_args(%scan3A_368 = %scan3A_1) -> (i32)  : i32 {
      %jit3A = arith.constant 8 : i32
      %div3A = arith.divsi %scan3A_367, %jit3A : i32
      %sign3A = arith.constant 0 : i32
      %sign3A_369 = arith.cmpi sgt, %scan3A_367, %sign3A : i32
      %sign3A_370 = arith.extui %sign3A_369 : i1 to i32
      %sign3A_371 = arith.constant 0 : i32
      %sign3A_372 = arith.cmpi slt, %scan3A_367, %sign3A_371 : i32
      %sign3A_373 = arith.extui %sign3A_372 : i1 to i32
      %sign3A_374 = arith.subi %sign3A_370, %sign3A_373 : i32
      %sign3A_375 = arith.constant 0 : i32
      %sign3A_376 = arith.cmpi sgt, %jit3A, %sign3A_375 : i32
      %sign3A_377 = arith.extui %sign3A_376 : i1 to i32
      %sign3A_378 = arith.constant 0 : i32
      %sign3A_379 = arith.cmpi slt, %jit3A, %sign3A_378 : i32
      %sign3A_380 = arith.extui %sign3A_379 : i1 to i32
      %sign3A_381 = arith.subi %sign3A_377, %sign3A_380 : i32
      %ne3A = arith.cmpi ne, %sign3A_374, %sign3A_381 : i32
      %rem3A = arith.remsi %scan3A_367, %jit3A : i32
      %ne3A_382 = arith.constant 0 : i32
      %ne3A_383 = arith.cmpi ne, %rem3A, %ne3A_382 : i32
      %and3A_384 = arith.andi %ne3A, %ne3A_383 : i1
      %sub3A = arith.constant 1 : i32
      %sub3A_385 = arith.subi %div3A, %sub3A : i32
      %select_n3A = arith.select %and3A_384, %sub3A_385, %div3A : i32
      %jit3A_386 = arith.constant 8 : i32
      %eq3A = arith.constant 0 : i32
      %eq3A_387 = arith.cmpi eq, %jit3A_386, %eq3A : i32
      %jit3A_388 = arith.constant 1 : i32
      %select_n3A_389 = arith.select %eq3A_387, %jit3A_388, %jit3A_386 : i32
      %rem3A_390 = arith.remsi %scan3A_367, %select_n3A_389 : i32
      %ne3A_391 = arith.constant 0 : i32
      %ne3A_392 = arith.cmpi ne, %rem3A_390, %ne3A_391 : i32
      %lt3A = arith.constant 0 : i32
      %lt3A_393 = arith.cmpi slt, %rem3A_390, %lt3A : i32
      %lt3A_394 = arith.constant 0 : i32
      %lt3A_395 = arith.cmpi slt, %select_n3A_389, %lt3A_394 : i32
      %ne3A_396 = arith.xori %lt3A_393, %lt3A_395 : i1
      %and3A_397 = arith.andi %ne3A_396, %ne3A_392 : i1
      %add3A_398 = arith.addi %rem3A_390, %select_n3A_389 : i32
      %select_n3A_399 = arith.select %and3A_397, %add3A_398, %rem3A_390 : i32
      %mul3A_400 = arith.constant 16 : i32
      %mul3A_401 = arith.muli %select_n3A_399, %mul3A_400 : i32
      %swap3A_402 = arith.constant 0 : i32
      %swap3A_403 = arith.constant 0 : i32
      %swap3A_404 = tpu.memref_slice %arg8[%scan3A, %swap3A_402, %swap3A_403] : memref<4x64x128xf32, #tpu.memory_space<vmem>> -> memref<1x64x128xf32, #tpu.memory_space<vmem>>
      %swap3A_405 = tpu.memref_squeeze %swap3A_404 : memref<1x64x128xf32, #tpu.memory_space<vmem>> -> memref<64x128xf32, #tpu.memory_space<vmem>>
      %swap3A_406 = arith.index_cast %select_n3A : i32 to index
      %swap3A_407 = arith.index_cast %mul3A_401 : i32 to index
      %swap3A_408 = tpu.vector_load %swap3A_405[%swap3A_406, %swap3A_407] {strides = array<i32>} : memref<64x128xf32, #tpu.memory_space<vmem>>, vector<1x16xf32>,
      %swap3A_409 = vector.shape_cast %swap3A_408 : vector<1x16xf32> to vector<16xf32>
      %swap3A_410 = vector.shape_cast %broadcast_in_dim3A_0 : vector<16xf32> to vector<1x16xf32>
      tpu.vector_store %swap3A_405[%swap3A_406, %swap3A_407], %swap3A_410 {strides = array<i32>} : memref<64x128xf32, #tpu.memory_space<vmem>>, vector<1x16xf32>,
      %scan3A_411 = arith.constant 0 : i32
      scf.yield %scan3A_411 : i32
    }
    %scan3A_7 = arith.constant 512 : i32
    %mul3A = arith.constant 640 : i32
    %mul3A_8 = arith.muli %arg1, %mul3A : i32
    %add3A = arith.constant 0 : i32
    %add3A_9 = arith.addi %mul3A_8, %add3A : i32
    %run_scoped3A = arith.constant 0 : i32
    "tpu.region"() ({
      %run_scoped3A_367 = tpu.sem_alloc : memref<!tpu.dma_semaphore, #tpu.memory_space<semaphore_mem>>
      %dma_start3A_368 = arith.constant 0 : i32
      %dma_start3A_369 = arith.constant 0 : i32
      %dma_start3A_370 = tpu.memref_slice %arg8[%run_scoped3A, %dma_start3A_368, %dma_start3A_369] : memref<4x64x128xf32, #tpu.memory_space<vmem>> -> memref<1x64x128xf32, #tpu.memory_space<vmem>>
      %dma_start3A_371 = tpu.memref_squeeze %dma_start3A_370 : memref<1x64x128xf32, #tpu.memory_space<vmem>> -> memref<64x128xf32, #tpu.memory_space<vmem>>
      %dma_start3A_372 = arith.constant 0 : i32
      %dma_start3A_373 = tpu.memref_slice %arg9[%add3A_9, %dma_start3A_372] : memref<10240x128xf32, #tpu.memory_space<vmem_shared>> -> memref<64x128xf32, #tpu.memory_space<vmem_shared>>
      %dma_start3A_374 = arith.constant 0 : i32
      %dma_start3A_375 = tpu.memref_slice %arg9[%add3A_9, %dma_start3A_374] : memref<10240x128xf32, #tpu.memory_space<vmem_shared>> -> memref<64x128xf32, #tpu.memory_space<vmem_shared>>
      %dma_start3A_376 = arith.constant 0 : i32
      %dma_start3A_377 = arith.constant 0 : i32
      %dma_start3A_378 = tpu.memref_slice %arg8[%run_scoped3A, %dma_start3A_376, %dma_start3A_377] : memref<4x64x128xf32, #tpu.memory_space<vmem>> -> memref<1x64x128xf32, #tpu.memory_space<vmem>>
      %dma_start3A_379 = tpu.memref_squeeze %dma_start3A_378 : memref<1x64x128xf32, #tpu.memory_space<vmem>> -> memref<64x128xf32, #tpu.memory_space<vmem>>
      tpu.enqueue_dma source(%dma_start3A_379 : memref<64x128xf32, #tpu.memory_space<vmem>>) target(%dma_start3A_375 : memref<64x128xf32, #tpu.memory_space<vmem_shared>>) target_semaphore(%run_scoped3A_367 : memref<!tpu.dma_semaphore, #tpu.memory_space<semaphore_mem>>)
      %dma_wait3A_380 = arith.constant 0 : i32
      %dma_wait3A_381 = arith.constant 0 : i32
      %dma_wait3A_382 = tpu.memref_slice %arg8[%run_scoped3A, %dma_wait3A_380, %dma_wait3A_381] : memref<4x64x128xf32, #tpu.memory_space<vmem>> -> memref<1x64x128xf32, #tpu.memory_space<vmem>>
      %dma_wait3A_383 = tpu.memref_squeeze %dma_wait3A_382 : memref<1x64x128xf32, #tpu.memory_space<vmem>> -> memref<64x128xf32, #tpu.memory_space<vmem>>
      %dma_wait3A_384 = arith.constant 0 : i32
      %dma_wait3A_385 = tpu.memref_slice %arg9[%add3A_9, %dma_wait3A_384] : memref<10240x128xf32, #tpu.memory_space<vmem_shared>> -> memref<64x128xf32, #tpu.memory_space<vmem_shared>>
      %dma_wait3A_386 = arith.constant 0 : i32
      %dma_wait3A_387 = tpu.memref_slice %arg9[%add3A_9, %dma_wait3A_386] : memref<10240x128xf32, #tpu.memory_space<vmem_shared>> -> memref<64x128xf32, #tpu.memory_space<vmem_shared>>
      %dma_wait3A_388 = arith.constant 0 : i32
      %dma_wait3A_389 = arith.constant 0 : i32
      %dma_wait3A_390 = tpu.memref_slice %arg8[%run_scoped3A, %dma_wait3A_388, %dma_wait3A_389] : memref<4x64x128xf32, #tpu.memory_space<vmem>> -> memref<1x64x128xf32, #tpu.memory_space<vmem>>
      %dma_wait3A_391 = tpu.memref_squeeze %dma_wait3A_390 : memref<1x64x128xf32, #tpu.memory_space<vmem>> -> memref<64x128xf32, #tpu.memory_space<vmem>>
      tpu.wait_dma2 semaphore(%run_scoped3A_367 : memref<!tpu.dma_semaphore, #tpu.memory_space<semaphore_mem>>) src(%dma_wait3A_391 : memref<64x128xf32, #tpu.memory_space<vmem>>) dst(%dma_wait3A_387 : memref<64x128xf32, #tpu.memory_space<vmem_shared>>)
      tpu.yield
    }) : () -> ()
    %add3A_10 = arith.constant 64 : i32
    %add3A_11 = arith.addi %mul3A_8, %add3A_10 : i32
    %run_scoped3A_12 = arith.constant 0 : i32
    "tpu.region"() ({
      %run_scoped3A_367 = tpu.sem_alloc : memref<!tpu.dma_semaphore, #tpu.memory_space<semaphore_mem>>
      %dma_start3A_368 = arith.constant 0 : i32
      %dma_start3A_369 = arith.constant 0 : i32
      %dma_start3A_370 = tpu.memref_slice %arg8[%run_scoped3A_12, %dma_start3A_368, %dma_start3A_369] : memref<4x64x128xf32, #tpu.memory_space<vmem>> -> memref<1x64x128xf32, #tpu.memory_space<vmem>>
      %dma_start3A_371 = tpu.memref_squeeze %dma_start3A_370 : memref<1x64x128xf32, #tpu.memory_space<vmem>> -> memref<64x128xf32, #tpu.memory_space<vmem>>
      %dma_start3A_372 = arith.constant 0 : i32
      %dma_start3A_373 = tpu.memref_slice %arg9[%add3A_11, %dma_start3A_372] : memref<10240x128xf32, #tpu.memory_space<vmem_shared>> -> memref<64x128xf32, #tpu.memory_space<vmem_shared>>
      %dma_start3A_374 = arith.constant 0 : i32
      %dma_start3A_375 = tpu.memref_slice %arg9[%add3A_11, %dma_start3A_374] : memref<10240x128xf32, #tpu.memory_space<vmem_shared>> -> memref<64x128xf32, #tpu.memory_space<vmem_shared>>
      %dma_start3A_376 = arith.constant 0 : i32
      %dma_start3A_377 = arith.constant 0 : i32
      %dma_start3A_378 = tpu.memref_slice %arg8[%run_scoped3A_12, %dma_start3A_376, %dma_start3A_377] : memref<4x64x128xf32, #tpu.memory_space<vmem>> -> memref<1x64x128xf32, #tpu.memory_space<vmem>>
      %dma_start3A_379 = tpu.memref_squeeze %dma_start3A_378 : memref<1x64x128xf32, #tpu.memory_space<vmem>> -> memref<64x128xf32, #tpu.memory_space<vmem>>
      tpu.enqueue_dma source(%dma_start3A_379 : memref<64x128xf32, #tpu.memory_space<vmem>>) target(%dma_start3A_375 : memref<64x128xf32, #tpu.memory_space<vmem_shared>>) target_semaphore(%run_scoped3A_367 : memref<!tpu.dma_semaphore, #tpu.memory_space<semaphore_mem>>)
      %dma_wait3A_380 = arith.constant 0 : i32
      %dma_wait3A_381 = arith.constant 0 : i32
      %dma_wait3A_382 = tpu.memref_slice %arg8[%run_scoped3A_12, %dma_wait3A_380, %dma_wait3A_381] : memref<4x64x128xf32, #tpu.memory_space<vmem>> -> memref<1x64x128xf32, #tpu.memory_space<vmem>>
      %dma_wait3A_383 = tpu.memref_squeeze %dma_wait3A_382 : memref<1x64x128xf32, #tpu.memory_space<vmem>> -> memref<64x128xf32, #tpu.memory_space<vmem>>
      %dma_wait3A_384 = arith.constant 0 : i32
      %dma_wait3A_385 = tpu.memref_slice %arg9[%add3A_11, %dma_wait3A_384] : memref<10240x128xf32, #tpu.memory_space<vmem_shared>> -> memref<64x128xf32, #tpu.memory_space<vmem_shared>>
      %dma_wait3A_386 = arith.constant 0 : i32
      %dma_wait3A_387 = tpu.memref_slice %arg9[%add3A_11, %dma_wait3A_386] : memref<10240x128xf32, #tpu.memory_space<vmem_shared>> -> memref<64x128xf32, #tpu.memory_space<vmem_shared>>
      %dma_wait3A_388 = arith.constant 0 : i32
      %dma_wait3A_389 = arith.constant 0 : i32
      %dma_wait3A_390 = tpu.memref_slice %arg8[%run_scoped3A_12, %dma_wait3A_388, %dma_wait3A_389] : memref<4x64x128xf32, #tpu.memory_space<vmem>> -> memref<1x64x128xf32, #tpu.memory_space<vmem>>
      %dma_wait3A_391 = tpu.memref_squeeze %dma_wait3A_390 : memref<1x64x128xf32, #tpu.memory_space<vmem>> -> memref<64x128xf32, #tpu.memory_space<vmem>>
      tpu.wait_dma2 semaphore(%run_scoped3A_367 : memref<!tpu.dma_semaphore, #tpu.memory_space<semaphore_mem>>) src(%dma_wait3A_391 : memref<64x128xf32, #tpu.memory_space<vmem>>) dst(%dma_wait3A_387 : memref<64x128xf32, #tpu.memory_space<vmem_shared>>)
      tpu.yield
    }) : () -> ()
    %add3A_13 = arith.constant 128 : i32
    %add3A_14 = arith.addi %mul3A_8, %add3A_13 : i32
    %run_scoped3A_15 = arith.constant 0 : i32
    "tpu.region"() ({
      %run_scoped3A_367 = tpu.sem_alloc : memref<!tpu.dma_semaphore, #tpu.memory_space<semaphore_mem>>
      %dma_start3A_368 = arith.constant 0 : i32
      %dma_start3A_369 = arith.constant 0 : i32
      %dma_start3A_370 = tpu.memref_slice %arg8[%run_scoped3A_15, %dma_start3A_368, %dma_start3A_369] : memref<4x64x128xf32, #tpu.memory_space<vmem>> -> memref<1x64x128xf32, #tpu.memory_space<vmem>>
      %dma_start3A_371 = tpu.memref_squeeze %dma_start3A_370 : memref<1x64x128xf32, #tpu.memory_space<vmem>> -> memref<64x128xf32, #tpu.memory_space<vmem>>
      %dma_start3A_372 = arith.constant 0 : i32
      %dma_start3A_373 = tpu.memref_slice %arg9[%add3A_14, %dma_start3A_372] : memref<10240x128xf32, #tpu.memory_space<vmem_shared>> -> memref<64x128xf32, #tpu.memory_space<vmem_shared>>
      %dma_start3A_374 = arith.constant 0 : i32
      %dma_start3A_375 = tpu.memref_slice %arg9[%add3A_14, %dma_start3A_374] : memref<10240x128xf32, #tpu.memory_space<vmem_shared>> -> memref<64x128xf32, #tpu.memory_space<vmem_shared>>
      %dma_start3A_376 = arith.constant 0 : i32
      %dma_start3A_377 = arith.constant 0 : i32
      %dma_start3A_378 = tpu.memref_slice %arg8[%run_scoped3A_15, %dma_start3A_376, %dma_start3A_377] : memref<4x64x128xf32, #tpu.memory_space<vmem>> -> memref<1x64x128xf32, #tpu.memory_space<vmem>>
      %dma_start3A_379 = tpu.memref_squeeze %dma_start3A_378 : memref<1x64x128xf32, #tpu.memory_space<vmem>> -> memref<64x128xf32, #tpu.memory_space<vmem>>
      tpu.enqueue_dma source(%dma_start3A_379 : memref<64x128xf32, #tpu.memory_space<vmem>>) target(%dma_start3A_375 : memref<64x128xf32, #tpu.memory_space<vmem_shared>>) target_semaphore(%run_scoped3A_367 : memref<!tpu.dma_semaphore, #tpu.memory_space<semaphore_mem>>)
      %dma_wait3A_380 = arith.constant 0 : i32
      %dma_wait3A_381 = arith.constant 0 : i32
      %dma_wait3A_382 = tpu.memref_slice %arg8[%run_scoped3A_15, %dma_wait3A_380, %dma_wait3A_381] : memref<4x64x128xf32, #tpu.memory_space<vmem>> -> memref<1x64x128xf32, #tpu.memory_space<vmem>>
      %dma_wait3A_383 = tpu.memref_squeeze %dma_wait3A_382 : memref<1x64x128xf32, #tpu.memory_space<vmem>> -> memref<64x128xf32, #tpu.memory_space<vmem>>
      %dma_wait3A_384 = arith.constant 0 : i32
      %dma_wait3A_385 = tpu.memref_slice %arg9[%add3A_14, %dma_wait3A_384] : memref<10240x128xf32, #tpu.memory_space<vmem_shared>> -> memref<64x128xf32, #tpu.memory_space<vmem_shared>>
      %dma_wait3A_386 = arith.constant 0 : i32
      %dma_wait3A_387 = tpu.memref_slice %arg9[%add3A_14, %dma_wait3A_386] : memref<10240x128xf32, #tpu.memory_space<vmem_shared>> -> memref<64x128xf32, #tpu.memory_space<vmem_shared>>
      %dma_wait3A_388 = arith.constant 0 : i32
      %dma_wait3A_389 = arith.constant 0 : i32
      %dma_wait3A_390 = tpu.memref_slice %arg8[%run_scoped3A_15, %dma_wait3A_388, %dma_wait3A_389] : memref<4x64x128xf32, #tpu.memory_space<vmem>> -> memref<1x64x128xf32, #tpu.memory_space<vmem>>
      %dma_wait3A_391 = tpu.memref_squeeze %dma_wait3A_390 : memref<1x64x128xf32, #tpu.memory_space<vmem>> -> memref<64x128xf32, #tpu.memory_space<vmem>>
      tpu.wait_dma2 semaphore(%run_scoped3A_367 : memref<!tpu.dma_semaphore, #tpu.memory_space<semaphore_mem>>) src(%dma_wait3A_391 : memref<64x128xf32, #tpu.memory_space<vmem>>) dst(%dma_wait3A_387 : memref<64x128xf32, #tpu.memory_space<vmem_shared>>)
      tpu.yield
    }) : () -> ()
    %add3A_16 = arith.constant 192 : i32
    %add3A_17 = arith.addi %mul3A_8, %add3A_16 : i32
    %run_scoped3A_18 = arith.constant 0 : i32
    "tpu.region"() ({
      %run_scoped3A_367 = tpu.sem_alloc : memref<!tpu.dma_semaphore, #tpu.memory_space<semaphore_mem>>
      %dma_start3A_368 = arith.constant 0 : i32
      %dma_start3A_369 = arith.constant 0 : i32
      %dma_start3A_370 = tpu.memref_slice %arg8[%run_scoped3A_18, %dma_start3A_368, %dma_start3A_369] : memref<4x64x128xf32, #tpu.memory_space<vmem>> -> memref<1x64x128xf32, #tpu.memory_space<vmem>>
      %dma_start3A_371 = tpu.memref_squeeze %dma_start3A_370 : memref<1x64x128xf32, #tpu.memory_space<vmem>> -> memref<64x128xf32, #tpu.memory_space<vmem>>
      %dma_start3A_372 = arith.constant 0 : i32
      %dma_start3A_373 = tpu.memref_slice %arg9[%add3A_17, %dma_start3A_372] : memref<10240x128xf32, #tpu.memory_space<vmem_shared>> -> memref<64x128xf32, #tpu.memory_space<vmem_shared>>
      %dma_start3A_374 = arith.constant 0 : i32
      %dma_start3A_375 = tpu.memref_slice %arg9[%add3A_17, %dma_start3A_374] : memref<10240x128xf32, #tpu.memory_space<vmem_shared>> -> memref<64x128xf32, #tpu.memory_space<vmem_shared>>
      %dma_start3A_376 = arith.constant 0 : i32
      %dma_start3A_377 = arith.constant 0 : i32
      %dma_start3A_378 = tpu.memref_slice %arg8[%run_scoped3A_18, %dma_start3A_376, %dma_start3A_377] : memref<4x64x128xf32, #tpu.memory_space<vmem>> -> memref<1x64x128xf32, #tpu.memory_space<vmem>>
      %dma_start3A_379 = tpu.memref_squeeze %dma_start3A_378 : memref<1x64x128xf32, #tpu.memory_space<vmem>> -> memref<64x128xf32, #tpu.memory_space<vmem>>
      tpu.enqueue_dma source(%dma_start3A_379 : memref<64x128xf32, #tpu.memory_space<vmem>>) target(%dma_start3A_375 : memref<64x128xf32, #tpu.memory_space<vmem_shared>>) target_semaphore(%run_scoped3A_367 : memref<!tpu.dma_semaphore, #tpu.memory_space<semaphore_mem>>)
      %dma_wait3A_380 = arith.constant 0 : i32
      %dma_wait3A_381 = arith.constant 0 : i32
      %dma_wait3A_382 = tpu.memref_slice %arg8[%run_scoped3A_18, %dma_wait3A_380, %dma_wait3A_381] : memref<4x64x128xf32, #tpu.memory_space<vmem>> -> memref<1x64x128xf32, #tpu.memory_space<vmem>>
      %dma_wait3A_383 = tpu.memref_squeeze %dma_wait3A_382 : memref<1x64x128xf32, #tpu.memory_space<vmem>> -> memref<64x128xf32, #tpu.memory_space<vmem>>
      %dma_wait3A_384 = arith.constant 0 : i32
      %dma_wait3A_385 = tpu.memref_slice %arg9[%add3A_17, %dma_wait3A_384] : memref<10240x128xf32, #tpu.memory_space<vmem_shared>> -> memref<64x128xf32, #tpu.memory_space<vmem_shared>>
      %dma_wait3A_386 = arith.constant 0 : i32
      %dma_wait3A_387 = tpu.memref_slice %arg9[%add3A_17, %dma_wait3A_386] : memref<10240x128xf32, #tpu.memory_space<vmem_shared>> -> memref<64x128xf32, #tpu.memory_space<vmem_shared>>
      %dma_wait3A_388 = arith.constant 0 : i32
      %dma_wait3A_389 = arith.constant 0 : i32
      %dma_wait3A_390 = tpu.memref_slice %arg8[%run_scoped3A_18, %dma_wait3A_388, %dma_wait3A_389] : memref<4x64x128xf32, #tpu.memory_space<vmem>> -> memref<1x64x128xf32, #tpu.memory_space<vmem>>
      %dma_wait3A_391 = tpu.memref_squeeze %dma_wait3A_390 : memref<1x64x128xf32, #tpu.memory_space<vmem>> -> memref<64x128xf32, #tpu.memory_space<vmem>>
      tpu.wait_dma2 semaphore(%run_scoped3A_367 : memref<!tpu.dma_semaphore, #tpu.memory_space<semaphore_mem>>) src(%dma_wait3A_391 : memref<64x128xf32, #tpu.memory_space<vmem>>) dst(%dma_wait3A_387 : memref<64x128xf32, #tpu.memory_space<vmem_shared>>)
      tpu.yield
    }) : () -> ()
    %add3A_19 = arith.constant 256 : i32
    %add3A_20 = arith.addi %mul3A_8, %add3A_19 : i32
    %run_scoped3A_21 = arith.constant 0 : i32
    "tpu.region"() ({
      %run_scoped3A_367 = tpu.sem_alloc : memref<!tpu.dma_semaphore, #tpu.memory_space<semaphore_mem>>
      %dma_start3A_368 = arith.constant 0 : i32
      %dma_start3A_369 = arith.constant 0 : i32
      %dma_start3A_370 = tpu.memref_slice %arg8[%run_scoped3A_21, %dma_start3A_368, %dma_start3A_369] : memref<4x64x128xf32, #tpu.memory_space<vmem>> -> memref<1x64x128xf32, #tpu.memory_space<vmem>>
      %dma_start3A_371 = tpu.memref_squeeze %dma_start3A_370 : memref<1x64x128xf32, #tpu.memory_space<vmem>> -> memref<64x128xf32, #tpu.memory_space<vmem>>
      %dma_start3A_372 = arith.constant 0 : i32
      %dma_start3A_373 = tpu.memref_slice %arg9[%add3A_20, %dma_start3A_372] : memref<10240x128xf32, #tpu.memory_space<vmem_shared>> -> memref<64x128xf32, #tpu.memory_space<vmem_shared>>
      %dma_start3A_374 = arith.constant 0 : i32
      %dma_start3A_375 = tpu.memref_slice %arg9[%add3A_20, %dma_start3A_374] : memref<10240x128xf32, #tpu.memory_space<vmem_shared>> -> memref<64x128xf32, #tpu.memory_space<vmem_shared>>
      %dma_start3A_376 = arith.constant 0 : i32
      %dma_start3A_377 = arith.constant 0 : i32
      %dma_start3A_378 = tpu.memref_slice %arg8[%run_scoped3A_21, %dma_start3A_376, %dma_start3A_377] : memref<4x64x128xf32, #tpu.memory_space<vmem>> -> memref<1x64x128xf32, #tpu.memory_space<vmem>>
      %dma_start3A_379 = tpu.memref_squeeze %dma_start3A_378 : memref<1x64x128xf32, #tpu.memory_space<vmem>> -> memref<64x128xf32, #tpu.memory_space<vmem>>
      tpu.enqueue_dma source(%dma_start3A_379 : memref<64x128xf32, #tpu.memory_space<vmem>>) target(%dma_start3A_375 : memref<64x128xf32, #tpu.memory_space<vmem_shared>>) target_semaphore(%run_scoped3A_367 : memref<!tpu.dma_semaphore, #tpu.memory_space<semaphore_mem>>)
      %dma_wait3A_380 = arith.constant 0 : i32
      %dma_wait3A_381 = arith.constant 0 : i32
      %dma_wait3A_382 = tpu.memref_slice %arg8[%run_scoped3A_21, %dma_wait3A_380, %dma_wait3A_381] : memref<4x64x128xf32, #tpu.memory_space<vmem>> -> memref<1x64x128xf32, #tpu.memory_space<vmem>>
      %dma_wait3A_383 = tpu.memref_squeeze %dma_wait3A_382 : memref<1x64x128xf32, #tpu.memory_space<vmem>> -> memref<64x128xf32, #tpu.memory_space<vmem>>
      %dma_wait3A_384 = arith.constant 0 : i32
      %dma_wait3A_385 = tpu.memref_slice %arg9[%add3A_20, %dma_wait3A_384] : memref<10240x128xf32, #tpu.memory_space<vmem_shared>> -> memref<64x128xf32, #tpu.memory_space<vmem_shared>>
      %dma_wait3A_386 = arith.constant 0 : i32
      %dma_wait3A_387 = tpu.memref_slice %arg9[%add3A_20, %dma_wait3A_386] : memref<10240x128xf32, #tpu.memory_space<vmem_shared>> -> memref<64x128xf32, #tpu.memory_space<vmem_shared>>
      %dma_wait3A_388 = arith.constant 0 : i32
      %dma_wait3A_389 = arith.constant 0 : i32
      %dma_wait3A_390 = tpu.memref_slice %arg8[%run_scoped3A_21, %dma_wait3A_388, %dma_wait3A_389] : memref<4x64x128xf32, #tpu.memory_space<vmem>> -> memref<1x64x128xf32, #tpu.memory_space<vmem>>
      %dma_wait3A_391 = tpu.memref_squeeze %dma_wait3A_390 : memref<1x64x128xf32, #tpu.memory_space<vmem>> -> memref<64x128xf32, #tpu.memory_space<vmem>>
      tpu.wait_dma2 semaphore(%run_scoped3A_367 : memref<!tpu.dma_semaphore, #tpu.memory_space<semaphore_mem>>) src(%dma_wait3A_391 : memref<64x128xf32, #tpu.memory_space<vmem>>) dst(%dma_wait3A_387 : memref<64x128xf32, #tpu.memory_space<vmem_shared>>)
      tpu.yield
    }) : () -> ()
    %add3A_22 = arith.constant 320 : i32
    %add3A_23 = arith.addi %mul3A_8, %add3A_22 : i32
    %run_scoped3A_24 = arith.constant 0 : i32
    "tpu.region"() ({
      %run_scoped3A_367 = tpu.sem_alloc : memref<!tpu.dma_semaphore, #tpu.memory_space<semaphore_mem>>
      %dma_start3A_368 = arith.constant 0 : i32
      %dma_start3A_369 = arith.constant 0 : i32
      %dma_start3A_370 = tpu.memref_slice %arg8[%run_scoped3A_24, %dma_start3A_368, %dma_start3A_369] : memref<4x64x128xf32, #tpu.memory_space<vmem>> -> memref<1x64x128xf32, #tpu.memory_space<vmem>>
      %dma_start3A_371 = tpu.memref_squeeze %dma_start3A_370 : memref<1x64x128xf32, #tpu.memory_space<vmem>> -> memref<64x128xf32, #tpu.memory_space<vmem>>
      %dma_start3A_372 = arith.constant 0 : i32
      %dma_start3A_373 = tpu.memref_slice %arg9[%add3A_23, %dma_start3A_372] : memref<10240x128xf32, #tpu.memory_space<vmem_shared>> -> memref<64x128xf32, #tpu.memory_space<vmem_shared>>
      %dma_start3A_374 = arith.constant 0 : i32
      %dma_start3A_375 = tpu.memref_slice %arg9[%add3A_23, %dma_start3A_374] : memref<10240x128xf32, #tpu.memory_space<vmem_shared>> -> memref<64x128xf32, #tpu.memory_space<vmem_shared>>
      %dma_start3A_376 = arith.constant 0 : i32
      %dma_start3A_377 = arith.constant 0 : i32
      %dma_start3A_378 = tpu.memref_slice %arg8[%run_scoped3A_24, %dma_start3A_376, %dma_start3A_377] : memref<4x64x128xf32, #tpu.memory_space<vmem>> -> memref<1x64x128xf32, #tpu.memory_space<vmem>>
      %dma_start3A_379 = tpu.memref_squeeze %dma_start3A_378 : memref<1x64x128xf32, #tpu.memory_space<vmem>> -> memref<64x128xf32, #tpu.memory_space<vmem>>
      tpu.enqueue_dma source(%dma_start3A_379 : memref<64x128xf32, #tpu.memory_space<vmem>>) target(%dma_start3A_375 : memref<64x128xf32, #tpu.memory_space<vmem_shared>>) target_semaphore(%run_scoped3A_367 : memref<!tpu.dma_semaphore, #tpu.memory_space<semaphore_mem>>)
      %dma_wait3A_380 = arith.constant 0 : i32
      %dma_wait3A_381 = arith.constant 0 : i32
      %dma_wait3A_382 = tpu.memref_slice %arg8[%run_scoped3A_24, %dma_wait3A_380, %dma_wait3A_381] : memref<4x64x128xf32, #tpu.memory_space<vmem>> -> memref<1x64x128xf32, #tpu.memory_space<vmem>>
      %dma_wait3A_383 = tpu.memref_squeeze %dma_wait3A_382 : memref<1x64x128xf32, #tpu.memory_space<vmem>> -> memref<64x128xf32, #tpu.memory_space<vmem>>
      %dma_wait3A_384 = arith.constant 0 : i32
      %dma_wait3A_385 = tpu.memref_slice %arg9[%add3A_23, %dma_wait3A_384] : memref<10240x128xf32, #tpu.memory_space<vmem_shared>> -> memref<64x128xf32, #tpu.memory_space<vmem_shared>>
      %dma_wait3A_386 = arith.constant 0 : i32
      %dma_wait3A_387 = tpu.memref_slice %arg9[%add3A_23, %dma_wait3A_386] : memref<10240x128xf32, #tpu.memory_space<vmem_shared>> -> memref<64x128xf32, #tpu.memory_space<vmem_shared>>
      %dma_wait3A_388 = arith.constant 0 : i32
      %dma_wait3A_389 = arith.constant 0 : i32
      %dma_wait3A_390 = tpu.memref_slice %arg8[%run_scoped3A_24, %dma_wait3A_388, %dma_wait3A_389] : memref<4x64x128xf32, #tpu.memory_space<vmem>> -> memref<1x64x128xf32, #tpu.memory_space<vmem>>
      %dma_wait3A_391 = tpu.memref_squeeze %dma_wait3A_390 : memref<1x64x128xf32, #tpu.memory_space<vmem>> -> memref<64x128xf32, #tpu.memory_space<vmem>>
      tpu.wait_dma2 semaphore(%run_scoped3A_367 : memref<!tpu.dma_semaphore, #tpu.memory_space<semaphore_mem>>) src(%dma_wait3A_391 : memref<64x128xf32, #tpu.memory_space<vmem>>) dst(%dma_wait3A_387 : memref<64x128xf32, #tpu.memory_space<vmem_shared>>)
      tpu.yield
    }) : () -> ()
    %add3A_25 = arith.constant 384 : i32
    %add3A_26 = arith.addi %mul3A_8, %add3A_25 : i32
    %run_scoped3A_27 = arith.constant 0 : i32
    "tpu.region"() ({
      %run_scoped3A_367 = tpu.sem_alloc : memref<!tpu.dma_semaphore, #tpu.memory_space<semaphore_mem>>
      %dma_start3A_368 = arith.constant 0 : i32
      %dma_start3A_369 = arith.constant 0 : i32
      %dma_start3A_370 = tpu.memref_slice %arg8[%run_scoped3A_27, %dma_start3A_368, %dma_start3A_369] : memref<4x64x128xf32, #tpu.memory_space<vmem>> -> memref<1x64x128xf32, #tpu.memory_space<vmem>>
      %dma_start3A_371 = tpu.memref_squeeze %dma_start3A_370 : memref<1x64x128xf32, #tpu.memory_space<vmem>> -> memref<64x128xf32, #tpu.memory_space<vmem>>
      %dma_start3A_372 = arith.constant 0 : i32
      %dma_start3A_373 = tpu.memref_slice %arg9[%add3A_26, %dma_start3A_372] : memref<10240x128xf32, #tpu.memory_space<vmem_shared>> -> memref<64x128xf32, #tpu.memory_space<vmem_shared>>
      %dma_start3A_374 = arith.constant 0 : i32
      %dma_start3A_375 = tpu.memref_slice %arg9[%add3A_26, %dma_start3A_374] : memref<10240x128xf32, #tpu.memory_space<vmem_shared>> -> memref<64x128xf32, #tpu.memory_space<vmem_shared>>
      %dma_start3A_376 = arith.constant 0 : i32
      %dma_start3A_377 = arith.constant 0 : i32
      %dma_start3A_378 = tpu.memref_slice %arg8[%run_scoped3A_27, %dma_start3A_376, %dma_start3A_377] : memref<4x64x128xf32, #tpu.memory_space<vmem>> -> memref<1x64x128xf32, #tpu.memory_space<vmem>>
      %dma_start3A_379 = tpu.memref_squeeze %dma_start3A_378 : memref<1x64x128xf32, #tpu.memory_space<vmem>> -> memref<64x128xf32, #tpu.memory_space<vmem>>
      tpu.enqueue_dma source(%dma_start3A_379 : memref<64x128xf32, #tpu.memory_space<vmem>>) target(%dma_start3A_375 : memref<64x128xf32, #tpu.memory_space<vmem_shared>>) target_semaphore(%run_scoped3A_367 : memref<!tpu.dma_semaphore, #tpu.memory_space<semaphore_mem>>)
      %dma_wait3A_380 = arith.constant 0 : i32
      %dma_wait3A_381 = arith.constant 0 : i32
      %dma_wait3A_382 = tpu.memref_slice %arg8[%run_scoped3A_27, %dma_wait3A_380, %dma_wait3A_381] : memref<4x64x128xf32, #tpu.memory_space<vmem>> -> memref<1x64x128xf32, #tpu.memory_space<vmem>>
      %dma_wait3A_383 = tpu.memref_squeeze %dma_wait3A_382 : memref<1x64x128xf32, #tpu.memory_space<vmem>> -> memref<64x128xf32, #tpu.memory_space<vmem>>
      %dma_wait3A_384 = arith.constant 0 : i32
      %dma_wait3A_385 = tpu.memref_slice %arg9[%add3A_26, %dma_wait3A_384] : memref<10240x128xf32, #tpu.memory_space<vmem_shared>> -> memref<64x128xf32, #tpu.memory_space<vmem_shared>>
      %dma_wait3A_386 = arith.constant 0 : i32
      %dma_wait3A_387 = tpu.memref_slice %arg9[%add3A_26, %dma_wait3A_386] : memref<10240x128xf32, #tpu.memory_space<vmem_shared>> -> memref<64x128xf32, #tpu.memory_space<vmem_shared>>
      %dma_wait3A_388 = arith.constant 0 : i32
      %dma_wait3A_389 = arith.constant 0 : i32
      %dma_wait3A_390 = tpu.memref_slice %arg8[%run_scoped3A_27, %dma_wait3A_388, %dma_wait3A_389] : memref<4x64x128xf32, #tpu.memory_space<vmem>> -> memref<1x64x128xf32, #tpu.memory_space<vmem>>
      %dma_wait3A_391 = tpu.memref_squeeze %dma_wait3A_390 : memref<1x64x128xf32, #tpu.memory_space<vmem>> -> memref<64x128xf32, #tpu.memory_space<vmem>>
      tpu.wait_dma2 semaphore(%run_scoped3A_367 : memref<!tpu.dma_semaphore, #tpu.memory_space<semaphore_mem>>) src(%dma_wait3A_391 : memref<64x128xf32, #tpu.memory_space<vmem>>) dst(%dma_wait3A_387 : memref<64x128xf32, #tpu.memory_space<vmem_shared>>)
      tpu.yield
    }) : () -> ()
    %add3A_28 = arith.constant 448 : i32
    %add3A_29 = arith.addi %mul3A_8, %add3A_28 : i32
    %run_scoped3A_30 = arith.constant 0 : i32
    "tpu.region"() ({
      %run_scoped3A_367 = tpu.sem_alloc : memref<!tpu.dma_semaphore, #tpu.memory_space<semaphore_mem>>
      %dma_start3A_368 = arith.constant 0 : i32
      %dma_start3A_369 = arith.constant 0 : i32
      %dma_start3A_370 = tpu.memref_slice %arg8[%run_scoped3A_30, %dma_start3A_368, %dma_start3A_369] : memref<4x64x128xf32, #tpu.memory_space<vmem>> -> memref<1x64x128xf32, #tpu.memory_space<vmem>>
      %dma_start3A_371 = tpu.memref_squeeze %dma_start3A_370 : memref<1x64x128xf32, #tpu.memory_space<vmem>> -> memref<64x128xf32, #tpu.memory_space<vmem>>
      %dma_start3A_372 = arith.constant 0 : i32
      %dma_start3A_373 = tpu.memref_slice %arg9[%add3A_29, %dma_start3A_372] : memref<10240x128xf32, #tpu.memory_space<vmem_shared>> -> memref<64x128xf32, #tpu.memory_space<vmem_shared>>
      %dma_start3A_374 = arith.constant 0 : i32
      %dma_start3A_375 = tpu.memref_slice %arg9[%add3A_29, %dma_start3A_374] : memref<10240x128xf32, #tpu.memory_space<vmem_shared>> -> memref<64x128xf32, #tpu.memory_space<vmem_shared>>
      %dma_start3A_376 = arith.constant 0 : i32
      %dma_start3A_377 = arith.constant 0 : i32
      %dma_start3A_378 = tpu.memref_slice %arg8[%run_scoped3A_30, %dma_start3A_376, %dma_start3A_377] : memref<4x64x128xf32, #tpu.memory_space<vmem>> -> memref<1x64x128xf32, #tpu.memory_space<vmem>>
      %dma_start3A_379 = tpu.memref_squeeze %dma_start3A_378 : memref<1x64x128xf32, #tpu.memory_space<vmem>> -> memref<64x128xf32, #tpu.memory_space<vmem>>
      tpu.enqueue_dma source(%dma_start3A_379 : memref<64x128xf32, #tpu.memory_space<vmem>>) target(%dma_start3A_375 : memref<64x128xf32, #tpu.memory_space<vmem_shared>>) target_semaphore(%run_scoped3A_367 : memref<!tpu.dma_semaphore, #tpu.memory_space<semaphore_mem>>)
      %dma_wait3A_380 = arith.constant 0 : i32
      %dma_wait3A_381 = arith.constant 0 : i32
      %dma_wait3A_382 = tpu.memref_slice %arg8[%run_scoped3A_30, %dma_wait3A_380, %dma_wait3A_381] : memref<4x64x128xf32, #tpu.memory_space<vmem>> -> memref<1x64x128xf32, #tpu.memory_space<vmem>>
      %dma_wait3A_383 = tpu.memref_squeeze %dma_wait3A_382 : memref<1x64x128xf32, #tpu.memory_space<vmem>> -> memref<64x128xf32, #tpu.memory_space<vmem>>
      %dma_wait3A_384 = arith.constant 0 : i32
      %dma_wait3A_385 = tpu.memref_slice %arg9[%add3A_29, %dma_wait3A_384] : memref<10240x128xf32, #tpu.memory_space<vmem_shared>> -> memref<64x128xf32, #tpu.memory_space<vmem_shared>>
      %dma_wait3A_386 = arith.constant 0 : i32
      %dma_wait3A_387 = tpu.memref_slice %arg9[%add3A_29, %dma_wait3A_386] : memref<10240x128xf32, #tpu.memory_space<vmem_shared>> -> memref<64x128xf32, #tpu.memory_space<vmem_shared>>
      %dma_wait3A_388 = arith.constant 0 : i32
      %dma_wait3A_389 = arith.constant 0 : i32
      %dma_wait3A_390 = tpu.memref_slice %arg8[%run_scoped3A_30, %dma_wait3A_388, %dma_wait3A_389] : memref<4x64x128xf32, #tpu.memory_space<vmem>> -> memref<1x64x128xf32, #tpu.memory_space<vmem>>
      %dma_wait3A_391 = tpu.memref_squeeze %dma_wait3A_390 : memref<1x64x128xf32, #tpu.memory_space<vmem>> -> memref<64x128xf32, #tpu.memory_space<vmem>>
      tpu.wait_dma2 semaphore(%run_scoped3A_367 : memref<!tpu.dma_semaphore, #tpu.memory_space<semaphore_mem>>) src(%dma_wait3A_391 : memref<64x128xf32, #tpu.memory_space<vmem>>) dst(%dma_wait3A_387 : memref<64x128xf32, #tpu.memory_space<vmem_shared>>)
      tpu.yield
    }) : () -> ()
    %add3A_31 = arith.constant 512 : i32
    %add3A_32 = arith.addi %mul3A_8, %add3A_31 : i32
    %run_scoped3A_33 = arith.constant 0 : i32
    "tpu.region"() ({
      %run_scoped3A_367 = tpu.sem_alloc : memref<!tpu.dma_semaphore, #tpu.memory_space<semaphore_mem>>
      %dma_start3A_368 = arith.constant 0 : i32
      %dma_start3A_369 = arith.constant 0 : i32
      %dma_start3A_370 = tpu.memref_slice %arg8[%run_scoped3A_33, %dma_start3A_368, %dma_start3A_369] : memref<4x64x128xf32, #tpu.memory_space<vmem>> -> memref<1x64x128xf32, #tpu.memory_space<vmem>>
      %dma_start3A_371 = tpu.memref_squeeze %dma_start3A_370 : memref<1x64x128xf32, #tpu.memory_space<vmem>> -> memref<64x128xf32, #tpu.memory_space<vmem>>
      %dma_start3A_372 = arith.constant 0 : i32
      %dma_start3A_373 = tpu.memref_slice %arg9[%add3A_32, %dma_start3A_372] : memref<10240x128xf32, #tpu.memory_space<vmem_shared>> -> memref<64x128xf32, #tpu.memory_space<vmem_shared>>
      %dma_start3A_374 = arith.constant 0 : i32
      %dma_start3A_375 = tpu.memref_slice %arg9[%add3A_32, %dma_start3A_374] : memref<10240x128xf32, #tpu.memory_space<vmem_shared>> -> memref<64x128xf32, #tpu.memory_space<vmem_shared>>
      %dma_start3A_376 = arith.constant 0 : i32
      %dma_start3A_377 = arith.constant 0 : i32
      %dma_start3A_378 = tpu.memref_slice %arg8[%run_scoped3A_33, %dma_start3A_376, %dma_start3A_377] : memref<4x64x128xf32, #tpu.memory_space<vmem>> -> memref<1x64x128xf32, #tpu.memory_space<vmem>>
      %dma_start3A_379 = tpu.memref_squeeze %dma_start3A_378 : memref<1x64x128xf32, #tpu.memory_space<vmem>> -> memref<64x128xf32, #tpu.memory_space<vmem>>
      tpu.enqueue_dma source(%dma_start3A_379 : memref<64x128xf32, #tpu.memory_space<vmem>>) target(%dma_start3A_375 : memref<64x128xf32, #tpu.memory_space<vmem_shared>>) target_semaphore(%run_scoped3A_367 : memref<!tpu.dma_semaphore, #tpu.memory_space<semaphore_mem>>)
      %dma_wait3A_380 = arith.constant 0 : i32
      %dma_wait3A_381 = arith.constant 0 : i32
      %dma_wait3A_382 = tpu.memref_slice %arg8[%run_scoped3A_33, %dma_wait3A_380, %dma_wait3A_381] : memref<4x64x128xf32, #tpu.memory_space<vmem>> -> memref<1x64x128xf32, #tpu.memory_space<vmem>>
      %dma_wait3A_383 = tpu.memref_squeeze %dma_wait3A_382 : memref<1x64x128xf32, #tpu.memory_space<vmem>> -> memref<64x128xf32, #tpu.memory_space<vmem>>
      %dma_wait3A_384 = arith.constant 0 : i32
      %dma_wait3A_385 = tpu.memref_slice %arg9[%add3A_32, %dma_wait3A_384] : memref<10240x128xf32, #tpu.memory_space<vmem_shared>> -> memref<64x128xf32, #tpu.memory_space<vmem_shared>>
      %dma_wait3A_386 = arith.constant 0 : i32
      %dma_wait3A_387 = tpu.memref_slice %arg9[%add3A_32, %dma_wait3A_386] : memref<10240x128xf32, #tpu.memory_space<vmem_shared>> -> memref<64x128xf32, #tpu.memory_space<vmem_shared>>
      %dma_wait3A_388 = arith.constant 0 : i32
      %dma_wait3A_389 = arith.constant 0 : i32
      %dma_wait3A_390 = tpu.memref_slice %arg8[%run_scoped3A_33, %dma_wait3A_388, %dma_wait3A_389] : memref<4x64x128xf32, #tpu.memory_space<vmem>> -> memref<1x64x128xf32, #tpu.memory_space<vmem>>
      %dma_wait3A_391 = tpu.memref_squeeze %dma_wait3A_390 : memref<1x64x128xf32, #tpu.memory_space<vmem>> -> memref<64x128xf32, #tpu.memory_space<vmem>>
      tpu.wait_dma2 semaphore(%run_scoped3A_367 : memref<!tpu.dma_semaphore, #tpu.memory_space<semaphore_mem>>) src(%dma_wait3A_391 : memref<64x128xf32, #tpu.memory_space<vmem>>) dst(%dma_wait3A_387 : memref<64x128xf32, #tpu.memory_space<vmem_shared>>)
      tpu.yield
    }) : () -> ()
    %add3A_34 = arith.constant 576 : i32
    %add3A_35 = arith.addi %mul3A_8, %add3A_34 : i32
    %run_scoped3A_36 = arith.constant 0 : i32
    "tpu.region"() ({
      %run_scoped3A_367 = tpu.sem_alloc : memref<!tpu.dma_semaphore, #tpu.memory_space<semaphore_mem>>
      %dma_start3A_368 = arith.constant 0 : i32
      %dma_start3A_369 = arith.constant 0 : i32
      %dma_start3A_370 = tpu.memref_slice %arg8[%run_scoped3A_36, %dma_start3A_368, %dma_start3A_369] : memref<4x64x128xf32, #tpu.memory_space<vmem>> -> memref<1x64x128xf32, #tpu.memory_space<vmem>>
      %dma_start3A_371 = tpu.memref_squeeze %dma_start3A_370 : memref<1x64x128xf32, #tpu.memory_space<vmem>> -> memref<64x128xf32, #tpu.memory_space<vmem>>
      %dma_start3A_372 = arith.constant 0 : i32
      %dma_start3A_373 = tpu.memref_slice %arg9[%add3A_35, %dma_start3A_372] : memref<10240x128xf32, #tpu.memory_space<vmem_shared>> -> memref<64x128xf32, #tpu.memory_space<vmem_shared>>
      %dma_start3A_374 = arith.constant 0 : i32
      %dma_start3A_375 = tpu.memref_slice %arg9[%add3A_35, %dma_start3A_374] : memref<10240x128xf32, #tpu.memory_space<vmem_shared>> -> memref<64x128xf32, #tpu.memory_space<vmem_shared>>
      %dma_start3A_376 = arith.constant 0 : i32
      %dma_start3A_377 = arith.constant 0 : i32
      %dma_start3A_378 = tpu.memref_slice %arg8[%run_scoped3A_36, %dma_start3A_376, %dma_start3A_377] : memref<4x64x128xf32, #tpu.memory_space<vmem>> -> memref<1x64x128xf32, #tpu.memory_space<vmem>>
      %dma_start3A_379 = tpu.memref_squeeze %dma_start3A_378 : memref<1x64x128xf32, #tpu.memory_space<vmem>> -> memref<64x128xf32, #tpu.memory_space<vmem>>
      tpu.enqueue_dma source(%dma_start3A_379 : memref<64x128xf32, #tpu.memory_space<vmem>>) target(%dma_start3A_375 : memref<64x128xf32, #tpu.memory_space<vmem_shared>>) target_semaphore(%run_scoped3A_367 : memref<!tpu.dma_semaphore, #tpu.memory_space<semaphore_mem>>)
      %dma_wait3A_380 = arith.constant 0 : i32
      %dma_wait3A_381 = arith.constant 0 : i32
      %dma_wait3A_382 = tpu.memref_slice %arg8[%run_scoped3A_36, %dma_wait3A_380, %dma_wait3A_381] : memref<4x64x128xf32, #tpu.memory_space<vmem>> -> memref<1x64x128xf32, #tpu.memory_space<vmem>>
      %dma_wait3A_383 = tpu.memref_squeeze %dma_wait3A_382 : memref<1x64x128xf32, #tpu.memory_space<vmem>> -> memref<64x128xf32, #tpu.memory_space<vmem>>
      %dma_wait3A_384 = arith.constant 0 : i32
      %dma_wait3A_385 = tpu.memref_slice %arg9[%add3A_35, %dma_wait3A_384] : memref<10240x128xf32, #tpu.memory_space<vmem_shared>> -> memref<64x128xf32, #tpu.memory_space<vmem_shared>>
      %dma_wait3A_386 = arith.constant 0 : i32
      %dma_wait3A_387 = tpu.memref_slice %arg9[%add3A_35, %dma_wait3A_386] : memref<10240x128xf32, #tpu.memory_space<vmem_shared>> -> memref<64x128xf32, #tpu.memory_space<vmem_shared>>
      %dma_wait3A_388 = arith.constant 0 : i32
      %dma_wait3A_389 = arith.constant 0 : i32
      %dma_wait3A_390 = tpu.memref_slice %arg8[%run_scoped3A_36, %dma_wait3A_388, %dma_wait3A_389] : memref<4x64x128xf32, #tpu.memory_space<vmem>> -> memref<1x64x128xf32, #tpu.memory_space<vmem>>
      %dma_wait3A_391 = tpu.memref_squeeze %dma_wait3A_390 : memref<1x64x128xf32, #tpu.memory_space<vmem>> -> memref<64x128xf32, #tpu.memory_space<vmem>>
      tpu.wait_dma2 semaphore(%run_scoped3A_367 : memref<!tpu.dma_semaphore, #tpu.memory_space<semaphore_mem>>) src(%dma_wait3A_391 : memref<64x128xf32, #tpu.memory_space<vmem>>) dst(%dma_wait3A_387 : memref<64x128xf32, #tpu.memory_space<vmem_shared>>)
      tpu.yield
    }) : () -> ()
    %barrier3A = arith.constant 0 : index
    tpu.barrier barrier_id(%barrier3A)
    %get3A = arith.constant 0 : i32
    %get3A_37 = arith.index_cast %get3A : i32 to index
    %get3A_38 = arith.constant 0 : index
    %get3A_39 = tpu.vector_load %arg5[%get3A_37, %get3A_38] {strides = array<i32>} : memref<40x128xi32, #tpu.memory_space<vmem>>, vector<1x16xi32>,
    %get3A_40 = vector.shape_cast %get3A_39 : vector<1x16xi32> to vector<16xi32>
    %and3A = arith.constant 65535 : i32
    %and3A_41 = vector.broadcast %and3A : i32 to vector<16xi32>
    %and3A_42 = arith.andi %get3A_40, %and3A_41 : vector<16xi32>
    %swap3A = arith.constant 0 : i32
    %swap3A_43 = arith.index_cast %swap3A : i32 to index
    %swap3A_44 = arith.constant 0 : index
    %swap3A_45 = tpu.vector_load %arg6[%swap3A_43, %swap3A_44] {strides = array<i32>} : memref<8x64xi32, #tpu.memory_space<vmem>>, vector<1x16xi32>,
    %swap3A_46 = vector.shape_cast %swap3A_45 : vector<1x16xi32> to vector<16xi32>
    %swap3A_47 = vector.shape_cast %and3A_42 : vector<16xi32> to vector<1x16xi32>
    tpu.vector_store %arg6[%swap3A_43, %swap3A_44], %swap3A_47 {strides = array<i32>} : memref<8x64xi32, #tpu.memory_space<vmem>>, vector<1x16xi32>,
    %shift_right_arithmetic3A = arith.constant 16 : i32
    %shift_right_arithmetic3A_48 = vector.broadcast %shift_right_arithmetic3A : i32 to vector<16xi32>
    %shift_right_arithmetic3A_49 = arith.shrsi %get3A_40, %shift_right_arithmetic3A_48 : vector<16xi32>
    %swap3A_50 = arith.constant 0 : i32
    %swap3A_51 = arith.index_cast %swap3A_50 : i32 to index
    %swap3A_52 = arith.constant 0 : index
    %swap3A_53 = tpu.vector_load %arg7[%swap3A_51, %swap3A_52] {strides = array<i32>} : memref<8x64xi32, #tpu.memory_space<vmem>>, vector<1x16xi32>,
    %swap3A_54 = vector.shape_cast %swap3A_53 : vector<1x16xi32> to vector<16xi32>
    %swap3A_55 = vector.shape_cast %shift_right_arithmetic3A_49 : vector<16xi32> to vector<1x16xi32>
    tpu.vector_store %arg7[%swap3A_51, %swap3A_52], %swap3A_55 {strides = array<i32>} : memref<8x64xi32, #tpu.memory_space<vmem>>, vector<1x16xi32>,
    %get3A_56 = arith.constant 0 : i32
    %get3A_57 = arith.index_cast %get3A_56 : i32 to index
    %get3A_58 = arith.constant 16 : index
    %get3A_59 = tpu.vector_load %arg5[%get3A_57, %get3A_58] {strides = array<i32>} : memref<40x128xi32, #tpu.memory_space<vmem>>, vector<1x16xi32>,
    %get3A_60 = vector.shape_cast %get3A_59 : vector<1x16xi32> to vector<16xi32>
    %and3A_61 = arith.constant 65535 : i32
    %and3A_62 = vector.broadcast %and3A_61 : i32 to vector<16xi32>
    %and3A_63 = arith.andi %get3A_60, %and3A_62 : vector<16xi32>
    %swap3A_64 = arith.constant 0 : i32
    %swap3A_65 = arith.index_cast %swap3A_64 : i32 to index
    %swap3A_66 = arith.constant 16 : index
    %swap3A_67 = tpu.vector_load %arg6[%swap3A_65, %swap3A_66] {strides = array<i32>} : memref<8x64xi32, #tpu.memory_space<vmem>>, vector<1x16xi32>,
    %swap3A_68 = vector.shape_cast %swap3A_67 : vector<1x16xi32> to vector<16xi32>
    %swap3A_69 = vector.shape_cast %and3A_63 : vector<16xi32> to vector<1x16xi32>
    tpu.vector_store %arg6[%swap3A_65, %swap3A_66], %swap3A_69 {strides = array<i32>} : memref<8x64xi32, #tpu.memory_space<vmem>>, vector<1x16xi32>,
    %shift_right_arithmetic3A_70 = arith.constant 16 : i32
    %shift_right_arithmetic3A_71 = vector.broadcast %shift_right_arithmetic3A_70 : i32 to vector<16xi32>
    %shift_right_arithmetic3A_72 = arith.shrsi %get3A_60, %shift_right_arithmetic3A_71 : vector<16xi32>
    %swap3A_73 = arith.constant 0 : i32
    %swap3A_74 = arith.index_cast %swap3A_73 : i32 to index
    %swap3A_75 = arith.constant 16 : index
    %swap3A_76 = tpu.vector_load %arg7[%swap3A_74, %swap3A_75] {strides = array<i32>} : memref<8x64xi32, #tpu.memory_space<vmem>>, vector<1x16xi32>,
    %swap3A_77 = vector.shape_cast %swap3A_76 : vector<1x16xi32> to vector<16xi32>
    %swap3A_78 = vector.shape_cast %shift_right_arithmetic3A_72 : vector<16xi32> to vector<1x16xi32>
    tpu.vector_store %arg7[%swap3A_74, %swap3A_75], %swap3A_78 {strides = array<i32>} : memref<8x64xi32, #tpu.memory_space<vmem>>, vector<1x16xi32>,
    %get3A_79 = arith.constant 0 : i32
    %get3A_80 = arith.index_cast %get3A_79 : i32 to index
    %get3A_81 = arith.constant 32 : index
    %get3A_82 = tpu.vector_load %arg5[%get3A_80, %get3A_81] {strides = array<i32>} : memref<40x128xi32, #tpu.memory_space<vmem>>, vector<1x16xi32>,
    %get3A_83 = vector.shape_cast %get3A_82 : vector<1x16xi32> to vector<16xi32>
    %and3A_84 = arith.constant 65535 : i32
    %and3A_85 = vector.broadcast %and3A_84 : i32 to vector<16xi32>
    %and3A_86 = arith.andi %get3A_83, %and3A_85 : vector<16xi32>
    %swap3A_87 = arith.constant 0 : i32
    %swap3A_88 = arith.index_cast %swap3A_87 : i32 to index
    %swap3A_89 = arith.constant 32 : index
    %swap3A_90 = tpu.vector_load %arg6[%swap3A_88, %swap3A_89] {strides = array<i32>} : memref<8x64xi32, #tpu.memory_space<vmem>>, vector<1x16xi32>,
    %swap3A_91 = vector.shape_cast %swap3A_90 : vector<1x16xi32> to vector<16xi32>
    %swap3A_92 = vector.shape_cast %and3A_86 : vector<16xi32> to vector<1x16xi32>
    tpu.vector_store %arg6[%swap3A_88, %swap3A_89], %swap3A_92 {strides = array<i32>} : memref<8x64xi32, #tpu.memory_space<vmem>>, vector<1x16xi32>,
    %shift_right_arithmetic3A_93 = arith.constant 16 : i32
    %shift_right_arithmetic3A_94 = vector.broadcast %shift_right_arithmetic3A_93 : i32 to vector<16xi32>
    %shift_right_arithmetic3A_95 = arith.shrsi %get3A_83, %shift_right_arithmetic3A_94 : vector<16xi32>
    %swap3A_96 = arith.constant 0 : i32
    %swap3A_97 = arith.index_cast %swap3A_96 : i32 to index
    %swap3A_98 = arith.constant 32 : index
    %swap3A_99 = tpu.vector_load %arg7[%swap3A_97, %swap3A_98] {strides = array<i32>} : memref<8x64xi32, #tpu.memory_space<vmem>>, vector<1x16xi32>,
    %swap3A_100 = vector.shape_cast %swap3A_99 : vector<1x16xi32> to vector<16xi32>
    %swap3A_101 = vector.shape_cast %shift_right_arithmetic3A_95 : vector<16xi32> to vector<1x16xi32>
    tpu.vector_store %arg7[%swap3A_97, %swap3A_98], %swap3A_101 {strides = array<i32>} : memref<8x64xi32, #tpu.memory_space<vmem>>, vector<1x16xi32>,
    %get3A_102 = arith.constant 0 : i32
    %get3A_103 = arith.index_cast %get3A_102 : i32 to index
    %get3A_104 = arith.constant 48 : index
    %get3A_105 = tpu.vector_load %arg5[%get3A_103, %get3A_104] {strides = array<i32>} : memref<40x128xi32, #tpu.memory_space<vmem>>, vector<1x16xi32>,
    %get3A_106 = vector.shape_cast %get3A_105 : vector<1x16xi32> to vector<16xi32>
    %and3A_107 = arith.constant 65535 : i32
    %and3A_108 = vector.broadcast %and3A_107 : i32 to vector<16xi32>
    %and3A_109 = arith.andi %get3A_106, %and3A_108 : vector<16xi32>
    %swap3A_110 = arith.constant 0 : i32
    %swap3A_111 = arith.index_cast %swap3A_110 : i32 to index
    %swap3A_112 = arith.constant 48 : index
    %swap3A_113 = tpu.vector_load %arg6[%swap3A_111, %swap3A_112] {strides = array<i32>} : memref<8x64xi32, #tpu.memory_space<vmem>>, vector<1x16xi32>,
    %swap3A_114 = vector.shape_cast %swap3A_113 : vector<1x16xi32> to vector<16xi32>
    %swap3A_115 = vector.shape_cast %and3A_109 : vector<16xi32> to vector<1x16xi32>
    tpu.vector_store %arg6[%swap3A_111, %swap3A_112], %swap3A_115 {strides = array<i32>} : memref<8x64xi32, #tpu.memory_space<vmem>>, vector<1x16xi32>,
    %shift_right_arithmetic3A_116 = arith.constant 16 : i32
    %shift_right_arithmetic3A_117 = vector.broadcast %shift_right_arithmetic3A_116 : i32 to vector<16xi32>
    %shift_right_arithmetic3A_118 = arith.shrsi %get3A_106, %shift_right_arithmetic3A_117 : vector<16xi32>
    %swap3A_119 = arith.constant 0 : i32
    %swap3A_120 = arith.index_cast %swap3A_119 : i32 to index
    %swap3A_121 = arith.constant 48 : index
    %swap3A_122 = tpu.vector_load %arg7[%swap3A_120, %swap3A_121] {strides = array<i32>} : memref<8x64xi32, #tpu.memory_space<vmem>>, vector<1x16xi32>,
    %swap3A_123 = vector.shape_cast %swap3A_122 : vector<1x16xi32> to vector<16xi32>
    %swap3A_124 = vector.shape_cast %shift_right_arithmetic3A_118 : vector<16xi32> to vector<1x16xi32>
    tpu.vector_store %arg7[%swap3A_120, %swap3A_121], %swap3A_124 {strides = array<i32>} : memref<8x64xi32, #tpu.memory_space<vmem>>, vector<1x16xi32>,
    %dma_start3A = arith.constant 0 : i32
    %dma_start3A_125 = arith.constant 0 : i32
    %dma_start3A_126 = arith.constant 0 : i32
    %dma_start3A_127 = arith.constant 0 : i32
    %dma_start3A_128 = tpu.memref_slice %arg8[%dma_start3A_125, %dma_start3A_126, %dma_start3A_127] : memref<4x64x128xf32, #tpu.memory_space<vmem>> -> memref<1x64x128xf32, #tpu.memory_space<vmem>>
    %dma_start3A_129 = tpu.memref_squeeze %dma_start3A_128 : memref<1x64x128xf32, #tpu.memory_space<vmem>> -> memref<64x128xf32, #tpu.memory_space<vmem>>
    %dma_start3A_130 = arith.constant 0 : i32
    %dma_start3A_131 = tpu.memref_slice %arg6[%dma_start3A, %dma_start3A_130] : memref<8x64xi32, #tpu.memory_space<vmem>> -> memref<1x64xi32, #tpu.memory_space<vmem>>
    %dma_start3A_132 = tpu.memref_squeeze %dma_start3A_131 : memref<1x64xi32, #tpu.memory_space<vmem>> -> memref<64xi32, #tpu.memory_space<vmem>>
    %dma_start3A_133 = arith.constant 0 : i32
    %dma_start3A_134 = arith.constant 0 : i32
    %dma_start3A_135 = tpu.memref_slice %arg3[%dma_start3A_133, %dma_start3A_134] : memref<10240x128xf32, #tpu.memory_space<hbm>> -> memref<10240x128xf32, #tpu.memory_space<hbm>>
    tpu.enqueue_indirect_dma source(%dma_start3A_135 : memref<10240x128xf32, #tpu.memory_space<hbm>>) target(%dma_start3A_129 : memref<64x128xf32, #tpu.memory_space<vmem>>) offsets(%dma_start3A_132 : memref<64xi32, #tpu.memory_space<vmem>>) semaphore(%arg10 : memref<!tpu.dma_semaphore, #tpu.memory_space<semaphore_mem>>)
    %get3A_136 = arith.constant 0 : i32
    %get3A_137 = arith.index_cast %get3A_136 : i32 to index
    %get3A_138 = arith.constant 64 : index
    %get3A_139 = tpu.vector_load %arg5[%get3A_137, %get3A_138] {strides = array<i32>} : memref<40x128xi32, #tpu.memory_space<vmem>>, vector<1x16xi32>,
    %get3A_140 = vector.shape_cast %get3A_139 : vector<1x16xi32> to vector<16xi32>
    %and3A_141 = arith.constant 65535 : i32
    %and3A_142 = vector.broadcast %and3A_141 : i32 to vector<16xi32>
    %and3A_143 = arith.andi %get3A_140, %and3A_142 : vector<16xi32>
    %swap3A_144 = arith.constant 1 : i32
    %swap3A_145 = arith.index_cast %swap3A_144 : i32 to index
    %swap3A_146 = arith.constant 0 : index
    %swap3A_147 = tpu.vector_load %arg6[%swap3A_145, %swap3A_146] {strides = array<i32>} : memref<8x64xi32, #tpu.memory_space<vmem>>, vector<1x16xi32>,
    %swap3A_148 = vector.shape_cast %swap3A_147 : vector<1x16xi32> to vector<16xi32>
    %swap3A_149 = vector.shape_cast %and3A_143 : vector<16xi32> to vector<1x16xi32>
    tpu.vector_store %arg6[%swap3A_145, %swap3A_146], %swap3A_149 {strides = array<i32>} : memref<8x64xi32, #tpu.memory_space<vmem>>, vector<1x16xi32>,
    %shift_right_arithmetic3A_150 = arith.constant 16 : i32
    %shift_right_arithmetic3A_151 = vector.broadcast %shift_right_arithmetic3A_150 : i32 to vector<16xi32>
    %shift_right_arithmetic3A_152 = arith.shrsi %get3A_140, %shift_right_arithmetic3A_151 : vector<16xi32>
    %swap3A_153 = arith.constant 1 : i32
    %swap3A_154 = arith.index_cast %swap3A_153 : i32 to index
    %swap3A_155 = arith.constant 0 : index
    %swap3A_156 = tpu.vector_load %arg7[%swap3A_154, %swap3A_155] {strides = array<i32>} : memref<8x64xi32, #tpu.memory_space<vmem>>, vector<1x16xi32>,
    %swap3A_157 = vector.shape_cast %swap3A_156 : vector<1x16xi32> to vector<16xi32>
    %swap3A_158 = vector.shape_cast %shift_right_arithmetic3A_152 : vector<16xi32> to vector<1x16xi32>
    tpu.vector_store %arg7[%swap3A_154, %swap3A_155], %swap3A_158 {strides = array<i32>} : memref<8x64xi32, #tpu.memory_space<vmem>>, vector<1x16xi32>,
    %get3A_159 = arith.constant 0 : i32
    %get3A_160 = arith.index_cast %get3A_159 : i32 to index
    %get3A_161 = arith.constant 80 : index
    %get3A_162 = tpu.vector_load %arg5[%get3A_160, %get3A_161] {strides = array<i32>} : memref<40x128xi32, #tpu.memory_space<vmem>>, vector<1x16xi32>,
    %get3A_163 = vector.shape_cast %get3A_162 : vector<1x16xi32> to vector<16xi32>
    %and3A_164 = arith.constant 65535 : i32
    %and3A_165 = vector.broadcast %and3A_164 : i32 to vector<16xi32>
    %and3A_166 = arith.andi %get3A_163, %and3A_165 : vector<16xi32>
    %swap3A_167 = arith.constant 1 : i32
    %swap3A_168 = arith.index_cast %swap3A_167 : i32 to index
    %swap3A_169 = arith.constant 16 : index
    %swap3A_170 = tpu.vector_load %arg6[%swap3A_168, %swap3A_169] {strides = array<i32>} : memref<8x64xi32, #tpu.memory_space<vmem>>, vector<1x16xi32>,
    %swap3A_171 = vector.shape_cast %swap3A_170 : vector<1x16xi32> to vector<16xi32>
    %swap3A_172 = vector.shape_cast %and3A_166 : vector<16xi32> to vector<1x16xi32>
    tpu.vector_store %arg6[%swap3A_168, %swap3A_169], %swap3A_172 {strides = array<i32>} : memref<8x64xi32, #tpu.memory_space<vmem>>, vector<1x16xi32>,
    %shift_right_arithmetic3A_173 = arith.constant 16 : i32
    %shift_right_arithmetic3A_174 = vector.broadcast %shift_right_arithmetic3A_173 : i32 to vector<16xi32>
    %shift_right_arithmetic3A_175 = arith.shrsi %get3A_163, %shift_right_arithmetic3A_174 : vector<16xi32>
    %swap3A_176 = arith.constant 1 : i32
    %swap3A_177 = arith.index_cast %swap3A_176 : i32 to index
    %swap3A_178 = arith.constant 16 : index
    %swap3A_179 = tpu.vector_load %arg7[%swap3A_177, %swap3A_178] {strides = array<i32>} : memref<8x64xi32, #tpu.memory_space<vmem>>, vector<1x16xi32>,
    %swap3A_180 = vector.shape_cast %swap3A_179 : vector<1x16xi32> to vector<16xi32>
    %swap3A_181 = vector.shape_cast %shift_right_arithmetic3A_175 : vector<16xi32> to vector<1x16xi32>
    tpu.vector_store %arg7[%swap3A_177, %swap3A_178], %swap3A_181 {strides = array<i32>} : memref<8x64xi32, #tpu.memory_space<vmem>>, vector<1x16xi32>,
    %get3A_182 = arith.constant 0 : i32
    %get3A_183 = arith.index_cast %get3A_182 : i32 to index
    %get3A_184 = arith.constant 96 : index
    %get3A_185 = tpu.vector_load %arg5[%get3A_183, %get3A_184] {strides = array<i32>} : memref<40x128xi32, #tpu.memory_space<vmem>>, vector<1x16xi32>,
    %get3A_186 = vector.shape_cast %get3A_185 : vector<1x16xi32> to vector<16xi32>
    %and3A_187 = arith.constant 65535 : i32
    %and3A_188 = vector.broadcast %and3A_187 : i32 to vector<16xi32>
    %and3A_189 = arith.andi %get3A_186, %and3A_188 : vector<16xi32>
    %swap3A_190 = arith.constant 1 : i32
    %swap3A_191 = arith.index_cast %swap3A_190 : i32 to index
    %swap3A_192 = arith.constant 32 : index
    %swap3A_193 = tpu.vector_load %arg6[%swap3A_191, %swap3A_192] {strides = array<i32>} : memref<8x64xi32, #tpu.memory_space<vmem>>, vector<1x16xi32>,
    %swap3A_194 = vector.shape_cast %swap3A_193 : vector<1x16xi32> to vector<16xi32>
    %swap3A_195 = vector.shape_cast %and3A_189 : vector<16xi32> to vector<1x16xi32>
    tpu.vector_store %arg6[%swap3A_191, %swap3A_192], %swap3A_195 {strides = array<i32>} : memref<8x64xi32, #tpu.memory_space<vmem>>, vector<1x16xi32>,
    %shift_right_arithmetic3A_196 = arith.constant 16 : i32
    %shift_right_arithmetic3A_197 = vector.broadcast %shift_right_arithmetic3A_196 : i32 to vector<16xi32>
    %shift_right_arithmetic3A_198 = arith.shrsi %get3A_186, %shift_right_arithmetic3A_197 : vector<16xi32>
    %swap3A_199 = arith.constant 1 : i32
    %swap3A_200 = arith.index_cast %swap3A_199 : i32 to index
    %swap3A_201 = arith.constant 32 : index
    %swap3A_202 = tpu.vector_load %arg7[%swap3A_200, %swap3A_201] {strides = array<i32>} : memref<8x64xi32, #tpu.memory_space<vmem>>, vector<1x16xi32>,
    %swap3A_203 = vector.shape_cast %swap3A_202 : vector<1x16xi32> to vector<16xi32>
    %swap3A_204 = vector.shape_cast %shift_right_arithmetic3A_198 : vector<16xi32> to vector<1x16xi32>
    tpu.vector_store %arg7[%swap3A_200, %swap3A_201], %swap3A_204 {strides = array<i32>} : memref<8x64xi32, #tpu.memory_space<vmem>>, vector<1x16xi32>,
    %get3A_205 = arith.constant 0 : i32
    %get3A_206 = arith.index_cast %get3A_205 : i32 to index
    %get3A_207 = arith.constant 112 : index
    %get3A_208 = tpu.vector_load %arg5[%get3A_206, %get3A_207] {strides = array<i32>} : memref<40x128xi32, #tpu.memory_space<vmem>>, vector<1x16xi32>,
    %get3A_209 = vector.shape_cast %get3A_208 : vector<1x16xi32> to vector<16xi32>
    %and3A_210 = arith.constant 65535 : i32
    %and3A_211 = vector.broadcast %and3A_210 : i32 to vector<16xi32>
    %and3A_212 = arith.andi %get3A_209, %and3A_211 : vector<16xi32>
    %swap3A_213 = arith.constant 1 : i32
    %swap3A_214 = arith.index_cast %swap3A_213 : i32 to index
    %swap3A_215 = arith.constant 48 : index
    %swap3A_216 = tpu.vector_load %arg6[%swap3A_214, %swap3A_215] {strides = array<i32>} : memref<8x64xi32, #tpu.memory_space<vmem>>, vector<1x16xi32>,
    %swap3A_217 = vector.shape_cast %swap3A_216 : vector<1x16xi32> to vector<16xi32>
    %swap3A_218 = vector.shape_cast %and3A_212 : vector<16xi32> to vector<1x16xi32>
    tpu.vector_store %arg6[%swap3A_214, %swap3A_215], %swap3A_218 {strides = array<i32>} : memref<8x64xi32, #tpu.memory_space<vmem>>, vector<1x16xi32>,
    %shift_right_arithmetic3A_219 = arith.constant 16 : i32
    %shift_right_arithmetic3A_220 = vector.broadcast %shift_right_arithmetic3A_219 : i32 to vector<16xi32>
    %shift_right_arithmetic3A_221 = arith.shrsi %get3A_209, %shift_right_arithmetic3A_220 : vector<16xi32>
    %swap3A_222 = arith.constant 1 : i32
    %swap3A_223 = arith.index_cast %swap3A_222 : i32 to index
    %swap3A_224 = arith.constant 48 : index
    %swap3A_225 = tpu.vector_load %arg7[%swap3A_223, %swap3A_224] {strides = array<i32>} : memref<8x64xi32, #tpu.memory_space<vmem>>, vector<1x16xi32>,
    %swap3A_226 = vector.shape_cast %swap3A_225 : vector<1x16xi32> to vector<16xi32>
    %swap3A_227 = vector.shape_cast %shift_right_arithmetic3A_221 : vector<16xi32> to vector<1x16xi32>
    tpu.vector_store %arg7[%swap3A_223, %swap3A_224], %swap3A_227 {strides = array<i32>} : memref<8x64xi32, #tpu.memory_space<vmem>>, vector<1x16xi32>,
    %dma_start3A_228 = arith.constant 1 : i32
    %dma_start3A_229 = arith.constant 1 : i32
    %dma_start3A_230 = arith.constant 0 : i32
    %dma_start3A_231 = arith.constant 0 : i32
    %dma_start3A_232 = tpu.memref_slice %arg8[%dma_start3A_229, %dma_start3A_230, %dma_start3A_231] : memref<4x64x128xf32, #tpu.memory_space<vmem>> -> memref<1x64x128xf32, #tpu.memory_space<vmem>>
    %dma_start3A_233 = tpu.memref_squeeze %dma_start3A_232 : memref<1x64x128xf32, #tpu.memory_space<vmem>> -> memref<64x128xf32, #tpu.memory_space<vmem>>
    %dma_start3A_234 = arith.constant 0 : i32
    %dma_start3A_235 = tpu.memref_slice %arg6[%dma_start3A_228, %dma_start3A_234] : memref<8x64xi32, #tpu.memory_space<vmem>> -> memref<1x64xi32, #tpu.memory_space<vmem>>
    %dma_start3A_236 = tpu.memref_squeeze %dma_start3A_235 : memref<1x64xi32, #tpu.memory_space<vmem>> -> memref<64xi32, #tpu.memory_space<vmem>>
    %dma_start3A_237 = arith.constant 0 : i32
    %dma_start3A_238 = arith.constant 0 : i32
    %dma_start3A_239 = tpu.memref_slice %arg3[%dma_start3A_237, %dma_start3A_238] : memref<10240x128xf32, #tpu.memory_space<hbm>> -> memref<10240x128xf32, #tpu.memory_space<hbm>>
    tpu.enqueue_indirect_dma source(%dma_start3A_239 : memref<10240x128xf32, #tpu.memory_space<hbm>>) target(%dma_start3A_233 : memref<64x128xf32, #tpu.memory_space<vmem>>) offsets(%dma_start3A_236 : memref<64xi32, #tpu.memory_space<vmem>>) semaphore(%arg11 : memref<!tpu.dma_semaphore, #tpu.memory_space<semaphore_mem>>)
    %get3A_240 = arith.constant 1 : i32
    %get3A_241 = arith.index_cast %get3A_240 : i32 to index
    %get3A_242 = arith.constant 0 : index
    %get3A_243 = tpu.vector_load %arg5[%get3A_241, %get3A_242] {strides = array<i32>} : memref<40x128xi32, #tpu.memory_space<vmem>>, vector<1x16xi32>,
    %get3A_244 = vector.shape_cast %get3A_243 : vector<1x16xi32> to vector<16xi32>
    %and3A_245 = arith.constant 65535 : i32
    %and3A_246 = vector.broadcast %and3A_245 : i32 to vector<16xi32>
    %and3A_247 = arith.andi %get3A_244, %and3A_246 : vector<16xi32>
    %swap3A_248 = arith.constant 2 : i32
    %swap3A_249 = arith.index_cast %swap3A_248 : i32 to index
    %swap3A_250 = arith.constant 0 : index
    %swap3A_251 = tpu.vector_load %arg6[%swap3A_249, %swap3A_250] {strides = array<i32>} : memref<8x64xi32, #tpu.memory_space<vmem>>, vector<1x16xi32>,
    %swap3A_252 = vector.shape_cast %swap3A_251 : vector<1x16xi32> to vector<16xi32>
    %swap3A_253 = vector.shape_cast %and3A_247 : vector<16xi32> to vector<1x16xi32>
    tpu.vector_store %arg6[%swap3A_249, %swap3A_250], %swap3A_253 {strides = array<i32>} : memref<8x64xi32, #tpu.memory_space<vmem>>, vector<1x16xi32>,
    %shift_right_arithmetic3A_254 = arith.constant 16 : i32
    %shift_right_arithmetic3A_255 = vector.broadcast %shift_right_arithmetic3A_254 : i32 to vector<16xi32>
    %shift_right_arithmetic3A_256 = arith.shrsi %get3A_244, %shift_right_arithmetic3A_255 : vector<16xi32>
    %swap3A_257 = arith.constant 2 : i32
    %swap3A_258 = arith.index_cast %swap3A_257 : i32 to index
    %swap3A_259 = arith.constant 0 : index
    %swap3A_260 = tpu.vector_load %arg7[%swap3A_258, %swap3A_259] {strides = array<i32>} : memref<8x64xi32, #tpu.memory_space<vmem>>, vector<1x16xi32>,
    %swap3A_261 = vector.shape_cast %swap3A_260 : vector<1x16xi32> to vector<16xi32>
    %swap3A_262 = vector.shape_cast %shift_right_arithmetic3A_256 : vector<16xi32> to vector<1x16xi32>
    tpu.vector_store %arg7[%swap3A_258, %swap3A_259], %swap3A_262 {strides = array<i32>} : memref<8x64xi32, #tpu.memory_space<vmem>>, vector<1x16xi32>,
    %get3A_263 = arith.constant 1 : i32
    %get3A_264 = arith.index_cast %get3A_263 : i32 to index
    %get3A_265 = arith.constant 16 : index
    %get3A_266 = tpu.vector_load %arg5[%get3A_264, %get3A_265] {strides = array<i32>} : memref<40x128xi32, #tpu.memory_space<vmem>>, vector<1x16xi32>,
    %get3A_267 = vector.shape_cast %get3A_266 : vector<1x16xi32> to vector<16xi32>
    %and3A_268 = arith.constant 65535 : i32
    %and3A_269 = vector.broadcast %and3A_268 : i32 to vector<16xi32>
    %and3A_270 = arith.andi %get3A_267, %and3A_269 : vector<16xi32>
    %swap3A_271 = arith.constant 2 : i32
    %swap3A_272 = arith.index_cast %swap3A_271 : i32 to index
    %swap3A_273 = arith.constant 16 : index
    %swap3A_274 = tpu.vector_load %arg6[%swap3A_272, %swap3A_273] {strides = array<i32>} : memref<8x64xi32, #tpu.memory_space<vmem>>, vector<1x16xi32>,
    %swap3A_275 = vector.shape_cast %swap3A_274 : vector<1x16xi32> to vector<16xi32>
    %swap3A_276 = vector.shape_cast %and3A_270 : vector<16xi32> to vector<1x16xi32>
    tpu.vector_store %arg6[%swap3A_272, %swap3A_273], %swap3A_276 {strides = array<i32>} : memref<8x64xi32, #tpu.memory_space<vmem>>, vector<1x16xi32>,
    %shift_right_arithmetic3A_277 = arith.constant 16 : i32
    %shift_right_arithmetic3A_278 = vector.broadcast %shift_right_arithmetic3A_277 : i32 to vector<16xi32>
    %shift_right_arithmetic3A_279 = arith.shrsi %get3A_267, %shift_right_arithmetic3A_278 : vector<16xi32>
    %swap3A_280 = arith.constant 2 : i32
    %swap3A_281 = arith.index_cast %swap3A_280 : i32 to index
    %swap3A_282 = arith.constant 16 : index
    %swap3A_283 = tpu.vector_load %arg7[%swap3A_281, %swap3A_282] {strides = array<i32>} : memref<8x64xi32, #tpu.memory_space<vmem>>, vector<1x16xi32>,
    %swap3A_284 = vector.shape_cast %swap3A_283 : vector<1x16xi32> to vector<16xi32>
    %swap3A_285 = vector.shape_cast %shift_right_arithmetic3A_279 : vector<16xi32> to vector<1x16xi32>
    tpu.vector_store %arg7[%swap3A_281, %swap3A_282], %swap3A_285 {strides = array<i32>} : memref<8x64xi32, #tpu.memory_space<vmem>>, vector<1x16xi32>,
    %get3A_286 = arith.constant 1 : i32
    %get3A_287 = arith.index_cast %get3A_286 : i32 to index
    %get3A_288 = arith.constant 32 : index
    %get3A_289 = tpu.vector_load %arg5[%get3A_287, %get3A_288] {strides = array<i32>} : memref<40x128xi32, #tpu.memory_space<vmem>>, vector<1x16xi32>,
    %get3A_290 = vector.shape_cast %get3A_289 : vector<1x16xi32> to vector<16xi32>
    %and3A_291 = arith.constant 65535 : i32
    %and3A_292 = vector.broadcast %and3A_291 : i32 to vector<16xi32>
    %and3A_293 = arith.andi %get3A_290, %and3A_292 : vector<16xi32>
    %swap3A_294 = arith.constant 2 : i32
    %swap3A_295 = arith.index_cast %swap3A_294 : i32 to index
    %swap3A_296 = arith.constant 32 : index
    %swap3A_297 = tpu.vector_load %arg6[%swap3A_295, %swap3A_296] {strides = array<i32>} : memref<8x64xi32, #tpu.memory_space<vmem>>, vector<1x16xi32>,
    %swap3A_298 = vector.shape_cast %swap3A_297 : vector<1x16xi32> to vector<16xi32>
    %swap3A_299 = vector.shape_cast %and3A_293 : vector<16xi32> to vector<1x16xi32>
    tpu.vector_store %arg6[%swap3A_295, %swap3A_296], %swap3A_299 {strides = array<i32>} : memref<8x64xi32, #tpu.memory_space<vmem>>, vector<1x16xi32>,
    %shift_right_arithmetic3A_300 = arith.constant 16 : i32
    %shift_right_arithmetic3A_301 = vector.broadcast %shift_right_arithmetic3A_300 : i32 to vector<16xi32>
    %shift_right_arithmetic3A_302 = arith.shrsi %get3A_290, %shift_right_arithmetic3A_301 : vector<16xi32>
    %swap3A_303 = arith.constant 2 : i32
    %swap3A_304 = arith.index_cast %swap3A_303 : i32 to index
    %swap3A_305 = arith.constant 32 : index
    %swap3A_306 = tpu.vector_load %arg7[%swap3A_304, %swap3A_305] {strides = array<i32>} : memref<8x64xi32, #tpu.memory_space<vmem>>, vector<1x16xi32>,
    %swap3A_307 = vector.shape_cast %swap3A_306 : vector<1x16xi32> to vector<16xi32>
    %swap3A_308 = vector.shape_cast %shift_right_arithmetic3A_302 : vector<16xi32> to vector<1x16xi32>
    tpu.vector_store %arg7[%swap3A_304, %swap3A_305], %swap3A_308 {strides = array<i32>} : memref<8x64xi32, #tpu.memory_space<vmem>>, vector<1x16xi32>,
    %get3A_309 = arith.constant 1 : i32
    %get3A_310 = arith.index_cast %get3A_309 : i32 to index
    %get3A_311 = arith.constant 48 : index
    %get3A_312 = tpu.vector_load %arg5[%get3A_310, %get3A_311] {strides = array<i32>} : memref<40x128xi32, #tpu.memory_space<vmem>>, vector<1x16xi32>,
    %get3A_313 = vector.shape_cast %get3A_312 : vector<1x16xi32> to vector<16xi32>
    %and3A_314 = arith.constant 65535 : i32
    %and3A_315 = vector.broadcast %and3A_314 : i32 to vector<16xi32>
    %and3A_316 = arith.andi %get3A_313, %and3A_315 : vector<16xi32>
    %swap3A_317 = arith.constant 2 : i32
    %swap3A_318 = arith.index_cast %swap3A_317 : i32 to index
    %swap3A_319 = arith.constant 48 : index
    %swap3A_320 = tpu.vector_load %arg6[%swap3A_318, %swap3A_319] {strides = array<i32>} : memref<8x64xi32, #tpu.memory_space<vmem>>, vector<1x16xi32>,
    %swap3A_321 = vector.shape_cast %swap3A_320 : vector<1x16xi32> to vector<16xi32>
    %swap3A_322 = vector.shape_cast %and3A_316 : vector<16xi32> to vector<1x16xi32>
    tpu.vector_store %arg6[%swap3A_318, %swap3A_319], %swap3A_322 {strides = array<i32>} : memref<8x64xi32, #tpu.memory_space<vmem>>, vector<1x16xi32>,
    %shift_right_arithmetic3A_323 = arith.constant 16 : i32
    %shift_right_arithmetic3A_324 = vector.broadcast %shift_right_arithmetic3A_323 : i32 to vector<16xi32>
    %shift_right_arithmetic3A_325 = arith.shrsi %get3A_313, %shift_right_arithmetic3A_324 : vector<16xi32>
    %swap3A_326 = arith.constant 2 : i32
    %swap3A_327 = arith.index_cast %swap3A_326 : i32 to index
    %swap3A_328 = arith.constant 48 : index
    %swap3A_329 = tpu.vector_load %arg7[%swap3A_327, %swap3A_328] {strides = array<i32>} : memref<8x64xi32, #tpu.memory_space<vmem>>, vector<1x16xi32>,
    %swap3A_330 = vector.shape_cast %swap3A_329 : vector<1x16xi32> to vector<16xi32>
    %swap3A_331 = vector.shape_cast %shift_right_arithmetic3A_325 : vector<16xi32> to vector<1x16xi32>
    tpu.vector_store %arg7[%swap3A_327, %swap3A_328], %swap3A_331 {strides = array<i32>} : memref<8x64xi32, #tpu.memory_space<vmem>>, vector<1x16xi32>,
    %dma_start3A_332 = arith.constant 2 : i32
    %dma_start3A_333 = arith.constant 2 : i32
    %dma_start3A_334 = arith.constant 0 : i32
    %dma_start3A_335 = arith.constant 0 : i32
    %dma_start3A_336 = tpu.memref_slice %arg8[%dma_start3A_333, %dma_start3A_334, %dma_start3A_335] : memref<4x64x128xf32, #tpu.memory_space<vmem>> -> memref<1x64x128xf32, #tpu.memory_space<vmem>>
    %dma_start3A_337 = tpu.memref_squeeze %dma_start3A_336 : memref<1x64x128xf32, #tpu.memory_space<vmem>> -> memref<64x128xf32, #tpu.memory_space<vmem>>
    %dma_start3A_338 = arith.constant 0 : i32
    %dma_start3A_339 = tpu.memref_slice %arg6[%dma_start3A_332, %dma_start3A_338] : memref<8x64xi32, #tpu.memory_space<vmem>> -> memref<1x64xi32, #tpu.memory_space<vmem>>
    %dma_start3A_340 = tpu.memref_squeeze %dma_start3A_339 : memref<1x64xi32, #tpu.memory_space<vmem>> -> memref<64xi32, #tpu.memory_space<vmem>>
    %dma_start3A_341 = arith.constant 0 : i32
    %dma_start3A_342 = arith.constant 0 : i32
    %dma_start3A_343 = tpu.memref_slice %arg3[%dma_start3A_341, %dma_start3A_342] : memref<10240x128xf32, #tpu.memory_space<hbm>> -> memref<10240x128xf32, #tpu.memory_space<hbm>>
    tpu.enqueue_indirect_dma source(%dma_start3A_343 : memref<10240x128xf32, #tpu.memory_space<hbm>>) target(%dma_start3A_337 : memref<64x128xf32, #tpu.memory_space<vmem>>) offsets(%dma_start3A_340 : memref<64xi32, #tpu.memory_space<vmem>>) semaphore(%arg12 : memref<!tpu.dma_semaphore, #tpu.memory_space<semaphore_mem>>)
    %scan3A_344 = arith.constant 0 : i32
    %scan3A_345 = arith.constant 0 : i32
    %scan3A_346 = arith.constant 20 : i32
    %scan3A_347 = arith.addi %scan3A_345, %scan3A_346 : i32
    %scan3A_348 = arith.constant 1 : i32
    %scan3A_349 = scf.for %scan3A_367 = %scan3A_345 to %scan3A_347 step %scan3A_348 iter_args(%scan3A_368 = %scan3A_344) -> (i32)  : i32 {
      %mul3A_369 = arith.constant 4 : i32
      %mul3A_370 = arith.muli %scan3A_367, %mul3A_369 : i32
      %add3A_371 = arith.constant 0 : i32
      %add3A_372 = arith.addi %mul3A_370, %add3A_371 : i32
      %lt3A = arith.constant 80 : i32
      %lt3A_373 = arith.cmpi slt, %add3A_372, %lt3A : i32
      %convert_element_type3A = arith.extui %lt3A_373 : i1 to i32
      %cond3A = arith.constant 0 : i32
      %cond3A_374 = arith.cmpi ne, %convert_element_type3A, %cond3A : i32
      scf.if %cond3A_374 {
        %jit3A = arith.constant 8 : i32
        %eq3A = arith.constant 0 : i32
        %eq3A_397 = arith.cmpi eq, %jit3A, %eq3A : i32
        %jit3A_398 = arith.constant 1 : i32
        %select_n3A = arith.select %eq3A_397, %jit3A_398, %jit3A : i32
        %rem3A = arith.remsi %add3A_372, %select_n3A : i32
        %ne3A = arith.constant 0 : i32
        %ne3A_399 = arith.cmpi ne, %rem3A, %ne3A : i32
        %lt3A_400 = arith.constant 0 : i32
        %lt3A_401 = arith.cmpi slt, %rem3A, %lt3A_400 : i32
        %lt3A_402 = arith.constant 0 : i32
        %lt3A_403 = arith.cmpi slt, %select_n3A, %lt3A_402 : i32
        %ne3A_404 = arith.xori %lt3A_401, %lt3A_403 : i1
        %and3A_405 = arith.andi %ne3A_404, %ne3A_399 : i1
        %add3A_406 = arith.addi %rem3A, %select_n3A : i32
        %select_n3A_407 = arith.select %and3A_405, %add3A_406, %rem3A : i32
        %dma_wait3A_408 = arith.constant 0 : i32
        %dma_wait3A_409 = arith.constant 0 : i32
        %dma_wait3A_410 = arith.constant 0 : i32
        %dma_wait3A_411 = tpu.memref_slice %arg8[%dma_wait3A_408, %dma_wait3A_409, %dma_wait3A_410] : memref<4x64x128xf32, #tpu.memory_space<vmem>> -> memref<1x64x128xf32, #tpu.memory_space<vmem>>
        %dma_wait3A_412 = tpu.memref_squeeze %dma_wait3A_411 : memref<1x64x128xf32, #tpu.memory_space<vmem>> -> memref<64x128xf32, #tpu.memory_space<vmem>>
        %dma_wait3A_413 = arith.constant 0 : i32
        %dma_wait3A_414 = tpu.memref_slice %arg6[%select_n3A_407, %dma_wait3A_413] : memref<8x64xi32, #tpu.memory_space<vmem>> -> memref<1x64xi32, #tpu.memory_space<vmem>>
        %dma_wait3A_415 = tpu.memref_squeeze %dma_wait3A_414 : memref<1x64xi32, #tpu.memory_space<vmem>> -> memref<64xi32, #tpu.memory_space<vmem>>
        %dma_wait3A_416 = arith.constant 0 : i32
        %dma_wait3A_417 = arith.constant 0 : i32
        %dma_wait3A_418 = tpu.memref_slice %arg3[%dma_wait3A_416, %dma_wait3A_417] : memref<10240x128xf32, #tpu.memory_space<hbm>> -> memref<10240x128xf32, #tpu.memory_space<hbm>>
        tpu.wait_indirect_dma semaphore(%arg10 : memref<!tpu.dma_semaphore, #tpu.memory_space<semaphore_mem>>) src(%dma_wait3A_418 : memref<10240x128xf32, #tpu.memory_space<hbm>>) dst(%dma_wait3A_412 : memref<64x128xf32, #tpu.memory_space<vmem>>)
        %ge3A = arith.constant 1 : i32
        %ge3A_419 = arith.cmpi sge, %add3A_372, %ge3A : i32
        %convert_element_type3A_420 = arith.extui %ge3A_419 : i1 to i32
        %cond3A_421 = arith.constant 0 : i32
        %cond3A_422 = arith.cmpi ne, %convert_element_type3A_420, %cond3A_421 : i32
        scf.if %cond3A_422 {
          %sub3A = arith.constant 1 : i32
          %sub3A_457 = arith.subi %add3A_372, %sub3A : i32
          %jit3A_458 = arith.constant 8 : i32
          %eq3A_459 = arith.constant 0 : i32
          %eq3A_460 = arith.cmpi eq, %jit3A_458, %eq3A_459 : i32
          %jit3A_461 = arith.constant 1 : i32
          %select_n3A_462 = arith.select %eq3A_460, %jit3A_461, %jit3A_458 : i32
          %rem3A_463 = arith.remsi %sub3A_457, %select_n3A_462 : i32
          %ne3A_464 = arith.constant 0 : i32
          %ne3A_465 = arith.cmpi ne, %rem3A_463, %ne3A_464 : i32
          %lt3A_466 = arith.constant 0 : i32
          %lt3A_467 = arith.cmpi slt, %rem3A_463, %lt3A_466 : i32
          %lt3A_468 = arith.constant 0 : i32
          %lt3A_469 = arith.cmpi slt, %select_n3A_462, %lt3A_468 : i32
          %ne3A_470 = arith.xori %lt3A_467, %lt3A_469 : i1
          %and3A_471 = arith.andi %ne3A_470, %ne3A_465 : i1
          %add3A_472 = arith.addi %rem3A_463, %select_n3A_462 : i32
          %select_n3A_473 = arith.select %and3A_471, %add3A_472, %rem3A_463 : i32
          %dma_wait3A_474 = arith.constant 3 : i32
          %dma_wait3A_475 = arith.constant 0 : i32
          %dma_wait3A_476 = arith.constant 0 : i32
          %dma_wait3A_477 = tpu.memref_slice %arg8[%dma_wait3A_474, %dma_wait3A_475, %dma_wait3A_476] : memref<4x64x128xf32, #tpu.memory_space<vmem>> -> memref<1x64x128xf32, #tpu.memory_space<vmem>>
          %dma_wait3A_478 = tpu.memref_squeeze %dma_wait3A_477 : memref<1x64x128xf32, #tpu.memory_space<vmem>> -> memref<64x128xf32, #tpu.memory_space<vmem>>
          %dma_wait3A_479 = arith.constant 0 : i32
          %dma_wait3A_480 = tpu.memref_slice %arg7[%select_n3A_473, %dma_wait3A_479] : memref<8x64xi32, #tpu.memory_space<vmem>> -> memref<1x64xi32, #tpu.memory_space<vmem>>
          %dma_wait3A_481 = tpu.memref_squeeze %dma_wait3A_480 : memref<1x64xi32, #tpu.memory_space<vmem>> -> memref<64xi32, #tpu.memory_space<vmem>>
          %dma_wait3A_482 = arith.constant 0 : i32
          %dma_wait3A_483 = arith.constant 0 : i32
          %dma_wait3A_484 = tpu.memref_slice %arg9[%dma_wait3A_482, %dma_wait3A_483] : memref<10240x128xf32, #tpu.memory_space<vmem_shared>> -> memref<10240x128xf32, #tpu.memory_space<vmem_shared>>
          tpu.wait_indirect_dma semaphore(%arg17 : memref<!tpu.dma_semaphore, #tpu.memory_space<semaphore_mem>>) src(%dma_wait3A_478 : memref<64x128xf32, #tpu.memory_space<vmem>>) dst(%dma_wait3A_484 : memref<10240x128xf32, #tpu.memory_space<vmem_shared>>)
        } else {
        }
        %add3A_423 = arith.constant 3 : i32
        %add3A_424 = arith.addi %add3A_372, %add3A_423 : i32
        %lt3A_425 = arith.constant 80 : i32
        %lt3A_426 = arith.cmpi slt, %add3A_424, %lt3A_425 : i32
        %convert_element_type3A_427 = arith.extui %lt3A_426 : i1 to i32
        %cond3A_428 = arith.constant 0 : i32
        %cond3A_429 = arith.cmpi ne, %convert_element_type3A_427, %cond3A_428 : i32
        scf.if %cond3A_429 {
          %add3A_457 = arith.constant 3 : i32
          %add3A_458 = arith.addi %add3A_372, %add3A_457 : i32
          %jit3A_459 = arith.constant 8 : i32
          %eq3A_460 = arith.constant 0 : i32
          %eq3A_461 = arith.cmpi eq, %jit3A_459, %eq3A_460 : i32
          %jit3A_462 = arith.constant 1 : i32
          %select_n3A_463 = arith.select %eq3A_461, %jit3A_462, %jit3A_459 : i32
          %rem3A_464 = arith.remsi %add3A_458, %select_n3A_463 : i32
          %ne3A_465 = arith.constant 0 : i32
          %ne3A_466 = arith.cmpi ne, %rem3A_464, %ne3A_465 : i32
          %lt3A_467 = arith.constant 0 : i32
          %lt3A_468 = arith.cmpi slt, %rem3A_464, %lt3A_467 : i32
          %lt3A_469 = arith.constant 0 : i32
          %lt3A_470 = arith.cmpi slt, %select_n3A_463, %lt3A_469 : i32
          %ne3A_471 = arith.xori %lt3A_468, %lt3A_470 : i1
          %and3A_472 = arith.andi %ne3A_471, %ne3A_466 : i1
          %add3A_473 = arith.addi %rem3A_464, %select_n3A_463 : i32
          %select_n3A_474 = arith.select %and3A_472, %add3A_473, %rem3A_464 : i32
          %jit3A_475 = arith.constant 2 : i32
          %div3A = arith.divsi %add3A_458, %jit3A_475 : i32
          %sign3A = arith.constant 0 : i32
          %sign3A_476 = arith.cmpi sgt, %add3A_458, %sign3A : i32
          %sign3A_477 = arith.extui %sign3A_476 : i1 to i32
          %sign3A_478 = arith.constant 0 : i32
          %sign3A_479 = arith.cmpi slt, %add3A_458, %sign3A_478 : i32
          %sign3A_480 = arith.extui %sign3A_479 : i1 to i32
          %sign3A_481 = arith.subi %sign3A_477, %sign3A_480 : i32
          %sign3A_482 = arith.constant 0 : i32
          %sign3A_483 = arith.cmpi sgt, %jit3A_475, %sign3A_482 : i32
          %sign3A_484 = arith.extui %sign3A_483 : i1 to i32
          %sign3A_485 = arith.constant 0 : i32
          %sign3A_486 = arith.cmpi slt, %jit3A_475, %sign3A_485 : i32
          %sign3A_487 = arith.extui %sign3A_486 : i1 to i32
          %sign3A_488 = arith.subi %sign3A_484, %sign3A_487 : i32
          %ne3A_489 = arith.cmpi ne, %sign3A_481, %sign3A_488 : i32
          %rem3A_490 = arith.remsi %add3A_458, %jit3A_475 : i32
          %ne3A_491 = arith.constant 0 : i32
          %ne3A_492 = arith.cmpi ne, %rem3A_490, %ne3A_491 : i32
          %and3A_493 = arith.andi %ne3A_489, %ne3A_492 : i1
          %sub3A = arith.constant 1 : i32
          %sub3A_494 = arith.subi %div3A, %sub3A : i32
          %select_n3A_495 = arith.select %and3A_493, %sub3A_494, %div3A : i32
          %jit3A_496 = arith.constant 2 : i32
          %eq3A_497 = arith.constant 0 : i32
          %eq3A_498 = arith.cmpi eq, %jit3A_496, %eq3A_497 : i32
          %jit3A_499 = arith.constant 1 : i32
          %select_n3A_500 = arith.select %eq3A_498, %jit3A_499, %jit3A_496 : i32
          %rem3A_501 = arith.remsi %add3A_458, %select_n3A_500 : i32
          %ne3A_502 = arith.constant 0 : i32
          %ne3A_503 = arith.cmpi ne, %rem3A_501, %ne3A_502 : i32
          %lt3A_504 = arith.constant 0 : i32
          %lt3A_505 = arith.cmpi slt, %rem3A_501, %lt3A_504 : i32
          %lt3A_506 = arith.constant 0 : i32
          %lt3A_507 = arith.cmpi slt, %select_n3A_500, %lt3A_506 : i32
          %ne3A_508 = arith.xori %lt3A_505, %lt3A_507 : i1
          %and3A_509 = arith.andi %ne3A_508, %ne3A_503 : i1
          %add3A_510 = arith.addi %rem3A_501, %select_n3A_500 : i32
          %select_n3A_511 = arith.select %and3A_509, %add3A_510, %rem3A_501 : i32
          %mul3A_512 = arith.constant 64 : i32
          %mul3A_513 = arith.muli %select_n3A_511, %mul3A_512 : i32
          %add3A_514 = arith.constant 0 : i32
          %add3A_515 = arith.addi %mul3A_513, %add3A_514 : i32
          %get3A_516 = arith.index_cast %select_n3A_495 : i32 to index
          %get3A_517 = arith.index_cast %add3A_515 : i32 to index
          %get3A_518 = tpu.vector_load %arg5[%get3A_516, %get3A_517] {strides = array<i32>} : memref<40x128xi32, #tpu.memory_space<vmem>>, vector<1x16xi32>,
          %get3A_519 = vector.shape_cast %get3A_518 : vector<1x16xi32> to vector<16xi32>
          %and3A_520 = arith.constant 65535 : i32
          %and3A_521 = vector.broadcast %and3A_520 : i32 to vector<16xi32>
          %and3A_522 = arith.andi %get3A_519, %and3A_521 : vector<16xi32>
          %swap3A_523 = arith.index_cast %select_n3A_474 : i32 to index
          %swap3A_524 = arith.constant 0 : index
          %swap3A_525 = tpu.vector_load %arg6[%swap3A_523, %swap3A_524] {strides = array<i32>} : memref<8x64xi32, #tpu.memory_space<vmem>>, vector<1x16xi32>,
          %swap3A_526 = vector.shape_cast %swap3A_525 : vector<1x16xi32> to vector<16xi32>
          %swap3A_527 = vector.shape_cast %and3A_522 : vector<16xi32> to vector<1x16xi32>
          tpu.vector_store %arg6[%swap3A_523, %swap3A_524], %swap3A_527 {strides = array<i32>} : memref<8x64xi32, #tpu.memory_space<vmem>>, vector<1x16xi32>,
          %shift_right_arithmetic3A_528 = arith.constant 16 : i32
          %shift_right_arithmetic3A_529 = vector.broadcast %shift_right_arithmetic3A_528 : i32 to vector<16xi32>
          %shift_right_arithmetic3A_530 = arith.shrsi %get3A_519, %shift_right_arithmetic3A_529 : vector<16xi32>
          %swap3A_531 = arith.index_cast %select_n3A_474 : i32 to index
          %swap3A_532 = arith.constant 0 : index
          %swap3A_533 = tpu.vector_load %arg7[%swap3A_531, %swap3A_532] {strides = array<i32>} : memref<8x64xi32, #tpu.memory_space<vmem>>, vector<1x16xi32>,
          %swap3A_534 = vector.shape_cast %swap3A_533 : vector<1x16xi32> to vector<16xi32>
          %swap3A_535 = vector.shape_cast %shift_right_arithmetic3A_530 : vector<16xi32> to vector<1x16xi32>
          tpu.vector_store %arg7[%swap3A_531, %swap3A_532], %swap3A_535 {strides = array<i32>} : memref<8x64xi32, #tpu.memory_space<vmem>>, vector<1x16xi32>,
          %add3A_536 = arith.constant 16 : i32
          %add3A_537 = arith.addi %mul3A_513, %add3A_536 : i32
          %get3A_538 = arith.index_cast %select_n3A_495 : i32 to index
          %get3A_539 = arith.index_cast %add3A_537 : i32 to index
          %get3A_540 = tpu.vector_load %arg5[%get3A_538, %get3A_539] {strides = array<i32>} : memref<40x128xi32, #tpu.memory_space<vmem>>, vector<1x16xi32>,
          %get3A_541 = vector.shape_cast %get3A_540 : vector<1x16xi32> to vector<16xi32>
          %and3A_542 = arith.constant 65535 : i32
          %and3A_543 = vector.broadcast %and3A_542 : i32 to vector<16xi32>
          %and3A_544 = arith.andi %get3A_541, %and3A_543 : vector<16xi32>
          %swap3A_545 = arith.index_cast %select_n3A_474 : i32 to index
          %swap3A_546 = arith.constant 16 : index
          %swap3A_547 = tpu.vector_load %arg6[%swap3A_545, %swap3A_546] {strides = array<i32>} : memref<8x64xi32, #tpu.memory_space<vmem>>, vector<1x16xi32>,
          %swap3A_548 = vector.shape_cast %swap3A_547 : vector<1x16xi32> to vector<16xi32>
          %swap3A_549 = vector.shape_cast %and3A_544 : vector<16xi32> to vector<1x16xi32>
          tpu.vector_store %arg6[%swap3A_545, %swap3A_546], %swap3A_549 {strides = array<i32>} : memref<8x64xi32, #tpu.memory_space<vmem>>, vector<1x16xi32>,
          %shift_right_arithmetic3A_550 = arith.constant 16 : i32
          %shift_right_arithmetic3A_551 = vector.broadcast %shift_right_arithmetic3A_550 : i32 to vector<16xi32>
          %shift_right_arithmetic3A_552 = arith.shrsi %get3A_541, %shift_right_arithmetic3A_551 : vector<16xi32>
          %swap3A_553 = arith.index_cast %select_n3A_474 : i32 to index
          %swap3A_554 = arith.constant 16 : index
          %swap3A_555 = tpu.vector_load %arg7[%swap3A_553, %swap3A_554] {strides = array<i32>} : memref<8x64xi32, #tpu.memory_space<vmem>>, vector<1x16xi32>,
          %swap3A_556 = vector.shape_cast %swap3A_555 : vector<1x16xi32> to vector<16xi32>
          %swap3A_557 = vector.shape_cast %shift_right_arithmetic3A_552 : vector<16xi32> to vector<1x16xi32>
          tpu.vector_store %arg7[%swap3A_553, %swap3A_554], %swap3A_557 {strides = array<i32>} : memref<8x64xi32, #tpu.memory_space<vmem>>, vector<1x16xi32>,
          %add3A_558 = arith.constant 32 : i32
          %add3A_559 = arith.addi %mul3A_513, %add3A_558 : i32
          %get3A_560 = arith.index_cast %select_n3A_495 : i32 to index
          %get3A_561 = arith.index_cast %add3A_559 : i32 to index
          %get3A_562 = tpu.vector_load %arg5[%get3A_560, %get3A_561] {strides = array<i32>} : memref<40x128xi32, #tpu.memory_space<vmem>>, vector<1x16xi32>,
          %get3A_563 = vector.shape_cast %get3A_562 : vector<1x16xi32> to vector<16xi32>
          %and3A_564 = arith.constant 65535 : i32
          %and3A_565 = vector.broadcast %and3A_564 : i32 to vector<16xi32>
          %and3A_566 = arith.andi %get3A_563, %and3A_565 : vector<16xi32>
          %swap3A_567 = arith.index_cast %select_n3A_474 : i32 to index
          %swap3A_568 = arith.constant 32 : index
          %swap3A_569 = tpu.vector_load %arg6[%swap3A_567, %swap3A_568] {strides = array<i32>} : memref<8x64xi32, #tpu.memory_space<vmem>>, vector<1x16xi32>,
          %swap3A_570 = vector.shape_cast %swap3A_569 : vector<1x16xi32> to vector<16xi32>
          %swap3A_571 = vector.shape_cast %and3A_566 : vector<16xi32> to vector<1x16xi32>
          tpu.vector_store %arg6[%swap3A_567, %swap3A_568], %swap3A_571 {strides = array<i32>} : memref<8x64xi32, #tpu.memory_space<vmem>>, vector<1x16xi32>,
          %shift_right_arithmetic3A_572 = arith.constant 16 : i32
          %shift_right_arithmetic3A_573 = vector.broadcast %shift_right_arithmetic3A_572 : i32 to vector<16xi32>
          %shift_right_arithmetic3A_574 = arith.shrsi %get3A_563, %shift_right_arithmetic3A_573 : vector<16xi32>
          %swap3A_575 = arith.index_cast %select_n3A_474 : i32 to index
          %swap3A_576 = arith.constant 32 : index
          %swap3A_577 = tpu.vector_load %arg7[%swap3A_575, %swap3A_576] {strides = array<i32>} : memref<8x64xi32, #tpu.memory_space<vmem>>, vector<1x16xi32>,
          %swap3A_578 = vector.shape_cast %swap3A_577 : vector<1x16xi32> to vector<16xi32>
          %swap3A_579 = vector.shape_cast %shift_right_arithmetic3A_574 : vector<16xi32> to vector<1x16xi32>
          tpu.vector_store %arg7[%swap3A_575, %swap3A_576], %swap3A_579 {strides = array<i32>} : memref<8x64xi32, #tpu.memory_space<vmem>>, vector<1x16xi32>,
          %add3A_580 = arith.constant 48 : i32
          %add3A_581 = arith.addi %mul3A_513, %add3A_580 : i32
          %get3A_582 = arith.index_cast %select_n3A_495 : i32 to index
          %get3A_583 = arith.index_cast %add3A_581 : i32 to index
          %get3A_584 = tpu.vector_load %arg5[%get3A_582, %get3A_583] {strides = array<i32>} : memref<40x128xi32, #tpu.memory_space<vmem>>, vector<1x16xi32>,
          %get3A_585 = vector.shape_cast %get3A_584 : vector<1x16xi32> to vector<16xi32>
          %and3A_586 = arith.constant 65535 : i32
          %and3A_587 = vector.broadcast %and3A_586 : i32 to vector<16xi32>
          %and3A_588 = arith.andi %get3A_585, %and3A_587 : vector<16xi32>
          %swap3A_589 = arith.index_cast %select_n3A_474 : i32 to index
          %swap3A_590 = arith.constant 48 : index
          %swap3A_591 = tpu.vector_load %arg6[%swap3A_589, %swap3A_590] {strides = array<i32>} : memref<8x64xi32, #tpu.memory_space<vmem>>, vector<1x16xi32>,
          %swap3A_592 = vector.shape_cast %swap3A_591 : vector<1x16xi32> to vector<16xi32>
          %swap3A_593 = vector.shape_cast %and3A_588 : vector<16xi32> to vector<1x16xi32>
          tpu.vector_store %arg6[%swap3A_589, %swap3A_590], %swap3A_593 {strides = array<i32>} : memref<8x64xi32, #tpu.memory_space<vmem>>, vector<1x16xi32>,
          %shift_right_arithmetic3A_594 = arith.constant 16 : i32
          %shift_right_arithmetic3A_595 = vector.broadcast %shift_right_arithmetic3A_594 : i32 to vector<16xi32>
          %shift_right_arithmetic3A_596 = arith.shrsi %get3A_585, %shift_right_arithmetic3A_595 : vector<16xi32>
          %swap3A_597 = arith.index_cast %select_n3A_474 : i32 to index
          %swap3A_598 = arith.constant 48 : index
          %swap3A_599 = tpu.vector_load %arg7[%swap3A_597, %swap3A_598] {strides = array<i32>} : memref<8x64xi32, #tpu.memory_space<vmem>>, vector<1x16xi32>,
          %swap3A_600 = vector.shape_cast %swap3A_599 : vector<1x16xi32> to vector<16xi32>
          %swap3A_601 = vector.shape_cast %shift_right_arithmetic3A_596 : vector<16xi32> to vector<1x16xi32>
          tpu.vector_store %arg7[%swap3A_597, %swap3A_598], %swap3A_601 {strides = array<i32>} : memref<8x64xi32, #tpu.memory_space<vmem>>, vector<1x16xi32>,
          %add3A_602 = arith.constant 3 : i32
          %add3A_603 = arith.addi %add3A_372, %add3A_602 : i32
          %jit3A_604 = arith.constant 8 : i32
          %eq3A_605 = arith.constant 0 : i32
          %eq3A_606 = arith.cmpi eq, %jit3A_604, %eq3A_605 : i32
          %jit3A_607 = arith.constant 1 : i32
          %select_n3A_608 = arith.select %eq3A_606, %jit3A_607, %jit3A_604 : i32
          %rem3A_609 = arith.remsi %add3A_603, %select_n3A_608 : i32
          %ne3A_610 = arith.constant 0 : i32
          %ne3A_611 = arith.cmpi ne, %rem3A_609, %ne3A_610 : i32
          %lt3A_612 = arith.constant 0 : i32
          %lt3A_613 = arith.cmpi slt, %rem3A_609, %lt3A_612 : i32
          %lt3A_614 = arith.constant 0 : i32
          %lt3A_615 = arith.cmpi slt, %select_n3A_608, %lt3A_614 : i32
          %ne3A_616 = arith.xori %lt3A_613, %lt3A_615 : i1
          %and3A_617 = arith.andi %ne3A_616, %ne3A_611 : i1
          %add3A_618 = arith.addi %rem3A_609, %select_n3A_608 : i32
          %select_n3A_619 = arith.select %and3A_617, %add3A_618, %rem3A_609 : i32
          %dma_start3A_620 = arith.constant 3 : i32
          %dma_start3A_621 = arith.constant 0 : i32
          %dma_start3A_622 = arith.constant 0 : i32
          %dma_start3A_623 = tpu.memref_slice %arg8[%dma_start3A_620, %dma_start3A_621, %dma_start3A_622] : memref<4x64x128xf32, #tpu.memory_space<vmem>> -> memref<1x64x128xf32, #tpu.memory_space<vmem>>
          %dma_start3A_624 = tpu.memref_squeeze %dma_start3A_623 : memref<1x64x128xf32, #tpu.memory_space<vmem>> -> memref<64x128xf32, #tpu.memory_space<vmem>>
          %dma_start3A_625 = arith.constant 0 : i32
          %dma_start3A_626 = tpu.memref_slice %arg6[%select_n3A_619, %dma_start3A_625] : memref<8x64xi32, #tpu.memory_space<vmem>> -> memref<1x64xi32, #tpu.memory_space<vmem>>
          %dma_start3A_627 = tpu.memref_squeeze %dma_start3A_626 : memref<1x64xi32, #tpu.memory_space<vmem>> -> memref<64xi32, #tpu.memory_space<vmem>>
          %dma_start3A_628 = arith.constant 0 : i32
          %dma_start3A_629 = arith.constant 0 : i32
          %dma_start3A_630 = tpu.memref_slice %arg3[%dma_start3A_628, %dma_start3A_629] : memref<10240x128xf32, #tpu.memory_space<hbm>> -> memref<10240x128xf32, #tpu.memory_space<hbm>>
          tpu.enqueue_indirect_dma source(%dma_start3A_630 : memref<10240x128xf32, #tpu.memory_space<hbm>>) target(%dma_start3A_624 : memref<64x128xf32, #tpu.memory_space<vmem>>) offsets(%dma_start3A_627 : memref<64xi32, #tpu.memory_space<vmem>>) semaphore(%arg13 : memref<!tpu.dma_semaphore, #tpu.memory_space<semaphore_mem>>)
        } else {
        }
        %jit3A_430 = arith.constant 8 : i32
        %eq3A_431 = arith.constant 0 : i32
        %eq3A_432 = arith.cmpi eq, %jit3A_430, %eq3A_431 : i32
        %jit3A_433 = arith.constant 1 : i32
        %select_n3A_434 = arith.select %eq3A_432, %jit3A_433, %jit3A_430 : i32
        %rem3A_435 = arith.remsi %add3A_372, %select_n3A_434 : i32
        %ne3A_436 = arith.constant 0 : i32
        %ne3A_437 = arith.cmpi ne, %rem3A_435, %ne3A_436 : i32
        %lt3A_438 = arith.constant 0 : i32
        %lt3A_439 = arith.cmpi slt, %rem3A_435, %lt3A_438 : i32
        %lt3A_440 = arith.constant 0 : i32
        %lt3A_441 = arith.cmpi slt, %select_n3A_434, %lt3A_440 : i32
        %ne3A_442 = arith.xori %lt3A_439, %lt3A_441 : i1
        %and3A_443 = arith.andi %ne3A_442, %ne3A_437 : i1
        %add3A_444 = arith.addi %rem3A_435, %select_n3A_434 : i32
        %select_n3A_445 = arith.select %and3A_443, %add3A_444, %rem3A_435 : i32
        %dma_start3A_446 = arith.constant 0 : i32
        %dma_start3A_447 = arith.constant 0 : i32
        %dma_start3A_448 = arith.constant 0 : i32
        %dma_start3A_449 = tpu.memref_slice %arg8[%dma_start3A_446, %dma_start3A_447, %dma_start3A_448] : memref<4x64x128xf32, #tpu.memory_space<vmem>> -> memref<1x64x128xf32, #tpu.memory_space<vmem>>
        %dma_start3A_450 = tpu.memref_squeeze %dma_start3A_449 : memref<1x64x128xf32, #tpu.memory_space<vmem>> -> memref<64x128xf32, #tpu.memory_space<vmem>>
        %dma_start3A_451 = arith.constant 0 : i32
        %dma_start3A_452 = tpu.memref_slice %arg7[%select_n3A_445, %dma_start3A_451] : memref<8x64xi32, #tpu.memory_space<vmem>> -> memref<1x64xi32, #tpu.memory_space<vmem>>
        %dma_start3A_453 = tpu.memref_squeeze %dma_start3A_452 : memref<1x64xi32, #tpu.memory_space<vmem>> -> memref<64xi32, #tpu.memory_space<vmem>>
        %dma_start3A_454 = arith.constant 0 : i32
        %dma_start3A_455 = arith.constant 0 : i32
        %dma_start3A_456 = tpu.memref_slice %arg9[%dma_start3A_454, %dma_start3A_455] : memref<10240x128xf32, #tpu.memory_space<vmem_shared>> -> memref<10240x128xf32, #tpu.memory_space<vmem_shared>>
        tpu.enqueue_indirect_dma source(%dma_start3A_450 : memref<64x128xf32, #tpu.memory_space<vmem>>) target(%dma_start3A_456 : memref<10240x128xf32, #tpu.memory_space<vmem_shared>>) offsets(%dma_start3A_453 : memref<64xi32, #tpu.memory_space<vmem>>) semaphore(%arg14 : memref<!tpu.dma_semaphore, #tpu.memory_space<semaphore_mem>>) {add = true}
      } else {
      }
      %add3A_375 = arith.constant 1 : i32
      %add3A_376 = arith.addi %mul3A_370, %add3A_375 : i32
      %lt3A_377 = arith.constant 80 : i32
      %lt3A_378 = arith.cmpi slt, %add3A_376, %lt3A_377 : i32
      %convert_element_type3A_379 = arith.extui %lt3A_378 : i1 to i32
      %cond3A_380 = arith.constant 0 : i32
      %cond3A_381 = arith.cmpi ne, %convert_element_type3A_379, %cond3A_380 : i32
      scf.if %cond3A_381 {
        %jit3A = arith.constant 8 : i32
        %eq3A = arith.constant 0 : i32
        %eq3A_397 = arith.cmpi eq, %jit3A, %eq3A : i32
        %jit3A_398 = arith.constant 1 : i32
        %select_n3A = arith.select %eq3A_397, %jit3A_398, %jit3A : i32
        %rem3A = arith.remsi %add3A_376, %select_n3A : i32
        %ne3A = arith.constant 0 : i32
        %ne3A_399 = arith.cmpi ne, %rem3A, %ne3A : i32
        %lt3A_400 = arith.constant 0 : i32
        %lt3A_401 = arith.cmpi slt, %rem3A, %lt3A_400 : i32
        %lt3A_402 = arith.constant 0 : i32
        %lt3A_403 = arith.cmpi slt, %select_n3A, %lt3A_402 : i32
        %ne3A_404 = arith.xori %lt3A_401, %lt3A_403 : i1
        %and3A_405 = arith.andi %ne3A_404, %ne3A_399 : i1
        %add3A_406 = arith.addi %rem3A, %select_n3A : i32
        %select_n3A_407 = arith.select %and3A_405, %add3A_406, %rem3A : i32
        %dma_wait3A_408 = arith.constant 1 : i32
        %dma_wait3A_409 = arith.constant 0 : i32
        %dma_wait3A_410 = arith.constant 0 : i32
        %dma_wait3A_411 = tpu.memref_slice %arg8[%dma_wait3A_408, %dma_wait3A_409, %dma_wait3A_410] : memref<4x64x128xf32, #tpu.memory_space<vmem>> -> memref<1x64x128xf32, #tpu.memory_space<vmem>>
        %dma_wait3A_412 = tpu.memref_squeeze %dma_wait3A_411 : memref<1x64x128xf32, #tpu.memory_space<vmem>> -> memref<64x128xf32, #tpu.memory_space<vmem>>
        %dma_wait3A_413 = arith.constant 0 : i32
        %dma_wait3A_414 = tpu.memref_slice %arg6[%select_n3A_407, %dma_wait3A_413] : memref<8x64xi32, #tpu.memory_space<vmem>> -> memref<1x64xi32, #tpu.memory_space<vmem>>
        %dma_wait3A_415 = tpu.memref_squeeze %dma_wait3A_414 : memref<1x64xi32, #tpu.memory_space<vmem>> -> memref<64xi32, #tpu.memory_space<vmem>>
        %dma_wait3A_416 = arith.constant 0 : i32
        %dma_wait3A_417 = arith.constant 0 : i32
        %dma_wait3A_418 = tpu.memref_slice %arg3[%dma_wait3A_416, %dma_wait3A_417] : memref<10240x128xf32, #tpu.memory_space<hbm>> -> memref<10240x128xf32, #tpu.memory_space<hbm>>
        tpu.wait_indirect_dma semaphore(%arg11 : memref<!tpu.dma_semaphore, #tpu.memory_space<semaphore_mem>>) src(%dma_wait3A_418 : memref<10240x128xf32, #tpu.memory_space<hbm>>) dst(%dma_wait3A_412 : memref<64x128xf32, #tpu.memory_space<vmem>>)
        %ge3A = arith.constant 1 : i32
        %ge3A_419 = arith.cmpi sge, %add3A_376, %ge3A : i32
        %convert_element_type3A_420 = arith.extui %ge3A_419 : i1 to i32
        %cond3A_421 = arith.constant 0 : i32
        %cond3A_422 = arith.cmpi ne, %convert_element_type3A_420, %cond3A_421 : i32
        scf.if %cond3A_422 {
          %sub3A = arith.constant 1 : i32
          %sub3A_457 = arith.subi %add3A_376, %sub3A : i32
          %jit3A_458 = arith.constant 8 : i32
          %eq3A_459 = arith.constant 0 : i32
          %eq3A_460 = arith.cmpi eq, %jit3A_458, %eq3A_459 : i32
          %jit3A_461 = arith.constant 1 : i32
          %select_n3A_462 = arith.select %eq3A_460, %jit3A_461, %jit3A_458 : i32
          %rem3A_463 = arith.remsi %sub3A_457, %select_n3A_462 : i32
          %ne3A_464 = arith.constant 0 : i32
          %ne3A_465 = arith.cmpi ne, %rem3A_463, %ne3A_464 : i32
          %lt3A_466 = arith.constant 0 : i32
          %lt3A_467 = arith.cmpi slt, %rem3A_463, %lt3A_466 : i32
          %lt3A_468 = arith.constant 0 : i32
          %lt3A_469 = arith.cmpi slt, %select_n3A_462, %lt3A_468 : i32
          %ne3A_470 = arith.xori %lt3A_467, %lt3A_469 : i1
          %and3A_471 = arith.andi %ne3A_470, %ne3A_465 : i1
          %add3A_472 = arith.addi %rem3A_463, %select_n3A_462 : i32
          %select_n3A_473 = arith.select %and3A_471, %add3A_472, %rem3A_463 : i32
          %dma_wait3A_474 = arith.constant 0 : i32
          %dma_wait3A_475 = arith.constant 0 : i32
          %dma_wait3A_476 = arith.constant 0 : i32
          %dma_wait3A_477 = tpu.memref_slice %arg8[%dma_wait3A_474, %dma_wait3A_475, %dma_wait3A_476] : memref<4x64x128xf32, #tpu.memory_space<vmem>> -> memref<1x64x128xf32, #tpu.memory_space<vmem>>
          %dma_wait3A_478 = tpu.memref_squeeze %dma_wait3A_477 : memref<1x64x128xf32, #tpu.memory_space<vmem>> -> memref<64x128xf32, #tpu.memory_space<vmem>>
          %dma_wait3A_479 = arith.constant 0 : i32
          %dma_wait3A_480 = tpu.memref_slice %arg7[%select_n3A_473, %dma_wait3A_479] : memref<8x64xi32, #tpu.memory_space<vmem>> -> memref<1x64xi32, #tpu.memory_space<vmem>>
          %dma_wait3A_481 = tpu.memref_squeeze %dma_wait3A_480 : memref<1x64xi32, #tpu.memory_space<vmem>> -> memref<64xi32, #tpu.memory_space<vmem>>
          %dma_wait3A_482 = arith.constant 0 : i32
          %dma_wait3A_483 = arith.constant 0 : i32
          %dma_wait3A_484 = tpu.memref_slice %arg9[%dma_wait3A_482, %dma_wait3A_483] : memref<10240x128xf32, #tpu.memory_space<vmem_shared>> -> memref<10240x128xf32, #tpu.memory_space<vmem_shared>>
          tpu.wait_indirect_dma semaphore(%arg14 : memref<!tpu.dma_semaphore, #tpu.memory_space<semaphore_mem>>) src(%dma_wait3A_478 : memref<64x128xf32, #tpu.memory_space<vmem>>) dst(%dma_wait3A_484 : memref<10240x128xf32, #tpu.memory_space<vmem_shared>>)
        } else {
        }
        %add3A_423 = arith.constant 3 : i32
        %add3A_424 = arith.addi %add3A_376, %add3A_423 : i32
        %lt3A_425 = arith.constant 80 : i32
        %lt3A_426 = arith.cmpi slt, %add3A_424, %lt3A_425 : i32
        %convert_element_type3A_427 = arith.extui %lt3A_426 : i1 to i32
        %cond3A_428 = arith.constant 0 : i32
        %cond3A_429 = arith.cmpi ne, %convert_element_type3A_427, %cond3A_428 : i32
        scf.if %cond3A_429 {
          %add3A_457 = arith.constant 3 : i32
          %add3A_458 = arith.addi %add3A_376, %add3A_457 : i32
          %jit3A_459 = arith.constant 8 : i32
          %eq3A_460 = arith.constant 0 : i32
          %eq3A_461 = arith.cmpi eq, %jit3A_459, %eq3A_460 : i32
          %jit3A_462 = arith.constant 1 : i32
          %select_n3A_463 = arith.select %eq3A_461, %jit3A_462, %jit3A_459 : i32
          %rem3A_464 = arith.remsi %add3A_458, %select_n3A_463 : i32
          %ne3A_465 = arith.constant 0 : i32
          %ne3A_466 = arith.cmpi ne, %rem3A_464, %ne3A_465 : i32
          %lt3A_467 = arith.constant 0 : i32
          %lt3A_468 = arith.cmpi slt, %rem3A_464, %lt3A_467 : i32
          %lt3A_469 = arith.constant 0 : i32
          %lt3A_470 = arith.cmpi slt, %select_n3A_463, %lt3A_469 : i32
          %ne3A_471 = arith.xori %lt3A_468, %lt3A_470 : i1
          %and3A_472 = arith.andi %ne3A_471, %ne3A_466 : i1
          %add3A_473 = arith.addi %rem3A_464, %select_n3A_463 : i32
          %select_n3A_474 = arith.select %and3A_472, %add3A_473, %rem3A_464 : i32
          %jit3A_475 = arith.constant 2 : i32
          %div3A = arith.divsi %add3A_458, %jit3A_475 : i32
          %sign3A = arith.constant 0 : i32
          %sign3A_476 = arith.cmpi sgt, %add3A_458, %sign3A : i32
          %sign3A_477 = arith.extui %sign3A_476 : i1 to i32
          %sign3A_478 = arith.constant 0 : i32
          %sign3A_479 = arith.cmpi slt, %add3A_458, %sign3A_478 : i32
          %sign3A_480 = arith.extui %sign3A_479 : i1 to i32
          %sign3A_481 = arith.subi %sign3A_477, %sign3A_480 : i32
          %sign3A_482 = arith.constant 0 : i32
          %sign3A_483 = arith.cmpi sgt, %jit3A_475, %sign3A_482 : i32
          %sign3A_484 = arith.extui %sign3A_483 : i1 to i32
          %sign3A_485 = arith.constant 0 : i32
          %sign3A_486 = arith.cmpi slt, %jit3A_475, %sign3A_485 : i32
          %sign3A_487 = arith.extui %sign3A_486 : i1 to i32
          %sign3A_488 = arith.subi %sign3A_484, %sign3A_487 : i32
          %ne3A_489 = arith.cmpi ne, %sign3A_481, %sign3A_488 : i32
          %rem3A_490 = arith.remsi %add3A_458, %jit3A_475 : i32
          %ne3A_491 = arith.constant 0 : i32
          %ne3A_492 = arith.cmpi ne, %rem3A_490, %ne3A_491 : i32
          %and3A_493 = arith.andi %ne3A_489, %ne3A_492 : i1
          %sub3A = arith.constant 1 : i32
          %sub3A_494 = arith.subi %div3A, %sub3A : i32
          %select_n3A_495 = arith.select %and3A_493, %sub3A_494, %div3A : i32
          %jit3A_496 = arith.constant 2 : i32
          %eq3A_497 = arith.constant 0 : i32
          %eq3A_498 = arith.cmpi eq, %jit3A_496, %eq3A_497 : i32
          %jit3A_499 = arith.constant 1 : i32
          %select_n3A_500 = arith.select %eq3A_498, %jit3A_499, %jit3A_496 : i32
          %rem3A_501 = arith.remsi %add3A_458, %select_n3A_500 : i32
          %ne3A_502 = arith.constant 0 : i32
          %ne3A_503 = arith.cmpi ne, %rem3A_501, %ne3A_502 : i32
          %lt3A_504 = arith.constant 0 : i32
          %lt3A_505 = arith.cmpi slt, %rem3A_501, %lt3A_504 : i32
          %lt3A_506 = arith.constant 0 : i32
          %lt3A_507 = arith.cmpi slt, %select_n3A_500, %lt3A_506 : i32
          %ne3A_508 = arith.xori %lt3A_505, %lt3A_507 : i1
          %and3A_509 = arith.andi %ne3A_508, %ne3A_503 : i1
          %add3A_510 = arith.addi %rem3A_501, %select_n3A_500 : i32
          %select_n3A_511 = arith.select %and3A_509, %add3A_510, %rem3A_501 : i32
          %mul3A_512 = arith.constant 64 : i32
          %mul3A_513 = arith.muli %select_n3A_511, %mul3A_512 : i32
          %add3A_514 = arith.constant 0 : i32
          %add3A_515 = arith.addi %mul3A_513, %add3A_514 : i32
          %get3A_516 = arith.index_cast %select_n3A_495 : i32 to index
          %get3A_517 = arith.index_cast %add3A_515 : i32 to index
          %get3A_518 = tpu.vector_load %arg5[%get3A_516, %get3A_517] {strides = array<i32>} : memref<40x128xi32, #tpu.memory_space<vmem>>, vector<1x16xi32>,
          %get3A_519 = vector.shape_cast %get3A_518 : vector<1x16xi32> to vector<16xi32>
          %and3A_520 = arith.constant 65535 : i32
          %and3A_521 = vector.broadcast %and3A_520 : i32 to vector<16xi32>
          %and3A_522 = arith.andi %get3A_519, %and3A_521 : vector<16xi32>
          %swap3A_523 = arith.index_cast %select_n3A_474 : i32 to index
          %swap3A_524 = arith.constant 0 : index
          %swap3A_525 = tpu.vector_load %arg6[%swap3A_523, %swap3A_524] {strides = array<i32>} : memref<8x64xi32, #tpu.memory_space<vmem>>, vector<1x16xi32>,
          %swap3A_526 = vector.shape_cast %swap3A_525 : vector<1x16xi32> to vector<16xi32>
          %swap3A_527 = vector.shape_cast %and3A_522 : vector<16xi32> to vector<1x16xi32>
          tpu.vector_store %arg6[%swap3A_523, %swap3A_524], %swap3A_527 {strides = array<i32>} : memref<8x64xi32, #tpu.memory_space<vmem>>, vector<1x16xi32>,
          %shift_right_arithmetic3A_528 = arith.constant 16 : i32
          %shift_right_arithmetic3A_529 = vector.broadcast %shift_right_arithmetic3A_528 : i32 to vector<16xi32>
          %shift_right_arithmetic3A_530 = arith.shrsi %get3A_519, %shift_right_arithmetic3A_529 : vector<16xi32>
          %swap3A_531 = arith.index_cast %select_n3A_474 : i32 to index
          %swap3A_532 = arith.constant 0 : index
          %swap3A_533 = tpu.vector_load %arg7[%swap3A_531, %swap3A_532] {strides = array<i32>} : memref<8x64xi32, #tpu.memory_space<vmem>>, vector<1x16xi32>,
          %swap3A_534 = vector.shape_cast %swap3A_533 : vector<1x16xi32> to vector<16xi32>
          %swap3A_535 = vector.shape_cast %shift_right_arithmetic3A_530 : vector<16xi32> to vector<1x16xi32>
          tpu.vector_store %arg7[%swap3A_531, %swap3A_532], %swap3A_535 {strides = array<i32>} : memref<8x64xi32, #tpu.memory_space<vmem>>, vector<1x16xi32>,
          %add3A_536 = arith.constant 16 : i32
          %add3A_537 = arith.addi %mul3A_513, %add3A_536 : i32
          %get3A_538 = arith.index_cast %select_n3A_495 : i32 to index
          %get3A_539 = arith.index_cast %add3A_537 : i32 to index
          %get3A_540 = tpu.vector_load %arg5[%get3A_538, %get3A_539] {strides = array<i32>} : memref<40x128xi32, #tpu.memory_space<vmem>>, vector<1x16xi32>,
          %get3A_541 = vector.shape_cast %get3A_540 : vector<1x16xi32> to vector<16xi32>
          %and3A_542 = arith.constant 65535 : i32
          %and3A_543 = vector.broadcast %and3A_542 : i32 to vector<16xi32>
          %and3A_544 = arith.andi %get3A_541, %and3A_543 : vector<16xi32>
          %swap3A_545 = arith.index_cast %select_n3A_474 : i32 to index
          %swap3A_546 = arith.constant 16 : index
          %swap3A_547 = tpu.vector_load %arg6[%swap3A_545, %swap3A_546] {strides = array<i32>} : memref<8x64xi32, #tpu.memory_space<vmem>>, vector<1x16xi32>,
          %swap3A_548 = vector.shape_cast %swap3A_547 : vector<1x16xi32> to vector<16xi32>
          %swap3A_549 = vector.shape_cast %and3A_544 : vector<16xi32> to vector<1x16xi32>
          tpu.vector_store %arg6[%swap3A_545, %swap3A_546], %swap3A_549 {strides = array<i32>} : memref<8x64xi32, #tpu.memory_space<vmem>>, vector<1x16xi32>,
          %shift_right_arithmetic3A_550 = arith.constant 16 : i32
          %shift_right_arithmetic3A_551 = vector.broadcast %shift_right_arithmetic3A_550 : i32 to vector<16xi32>
          %shift_right_arithmetic3A_552 = arith.shrsi %get3A_541, %shift_right_arithmetic3A_551 : vector<16xi32>
          %swap3A_553 = arith.index_cast %select_n3A_474 : i32 to index
          %swap3A_554 = arith.constant 16 : index
          %swap3A_555 = tpu.vector_load %arg7[%swap3A_553, %swap3A_554] {strides = array<i32>} : memref<8x64xi32, #tpu.memory_space<vmem>>, vector<1x16xi32>,
          %swap3A_556 = vector.shape_cast %swap3A_555 : vector<1x16xi32> to vector<16xi32>
          %swap3A_557 = vector.shape_cast %shift_right_arithmetic3A_552 : vector<16xi32> to vector<1x16xi32>
          tpu.vector_store %arg7[%swap3A_553, %swap3A_554], %swap3A_557 {strides = array<i32>} : memref<8x64xi32, #tpu.memory_space<vmem>>, vector<1x16xi32>,
          %add3A_558 = arith.constant 32 : i32
          %add3A_559 = arith.addi %mul3A_513, %add3A_558 : i32
          %get3A_560 = arith.index_cast %select_n3A_495 : i32 to index
          %get3A_561 = arith.index_cast %add3A_559 : i32 to index
          %get3A_562 = tpu.vector_load %arg5[%get3A_560, %get3A_561] {strides = array<i32>} : memref<40x128xi32, #tpu.memory_space<vmem>>, vector<1x16xi32>,
          %get3A_563 = vector.shape_cast %get3A_562 : vector<1x16xi32> to vector<16xi32>
          %and3A_564 = arith.constant 65535 : i32
          %and3A_565 = vector.broadcast %and3A_564 : i32 to vector<16xi32>
          %and3A_566 = arith.andi %get3A_563, %and3A_565 : vector<16xi32>
          %swap3A_567 = arith.index_cast %select_n3A_474 : i32 to index
          %swap3A_568 = arith.constant 32 : index
          %swap3A_569 = tpu.vector_load %arg6[%swap3A_567, %swap3A_568] {strides = array<i32>} : memref<8x64xi32, #tpu.memory_space<vmem>>, vector<1x16xi32>,
          %swap3A_570 = vector.shape_cast %swap3A_569 : vector<1x16xi32> to vector<16xi32>
          %swap3A_571 = vector.shape_cast %and3A_566 : vector<16xi32> to vector<1x16xi32>
          tpu.vector_store %arg6[%swap3A_567, %swap3A_568], %swap3A_571 {strides = array<i32>} : memref<8x64xi32, #tpu.memory_space<vmem>>, vector<1x16xi32>,
          %shift_right_arithmetic3A_572 = arith.constant 16 : i32
          %shift_right_arithmetic3A_573 = vector.broadcast %shift_right_arithmetic3A_572 : i32 to vector<16xi32>
          %shift_right_arithmetic3A_574 = arith.shrsi %get3A_563, %shift_right_arithmetic3A_573 : vector<16xi32>
          %swap3A_575 = arith.index_cast %select_n3A_474 : i32 to index
          %swap3A_576 = arith.constant 32 : index
          %swap3A_577 = tpu.vector_load %arg7[%swap3A_575, %swap3A_576] {strides = array<i32>} : memref<8x64xi32, #tpu.memory_space<vmem>>, vector<1x16xi32>,
          %swap3A_578 = vector.shape_cast %swap3A_577 : vector<1x16xi32> to vector<16xi32>
          %swap3A_579 = vector.shape_cast %shift_right_arithmetic3A_574 : vector<16xi32> to vector<1x16xi32>
          tpu.vector_store %arg7[%swap3A_575, %swap3A_576], %swap3A_579 {strides = array<i32>} : memref<8x64xi32, #tpu.memory_space<vmem>>, vector<1x16xi32>,
          %add3A_580 = arith.constant 48 : i32
          %add3A_581 = arith.addi %mul3A_513, %add3A_580 : i32
          %get3A_582 = arith.index_cast %select_n3A_495 : i32 to index
          %get3A_583 = arith.index_cast %add3A_581 : i32 to index
          %get3A_584 = tpu.vector_load %arg5[%get3A_582, %get3A_583] {strides = array<i32>} : memref<40x128xi32, #tpu.memory_space<vmem>>, vector<1x16xi32>,
          %get3A_585 = vector.shape_cast %get3A_584 : vector<1x16xi32> to vector<16xi32>
          %and3A_586 = arith.constant 65535 : i32
          %and3A_587 = vector.broadcast %and3A_586 : i32 to vector<16xi32>
          %and3A_588 = arith.andi %get3A_585, %and3A_587 : vector<16xi32>
          %swap3A_589 = arith.index_cast %select_n3A_474 : i32 to index
          %swap3A_590 = arith.constant 48 : index
          %swap3A_591 = tpu.vector_load %arg6[%swap3A_589, %swap3A_590] {strides = array<i32>} : memref<8x64xi32, #tpu.memory_space<vmem>>, vector<1x16xi32>,
          %swap3A_592 = vector.shape_cast %swap3A_591 : vector<1x16xi32> to vector<16xi32>
          %swap3A_593 = vector.shape_cast %and3A_588 : vector<16xi32> to vector<1x16xi32>
          tpu.vector_store %arg6[%swap3A_589, %swap3A_590], %swap3A_593 {strides = array<i32>} : memref<8x64xi32, #tpu.memory_space<vmem>>, vector<1x16xi32>,
          %shift_right_arithmetic3A_594 = arith.constant 16 : i32
          %shift_right_arithmetic3A_595 = vector.broadcast %shift_right_arithmetic3A_594 : i32 to vector<16xi32>
          %shift_right_arithmetic3A_596 = arith.shrsi %get3A_585, %shift_right_arithmetic3A_595 : vector<16xi32>
          %swap3A_597 = arith.index_cast %select_n3A_474 : i32 to index
          %swap3A_598 = arith.constant 48 : index
          %swap3A_599 = tpu.vector_load %arg7[%swap3A_597, %swap3A_598] {strides = array<i32>} : memref<8x64xi32, #tpu.memory_space<vmem>>, vector<1x16xi32>,
          %swap3A_600 = vector.shape_cast %swap3A_599 : vector<1x16xi32> to vector<16xi32>
          %swap3A_601 = vector.shape_cast %shift_right_arithmetic3A_596 : vector<16xi32> to vector<1x16xi32>
          tpu.vector_store %arg7[%swap3A_597, %swap3A_598], %swap3A_601 {strides = array<i32>} : memref<8x64xi32, #tpu.memory_space<vmem>>, vector<1x16xi32>,
          %add3A_602 = arith.constant 3 : i32
          %add3A_603 = arith.addi %add3A_376, %add3A_602 : i32
          %jit3A_604 = arith.constant 8 : i32
          %eq3A_605 = arith.constant 0 : i32
          %eq3A_606 = arith.cmpi eq, %jit3A_604, %eq3A_605 : i32
          %jit3A_607 = arith.constant 1 : i32
          %select_n3A_608 = arith.select %eq3A_606, %jit3A_607, %jit3A_604 : i32
          %rem3A_609 = arith.remsi %add3A_603, %select_n3A_608 : i32
          %ne3A_610 = arith.constant 0 : i32
          %ne3A_611 = arith.cmpi ne, %rem3A_609, %ne3A_610 : i32
          %lt3A_612 = arith.constant 0 : i32
          %lt3A_613 = arith.cmpi slt, %rem3A_609, %lt3A_612 : i32
          %lt3A_614 = arith.constant 0 : i32
          %lt3A_615 = arith.cmpi slt, %select_n3A_608, %lt3A_614 : i32
          %ne3A_616 = arith.xori %lt3A_613, %lt3A_615 : i1
          %and3A_617 = arith.andi %ne3A_616, %ne3A_611 : i1
          %add3A_618 = arith.addi %rem3A_609, %select_n3A_608 : i32
          %select_n3A_619 = arith.select %and3A_617, %add3A_618, %rem3A_609 : i32
          %dma_start3A_620 = arith.constant 0 : i32
          %dma_start3A_621 = arith.constant 0 : i32
          %dma_start3A_622 = arith.constant 0 : i32
          %dma_start3A_623 = tpu.memref_slice %arg8[%dma_start3A_620, %dma_start3A_621, %dma_start3A_622] : memref<4x64x128xf32, #tpu.memory_space<vmem>> -> memref<1x64x128xf32, #tpu.memory_space<vmem>>
          %dma_start3A_624 = tpu.memref_squeeze %dma_start3A_623 : memref<1x64x128xf32, #tpu.memory_space<vmem>> -> memref<64x128xf32, #tpu.memory_space<vmem>>
          %dma_start3A_625 = arith.constant 0 : i32
          %dma_start3A_626 = tpu.memref_slice %arg6[%select_n3A_619, %dma_start3A_625] : memref<8x64xi32, #tpu.memory_space<vmem>> -> memref<1x64xi32, #tpu.memory_space<vmem>>
          %dma_start3A_627 = tpu.memref_squeeze %dma_start3A_626 : memref<1x64xi32, #tpu.memory_space<vmem>> -> memref<64xi32, #tpu.memory_space<vmem>>
          %dma_start3A_628 = arith.constant 0 : i32
          %dma_start3A_629 = arith.constant 0 : i32
          %dma_start3A_630 = tpu.memref_slice %arg3[%dma_start3A_628, %dma_start3A_629] : memref<10240x128xf32, #tpu.memory_space<hbm>> -> memref<10240x128xf32, #tpu.memory_space<hbm>>
          tpu.enqueue_indirect_dma source(%dma_start3A_630 : memref<10240x128xf32, #tpu.memory_space<hbm>>) target(%dma_start3A_624 : memref<64x128xf32, #tpu.memory_space<vmem>>) offsets(%dma_start3A_627 : memref<64xi32, #tpu.memory_space<vmem>>) semaphore(%arg10 : memref<!tpu.dma_semaphore, #tpu.memory_space<semaphore_mem>>)
        } else {
        }
        %jit3A_430 = arith.constant 8 : i32
        %eq3A_431 = arith.constant 0 : i32
        %eq3A_432 = arith.cmpi eq, %jit3A_430, %eq3A_431 : i32
        %jit3A_433 = arith.constant 1 : i32
        %select_n3A_434 = arith.select %eq3A_432, %jit3A_433, %jit3A_430 : i32
        %rem3A_435 = arith.remsi %add3A_376, %select_n3A_434 : i32
        %ne3A_436 = arith.constant 0 : i32
        %ne3A_437 = arith.cmpi ne, %rem3A_435, %ne3A_436 : i32
        %lt3A_438 = arith.constant 0 : i32
        %lt3A_439 = arith.cmpi slt, %rem3A_435, %lt3A_438 : i32
        %lt3A_440 = arith.constant 0 : i32
        %lt3A_441 = arith.cmpi slt, %select_n3A_434, %lt3A_440 : i32
        %ne3A_442 = arith.xori %lt3A_439, %lt3A_441 : i1
        %and3A_443 = arith.andi %ne3A_442, %ne3A_437 : i1
        %add3A_444 = arith.addi %rem3A_435, %select_n3A_434 : i32
        %select_n3A_445 = arith.select %and3A_443, %add3A_444, %rem3A_435 : i32
        %dma_start3A_446 = arith.constant 1 : i32
        %dma_start3A_447 = arith.constant 0 : i32
        %dma_start3A_448 = arith.constant 0 : i32
        %dma_start3A_449 = tpu.memref_slice %arg8[%dma_start3A_446, %dma_start3A_447, %dma_start3A_448] : memref<4x64x128xf32, #tpu.memory_space<vmem>> -> memref<1x64x128xf32, #tpu.memory_space<vmem>>
        %dma_start3A_450 = tpu.memref_squeeze %dma_start3A_449 : memref<1x64x128xf32, #tpu.memory_space<vmem>> -> memref<64x128xf32, #tpu.memory_space<vmem>>
        %dma_start3A_451 = arith.constant 0 : i32
        %dma_start3A_452 = tpu.memref_slice %arg7[%select_n3A_445, %dma_start3A_451] : memref<8x64xi32, #tpu.memory_space<vmem>> -> memref<1x64xi32, #tpu.memory_space<vmem>>
        %dma_start3A_453 = tpu.memref_squeeze %dma_start3A_452 : memref<1x64xi32, #tpu.memory_space<vmem>> -> memref<64xi32, #tpu.memory_space<vmem>>
        %dma_start3A_454 = arith.constant 0 : i32
        %dma_start3A_455 = arith.constant 0 : i32
        %dma_start3A_456 = tpu.memref_slice %arg9[%dma_start3A_454, %dma_start3A_455] : memref<10240x128xf32, #tpu.memory_space<vmem_shared>> -> memref<10240x128xf32, #tpu.memory_space<vmem_shared>>
        tpu.enqueue_indirect_dma source(%dma_start3A_450 : memref<64x128xf32, #tpu.memory_space<vmem>>) target(%dma_start3A_456 : memref<10240x128xf32, #tpu.memory_space<vmem_shared>>) offsets(%dma_start3A_453 : memref<64xi32, #tpu.memory_space<vmem>>) semaphore(%arg15 : memref<!tpu.dma_semaphore, #tpu.memory_space<semaphore_mem>>) {add = true}
      } else {
      }
      %add3A_382 = arith.constant 2 : i32
      %add3A_383 = arith.addi %mul3A_370, %add3A_382 : i32
      %lt3A_384 = arith.constant 80 : i32
      %lt3A_385 = arith.cmpi slt, %add3A_383, %lt3A_384 : i32
      %convert_element_type3A_386 = arith.extui %lt3A_385 : i1 to i32
      %cond3A_387 = arith.constant 0 : i32
      %cond3A_388 = arith.cmpi ne, %convert_element_type3A_386, %cond3A_387 : i32
      scf.if %cond3A_388 {
        %jit3A = arith.constant 8 : i32
        %eq3A = arith.constant 0 : i32
        %eq3A_397 = arith.cmpi eq, %jit3A, %eq3A : i32
        %jit3A_398 = arith.constant 1 : i32
        %select_n3A = arith.select %eq3A_397, %jit3A_398, %jit3A : i32
        %rem3A = arith.remsi %add3A_383, %select_n3A : i32
        %ne3A = arith.constant 0 : i32
        %ne3A_399 = arith.cmpi ne, %rem3A, %ne3A : i32
        %lt3A_400 = arith.constant 0 : i32
        %lt3A_401 = arith.cmpi slt, %rem3A, %lt3A_400 : i32
        %lt3A_402 = arith.constant 0 : i32
        %lt3A_403 = arith.cmpi slt, %select_n3A, %lt3A_402 : i32
        %ne3A_404 = arith.xori %lt3A_401, %lt3A_403 : i1
        %and3A_405 = arith.andi %ne3A_404, %ne3A_399 : i1
        %add3A_406 = arith.addi %rem3A, %select_n3A : i32
        %select_n3A_407 = arith.select %and3A_405, %add3A_406, %rem3A : i32
        %dma_wait3A_408 = arith.constant 2 : i32
        %dma_wait3A_409 = arith.constant 0 : i32
        %dma_wait3A_410 = arith.constant 0 : i32
        %dma_wait3A_411 = tpu.memref_slice %arg8[%dma_wait3A_408, %dma_wait3A_409, %dma_wait3A_410] : memref<4x64x128xf32, #tpu.memory_space<vmem>> -> memref<1x64x128xf32, #tpu.memory_space<vmem>>
        %dma_wait3A_412 = tpu.memref_squeeze %dma_wait3A_411 : memref<1x64x128xf32, #tpu.memory_space<vmem>> -> memref<64x128xf32, #tpu.memory_space<vmem>>
        %dma_wait3A_413 = arith.constant 0 : i32
        %dma_wait3A_414 = tpu.memref_slice %arg6[%select_n3A_407, %dma_wait3A_413] : memref<8x64xi32, #tpu.memory_space<vmem>> -> memref<1x64xi32, #tpu.memory_space<vmem>>
        %dma_wait3A_415 = tpu.memref_squeeze %dma_wait3A_414 : memref<1x64xi32, #tpu.memory_space<vmem>> -> memref<64xi32, #tpu.memory_space<vmem>>
        %dma_wait3A_416 = arith.constant 0 : i32
        %dma_wait3A_417 = arith.constant 0 : i32
        %dma_wait3A_418 = tpu.memref_slice %arg3[%dma_wait3A_416, %dma_wait3A_417] : memref<10240x128xf32, #tpu.memory_space<hbm>> -> memref<10240x128xf32, #tpu.memory_space<hbm>>
        tpu.wait_indirect_dma semaphore(%arg12 : memref<!tpu.dma_semaphore, #tpu.memory_space<semaphore_mem>>) src(%dma_wait3A_418 : memref<10240x128xf32, #tpu.memory_space<hbm>>) dst(%dma_wait3A_412 : memref<64x128xf32, #tpu.memory_space<vmem>>)
        %ge3A = arith.constant 1 : i32
        %ge3A_419 = arith.cmpi sge, %add3A_383, %ge3A : i32
        %convert_element_type3A_420 = arith.extui %ge3A_419 : i1 to i32
        %cond3A_421 = arith.constant 0 : i32
        %cond3A_422 = arith.cmpi ne, %convert_element_type3A_420, %cond3A_421 : i32
        scf.if %cond3A_422 {
          %sub3A = arith.constant 1 : i32
          %sub3A_457 = arith.subi %add3A_383, %sub3A : i32
          %jit3A_458 = arith.constant 8 : i32
          %eq3A_459 = arith.constant 0 : i32
          %eq3A_460 = arith.cmpi eq, %jit3A_458, %eq3A_459 : i32
          %jit3A_461 = arith.constant 1 : i32
          %select_n3A_462 = arith.select %eq3A_460, %jit3A_461, %jit3A_458 : i32
          %rem3A_463 = arith.remsi %sub3A_457, %select_n3A_462 : i32
          %ne3A_464 = arith.constant 0 : i32
          %ne3A_465 = arith.cmpi ne, %rem3A_463, %ne3A_464 : i32
          %lt3A_466 = arith.constant 0 : i32
          %lt3A_467 = arith.cmpi slt, %rem3A_463, %lt3A_466 : i32
          %lt3A_468 = arith.constant 0 : i32
          %lt3A_469 = arith.cmpi slt, %select_n3A_462, %lt3A_468 : i32
          %ne3A_470 = arith.xori %lt3A_467, %lt3A_469 : i1
          %and3A_471 = arith.andi %ne3A_470, %ne3A_465 : i1
          %add3A_472 = arith.addi %rem3A_463, %select_n3A_462 : i32
          %select_n3A_473 = arith.select %and3A_471, %add3A_472, %rem3A_463 : i32
          %dma_wait3A_474 = arith.constant 1 : i32
          %dma_wait3A_475 = arith.constant 0 : i32
          %dma_wait3A_476 = arith.constant 0 : i32
          %dma_wait3A_477 = tpu.memref_slice %arg8[%dma_wait3A_474, %dma_wait3A_475, %dma_wait3A_476] : memref<4x64x128xf32, #tpu.memory_space<vmem>> -> memref<1x64x128xf32, #tpu.memory_space<vmem>>
          %dma_wait3A_478 = tpu.memref_squeeze %dma_wait3A_477 : memref<1x64x128xf32, #tpu.memory_space<vmem>> -> memref<64x128xf32, #tpu.memory_space<vmem>>
          %dma_wait3A_479 = arith.constant 0 : i32
          %dma_wait3A_480 = tpu.memref_slice %arg7[%select_n3A_473, %dma_wait3A_479] : memref<8x64xi32, #tpu.memory_space<vmem>> -> memref<1x64xi32, #tpu.memory_space<vmem>>
          %dma_wait3A_481 = tpu.memref_squeeze %dma_wait3A_480 : memref<1x64xi32, #tpu.memory_space<vmem>> -> memref<64xi32, #tpu.memory_space<vmem>>
          %dma_wait3A_482 = arith.constant 0 : i32
          %dma_wait3A_483 = arith.constant 0 : i32
          %dma_wait3A_484 = tpu.memref_slice %arg9[%dma_wait3A_482, %dma_wait3A_483] : memref<10240x128xf32, #tpu.memory_space<vmem_shared>> -> memref<10240x128xf32, #tpu.memory_space<vmem_shared>>
          tpu.wait_indirect_dma semaphore(%arg15 : memref<!tpu.dma_semaphore, #tpu.memory_space<semaphore_mem>>) src(%dma_wait3A_478 : memref<64x128xf32, #tpu.memory_space<vmem>>) dst(%dma_wait3A_484 : memref<10240x128xf32, #tpu.memory_space<vmem_shared>>)
        } else {
        }
        %add3A_423 = arith.constant 3 : i32
        %add3A_424 = arith.addi %add3A_383, %add3A_423 : i32
        %lt3A_425 = arith.constant 80 : i32
        %lt3A_426 = arith.cmpi slt, %add3A_424, %lt3A_425 : i32
        %convert_element_type3A_427 = arith.extui %lt3A_426 : i1 to i32
        %cond3A_428 = arith.constant 0 : i32
        %cond3A_429 = arith.cmpi ne, %convert_element_type3A_427, %cond3A_428 : i32
        scf.if %cond3A_429 {
          %add3A_457 = arith.constant 3 : i32
          %add3A_458 = arith.addi %add3A_383, %add3A_457 : i32
          %jit3A_459 = arith.constant 8 : i32
          %eq3A_460 = arith.constant 0 : i32
          %eq3A_461 = arith.cmpi eq, %jit3A_459, %eq3A_460 : i32
          %jit3A_462 = arith.constant 1 : i32
          %select_n3A_463 = arith.select %eq3A_461, %jit3A_462, %jit3A_459 : i32
          %rem3A_464 = arith.remsi %add3A_458, %select_n3A_463 : i32
          %ne3A_465 = arith.constant 0 : i32
          %ne3A_466 = arith.cmpi ne, %rem3A_464, %ne3A_465 : i32
          %lt3A_467 = arith.constant 0 : i32
          %lt3A_468 = arith.cmpi slt, %rem3A_464, %lt3A_467 : i32
          %lt3A_469 = arith.constant 0 : i32
          %lt3A_470 = arith.cmpi slt, %select_n3A_463, %lt3A_469 : i32
          %ne3A_471 = arith.xori %lt3A_468, %lt3A_470 : i1
          %and3A_472 = arith.andi %ne3A_471, %ne3A_466 : i1
          %add3A_473 = arith.addi %rem3A_464, %select_n3A_463 : i32
          %select_n3A_474 = arith.select %and3A_472, %add3A_473, %rem3A_464 : i32
          %jit3A_475 = arith.constant 2 : i32
          %div3A = arith.divsi %add3A_458, %jit3A_475 : i32
          %sign3A = arith.constant 0 : i32
          %sign3A_476 = arith.cmpi sgt, %add3A_458, %sign3A : i32
          %sign3A_477 = arith.extui %sign3A_476 : i1 to i32
          %sign3A_478 = arith.constant 0 : i32
          %sign3A_479 = arith.cmpi slt, %add3A_458, %sign3A_478 : i32
          %sign3A_480 = arith.extui %sign3A_479 : i1 to i32
          %sign3A_481 = arith.subi %sign3A_477, %sign3A_480 : i32
          %sign3A_482 = arith.constant 0 : i32
          %sign3A_483 = arith.cmpi sgt, %jit3A_475, %sign3A_482 : i32
          %sign3A_484 = arith.extui %sign3A_483 : i1 to i32
          %sign3A_485 = arith.constant 0 : i32
          %sign3A_486 = arith.cmpi slt, %jit3A_475, %sign3A_485 : i32
          %sign3A_487 = arith.extui %sign3A_486 : i1 to i32
          %sign3A_488 = arith.subi %sign3A_484, %sign3A_487 : i32
          %ne3A_489 = arith.cmpi ne, %sign3A_481, %sign3A_488 : i32
          %rem3A_490 = arith.remsi %add3A_458, %jit3A_475 : i32
          %ne3A_491 = arith.constant 0 : i32
          %ne3A_492 = arith.cmpi ne, %rem3A_490, %ne3A_491 : i32
          %and3A_493 = arith.andi %ne3A_489, %ne3A_492 : i1
          %sub3A = arith.constant 1 : i32
          %sub3A_494 = arith.subi %div3A, %sub3A : i32
          %select_n3A_495 = arith.select %and3A_493, %sub3A_494, %div3A : i32
          %jit3A_496 = arith.constant 2 : i32
          %eq3A_497 = arith.constant 0 : i32
          %eq3A_498 = arith.cmpi eq, %jit3A_496, %eq3A_497 : i32
          %jit3A_499 = arith.constant 1 : i32
          %select_n3A_500 = arith.select %eq3A_498, %jit3A_499, %jit3A_496 : i32
          %rem3A_501 = arith.remsi %add3A_458, %select_n3A_500 : i32
          %ne3A_502 = arith.constant 0 : i32
          %ne3A_503 = arith.cmpi ne, %rem3A_501, %ne3A_502 : i32
          %lt3A_504 = arith.constant 0 : i32
          %lt3A_505 = arith.cmpi slt, %rem3A_501, %lt3A_504 : i32
          %lt3A_506 = arith.constant 0 : i32
          %lt3A_507 = arith.cmpi slt, %select_n3A_500, %lt3A_506 : i32
          %ne3A_508 = arith.xori %lt3A_505, %lt3A_507 : i1
          %and3A_509 = arith.andi %ne3A_508, %ne3A_503 : i1
          %add3A_510 = arith.addi %rem3A_501, %select_n3A_500 : i32
          %select_n3A_511 = arith.select %and3A_509, %add3A_510, %rem3A_501 : i32
          %mul3A_512 = arith.constant 64 : i32
          %mul3A_513 = arith.muli %select_n3A_511, %mul3A_512 : i32
          %add3A_514 = arith.constant 0 : i32
          %add3A_515 = arith.addi %mul3A_513, %add3A_514 : i32
          %get3A_516 = arith.index_cast %select_n3A_495 : i32 to index
          %get3A_517 = arith.index_cast %add3A_515 : i32 to index
          %get3A_518 = tpu.vector_load %arg5[%get3A_516, %get3A_517] {strides = array<i32>} : memref<40x128xi32, #tpu.memory_space<vmem>>, vector<1x16xi32>,
          %get3A_519 = vector.shape_cast %get3A_518 : vector<1x16xi32> to vector<16xi32>
          %and3A_520 = arith.constant 65535 : i32
          %and3A_521 = vector.broadcast %and3A_520 : i32 to vector<16xi32>
          %and3A_522 = arith.andi %get3A_519, %and3A_521 : vector<16xi32>
          %swap3A_523 = arith.index_cast %select_n3A_474 : i32 to index
          %swap3A_524 = arith.constant 0 : index
          %swap3A_525 = tpu.vector_load %arg6[%swap3A_523, %swap3A_524] {strides = array<i32>} : memref<8x64xi32, #tpu.memory_space<vmem>>, vector<1x16xi32>,
          %swap3A_526 = vector.shape_cast %swap3A_525 : vector<1x16xi32> to vector<16xi32>
          %swap3A_527 = vector.shape_cast %and3A_522 : vector<16xi32> to vector<1x16xi32>
          tpu.vector_store %arg6[%swap3A_523, %swap3A_524], %swap3A_527 {strides = array<i32>} : memref<8x64xi32, #tpu.memory_space<vmem>>, vector<1x16xi32>,
          %shift_right_arithmetic3A_528 = arith.constant 16 : i32
          %shift_right_arithmetic3A_529 = vector.broadcast %shift_right_arithmetic3A_528 : i32 to vector<16xi32>
          %shift_right_arithmetic3A_530 = arith.shrsi %get3A_519, %shift_right_arithmetic3A_529 : vector<16xi32>
          %swap3A_531 = arith.index_cast %select_n3A_474 : i32 to index
          %swap3A_532 = arith.constant 0 : index
          %swap3A_533 = tpu.vector_load %arg7[%swap3A_531, %swap3A_532] {strides = array<i32>} : memref<8x64xi32, #tpu.memory_space<vmem>>, vector<1x16xi32>,
          %swap3A_534 = vector.shape_cast %swap3A_533 : vector<1x16xi32> to vector<16xi32>
          %swap3A_535 = vector.shape_cast %shift_right_arithmetic3A_530 : vector<16xi32> to vector<1x16xi32>
          tpu.vector_store %arg7[%swap3A_531, %swap3A_532], %swap3A_535 {strides = array<i32>} : memref<8x64xi32, #tpu.memory_space<vmem>>, vector<1x16xi32>,
          %add3A_536 = arith.constant 16 : i32
          %add3A_537 = arith.addi %mul3A_513, %add3A_536 : i32
          %get3A_538 = arith.index_cast %select_n3A_495 : i32 to index
          %get3A_539 = arith.index_cast %add3A_537 : i32 to index
          %get3A_540 = tpu.vector_load %arg5[%get3A_538, %get3A_539] {strides = array<i32>} : memref<40x128xi32, #tpu.memory_space<vmem>>, vector<1x16xi32>,
          %get3A_541 = vector.shape_cast %get3A_540 : vector<1x16xi32> to vector<16xi32>
          %and3A_542 = arith.constant 65535 : i32
          %and3A_543 = vector.broadcast %and3A_542 : i32 to vector<16xi32>
          %and3A_544 = arith.andi %get3A_541, %and3A_543 : vector<16xi32>
          %swap3A_545 = arith.index_cast %select_n3A_474 : i32 to index
          %swap3A_546 = arith.constant 16 : index
          %swap3A_547 = tpu.vector_load %arg6[%swap3A_545, %swap3A_546] {strides = array<i32>} : memref<8x64xi32, #tpu.memory_space<vmem>>, vector<1x16xi32>,
          %swap3A_548 = vector.shape_cast %swap3A_547 : vector<1x16xi32> to vector<16xi32>
          %swap3A_549 = vector.shape_cast %and3A_544 : vector<16xi32> to vector<1x16xi32>
          tpu.vector_store %arg6[%swap3A_545, %swap3A_546], %swap3A_549 {strides = array<i32>} : memref<8x64xi32, #tpu.memory_space<vmem>>, vector<1x16xi32>,
          %shift_right_arithmetic3A_550 = arith.constant 16 : i32
          %shift_right_arithmetic3A_551 = vector.broadcast %shift_right_arithmetic3A_550 : i32 to vector<16xi32>
          %shift_right_arithmetic3A_552 = arith.shrsi %get3A_541, %shift_right_arithmetic3A_551 : vector<16xi32>
          %swap3A_553 = arith.index_cast %select_n3A_474 : i32 to index
          %swap3A_554 = arith.constant 16 : index
          %swap3A_555 = tpu.vector_load %arg7[%swap3A_553, %swap3A_554] {strides = array<i32>} : memref<8x64xi32, #tpu.memory_space<vmem>>, vector<1x16xi32>,
          %swap3A_556 = vector.shape_cast %swap3A_555 : vector<1x16xi32> to vector<16xi32>
          %swap3A_557 = vector.shape_cast %shift_right_arithmetic3A_552 : vector<16xi32> to vector<1x16xi32>
          tpu.vector_store %arg7[%swap3A_553, %swap3A_554], %swap3A_557 {strides = array<i32>} : memref<8x64xi32, #tpu.memory_space<vmem>>, vector<1x16xi32>,
          %add3A_558 = arith.constant 32 : i32
          %add3A_559 = arith.addi %mul3A_513, %add3A_558 : i32
          %get3A_560 = arith.index_cast %select_n3A_495 : i32 to index
          %get3A_561 = arith.index_cast %add3A_559 : i32 to index
          %get3A_562 = tpu.vector_load %arg5[%get3A_560, %get3A_561] {strides = array<i32>} : memref<40x128xi32, #tpu.memory_space<vmem>>, vector<1x16xi32>,
          %get3A_563 = vector.shape_cast %get3A_562 : vector<1x16xi32> to vector<16xi32>
          %and3A_564 = arith.constant 65535 : i32
          %and3A_565 = vector.broadcast %and3A_564 : i32 to vector<16xi32>
          %and3A_566 = arith.andi %get3A_563, %and3A_565 : vector<16xi32>
          %swap3A_567 = arith.index_cast %select_n3A_474 : i32 to index
          %swap3A_568 = arith.constant 32 : index
          %swap3A_569 = tpu.vector_load %arg6[%swap3A_567, %swap3A_568] {strides = array<i32>} : memref<8x64xi32, #tpu.memory_space<vmem>>, vector<1x16xi32>,
          %swap3A_570 = vector.shape_cast %swap3A_569 : vector<1x16xi32> to vector<16xi32>
          %swap3A_571 = vector.shape_cast %and3A_566 : vector<16xi32> to vector<1x16xi32>
          tpu.vector_store %arg6[%swap3A_567, %swap3A_568], %swap3A_571 {strides = array<i32>} : memref<8x64xi32, #tpu.memory_space<vmem>>, vector<1x16xi32>,
          %shift_right_arithmetic3A_572 = arith.constant 16 : i32
          %shift_right_arithmetic3A_573 = vector.broadcast %shift_right_arithmetic3A_572 : i32 to vector<16xi32>
          %shift_right_arithmetic3A_574 = arith.shrsi %get3A_563, %shift_right_arithmetic3A_573 : vector<16xi32>
          %swap3A_575 = arith.index_cast %select_n3A_474 : i32 to index
          %swap3A_576 = arith.constant 32 : index
          %swap3A_577 = tpu.vector_load %arg7[%swap3A_575, %swap3A_576] {strides = array<i32>} : memref<8x64xi32, #tpu.memory_space<vmem>>, vector<1x16xi32>,
          %swap3A_578 = vector.shape_cast %swap3A_577 : vector<1x16xi32> to vector<16xi32>
          %swap3A_579 = vector.shape_cast %shift_right_arithmetic3A_574 : vector<16xi32> to vector<1x16xi32>
          tpu.vector_store %arg7[%swap3A_575, %swap3A_576], %swap3A_579 {strides = array<i32>} : memref<8x64xi32, #tpu.memory_space<vmem>>, vector<1x16xi32>,
          %add3A_580 = arith.constant 48 : i32
          %add3A_581 = arith.addi %mul3A_513, %add3A_580 : i32
          %get3A_582 = arith.index_cast %select_n3A_495 : i32 to index
          %get3A_583 = arith.index_cast %add3A_581 : i32 to index
          %get3A_584 = tpu.vector_load %arg5[%get3A_582, %get3A_583] {strides = array<i32>} : memref<40x128xi32, #tpu.memory_space<vmem>>, vector<1x16xi32>,
          %get3A_585 = vector.shape_cast %get3A_584 : vector<1x16xi32> to vector<16xi32>
          %and3A_586 = arith.constant 65535 : i32
          %and3A_587 = vector.broadcast %and3A_586 : i32 to vector<16xi32>
          %and3A_588 = arith.andi %get3A_585, %and3A_587 : vector<16xi32>
          %swap3A_589 = arith.index_cast %select_n3A_474 : i32 to index
          %swap3A_590 = arith.constant 48 : index
          %swap3A_591 = tpu.vector_load %arg6[%swap3A_589, %swap3A_590] {strides = array<i32>} : memref<8x64xi32, #tpu.memory_space<vmem>>, vector<1x16xi32>,
          %swap3A_592 = vector.shape_cast %swap3A_591 : vector<1x16xi32> to vector<16xi32>
          %swap3A_593 = vector.shape_cast %and3A_588 : vector<16xi32> to vector<1x16xi32>
          tpu.vector_store %arg6[%swap3A_589, %swap3A_590], %swap3A_593 {strides = array<i32>} : memref<8x64xi32, #tpu.memory_space<vmem>>, vector<1x16xi32>,
          %shift_right_arithmetic3A_594 = arith.constant 16 : i32
          %shift_right_arithmetic3A_595 = vector.broadcast %shift_right_arithmetic3A_594 : i32 to vector<16xi32>
          %shift_right_arithmetic3A_596 = arith.shrsi %get3A_585, %shift_right_arithmetic3A_595 : vector<16xi32>
          %swap3A_597 = arith.index_cast %select_n3A_474 : i32 to index
          %swap3A_598 = arith.constant 48 : index
          %swap3A_599 = tpu.vector_load %arg7[%swap3A_597, %swap3A_598] {strides = array<i32>} : memref<8x64xi32, #tpu.memory_space<vmem>>, vector<1x16xi32>,
          %swap3A_600 = vector.shape_cast %swap3A_599 : vector<1x16xi32> to vector<16xi32>
          %swap3A_601 = vector.shape_cast %shift_right_arithmetic3A_596 : vector<16xi32> to vector<1x16xi32>
          tpu.vector_store %arg7[%swap3A_597, %swap3A_598], %swap3A_601 {strides = array<i32>} : memref<8x64xi32, #tpu.memory_space<vmem>>, vector<1x16xi32>,
          %add3A_602 = arith.constant 3 : i32
          %add3A_603 = arith.addi %add3A_383, %add3A_602 : i32
          %jit3A_604 = arith.constant 8 : i32
          %eq3A_605 = arith.constant 0 : i32
          %eq3A_606 = arith.cmpi eq, %jit3A_604, %eq3A_605 : i32
          %jit3A_607 = arith.constant 1 : i32
          %select_n3A_608 = arith.select %eq3A_606, %jit3A_607, %jit3A_604 : i32
          %rem3A_609 = arith.remsi %add3A_603, %select_n3A_608 : i32
          %ne3A_610 = arith.constant 0 : i32
          %ne3A_611 = arith.cmpi ne, %rem3A_609, %ne3A_610 : i32
          %lt3A_612 = arith.constant 0 : i32
          %lt3A_613 = arith.cmpi slt, %rem3A_609, %lt3A_612 : i32
          %lt3A_614 = arith.constant 0 : i32
          %lt3A_615 = arith.cmpi slt, %select_n3A_608, %lt3A_614 : i32
          %ne3A_616 = arith.xori %lt3A_613, %lt3A_615 : i1
          %and3A_617 = arith.andi %ne3A_616, %ne3A_611 : i1
          %add3A_618 = arith.addi %rem3A_609, %select_n3A_608 : i32
          %select_n3A_619 = arith.select %and3A_617, %add3A_618, %rem3A_609 : i32
          %dma_start3A_620 = arith.constant 1 : i32
          %dma_start3A_621 = arith.constant 0 : i32
          %dma_start3A_622 = arith.constant 0 : i32
          %dma_start3A_623 = tpu.memref_slice %arg8[%dma_start3A_620, %dma_start3A_621, %dma_start3A_622] : memref<4x64x128xf32, #tpu.memory_space<vmem>> -> memref<1x64x128xf32, #tpu.memory_space<vmem>>
          %dma_start3A_624 = tpu.memref_squeeze %dma_start3A_623 : memref<1x64x128xf32, #tpu.memory_space<vmem>> -> memref<64x128xf32, #tpu.memory_space<vmem>>
          %dma_start3A_625 = arith.constant 0 : i32
          %dma_start3A_626 = tpu.memref_slice %arg6[%select_n3A_619, %dma_start3A_625] : memref<8x64xi32, #tpu.memory_space<vmem>> -> memref<1x64xi32, #tpu.memory_space<vmem>>
          %dma_start3A_627 = tpu.memref_squeeze %dma_start3A_626 : memref<1x64xi32, #tpu.memory_space<vmem>> -> memref<64xi32, #tpu.memory_space<vmem>>
          %dma_start3A_628 = arith.constant 0 : i32
          %dma_start3A_629 = arith.constant 0 : i32
          %dma_start3A_630 = tpu.memref_slice %arg3[%dma_start3A_628, %dma_start3A_629] : memref<10240x128xf32, #tpu.memory_space<hbm>> -> memref<10240x128xf32, #tpu.memory_space<hbm>>
          tpu.enqueue_indirect_dma source(%dma_start3A_630 : memref<10240x128xf32, #tpu.memory_space<hbm>>) target(%dma_start3A_624 : memref<64x128xf32, #tpu.memory_space<vmem>>) offsets(%dma_start3A_627 : memref<64xi32, #tpu.memory_space<vmem>>) semaphore(%arg11 : memref<!tpu.dma_semaphore, #tpu.memory_space<semaphore_mem>>)
        } else {
        }
        %jit3A_430 = arith.constant 8 : i32
        %eq3A_431 = arith.constant 0 : i32
        %eq3A_432 = arith.cmpi eq, %jit3A_430, %eq3A_431 : i32
        %jit3A_433 = arith.constant 1 : i32
        %select_n3A_434 = arith.select %eq3A_432, %jit3A_433, %jit3A_430 : i32
        %rem3A_435 = arith.remsi %add3A_383, %select_n3A_434 : i32
        %ne3A_436 = arith.constant 0 : i32
        %ne3A_437 = arith.cmpi ne, %rem3A_435, %ne3A_436 : i32
        %lt3A_438 = arith.constant 0 : i32
        %lt3A_439 = arith.cmpi slt, %rem3A_435, %lt3A_438 : i32
        %lt3A_440 = arith.constant 0 : i32
        %lt3A_441 = arith.cmpi slt, %select_n3A_434, %lt3A_440 : i32
        %ne3A_442 = arith.xori %lt3A_439, %lt3A_441 : i1
        %and3A_443 = arith.andi %ne3A_442, %ne3A_437 : i1
        %add3A_444 = arith.addi %rem3A_435, %select_n3A_434 : i32
        %select_n3A_445 = arith.select %and3A_443, %add3A_444, %rem3A_435 : i32
        %dma_start3A_446 = arith.constant 2 : i32
        %dma_start3A_447 = arith.constant 0 : i32
        %dma_start3A_448 = arith.constant 0 : i32
        %dma_start3A_449 = tpu.memref_slice %arg8[%dma_start3A_446, %dma_start3A_447, %dma_start3A_448] : memref<4x64x128xf32, #tpu.memory_space<vmem>> -> memref<1x64x128xf32, #tpu.memory_space<vmem>>
        %dma_start3A_450 = tpu.memref_squeeze %dma_start3A_449 : memref<1x64x128xf32, #tpu.memory_space<vmem>> -> memref<64x128xf32, #tpu.memory_space<vmem>>
        %dma_start3A_451 = arith.constant 0 : i32
        %dma_start3A_452 = tpu.memref_slice %arg7[%select_n3A_445, %dma_start3A_451] : memref<8x64xi32, #tpu.memory_space<vmem>> -> memref<1x64xi32, #tpu.memory_space<vmem>>
        %dma_start3A_453 = tpu.memref_squeeze %dma_start3A_452 : memref<1x64xi32, #tpu.memory_space<vmem>> -> memref<64xi32, #tpu.memory_space<vmem>>
        %dma_start3A_454 = arith.constant 0 : i32
        %dma_start3A_455 = arith.constant 0 : i32
        %dma_start3A_456 = tpu.memref_slice %arg9[%dma_start3A_454, %dma_start3A_455] : memref<10240x128xf32, #tpu.memory_space<vmem_shared>> -> memref<10240x128xf32, #tpu.memory_space<vmem_shared>>
        tpu.enqueue_indirect_dma source(%dma_start3A_450 : memref<64x128xf32, #tpu.memory_space<vmem>>) target(%dma_start3A_456 : memref<10240x128xf32, #tpu.memory_space<vmem_shared>>) offsets(%dma_start3A_453 : memref<64xi32, #tpu.memory_space<vmem>>) semaphore(%arg16 : memref<!tpu.dma_semaphore, #tpu.memory_space<semaphore_mem>>) {add = true}
      } else {
      }
      %add3A_389 = arith.constant 3 : i32
      %add3A_390 = arith.addi %mul3A_370, %add3A_389 : i32
      %lt3A_391 = arith.constant 80 : i32
      %lt3A_392 = arith.cmpi slt, %add3A_390, %lt3A_391 : i32
      %convert_element_type3A_393 = arith.extui %lt3A_392 : i1 to i32
      %cond3A_394 = arith.constant 0 : i32
      %cond3A_395 = arith.cmpi ne, %convert_element_type3A_393, %cond3A_394 : i32
      scf.if %cond3A_395 {
        %jit3A = arith.constant 8 : i32
        %eq3A = arith.constant 0 : i32
        %eq3A_397 = arith.cmpi eq, %jit3A, %eq3A : i32
        %jit3A_398 = arith.constant 1 : i32
        %select_n3A = arith.select %eq3A_397, %jit3A_398, %jit3A : i32
        %rem3A = arith.remsi %add3A_390, %select_n3A : i32
        %ne3A = arith.constant 0 : i32
        %ne3A_399 = arith.cmpi ne, %rem3A, %ne3A : i32
        %lt3A_400 = arith.constant 0 : i32
        %lt3A_401 = arith.cmpi slt, %rem3A, %lt3A_400 : i32
        %lt3A_402 = arith.constant 0 : i32
        %lt3A_403 = arith.cmpi slt, %select_n3A, %lt3A_402 : i32
        %ne3A_404 = arith.xori %lt3A_401, %lt3A_403 : i1
        %and3A_405 = arith.andi %ne3A_404, %ne3A_399 : i1
        %add3A_406 = arith.addi %rem3A, %select_n3A : i32
        %select_n3A_407 = arith.select %and3A_405, %add3A_406, %rem3A : i32
        %dma_wait3A_408 = arith.constant 3 : i32
        %dma_wait3A_409 = arith.constant 0 : i32
        %dma_wait3A_410 = arith.constant 0 : i32
        %dma_wait3A_411 = tpu.memref_slice %arg8[%dma_wait3A_408, %dma_wait3A_409, %dma_wait3A_410] : memref<4x64x128xf32, #tpu.memory_space<vmem>> -> memref<1x64x128xf32, #tpu.memory_space<vmem>>
        %dma_wait3A_412 = tpu.memref_squeeze %dma_wait3A_411 : memref<1x64x128xf32, #tpu.memory_space<vmem>> -> memref<64x128xf32, #tpu.memory_space<vmem>>
        %dma_wait3A_413 = arith.constant 0 : i32
        %dma_wait3A_414 = tpu.memref_slice %arg6[%select_n3A_407, %dma_wait3A_413] : memref<8x64xi32, #tpu.memory_space<vmem>> -> memref<1x64xi32, #tpu.memory_space<vmem>>
        %dma_wait3A_415 = tpu.memref_squeeze %dma_wait3A_414 : memref<1x64xi32, #tpu.memory_space<vmem>> -> memref<64xi32, #tpu.memory_space<vmem>>
        %dma_wait3A_416 = arith.constant 0 : i32
        %dma_wait3A_417 = arith.constant 0 : i32
        %dma_wait3A_418 = tpu.memref_slice %arg3[%dma_wait3A_416, %dma_wait3A_417] : memref<10240x128xf32, #tpu.memory_space<hbm>> -> memref<10240x128xf32, #tpu.memory_space<hbm>>
        tpu.wait_indirect_dma semaphore(%arg13 : memref<!tpu.dma_semaphore, #tpu.memory_space<semaphore_mem>>) src(%dma_wait3A_418 : memref<10240x128xf32, #tpu.memory_space<hbm>>) dst(%dma_wait3A_412 : memref<64x128xf32, #tpu.memory_space<vmem>>)
        %ge3A = arith.constant 1 : i32
        %ge3A_419 = arith.cmpi sge, %add3A_390, %ge3A : i32
        %convert_element_type3A_420 = arith.extui %ge3A_419 : i1 to i32
        %cond3A_421 = arith.constant 0 : i32
        %cond3A_422 = arith.cmpi ne, %convert_element_type3A_420, %cond3A_421 : i32
        scf.if %cond3A_422 {
          %sub3A = arith.constant 1 : i32
          %sub3A_457 = arith.subi %add3A_390, %sub3A : i32
          %jit3A_458 = arith.constant 8 : i32
          %eq3A_459 = arith.constant 0 : i32
          %eq3A_460 = arith.cmpi eq, %jit3A_458, %eq3A_459 : i32
          %jit3A_461 = arith.constant 1 : i32
          %select_n3A_462 = arith.select %eq3A_460, %jit3A_461, %jit3A_458 : i32
          %rem3A_463 = arith.remsi %sub3A_457, %select_n3A_462 : i32
          %ne3A_464 = arith.constant 0 : i32
          %ne3A_465 = arith.cmpi ne, %rem3A_463, %ne3A_464 : i32
          %lt3A_466 = arith.constant 0 : i32
          %lt3A_467 = arith.cmpi slt, %rem3A_463, %lt3A_466 : i32
          %lt3A_468 = arith.constant 0 : i32
          %lt3A_469 = arith.cmpi slt, %select_n3A_462, %lt3A_468 : i32
          %ne3A_470 = arith.xori %lt3A_467, %lt3A_469 : i1
          %and3A_471 = arith.andi %ne3A_470, %ne3A_465 : i1
          %add3A_472 = arith.addi %rem3A_463, %select_n3A_462 : i32
          %select_n3A_473 = arith.select %and3A_471, %add3A_472, %rem3A_463 : i32
          %dma_wait3A_474 = arith.constant 2 : i32
          %dma_wait3A_475 = arith.constant 0 : i32
          %dma_wait3A_476 = arith.constant 0 : i32
          %dma_wait3A_477 = tpu.memref_slice %arg8[%dma_wait3A_474, %dma_wait3A_475, %dma_wait3A_476] : memref<4x64x128xf32, #tpu.memory_space<vmem>> -> memref<1x64x128xf32, #tpu.memory_space<vmem>>
          %dma_wait3A_478 = tpu.memref_squeeze %dma_wait3A_477 : memref<1x64x128xf32, #tpu.memory_space<vmem>> -> memref<64x128xf32, #tpu.memory_space<vmem>>
          %dma_wait3A_479 = arith.constant 0 : i32
          %dma_wait3A_480 = tpu.memref_slice %arg7[%select_n3A_473, %dma_wait3A_479] : memref<8x64xi32, #tpu.memory_space<vmem>> -> memref<1x64xi32, #tpu.memory_space<vmem>>
          %dma_wait3A_481 = tpu.memref_squeeze %dma_wait3A_480 : memref<1x64xi32, #tpu.memory_space<vmem>> -> memref<64xi32, #tpu.memory_space<vmem>>
          %dma_wait3A_482 = arith.constant 0 : i32
          %dma_wait3A_483 = arith.constant 0 : i32
          %dma_wait3A_484 = tpu.memref_slice %arg9[%dma_wait3A_482, %dma_wait3A_483] : memref<10240x128xf32, #tpu.memory_space<vmem_shared>> -> memref<10240x128xf32, #tpu.memory_space<vmem_shared>>
          tpu.wait_indirect_dma semaphore(%arg16 : memref<!tpu.dma_semaphore, #tpu.memory_space<semaphore_mem>>) src(%dma_wait3A_478 : memref<64x128xf32, #tpu.memory_space<vmem>>) dst(%dma_wait3A_484 : memref<10240x128xf32, #tpu.memory_space<vmem_shared>>)
        } else {
        }
        %add3A_423 = arith.constant 3 : i32
        %add3A_424 = arith.addi %add3A_390, %add3A_423 : i32
        %lt3A_425 = arith.constant 80 : i32
        %lt3A_426 = arith.cmpi slt, %add3A_424, %lt3A_425 : i32
        %convert_element_type3A_427 = arith.extui %lt3A_426 : i1 to i32
        %cond3A_428 = arith.constant 0 : i32
        %cond3A_429 = arith.cmpi ne, %convert_element_type3A_427, %cond3A_428 : i32
        scf.if %cond3A_429 {
          %add3A_457 = arith.constant 3 : i32
          %add3A_458 = arith.addi %add3A_390, %add3A_457 : i32
          %jit3A_459 = arith.constant 8 : i32
          %eq3A_460 = arith.constant 0 : i32
          %eq3A_461 = arith.cmpi eq, %jit3A_459, %eq3A_460 : i32
          %jit3A_462 = arith.constant 1 : i32
          %select_n3A_463 = arith.select %eq3A_461, %jit3A_462, %jit3A_459 : i32
          %rem3A_464 = arith.remsi %add3A_458, %select_n3A_463 : i32
          %ne3A_465 = arith.constant 0 : i32
          %ne3A_466 = arith.cmpi ne, %rem3A_464, %ne3A_465 : i32
          %lt3A_467 = arith.constant 0 : i32
          %lt3A_468 = arith.cmpi slt, %rem3A_464, %lt3A_467 : i32
          %lt3A_469 = arith.constant 0 : i32
          %lt3A_470 = arith.cmpi slt, %select_n3A_463, %lt3A_469 : i32
          %ne3A_471 = arith.xori %lt3A_468, %lt3A_470 : i1
          %and3A_472 = arith.andi %ne3A_471, %ne3A_466 : i1
          %add3A_473 = arith.addi %rem3A_464, %select_n3A_463 : i32
          %select_n3A_474 = arith.select %and3A_472, %add3A_473, %rem3A_464 : i32
          %jit3A_475 = arith.constant 2 : i32
          %div3A = arith.divsi %add3A_458, %jit3A_475 : i32
          %sign3A = arith.constant 0 : i32
          %sign3A_476 = arith.cmpi sgt, %add3A_458, %sign3A : i32
          %sign3A_477 = arith.extui %sign3A_476 : i1 to i32
          %sign3A_478 = arith.constant 0 : i32
          %sign3A_479 = arith.cmpi slt, %add3A_458, %sign3A_478 : i32
          %sign3A_480 = arith.extui %sign3A_479 : i1 to i32
          %sign3A_481 = arith.subi %sign3A_477, %sign3A_480 : i32
          %sign3A_482 = arith.constant 0 : i32
          %sign3A_483 = arith.cmpi sgt, %jit3A_475, %sign3A_482 : i32
          %sign3A_484 = arith.extui %sign3A_483 : i1 to i32
          %sign3A_485 = arith.constant 0 : i32
          %sign3A_486 = arith.cmpi slt, %jit3A_475, %sign3A_485 : i32
          %sign3A_487 = arith.extui %sign3A_486 : i1 to i32
          %sign3A_488 = arith.subi %sign3A_484, %sign3A_487 : i32
          %ne3A_489 = arith.cmpi ne, %sign3A_481, %sign3A_488 : i32
          %rem3A_490 = arith.remsi %add3A_458, %jit3A_475 : i32
          %ne3A_491 = arith.constant 0 : i32
          %ne3A_492 = arith.cmpi ne, %rem3A_490, %ne3A_491 : i32
          %and3A_493 = arith.andi %ne3A_489, %ne3A_492 : i1
          %sub3A = arith.constant 1 : i32
          %sub3A_494 = arith.subi %div3A, %sub3A : i32
          %select_n3A_495 = arith.select %and3A_493, %sub3A_494, %div3A : i32
          %jit3A_496 = arith.constant 2 : i32
          %eq3A_497 = arith.constant 0 : i32
          %eq3A_498 = arith.cmpi eq, %jit3A_496, %eq3A_497 : i32
          %jit3A_499 = arith.constant 1 : i32
          %select_n3A_500 = arith.select %eq3A_498, %jit3A_499, %jit3A_496 : i32
          %rem3A_501 = arith.remsi %add3A_458, %select_n3A_500 : i32
          %ne3A_502 = arith.constant 0 : i32
          %ne3A_503 = arith.cmpi ne, %rem3A_501, %ne3A_502 : i32
          %lt3A_504 = arith.constant 0 : i32
          %lt3A_505 = arith.cmpi slt, %rem3A_501, %lt3A_504 : i32
          %lt3A_506 = arith.constant 0 : i32
          %lt3A_507 = arith.cmpi slt, %select_n3A_500, %lt3A_506 : i32
          %ne3A_508 = arith.xori %lt3A_505, %lt3A_507 : i1
          %and3A_509 = arith.andi %ne3A_508, %ne3A_503 : i1
          %add3A_510 = arith.addi %rem3A_501, %select_n3A_500 : i32
          %select_n3A_511 = arith.select %and3A_509, %add3A_510, %rem3A_501 : i32
          %mul3A_512 = arith.constant 64 : i32
          %mul3A_513 = arith.muli %select_n3A_511, %mul3A_512 : i32
          %add3A_514 = arith.constant 0 : i32
          %add3A_515 = arith.addi %mul3A_513, %add3A_514 : i32
          %get3A_516 = arith.index_cast %select_n3A_495 : i32 to index
          %get3A_517 = arith.index_cast %add3A_515 : i32 to index
          %get3A_518 = tpu.vector_load %arg5[%get3A_516, %get3A_517] {strides = array<i32>} : memref<40x128xi32, #tpu.memory_space<vmem>>, vector<1x16xi32>,
          %get3A_519 = vector.shape_cast %get3A_518 : vector<1x16xi32> to vector<16xi32>
          %and3A_520 = arith.constant 65535 : i32
          %and3A_521 = vector.broadcast %and3A_520 : i32 to vector<16xi32>
          %and3A_522 = arith.andi %get3A_519, %and3A_521 : vector<16xi32>
          %swap3A_523 = arith.index_cast %select_n3A_474 : i32 to index
          %swap3A_524 = arith.constant 0 : index
          %swap3A_525 = tpu.vector_load %arg6[%swap3A_523, %swap3A_524] {strides = array<i32>} : memref<8x64xi32, #tpu.memory_space<vmem>>, vector<1x16xi32>,
          %swap3A_526 = vector.shape_cast %swap3A_525 : vector<1x16xi32> to vector<16xi32>
          %swap3A_527 = vector.shape_cast %and3A_522 : vector<16xi32> to vector<1x16xi32>
          tpu.vector_store %arg6[%swap3A_523, %swap3A_524], %swap3A_527 {strides = array<i32>} : memref<8x64xi32, #tpu.memory_space<vmem>>, vector<1x16xi32>,
          %shift_right_arithmetic3A_528 = arith.constant 16 : i32
          %shift_right_arithmetic3A_529 = vector.broadcast %shift_right_arithmetic3A_528 : i32 to vector<16xi32>
          %shift_right_arithmetic3A_530 = arith.shrsi %get3A_519, %shift_right_arithmetic3A_529 : vector<16xi32>
          %swap3A_531 = arith.index_cast %select_n3A_474 : i32 to index
          %swap3A_532 = arith.constant 0 : index
          %swap3A_533 = tpu.vector_load %arg7[%swap3A_531, %swap3A_532] {strides = array<i32>} : memref<8x64xi32, #tpu.memory_space<vmem>>, vector<1x16xi32>,
          %swap3A_534 = vector.shape_cast %swap3A_533 : vector<1x16xi32> to vector<16xi32>
          %swap3A_535 = vector.shape_cast %shift_right_arithmetic3A_530 : vector<16xi32> to vector<1x16xi32>
          tpu.vector_store %arg7[%swap3A_531, %swap3A_532], %swap3A_535 {strides = array<i32>} : memref<8x64xi32, #tpu.memory_space<vmem>>, vector<1x16xi32>,
          %add3A_536 = arith.constant 16 : i32
          %add3A_537 = arith.addi %mul3A_513, %add3A_536 : i32
          %get3A_538 = arith.index_cast %select_n3A_495 : i32 to index
          %get3A_539 = arith.index_cast %add3A_537 : i32 to index
          %get3A_540 = tpu.vector_load %arg5[%get3A_538, %get3A_539] {strides = array<i32>} : memref<40x128xi32, #tpu.memory_space<vmem>>, vector<1x16xi32>,
          %get3A_541 = vector.shape_cast %get3A_540 : vector<1x16xi32> to vector<16xi32>
          %and3A_542 = arith.constant 65535 : i32
          %and3A_543 = vector.broadcast %and3A_542 : i32 to vector<16xi32>
          %and3A_544 = arith.andi %get3A_541, %and3A_543 : vector<16xi32>
          %swap3A_545 = arith.index_cast %select_n3A_474 : i32 to index
          %swap3A_546 = arith.constant 16 : index
          %swap3A_547 = tpu.vector_load %arg6[%swap3A_545, %swap3A_546] {strides = array<i32>} : memref<8x64xi32, #tpu.memory_space<vmem>>, vector<1x16xi32>,
          %swap3A_548 = vector.shape_cast %swap3A_547 : vector<1x16xi32> to vector<16xi32>
          %swap3A_549 = vector.shape_cast %and3A_544 : vector<16xi32> to vector<1x16xi32>
          tpu.vector_store %arg6[%swap3A_545, %swap3A_546], %swap3A_549 {strides = array<i32>} : memref<8x64xi32, #tpu.memory_space<vmem>>, vector<1x16xi32>,
          %shift_right_arithmetic3A_550 = arith.constant 16 : i32
          %shift_right_arithmetic3A_551 = vector.broadcast %shift_right_arithmetic3A_550 : i32 to vector<16xi32>
          %shift_right_arithmetic3A_552 = arith.shrsi %get3A_541, %shift_right_arithmetic3A_551 : vector<16xi32>
          %swap3A_553 = arith.index_cast %select_n3A_474 : i32 to index
          %swap3A_554 = arith.constant 16 : index
          %swap3A_555 = tpu.vector_load %arg7[%swap3A_553, %swap3A_554] {strides = array<i32>} : memref<8x64xi32, #tpu.memory_space<vmem>>, vector<1x16xi32>,
          %swap3A_556 = vector.shape_cast %swap3A_555 : vector<1x16xi32> to vector<16xi32>
          %swap3A_557 = vector.shape_cast %shift_right_arithmetic3A_552 : vector<16xi32> to vector<1x16xi32>
          tpu.vector_store %arg7[%swap3A_553, %swap3A_554], %swap3A_557 {strides = array<i32>} : memref<8x64xi32, #tpu.memory_space<vmem>>, vector<1x16xi32>,
          %add3A_558 = arith.constant 32 : i32
          %add3A_559 = arith.addi %mul3A_513, %add3A_558 : i32
          %get3A_560 = arith.index_cast %select_n3A_495 : i32 to index
          %get3A_561 = arith.index_cast %add3A_559 : i32 to index
          %get3A_562 = tpu.vector_load %arg5[%get3A_560, %get3A_561] {strides = array<i32>} : memref<40x128xi32, #tpu.memory_space<vmem>>, vector<1x16xi32>,
          %get3A_563 = vector.shape_cast %get3A_562 : vector<1x16xi32> to vector<16xi32>
          %and3A_564 = arith.constant 65535 : i32
          %and3A_565 = vector.broadcast %and3A_564 : i32 to vector<16xi32>
          %and3A_566 = arith.andi %get3A_563, %and3A_565 : vector<16xi32>
          %swap3A_567 = arith.index_cast %select_n3A_474 : i32 to index
          %swap3A_568 = arith.constant 32 : index
          %swap3A_569 = tpu.vector_load %arg6[%swap3A_567, %swap3A_568] {strides = array<i32>} : memref<8x64xi32, #tpu.memory_space<vmem>>, vector<1x16xi32>,
          %swap3A_570 = vector.shape_cast %swap3A_569 : vector<1x16xi32> to vector<16xi32>
          %swap3A_571 = vector.shape_cast %and3A_566 : vector<16xi32> to vector<1x16xi32>
          tpu.vector_store %arg6[%swap3A_567, %swap3A_568], %swap3A_571 {strides = array<i32>} : memref<8x64xi32, #tpu.memory_space<vmem>>, vector<1x16xi32>,
          %shift_right_arithmetic3A_572 = arith.constant 16 : i32
          %shift_right_arithmetic3A_573 = vector.broadcast %shift_right_arithmetic3A_572 : i32 to vector<16xi32>
          %shift_right_arithmetic3A_574 = arith.shrsi %get3A_563, %shift_right_arithmetic3A_573 : vector<16xi32>
          %swap3A_575 = arith.index_cast %select_n3A_474 : i32 to index
          %swap3A_576 = arith.constant 32 : index
          %swap3A_577 = tpu.vector_load %arg7[%swap3A_575, %swap3A_576] {strides = array<i32>} : memref<8x64xi32, #tpu.memory_space<vmem>>, vector<1x16xi32>,
          %swap3A_578 = vector.shape_cast %swap3A_577 : vector<1x16xi32> to vector<16xi32>
          %swap3A_579 = vector.shape_cast %shift_right_arithmetic3A_574 : vector<16xi32> to vector<1x16xi32>
          tpu.vector_store %arg7[%swap3A_575, %swap3A_576], %swap3A_579 {strides = array<i32>} : memref<8x64xi32, #tpu.memory_space<vmem>>, vector<1x16xi32>,
          %add3A_580 = arith.constant 48 : i32
          %add3A_581 = arith.addi %mul3A_513, %add3A_580 : i32
          %get3A_582 = arith.index_cast %select_n3A_495 : i32 to index
          %get3A_583 = arith.index_cast %add3A_581 : i32 to index
          %get3A_584 = tpu.vector_load %arg5[%get3A_582, %get3A_583] {strides = array<i32>} : memref<40x128xi32, #tpu.memory_space<vmem>>, vector<1x16xi32>,
          %get3A_585 = vector.shape_cast %get3A_584 : vector<1x16xi32> to vector<16xi32>
          %and3A_586 = arith.constant 65535 : i32
          %and3A_587 = vector.broadcast %and3A_586 : i32 to vector<16xi32>
          %and3A_588 = arith.andi %get3A_585, %and3A_587 : vector<16xi32>
          %swap3A_589 = arith.index_cast %select_n3A_474 : i32 to index
          %swap3A_590 = arith.constant 48 : index
          %swap3A_591 = tpu.vector_load %arg6[%swap3A_589, %swap3A_590] {strides = array<i32>} : memref<8x64xi32, #tpu.memory_space<vmem>>, vector<1x16xi32>,
          %swap3A_592 = vector.shape_cast %swap3A_591 : vector<1x16xi32> to vector<16xi32>
          %swap3A_593 = vector.shape_cast %and3A_588 : vector<16xi32> to vector<1x16xi32>
          tpu.vector_store %arg6[%swap3A_589, %swap3A_590], %swap3A_593 {strides = array<i32>} : memref<8x64xi32, #tpu.memory_space<vmem>>, vector<1x16xi32>,
          %shift_right_arithmetic3A_594 = arith.constant 16 : i32
          %shift_right_arithmetic3A_595 = vector.broadcast %shift_right_arithmetic3A_594 : i32 to vector<16xi32>
          %shift_right_arithmetic3A_596 = arith.shrsi %get3A_585, %shift_right_arithmetic3A_595 : vector<16xi32>
          %swap3A_597 = arith.index_cast %select_n3A_474 : i32 to index
          %swap3A_598 = arith.constant 48 : index
          %swap3A_599 = tpu.vector_load %arg7[%swap3A_597, %swap3A_598] {strides = array<i32>} : memref<8x64xi32, #tpu.memory_space<vmem>>, vector<1x16xi32>,
          %swap3A_600 = vector.shape_cast %swap3A_599 : vector<1x16xi32> to vector<16xi32>
          %swap3A_601 = vector.shape_cast %shift_right_arithmetic3A_596 : vector<16xi32> to vector<1x16xi32>
          tpu.vector_store %arg7[%swap3A_597, %swap3A_598], %swap3A_601 {strides = array<i32>} : memref<8x64xi32, #tpu.memory_space<vmem>>, vector<1x16xi32>,
          %add3A_602 = arith.constant 3 : i32
          %add3A_603 = arith.addi %add3A_390, %add3A_602 : i32
          %jit3A_604 = arith.constant 8 : i32
          %eq3A_605 = arith.constant 0 : i32
          %eq3A_606 = arith.cmpi eq, %jit3A_604, %eq3A_605 : i32
          %jit3A_607 = arith.constant 1 : i32
          %select_n3A_608 = arith.select %eq3A_606, %jit3A_607, %jit3A_604 : i32
          %rem3A_609 = arith.remsi %add3A_603, %select_n3A_608 : i32
          %ne3A_610 = arith.constant 0 : i32
          %ne3A_611 = arith.cmpi ne, %rem3A_609, %ne3A_610 : i32
          %lt3A_612 = arith.constant 0 : i32
          %lt3A_613 = arith.cmpi slt, %rem3A_609, %lt3A_612 : i32
          %lt3A_614 = arith.constant 0 : i32
          %lt3A_615 = arith.cmpi slt, %select_n3A_608, %lt3A_614 : i32
          %ne3A_616 = arith.xori %lt3A_613, %lt3A_615 : i1
          %and3A_617 = arith.andi %ne3A_616, %ne3A_611 : i1
          %add3A_618 = arith.addi %rem3A_609, %select_n3A_608 : i32
          %select_n3A_619 = arith.select %and3A_617, %add3A_618, %rem3A_609 : i32
          %dma_start3A_620 = arith.constant 2 : i32
          %dma_start3A_621 = arith.constant 0 : i32
          %dma_start3A_622 = arith.constant 0 : i32
          %dma_start3A_623 = tpu.memref_slice %arg8[%dma_start3A_620, %dma_start3A_621, %dma_start3A_622] : memref<4x64x128xf32, #tpu.memory_space<vmem>> -> memref<1x64x128xf32, #tpu.memory_space<vmem>>
          %dma_start3A_624 = tpu.memref_squeeze %dma_start3A_623 : memref<1x64x128xf32, #tpu.memory_space<vmem>> -> memref<64x128xf32, #tpu.memory_space<vmem>>
          %dma_start3A_625 = arith.constant 0 : i32
          %dma_start3A_626 = tpu.memref_slice %arg6[%select_n3A_619, %dma_start3A_625] : memref<8x64xi32, #tpu.memory_space<vmem>> -> memref<1x64xi32, #tpu.memory_space<vmem>>
          %dma_start3A_627 = tpu.memref_squeeze %dma_start3A_626 : memref<1x64xi32, #tpu.memory_space<vmem>> -> memref<64xi32, #tpu.memory_space<vmem>>
          %dma_start3A_628 = arith.constant 0 : i32
          %dma_start3A_629 = arith.constant 0 : i32
          %dma_start3A_630 = tpu.memref_slice %arg3[%dma_start3A_628, %dma_start3A_629] : memref<10240x128xf32, #tpu.memory_space<hbm>> -> memref<10240x128xf32, #tpu.memory_space<hbm>>
          tpu.enqueue_indirect_dma source(%dma_start3A_630 : memref<10240x128xf32, #tpu.memory_space<hbm>>) target(%dma_start3A_624 : memref<64x128xf32, #tpu.memory_space<vmem>>) offsets(%dma_start3A_627 : memref<64xi32, #tpu.memory_space<vmem>>) semaphore(%arg12 : memref<!tpu.dma_semaphore, #tpu.memory_space<semaphore_mem>>)
        } else {
        }
        %jit3A_430 = arith.constant 8 : i32
        %eq3A_431 = arith.constant 0 : i32
        %eq3A_432 = arith.cmpi eq, %jit3A_430, %eq3A_431 : i32
        %jit3A_433 = arith.constant 1 : i32
        %select_n3A_434 = arith.select %eq3A_432, %jit3A_433, %jit3A_430 : i32
        %rem3A_435 = arith.remsi %add3A_390, %select_n3A_434 : i32
        %ne3A_436 = arith.constant 0 : i32
        %ne3A_437 = arith.cmpi ne, %rem3A_435, %ne3A_436 : i32
        %lt3A_438 = arith.constant 0 : i32
        %lt3A_439 = arith.cmpi slt, %rem3A_435, %lt3A_438 : i32
        %lt3A_440 = arith.constant 0 : i32
        %lt3A_441 = arith.cmpi slt, %select_n3A_434, %lt3A_440 : i32
        %ne3A_442 = arith.xori %lt3A_439, %lt3A_441 : i1
        %and3A_443 = arith.andi %ne3A_442, %ne3A_437 : i1
        %add3A_444 = arith.addi %rem3A_435, %select_n3A_434 : i32
        %select_n3A_445 = arith.select %and3A_443, %add3A_444, %rem3A_435 : i32
        %dma_start3A_446 = arith.constant 3 : i32
        %dma_start3A_447 = arith.constant 0 : i32
        %dma_start3A_448 = arith.constant 0 : i32
        %dma_start3A_449 = tpu.memref_slice %arg8[%dma_start3A_446, %dma_start3A_447, %dma_start3A_448] : memref<4x64x128xf32, #tpu.memory_space<vmem>> -> memref<1x64x128xf32, #tpu.memory_space<vmem>>
        %dma_start3A_450 = tpu.memref_squeeze %dma_start3A_449 : memref<1x64x128xf32, #tpu.memory_space<vmem>> -> memref<64x128xf32, #tpu.memory_space<vmem>>
        %dma_start3A_451 = arith.constant 0 : i32
        %dma_start3A_452 = tpu.memref_slice %arg7[%select_n3A_445, %dma_start3A_451] : memref<8x64xi32, #tpu.memory_space<vmem>> -> memref<1x64xi32, #tpu.memory_space<vmem>>
        %dma_start3A_453 = tpu.memref_squeeze %dma_start3A_452 : memref<1x64xi32, #tpu.memory_space<vmem>> -> memref<64xi32, #tpu.memory_space<vmem>>
        %dma_start3A_454 = arith.constant 0 : i32
        %dma_start3A_455 = arith.constant 0 : i32
        %dma_start3A_456 = tpu.memref_slice %arg9[%dma_start3A_454, %dma_start3A_455] : memref<10240x128xf32, #tpu.memory_space<vmem_shared>> -> memref<10240x128xf32, #tpu.memory_space<vmem_shared>>
        tpu.enqueue_indirect_dma source(%dma_start3A_450 : memref<64x128xf32, #tpu.memory_space<vmem>>) target(%dma_start3A_456 : memref<10240x128xf32, #tpu.memory_space<vmem_shared>>) offsets(%dma_start3A_453 : memref<64xi32, #tpu.memory_space<vmem>>) semaphore(%arg17 : memref<!tpu.dma_semaphore, #tpu.memory_space<semaphore_mem>>) {add = true}
      } else {
      }
      %scan3A_396 = arith.constant 0 : i32
      scf.yield %scan3A_396 : i32
    }
    %scan3A_350 = arith.constant 20 : i32
    %dma_wait3A = arith.constant 3 : i32
    %dma_wait3A_351 = arith.constant 7 : i32
    %dma_wait3A_352 = arith.constant 0 : i32
    %dma_wait3A_353 = arith.constant 0 : i32
    %dma_wait3A_354 = tpu.memref_slice %arg8[%dma_wait3A, %dma_wait3A_352, %dma_wait3A_353] : memref<4x64x128xf32, #tpu.memory_space<vmem>> -> memref<1x64x128xf32, #tpu.memory_space<vmem>>
    %dma_wait3A_355 = tpu.memref_squeeze %dma_wait3A_354 : memref<1x64x128xf32, #tpu.memory_space<vmem>> -> memref<64x128xf32, #tpu.memory_space<vmem>>
    %dma_wait3A_356 = arith.constant 0 : i32
    %dma_wait3A_357 = tpu.memref_slice %arg7[%dma_wait3A_351, %dma_wait3A_356] : memref<8x64xi32, #tpu.memory_space<vmem>> -> memref<1x64xi32, #tpu.memory_space<vmem>>
    %dma_wait3A_358 = tpu.memref_squeeze %dma_wait3A_357 : memref<1x64xi32, #tpu.memory_space<vmem>> -> memref<64xi32, #tpu.memory_space<vmem>>
    %dma_wait3A_359 = arith.constant 0 : i32
    %dma_wait3A_360 = arith.constant 0 : i32
    %dma_wait3A_361 = tpu.memref_slice %arg9[%dma_wait3A_359, %dma_wait3A_360] : memref<10240x128xf32, #tpu.memory_space<vmem_shared>> -> memref<10240x128xf32, #tpu.memory_space<vmem_shared>>
    tpu.wait_indirect_dma semaphore(%arg17 : memref<!tpu.dma_semaphore, #tpu.memory_space<semaphore_mem>>) src(%dma_wait3A_355 : memref<64x128xf32, #tpu.memory_space<vmem>>) dst(%dma_wait3A_361 : memref<10240x128xf32, #tpu.memory_space<vmem_shared>>)
    %barrier3A_362 = arith.constant 0 : index
    tpu.barrier barrier_id(%barrier3A_362)
    %mul3A_363 = arith.constant 640 : i32
    %mul3A_364 = arith.muli %arg1, %mul3A_363 : i32
    %mul3A_365 = arith.constant 640 : i32
    %mul3A_366 = arith.muli %arg1, %mul3A_365 : i32
    "tpu.region"() ({
      %run_scoped3A_367 = tpu.sem_alloc : memref<!tpu.dma_semaphore, #tpu.memory_space<semaphore_mem>>
      %dma_start3A_368 = arith.constant 0 : i32
      %dma_start3A_369 = tpu.memref_slice %arg4[%arg0, %mul3A_366, %dma_start3A_368] : memref<2x10240x128xf32, #tpu.memory_space<hbm>> -> memref<1x640x128xf32, #tpu.memory_space<hbm>>
      %dma_start3A_370 = tpu.memref_squeeze %dma_start3A_369 : memref<1x640x128xf32, #tpu.memory_space<hbm>> -> memref<640x128xf32, #tpu.memory_space<hbm>>
      %dma_start3A_371 = arith.constant 0 : i32
      %dma_start3A_372 = tpu.memref_slice %arg9[%mul3A_364, %dma_start3A_371] : memref<10240x128xf32, #tpu.memory_space<vmem_shared>> -> memref<640x128xf32, #tpu.memory_space<vmem_shared>>
      tpu.enqueue_dma source(%dma_start3A_372 : memref<640x128xf32, #tpu.memory_space<vmem_shared>>) target(%dma_start3A_370 : memref<640x128xf32, #tpu.memory_space<hbm>>) target_semaphore(%run_scoped3A_367 : memref<!tpu.dma_semaphore, #tpu.memory_space<semaphore_mem>>)
      %dma_wait3A_373 = arith.constant 0 : i32
      %dma_wait3A_374 = tpu.memref_slice %arg4[%arg0, %mul3A_366, %dma_wait3A_373] : memref<2x10240x128xf32, #tpu.memory_space<hbm>> -> memref<1x640x128xf32, #tpu.memory_space<hbm>>
      %dma_wait3A_375 = tpu.memref_squeeze %dma_wait3A_374 : memref<1x640x128xf32, #tpu.memory_space<hbm>> -> memref<640x128xf32, #tpu.memory_space<hbm>>
      %dma_wait3A_376 = arith.constant 0 : i32
      %dma_wait3A_377 = tpu.memref_slice %arg9[%mul3A_364, %dma_wait3A_376] : memref<10240x128xf32, #tpu.memory_space<vmem_shared>> -> memref<640x128xf32, #tpu.memory_space<vmem_shared>>
      tpu.wait_dma2 semaphore(%run_scoped3A_367 : memref<!tpu.dma_semaphore, #tpu.memory_space<semaphore_mem>>) src(%dma_wait3A_377 : memref<640x128xf32, #tpu.memory_space<vmem_shared>>) dst(%dma_wait3A_375 : memref<640x128xf32, #tpu.memory_space<hbm>>)
      tpu.yield
    }) : () -> ()
    return
  }
}

#map = affine_map<(d0, d1) -> (0, 0, 0, 0)>
#map1 = affine_map<(d0, d1) -> (0, 0)>
#map2 = affine_map<(d0, d1) -> (0, 0, 0)>
module attributes {stable_mosaic.version = 14 : i64} {
  func.func @k(%arg0: i32, %arg1: i32, %arg2: memref<2x16x40x128xi32, #tpu.memory_space<hbm>>, %arg3: memref<10240x128xf32, #tpu.memory_space<hbm>>, %arg4: memref<2x10240x128xf32, #tpu.memory_space<hbm>>, %arg5: memref<40x128xi32, #tpu.memory_space<vmem>>, %arg6: memref<8x64xi32, #tpu.memory_space<vmem>>, %arg7: memref<8x64xi32, #tpu.memory_space<vmem>>, %arg8: memref<4x64x128xf32, #tpu.memory_space<vmem>>, %arg9: memref<10240x128xf32, #tpu.memory_space<vmem_shared>>, %arg10: memref<!tpu.dma_semaphore, #tpu.memory_space<semaphore_mem>>, %arg11: memref<!tpu.dma_semaphore, #tpu.memory_space<semaphore_mem>>, %arg12: memref<!tpu.dma_semaphore, #tpu.memory_space<semaphore_mem>>, %arg13: memref<!tpu.dma_semaphore, #tpu.memory_space<semaphore_mem>>, %arg14: memref<!tpu.dma_semaphore, #tpu.memory_space<semaphore_mem>>, %arg15: memref<!tpu.dma_semaphore, #tpu.memory_space<semaphore_mem>>, %arg16: memref<!tpu.dma_semaphore, #tpu.memory_space<semaphore_mem>>, %arg17: memref<!tpu.dma_semaphore, #tpu.memory_space<semaphore_mem>>) attributes {dimension_semantics = [#tpu.dimension_semantics<core_parallel>, #tpu.dimension_semantics<subcore_parallel>], iteration_bounds = array<i64: 2, 16>, scalar_prefetch = 0 : i64, scratch_operands = 13 : i64, tpu.core_type = #tpu.core_type<sc_vector_subcore>, window_params = [{transform_indices = #map}, {transform_indices = #map1}, {transform_indices = #map2}]} {
    "tpu.region"() ({
      %run_scoped3A_367 = tpu.sem_alloc : memref<!tpu.dma_semaphore, #tpu.memory_space<semaphore_mem>>
      %dma_start3A_368 = arith.constant 0 : i32
      %dma_start3A_369 = arith.constant 0 : i32
      %dma_start3A_370 = tpu.memref_slice %arg2[%arg0, %arg1, %dma_start3A_368, %dma_start3A_369] : memref<2x16x40x128xi32, #tpu.memory_space<hbm>> -> memref<1x1x40x128xi32, #tpu.memory_space<hbm>>
      %dma_start3A_371 = tpu.memref_squeeze %dma_start3A_370 : memref<1x1x40x128xi32, #tpu.memory_space<hbm>> -> memref<40x128xi32, #tpu.memory_space<hbm>>
      %dma_start3A_372 = arith.constant 0 : i32
      %dma_start3A_373 = arith.constant 0 : i32
      %dma_start3A_374 = tpu.memref_slice %arg2[%arg0, %arg1, %dma_start3A_372, %dma_start3A_373] : memref<2x16x40x128xi32, #tpu.memory_space<hbm>> -> memref<1x1x40x128xi32, #tpu.memory_space<hbm>>
      %dma_start3A_375 = tpu.memref_squeeze %dma_start3A_374 : memref<1x1x40x128xi32, #tpu.memory_space<hbm>> -> memref<40x128xi32, #tpu.memory_space<hbm>>
      tpu.enqueue_dma source(%dma_start3A_375 : memref<40x128xi32, #tpu.memory_space<hbm>>) target(%arg5 : memref<40x128xi32, #tpu.memory_space<vmem>>) target_semaphore(%run_scoped3A_367 : memref<!tpu.dma_semaphore, #tpu.memory_space<semaphore_mem>>)
      %dma_wait3A_376 = arith.constant 0 : i32
      %dma_wait3A_377 = arith.constant 0 : i32
      %dma_wait3A_378 = tpu.memref_slice %arg2[%arg0, %arg1, %dma_wait3A_376, %dma_wait3A_377] : memref<2x16x40x128xi32, #tpu.memory_space<hbm>> -> memref<1x1x40x128xi32, #tpu.memory_space<hbm>>
      %dma_wait3A_379 = tpu.memref_squeeze %dma_wait3A_378 : memref<1x1x40x128xi32, #tpu.memory_space<hbm>> -> memref<40x128xi32, #tpu.memory_space<hbm>>
      %dma_wait3A_380 = arith.constant 0 : i32
      %dma_wait3A_381 = arith.constant 0 : i32
      %dma_wait3A_382 = tpu.memref_slice %arg2[%arg0, %arg1, %dma_wait3A_380, %dma_wait3A_381] : memref<2x16x40x128xi32, #tpu.memory_space<hbm>> -> memref<1x1x40x128xi32, #tpu.memory_space<hbm>>
      %dma_wait3A_383 = tpu.memref_squeeze %dma_wait3A_382 : memref<1x1x40x128xi32, #tpu.memory_space<hbm>> -> memref<40x128xi32, #tpu.memory_space<hbm>>
      tpu.wait_dma2 semaphore(%run_scoped3A_367 : memref<!tpu.dma_semaphore, #tpu.memory_space<semaphore_mem>>) src(%dma_wait3A_383 : memref<40x128xi32, #tpu.memory_space<hbm>>) dst(%arg5 : memref<40x128xi32, #tpu.memory_space<vmem>>)
      tpu.yield
    }) : () -> ()
    %broadcast_in_dim3A = arith.constant 0.000000e+00 : f32
    %broadcast_in_dim3A_0 = vector.broadcast %broadcast_in_dim3A : f32 to vector<16xf32>
    %scan3A = arith.constant 0 : i32
    %scan3A_1 = arith.constant 0 : i32
    %scan3A_2 = arith.constant 0 : i32
    %scan3A_3 = arith.constant 512 : i32
    %scan3A_4 = arith.addi %scan3A_2, %scan3A_3 : i32
    %scan3A_5 = arith.constant 1 : i32
    %scan3A_6 = scf.for %scan3A_367 = %scan3A_2 to %scan3A_4 step %scan3A_5 iter_args(%scan3A_368 = %scan3A_1) -> (i32)  : i32 {
      %jit3A = arith.constant 8 : i32
      %div3A = arith.divsi %scan3A_367, %jit3A : i32
      %sign3A = arith.constant 0 : i32
      %sign3A_369 = arith.cmpi sgt, %scan3A_367, %sign3A : i32
      %sign3A_370 = arith.extui %sign3A_369 : i1 to i32
      %sign3A_371 = arith.constant 0 : i32
      %sign3A_372 = arith.cmpi slt, %scan3A_367, %sign3A_371 : i32
      %sign3A_373 = arith.extui %sign3A_372 : i1 to i32
      %sign3A_374 = arith.subi %sign3A_370, %sign3A_373 : i32
      %sign3A_375 = arith.constant 0 : i32
      %sign3A_376 = arith.cmpi sgt, %jit3A, %sign3A_375 : i32
      %sign3A_377 = arith.extui %sign3A_376 : i1 to i32
      %sign3A_378 = arith.constant 0 : i32
      %sign3A_379 = arith.cmpi slt, %jit3A, %sign3A_378 : i32
      %sign3A_380 = arith.extui %sign3A_379 : i1 to i32
      %sign3A_381 = arith.subi %sign3A_377, %sign3A_380 : i32
      %ne3A = arith.cmpi ne, %sign3A_374, %sign3A_381 : i32
      %rem3A = arith.remsi %scan3A_367, %jit3A : i32
      %ne3A_382 = arith.constant 0 : i32
      %ne3A_383 = arith.cmpi ne, %rem3A, %ne3A_382 : i32
      %and3A_384 = arith.andi %ne3A, %ne3A_383 : i1
      %sub3A = arith.constant 1 : i32
      %sub3A_385 = arith.subi %div3A, %sub3A : i32
      %select_n3A = arith.select %and3A_384, %sub3A_385, %div3A : i32
      %jit3A_386 = arith.constant 8 : i32
      %eq3A = arith.constant 0 : i32
      %eq3A_387 = arith.cmpi eq, %jit3A_386, %eq3A : i32
      %jit3A_388 = arith.constant 1 : i32
      %select_n3A_389 = arith.select %eq3A_387, %jit3A_388, %jit3A_386 : i32
      %rem3A_390 = arith.remsi %scan3A_367, %select_n3A_389 : i32
      %ne3A_391 = arith.constant 0 : i32
      %ne3A_392 = arith.cmpi ne, %rem3A_390, %ne3A_391 : i32
      %lt3A = arith.constant 0 : i32
      %lt3A_393 = arith.cmpi slt, %rem3A_390, %lt3A : i32
      %lt3A_394 = arith.constant 0 : i32
      %lt3A_395 = arith.cmpi slt, %select_n3A_389, %lt3A_394 : i32
      %ne3A_396 = arith.xori %lt3A_393, %lt3A_395 : i1
      %and3A_397 = arith.andi %ne3A_396, %ne3A_392 : i1
      %add3A_398 = arith.addi %rem3A_390, %select_n3A_389 : i32
      %select_n3A_399 = arith.select %and3A_397, %add3A_398, %rem3A_390 : i32
      %mul3A_400 = arith.constant 16 : i32
      %mul3A_401 = arith.muli %select_n3A_399, %mul3A_400 : i32
      %swap3A_402 = arith.constant 0 : i32
      %swap3A_403 = arith.constant 0 : i32
      %swap3A_404 = tpu.memref_slice %arg8[%scan3A, %swap3A_402, %swap3A_403] : memref<4x64x128xf32, #tpu.memory_space<vmem>> -> memref<1x64x128xf32, #tpu.memory_space<vmem>>
      %swap3A_405 = tpu.memref_squeeze %swap3A_404 : memref<1x64x128xf32, #tpu.memory_space<vmem>> -> memref<64x128xf32, #tpu.memory_space<vmem>>
      %swap3A_406 = arith.index_cast %select_n3A : i32 to index
      %swap3A_407 = arith.index_cast %mul3A_401 : i32 to index
      %swap3A_408 = tpu.vector_load %swap3A_405[%swap3A_406, %swap3A_407] {strides = array<i32>} : memref<64x128xf32, #tpu.memory_space<vmem>>, vector<1x16xf32>,
      %swap3A_409 = vector.shape_cast %swap3A_408 : vector<1x16xf32> to vector<16xf32>
      %swap3A_410 = vector.shape_cast %broadcast_in_dim3A_0 : vector<16xf32> to vector<1x16xf32>
      tpu.vector_store %swap3A_405[%swap3A_406, %swap3A_407], %swap3A_410 {strides = array<i32>} : memref<64x128xf32, #tpu.memory_space<vmem>>, vector<1x16xf32>,
      %scan3A_411 = arith.constant 0 : i32
      scf.yield %scan3A_411 : i32
    }
    %scan3A_7 = arith.constant 512 : i32
    %mul3A = arith.constant 640 : i32
    %mul3A_8 = arith.muli %arg1, %mul3A : i32
    %add3A = arith.constant 0 : i32
    %add3A_9 = arith.addi %mul3A_8, %add3A : i32
    %run_scoped3A = arith.constant 0 : i32
    "tpu.region"() ({
      %run_scoped3A_367 = tpu.sem_alloc : memref<!tpu.dma_semaphore, #tpu.memory_space<semaphore_mem>>
      %dma_start3A_368 = arith.constant 0 : i32
      %dma_start3A_369 = arith.constant 0 : i32
      %dma_start3A_370 = tpu.memref_slice %arg8[%run_scoped3A, %dma_start3A_368, %dma_start3A_369] : memref<4x64x128xf32, #tpu.memory_space<vmem>> -> memref<1x64x128xf32, #tpu.memory_space<vmem>>
      %dma_start3A_371 = tpu.memref_squeeze %dma_start3A_370 : memref<1x64x128xf32, #tpu.memory_space<vmem>> -> memref<64x128xf32, #tpu.memory_space<vmem>>
      %dma_start3A_372 = arith.constant 0 : i32
      %dma_start3A_373 = tpu.memref_slice %arg9[%add3A_9, %dma_start3A_372] : memref<10240x128xf32, #tpu.memory_space<vmem_shared>> -> memref<64x128xf32, #tpu.memory_space<vmem_shared>>
      %dma_start3A_374 = arith.constant 0 : i32
      %dma_start3A_375 = tpu.memref_slice %arg9[%add3A_9, %dma_start3A_374] : memref<10240x128xf32, #tpu.memory_space<vmem_shared>> -> memref<64x128xf32, #tpu.memory_space<vmem_shared>>
      %dma_start3A_376 = arith.constant 0 : i32
      %dma_start3A_377 = arith.constant 0 : i32
      %dma_start3A_378 = tpu.memref_slice %arg8[%run_scoped3A, %dma_start3A_376, %dma_start3A_377] : memref<4x64x128xf32, #tpu.memory_space<vmem>> -> memref<1x64x128xf32, #tpu.memory_space<vmem>>
      %dma_start3A_379 = tpu.memref_squeeze %dma_start3A_378 : memref<1x64x128xf32, #tpu.memory_space<vmem>> -> memref<64x128xf32, #tpu.memory_space<vmem>>
      tpu.enqueue_dma source(%dma_start3A_379 : memref<64x128xf32, #tpu.memory_space<vmem>>) target(%dma_start3A_375 : memref<64x128xf32, #tpu.memory_space<vmem_shared>>) target_semaphore(%run_scoped3A_367 : memref<!tpu.dma_semaphore, #tpu.memory_space<semaphore_mem>>)
      %dma_wait3A_380 = arith.constant 0 : i32
      %dma_wait3A_381 = arith.constant 0 : i32
      %dma_wait3A_382 = tpu.memref_slice %arg8[%run_scoped3A, %dma_wait3A_380, %dma_wait3A_381] : memref<4x64x128xf32, #tpu.memory_space<vmem>> -> memref<1x64x128xf32, #tpu.memory_space<vmem>>
      %dma_wait3A_383 = tpu.memref_squeeze %dma_wait3A_382 : memref<1x64x128xf32, #tpu.memory_space<vmem>> -> memref<64x128xf32, #tpu.memory_space<vmem>>
      %dma_wait3A_384 = arith.constant 0 : i32
      %dma_wait3A_385 = tpu.memref_slice %arg9[%add3A_9, %dma_wait3A_384] : memref<10240x128xf32, #tpu.memory_space<vmem_shared>> -> memref<64x128xf32, #tpu.memory_space<vmem_shared>>
      %dma_wait3A_386 = arith.constant 0 : i32
      %dma_wait3A_387 = tpu.memref_slice %arg9[%add3A_9, %dma_wait3A_386] : memref<10240x128xf32, #tpu.memory_space<vmem_shared>> -> memref<64x128xf32, #tpu.memory_space<vmem_shared>>
      %dma_wait3A_388 = arith.constant 0 : i32
      %dma_wait3A_389 = arith.constant 0 : i32
      %dma_wait3A_390 = tpu.memref_slice %arg8[%run_scoped3A, %dma_wait3A_388, %dma_wait3A_389] : memref<4x64x128xf32, #tpu.memory_space<vmem>> -> memref<1x64x128xf32, #tpu.memory_space<vmem>>
      %dma_wait3A_391 = tpu.memref_squeeze %dma_wait3A_390 : memref<1x64x128xf32, #tpu.memory_space<vmem>> -> memref<64x128xf32, #tpu.memory_space<vmem>>
      tpu.wait_dma2 semaphore(%run_scoped3A_367 : memref<!tpu.dma_semaphore, #tpu.memory_space<semaphore_mem>>) src(%dma_wait3A_391 : memref<64x128xf32, #tpu.memory_space<vmem>>) dst(%dma_wait3A_387 : memref<64x128xf32, #tpu.memory_space<vmem_shared>>)
      tpu.yield
    }) : () -> ()
    %add3A_10 = arith.constant 64 : i32
    %add3A_11 = arith.addi %mul3A_8, %add3A_10 : i32
    %run_scoped3A_12 = arith.constant 0 : i32
    "tpu.region"() ({
      %run_scoped3A_367 = tpu.sem_alloc : memref<!tpu.dma_semaphore, #tpu.memory_space<semaphore_mem>>
      %dma_start3A_368 = arith.constant 0 : i32
      %dma_start3A_369 = arith.constant 0 : i32
      %dma_start3A_370 = tpu.memref_slice %arg8[%run_scoped3A_12, %dma_start3A_368, %dma_start3A_369] : memref<4x64x128xf32, #tpu.memory_space<vmem>> -> memref<1x64x128xf32, #tpu.memory_space<vmem>>
      %dma_start3A_371 = tpu.memref_squeeze %dma_start3A_370 : memref<1x64x128xf32, #tpu.memory_space<vmem>> -> memref<64x128xf32, #tpu.memory_space<vmem>>
      %dma_start3A_372 = arith.constant 0 : i32
      %dma_start3A_373 = tpu.memref_slice %arg9[%add3A_11, %dma_start3A_372] : memref<10240x128xf32, #tpu.memory_space<vmem_shared>> -> memref<64x128xf32, #tpu.memory_space<vmem_shared>>
      %dma_start3A_374 = arith.constant 0 : i32
      %dma_start3A_375 = tpu.memref_slice %arg9[%add3A_11, %dma_start3A_374] : memref<10240x128xf32, #tpu.memory_space<vmem_shared>> -> memref<64x128xf32, #tpu.memory_space<vmem_shared>>
      %dma_start3A_376 = arith.constant 0 : i32
      %dma_start3A_377 = arith.constant 0 : i32
      %dma_start3A_378 = tpu.memref_slice %arg8[%run_scoped3A_12, %dma_start3A_376, %dma_start3A_377] : memref<4x64x128xf32, #tpu.memory_space<vmem>> -> memref<1x64x128xf32, #tpu.memory_space<vmem>>
      %dma_start3A_379 = tpu.memref_squeeze %dma_start3A_378 : memref<1x64x128xf32, #tpu.memory_space<vmem>> -> memref<64x128xf32, #tpu.memory_space<vmem>>
      tpu.enqueue_dma source(%dma_start3A_379 : memref<64x128xf32, #tpu.memory_space<vmem>>) target(%dma_start3A_375 : memref<64x128xf32, #tpu.memory_space<vmem_shared>>) target_semaphore(%run_scoped3A_367 : memref<!tpu.dma_semaphore, #tpu.memory_space<semaphore_mem>>)
      %dma_wait3A_380 = arith.constant 0 : i32
      %dma_wait3A_381 = arith.constant 0 : i32
      %dma_wait3A_382 = tpu.memref_slice %arg8[%run_scoped3A_12, %dma_wait3A_380, %dma_wait3A_381] : memref<4x64x128xf32, #tpu.memory_space<vmem>> -> memref<1x64x128xf32, #tpu.memory_space<vmem>>
      %dma_wait3A_383 = tpu.memref_squeeze %dma_wait3A_382 : memref<1x64x128xf32, #tpu.memory_space<vmem>> -> memref<64x128xf32, #tpu.memory_space<vmem>>
      %dma_wait3A_384 = arith.constant 0 : i32
      %dma_wait3A_385 = tpu.memref_slice %arg9[%add3A_11, %dma_wait3A_384] : memref<10240x128xf32, #tpu.memory_space<vmem_shared>> -> memref<64x128xf32, #tpu.memory_space<vmem_shared>>
      %dma_wait3A_386 = arith.constant 0 : i32
      %dma_wait3A_387 = tpu.memref_slice %arg9[%add3A_11, %dma_wait3A_386] : memref<10240x128xf32, #tpu.memory_space<vmem_shared>> -> memref<64x128xf32, #tpu.memory_space<vmem_shared>>
      %dma_wait3A_388 = arith.constant 0 : i32
      %dma_wait3A_389 = arith.constant 0 : i32
      %dma_wait3A_390 = tpu.memref_slice %arg8[%run_scoped3A_12, %dma_wait3A_388, %dma_wait3A_389] : memref<4x64x128xf32, #tpu.memory_space<vmem>> -> memref<1x64x128xf32, #tpu.memory_space<vmem>>
      %dma_wait3A_391 = tpu.memref_squeeze %dma_wait3A_390 : memref<1x64x128xf32, #tpu.memory_space<vmem>> -> memref<64x128xf32, #tpu.memory_space<vmem>>
      tpu.wait_dma2 semaphore(%run_scoped3A_367 : memref<!tpu.dma_semaphore, #tpu.memory_space<semaphore_mem>>) src(%dma_wait3A_391 : memref<64x128xf32, #tpu.memory_space<vmem>>) dst(%dma_wait3A_387 : memref<64x128xf32, #tpu.memory_space<vmem_shared>>)
      tpu.yield
    }) : () -> ()
    %add3A_13 = arith.constant 128 : i32
    %add3A_14 = arith.addi %mul3A_8, %add3A_13 : i32
    %run_scoped3A_15 = arith.constant 0 : i32
    "tpu.region"() ({
      %run_scoped3A_367 = tpu.sem_alloc : memref<!tpu.dma_semaphore, #tpu.memory_space<semaphore_mem>>
      %dma_start3A_368 = arith.constant 0 : i32
      %dma_start3A_369 = arith.constant 0 : i32
      %dma_start3A_370 = tpu.memref_slice %arg8[%run_scoped3A_15, %dma_start3A_368, %dma_start3A_369] : memref<4x64x128xf32, #tpu.memory_space<vmem>> -> memref<1x64x128xf32, #tpu.memory_space<vmem>>
      %dma_start3A_371 = tpu.memref_squeeze %dma_start3A_370 : memref<1x64x128xf32, #tpu.memory_space<vmem>> -> memref<64x128xf32, #tpu.memory_space<vmem>>
      %dma_start3A_372 = arith.constant 0 : i32
      %dma_start3A_373 = tpu.memref_slice %arg9[%add3A_14, %dma_start3A_372] : memref<10240x128xf32, #tpu.memory_space<vmem_shared>> -> memref<64x128xf32, #tpu.memory_space<vmem_shared>>
      %dma_start3A_374 = arith.constant 0 : i32
      %dma_start3A_375 = tpu.memref_slice %arg9[%add3A_14, %dma_start3A_374] : memref<10240x128xf32, #tpu.memory_space<vmem_shared>> -> memref<64x128xf32, #tpu.memory_space<vmem_shared>>
      %dma_start3A_376 = arith.constant 0 : i32
      %dma_start3A_377 = arith.constant 0 : i32
      %dma_start3A_378 = tpu.memref_slice %arg8[%run_scoped3A_15, %dma_start3A_376, %dma_start3A_377] : memref<4x64x128xf32, #tpu.memory_space<vmem>> -> memref<1x64x128xf32, #tpu.memory_space<vmem>>
      %dma_start3A_379 = tpu.memref_squeeze %dma_start3A_378 : memref<1x64x128xf32, #tpu.memory_space<vmem>> -> memref<64x128xf32, #tpu.memory_space<vmem>>
      tpu.enqueue_dma source(%dma_start3A_379 : memref<64x128xf32, #tpu.memory_space<vmem>>) target(%dma_start3A_375 : memref<64x128xf32, #tpu.memory_space<vmem_shared>>) target_semaphore(%run_scoped3A_367 : memref<!tpu.dma_semaphore, #tpu.memory_space<semaphore_mem>>)
      %dma_wait3A_380 = arith.constant 0 : i32
      %dma_wait3A_381 = arith.constant 0 : i32
      %dma_wait3A_382 = tpu.memref_slice %arg8[%run_scoped3A_15, %dma_wait3A_380, %dma_wait3A_381] : memref<4x64x128xf32, #tpu.memory_space<vmem>> -> memref<1x64x128xf32, #tpu.memory_space<vmem>>
      %dma_wait3A_383 = tpu.memref_squeeze %dma_wait3A_382 : memref<1x64x128xf32, #tpu.memory_space<vmem>> -> memref<64x128xf32, #tpu.memory_space<vmem>>
      %dma_wait3A_384 = arith.constant 0 : i32
      %dma_wait3A_385 = tpu.memref_slice %arg9[%add3A_14, %dma_wait3A_384] : memref<10240x128xf32, #tpu.memory_space<vmem_shared>> -> memref<64x128xf32, #tpu.memory_space<vmem_shared>>
      %dma_wait3A_386 = arith.constant 0 : i32
      %dma_wait3A_387 = tpu.memref_slice %arg9[%add3A_14, %dma_wait3A_386] : memref<10240x128xf32, #tpu.memory_space<vmem_shared>> -> memref<64x128xf32, #tpu.memory_space<vmem_shared>>
      %dma_wait3A_388 = arith.constant 0 : i32
      %dma_wait3A_389 = arith.constant 0 : i32
      %dma_wait3A_390 = tpu.memref_slice %arg8[%run_scoped3A_15, %dma_wait3A_388, %dma_wait3A_389] : memref<4x64x128xf32, #tpu.memory_space<vmem>> -> memref<1x64x128xf32, #tpu.memory_space<vmem>>
      %dma_wait3A_391 = tpu.memref_squeeze %dma_wait3A_390 : memref<1x64x128xf32, #tpu.memory_space<vmem>> -> memref<64x128xf32, #tpu.memory_space<vmem>>
      tpu.wait_dma2 semaphore(%run_scoped3A_367 : memref<!tpu.dma_semaphore, #tpu.memory_space<semaphore_mem>>) src(%dma_wait3A_391 : memref<64x128xf32, #tpu.memory_space<vmem>>) dst(%dma_wait3A_387 : memref<64x128xf32, #tpu.memory_space<vmem_shared>>)
      tpu.yield
    }) : () -> ()
    %add3A_16 = arith.constant 192 : i32
    %add3A_17 = arith.addi %mul3A_8, %add3A_16 : i32
    %run_scoped3A_18 = arith.constant 0 : i32
    "tpu.region"() ({
      %run_scoped3A_367 = tpu.sem_alloc : memref<!tpu.dma_semaphore, #tpu.memory_space<semaphore_mem>>
      %dma_start3A_368 = arith.constant 0 : i32
      %dma_start3A_369 = arith.constant 0 : i32
      %dma_start3A_370 = tpu.memref_slice %arg8[%run_scoped3A_18, %dma_start3A_368, %dma_start3A_369] : memref<4x64x128xf32, #tpu.memory_space<vmem>> -> memref<1x64x128xf32, #tpu.memory_space<vmem>>
      %dma_start3A_371 = tpu.memref_squeeze %dma_start3A_370 : memref<1x64x128xf32, #tpu.memory_space<vmem>> -> memref<64x128xf32, #tpu.memory_space<vmem>>
      %dma_start3A_372 = arith.constant 0 : i32
      %dma_start3A_373 = tpu.memref_slice %arg9[%add3A_17, %dma_start3A_372] : memref<10240x128xf32, #tpu.memory_space<vmem_shared>> -> memref<64x128xf32, #tpu.memory_space<vmem_shared>>
      %dma_start3A_374 = arith.constant 0 : i32
      %dma_start3A_375 = tpu.memref_slice %arg9[%add3A_17, %dma_start3A_374] : memref<10240x128xf32, #tpu.memory_space<vmem_shared>> -> memref<64x128xf32, #tpu.memory_space<vmem_shared>>
      %dma_start3A_376 = arith.constant 0 : i32
      %dma_start3A_377 = arith.constant 0 : i32
      %dma_start3A_378 = tpu.memref_slice %arg8[%run_scoped3A_18, %dma_start3A_376, %dma_start3A_377] : memref<4x64x128xf32, #tpu.memory_space<vmem>> -> memref<1x64x128xf32, #tpu.memory_space<vmem>>
      %dma_start3A_379 = tpu.memref_squeeze %dma_start3A_378 : memref<1x64x128xf32, #tpu.memory_space<vmem>> -> memref<64x128xf32, #tpu.memory_space<vmem>>
      tpu.enqueue_dma source(%dma_start3A_379 : memref<64x128xf32, #tpu.memory_space<vmem>>) target(%dma_start3A_375 : memref<64x128xf32, #tpu.memory_space<vmem_shared>>) target_semaphore(%run_scoped3A_367 : memref<!tpu.dma_semaphore, #tpu.memory_space<semaphore_mem>>)
      %dma_wait3A_380 = arith.constant 0 : i32
      %dma_wait3A_381 = arith.constant 0 : i32
      %dma_wait3A_382 = tpu.memref_slice %arg8[%run_scoped3A_18, %dma_wait3A_380, %dma_wait3A_381] : memref<4x64x128xf32, #tpu.memory_space<vmem>> -> memref<1x64x128xf32, #tpu.memory_space<vmem>>
      %dma_wait3A_383 = tpu.memref_squeeze %dma_wait3A_382 : memref<1x64x128xf32, #tpu.memory_space<vmem>> -> memref<64x128xf32, #tpu.memory_space<vmem>>
      %dma_wait3A_384 = arith.constant 0 : i32
      %dma_wait3A_385 = tpu.memref_slice %arg9[%add3A_17, %dma_wait3A_384] : memref<10240x128xf32, #tpu.memory_space<vmem_shared>> -> memref<64x128xf32, #tpu.memory_space<vmem_shared>>
      %dma_wait3A_386 = arith.constant 0 : i32
      %dma_wait3A_387 = tpu.memref_slice %arg9[%add3A_17, %dma_wait3A_386] : memref<10240x128xf32, #tpu.memory_space<vmem_shared>> -> memref<64x128xf32, #tpu.memory_space<vmem_shared>>
      %dma_wait3A_388 = arith.constant 0 : i32
      %dma_wait3A_389 = arith.constant 0 : i32
      %dma_wait3A_390 = tpu.memref_slice %arg8[%run_scoped3A_18, %dma_wait3A_388, %dma_wait3A_389] : memref<4x64x128xf32, #tpu.memory_space<vmem>> -> memref<1x64x128xf32, #tpu.memory_space<vmem>>
      %dma_wait3A_391 = tpu.memref_squeeze %dma_wait3A_390 : memref<1x64x128xf32, #tpu.memory_space<vmem>> -> memref<64x128xf32, #tpu.memory_space<vmem>>
      tpu.wait_dma2 semaphore(%run_scoped3A_367 : memref<!tpu.dma_semaphore, #tpu.memory_space<semaphore_mem>>) src(%dma_wait3A_391 : memref<64x128xf32, #tpu.memory_space<vmem>>) dst(%dma_wait3A_387 : memref<64x128xf32, #tpu.memory_space<vmem_shared>>)
      tpu.yield
    }) : () -> ()
    %add3A_19 = arith.constant 256 : i32
    %add3A_20 = arith.addi %mul3A_8, %add3A_19 : i32
    %run_scoped3A_21 = arith.constant 0 : i32
    "tpu.region"() ({
      %run_scoped3A_367 = tpu.sem_alloc : memref<!tpu.dma_semaphore, #tpu.memory_space<semaphore_mem>>
      %dma_start3A_368 = arith.constant 0 : i32
      %dma_start3A_369 = arith.constant 0 : i32
      %dma_start3A_370 = tpu.memref_slice %arg8[%run_scoped3A_21, %dma_start3A_368, %dma_start3A_369] : memref<4x64x128xf32, #tpu.memory_space<vmem>> -> memref<1x64x128xf32, #tpu.memory_space<vmem>>
      %dma_start3A_371 = tpu.memref_squeeze %dma_start3A_370 : memref<1x64x128xf32, #tpu.memory_space<vmem>> -> memref<64x128xf32, #tpu.memory_space<vmem>>
      %dma_start3A_372 = arith.constant 0 : i32
      %dma_start3A_373 = tpu.memref_slice %arg9[%add3A_20, %dma_start3A_372] : memref<10240x128xf32, #tpu.memory_space<vmem_shared>> -> memref<64x128xf32, #tpu.memory_space<vmem_shared>>
      %dma_start3A_374 = arith.constant 0 : i32
      %dma_start3A_375 = tpu.memref_slice %arg9[%add3A_20, %dma_start3A_374] : memref<10240x128xf32, #tpu.memory_space<vmem_shared>> -> memref<64x128xf32, #tpu.memory_space<vmem_shared>>
      %dma_start3A_376 = arith.constant 0 : i32
      %dma_start3A_377 = arith.constant 0 : i32
      %dma_start3A_378 = tpu.memref_slice %arg8[%run_scoped3A_21, %dma_start3A_376, %dma_start3A_377] : memref<4x64x128xf32, #tpu.memory_space<vmem>> -> memref<1x64x128xf32, #tpu.memory_space<vmem>>
      %dma_start3A_379 = tpu.memref_squeeze %dma_start3A_378 : memref<1x64x128xf32, #tpu.memory_space<vmem>> -> memref<64x128xf32, #tpu.memory_space<vmem>>
      tpu.enqueue_dma source(%dma_start3A_379 : memref<64x128xf32, #tpu.memory_space<vmem>>) target(%dma_start3A_375 : memref<64x128xf32, #tpu.memory_space<vmem_shared>>) target_semaphore(%run_scoped3A_367 : memref<!tpu.dma_semaphore, #tpu.memory_space<semaphore_mem>>)
      %dma_wait3A_380 = arith.constant 0 : i32
      %dma_wait3A_381 = arith.constant 0 : i32
      %dma_wait3A_382 = tpu.memref_slice %arg8[%run_scoped3A_21, %dma_wait3A_380, %dma_wait3A_381] : memref<4x64x128xf32, #tpu.memory_space<vmem>> -> memref<1x64x128xf32, #tpu.memory_space<vmem>>
      %dma_wait3A_383 = tpu.memref_squeeze %dma_wait3A_382 : memref<1x64x128xf32, #tpu.memory_space<vmem>> -> memref<64x128xf32, #tpu.memory_space<vmem>>
      %dma_wait3A_384 = arith.constant 0 : i32
      %dma_wait3A_385 = tpu.memref_slice %arg9[%add3A_20, %dma_wait3A_384] : memref<10240x128xf32, #tpu.memory_space<vmem_shared>> -> memref<64x128xf32, #tpu.memory_space<vmem_shared>>
      %dma_wait3A_386 = arith.constant 0 : i32
      %dma_wait3A_387 = tpu.memref_slice %arg9[%add3A_20, %dma_wait3A_386] : memref<10240x128xf32, #tpu.memory_space<vmem_shared>> -> memref<64x128xf32, #tpu.memory_space<vmem_shared>>
      %dma_wait3A_388 = arith.constant 0 : i32
      %dma_wait3A_389 = arith.constant 0 : i32
      %dma_wait3A_390 = tpu.memref_slice %arg8[%run_scoped3A_21, %dma_wait3A_388, %dma_wait3A_389] : memref<4x64x128xf32, #tpu.memory_space<vmem>> -> memref<1x64x128xf32, #tpu.memory_space<vmem>>
      %dma_wait3A_391 = tpu.memref_squeeze %dma_wait3A_390 : memref<1x64x128xf32, #tpu.memory_space<vmem>> -> memref<64x128xf32, #tpu.memory_space<vmem>>
      tpu.wait_dma2 semaphore(%run_scoped3A_367 : memref<!tpu.dma_semaphore, #tpu.memory_space<semaphore_mem>>) src(%dma_wait3A_391 : memref<64x128xf32, #tpu.memory_space<vmem>>) dst(%dma_wait3A_387 : memref<64x128xf32, #tpu.memory_space<vmem_shared>>)
      tpu.yield
    }) : () -> ()
    %add3A_22 = arith.constant 320 : i32
    %add3A_23 = arith.addi %mul3A_8, %add3A_22 : i32
    %run_scoped3A_24 = arith.constant 0 : i32
    "tpu.region"() ({
      %run_scoped3A_367 = tpu.sem_alloc : memref<!tpu.dma_semaphore, #tpu.memory_space<semaphore_mem>>
      %dma_start3A_368 = arith.constant 0 : i32
      %dma_start3A_369 = arith.constant 0 : i32
      %dma_start3A_370 = tpu.memref_slice %arg8[%run_scoped3A_24, %dma_start3A_368, %dma_start3A_369] : memref<4x64x128xf32, #tpu.memory_space<vmem>> -> memref<1x64x128xf32, #tpu.memory_space<vmem>>
      %dma_start3A_371 = tpu.memref_squeeze %dma_start3A_370 : memref<1x64x128xf32, #tpu.memory_space<vmem>> -> memref<64x128xf32, #tpu.memory_space<vmem>>
      %dma_start3A_372 = arith.constant 0 : i32
      %dma_start3A_373 = tpu.memref_slice %arg9[%add3A_23, %dma_start3A_372] : memref<10240x128xf32, #tpu.memory_space<vmem_shared>> -> memref<64x128xf32, #tpu.memory_space<vmem_shared>>
      %dma_start3A_374 = arith.constant 0 : i32
      %dma_start3A_375 = tpu.memref_slice %arg9[%add3A_23, %dma_start3A_374] : memref<10240x128xf32, #tpu.memory_space<vmem_shared>> -> memref<64x128xf32, #tpu.memory_space<vmem_shared>>
      %dma_start3A_376 = arith.constant 0 : i32
      %dma_start3A_377 = arith.constant 0 : i32
      %dma_start3A_378 = tpu.memref_slice %arg8[%run_scoped3A_24, %dma_start3A_376, %dma_start3A_377] : memref<4x64x128xf32, #tpu.memory_space<vmem>> -> memref<1x64x128xf32, #tpu.memory_space<vmem>>
      %dma_start3A_379 = tpu.memref_squeeze %dma_start3A_378 : memref<1x64x128xf32, #tpu.memory_space<vmem>> -> memref<64x128xf32, #tpu.memory_space<vmem>>
      tpu.enqueue_dma source(%dma_start3A_379 : memref<64x128xf32, #tpu.memory_space<vmem>>) target(%dma_start3A_375 : memref<64x128xf32, #tpu.memory_space<vmem_shared>>) target_semaphore(%run_scoped3A_367 : memref<!tpu.dma_semaphore, #tpu.memory_space<semaphore_mem>>)
      %dma_wait3A_380 = arith.constant 0 : i32
      %dma_wait3A_381 = arith.constant 0 : i32
      %dma_wait3A_382 = tpu.memref_slice %arg8[%run_scoped3A_24, %dma_wait3A_380, %dma_wait3A_381] : memref<4x64x128xf32, #tpu.memory_space<vmem>> -> memref<1x64x128xf32, #tpu.memory_space<vmem>>
      %dma_wait3A_383 = tpu.memref_squeeze %dma_wait3A_382 : memref<1x64x128xf32, #tpu.memory_space<vmem>> -> memref<64x128xf32, #tpu.memory_space<vmem>>
      %dma_wait3A_384 = arith.constant 0 : i32
      %dma_wait3A_385 = tpu.memref_slice %arg9[%add3A_23, %dma_wait3A_384] : memref<10240x128xf32, #tpu.memory_space<vmem_shared>> -> memref<64x128xf32, #tpu.memory_space<vmem_shared>>
      %dma_wait3A_386 = arith.constant 0 : i32
      %dma_wait3A_387 = tpu.memref_slice %arg9[%add3A_23, %dma_wait3A_386] : memref<10240x128xf32, #tpu.memory_space<vmem_shared>> -> memref<64x128xf32, #tpu.memory_space<vmem_shared>>
      %dma_wait3A_388 = arith.constant 0 : i32
      %dma_wait3A_389 = arith.constant 0 : i32
      %dma_wait3A_390 = tpu.memref_slice %arg8[%run_scoped3A_24, %dma_wait3A_388, %dma_wait3A_389] : memref<4x64x128xf32, #tpu.memory_space<vmem>> -> memref<1x64x128xf32, #tpu.memory_space<vmem>>
      %dma_wait3A_391 = tpu.memref_squeeze %dma_wait3A_390 : memref<1x64x128xf32, #tpu.memory_space<vmem>> -> memref<64x128xf32, #tpu.memory_space<vmem>>
      tpu.wait_dma2 semaphore(%run_scoped3A_367 : memref<!tpu.dma_semaphore, #tpu.memory_space<semaphore_mem>>) src(%dma_wait3A_391 : memref<64x128xf32, #tpu.memory_space<vmem>>) dst(%dma_wait3A_387 : memref<64x128xf32, #tpu.memory_space<vmem_shared>>)
      tpu.yield
    }) : () -> ()
    %add3A_25 = arith.constant 384 : i32
    %add3A_26 = arith.addi %mul3A_8, %add3A_25 : i32
    %run_scoped3A_27 = arith.constant 0 : i32
    "tpu.region"() ({
      %run_scoped3A_367 = tpu.sem_alloc : memref<!tpu.dma_semaphore, #tpu.memory_space<semaphore_mem>>
      %dma_start3A_368 = arith.constant 0 : i32
      %dma_start3A_369 = arith.constant 0 : i32
      %dma_start3A_370 = tpu.memref_slice %arg8[%run_scoped3A_27, %dma_start3A_368, %dma_start3A_369] : memref<4x64x128xf32, #tpu.memory_space<vmem>> -> memref<1x64x128xf32, #tpu.memory_space<vmem>>
      %dma_start3A_371 = tpu.memref_squeeze %dma_start3A_370 : memref<1x64x128xf32, #tpu.memory_space<vmem>> -> memref<64x128xf32, #tpu.memory_space<vmem>>
      %dma_start3A_372 = arith.constant 0 : i32
      %dma_start3A_373 = tpu.memref_slice %arg9[%add3A_26, %dma_start3A_372] : memref<10240x128xf32, #tpu.memory_space<vmem_shared>> -> memref<64x128xf32, #tpu.memory_space<vmem_shared>>
      %dma_start3A_374 = arith.constant 0 : i32
      %dma_start3A_375 = tpu.memref_slice %arg9[%add3A_26, %dma_start3A_374] : memref<10240x128xf32, #tpu.memory_space<vmem_shared>> -> memref<64x128xf32, #tpu.memory_space<vmem_shared>>
      %dma_start3A_376 = arith.constant 0 : i32
      %dma_start3A_377 = arith.constant 0 : i32
      %dma_start3A_378 = tpu.memref_slice %arg8[%run_scoped3A_27, %dma_start3A_376, %dma_start3A_377] : memref<4x64x128xf32, #tpu.memory_space<vmem>> -> memref<1x64x128xf32, #tpu.memory_space<vmem>>
      %dma_start3A_379 = tpu.memref_squeeze %dma_start3A_378 : memref<1x64x128xf32, #tpu.memory_space<vmem>> -> memref<64x128xf32, #tpu.memory_space<vmem>>
      tpu.enqueue_dma source(%dma_start3A_379 : memref<64x128xf32, #tpu.memory_space<vmem>>) target(%dma_start3A_375 : memref<64x128xf32, #tpu.memory_space<vmem_shared>>) target_semaphore(%run_scoped3A_367 : memref<!tpu.dma_semaphore, #tpu.memory_space<semaphore_mem>>)
      %dma_wait3A_380 = arith.constant 0 : i32
      %dma_wait3A_381 = arith.constant 0 : i32
      %dma_wait3A_382 = tpu.memref_slice %arg8[%run_scoped3A_27, %dma_wait3A_380, %dma_wait3A_381] : memref<4x64x128xf32, #tpu.memory_space<vmem>> -> memref<1x64x128xf32, #tpu.memory_space<vmem>>
      %dma_wait3A_383 = tpu.memref_squeeze %dma_wait3A_382 : memref<1x64x128xf32, #tpu.memory_space<vmem>> -> memref<64x128xf32, #tpu.memory_space<vmem>>
      %dma_wait3A_384 = arith.constant 0 : i32
      %dma_wait3A_385 = tpu.memref_slice %arg9[%add3A_26, %dma_wait3A_384] : memref<10240x128xf32, #tpu.memory_space<vmem_shared>> -> memref<64x128xf32, #tpu.memory_space<vmem_shared>>
      %dma_wait3A_386 = arith.constant 0 : i32
      %dma_wait3A_387 = tpu.memref_slice %arg9[%add3A_26, %dma_wait3A_386] : memref<10240x128xf32, #tpu.memory_space<vmem_shared>> -> memref<64x128xf32, #tpu.memory_space<vmem_shared>>
      %dma_wait3A_388 = arith.constant 0 : i32
      %dma_wait3A_389 = arith.constant 0 : i32
      %dma_wait3A_390 = tpu.memref_slice %arg8[%run_scoped3A_27, %dma_wait3A_388, %dma_wait3A_389] : memref<4x64x128xf32, #tpu.memory_space<vmem>> -> memref<1x64x128xf32, #tpu.memory_space<vmem>>
      %dma_wait3A_391 = tpu.memref_squeeze %dma_wait3A_390 : memref<1x64x128xf32, #tpu.memory_space<vmem>> -> memref<64x128xf32, #tpu.memory_space<vmem>>
      tpu.wait_dma2 semaphore(%run_scoped3A_367 : memref<!tpu.dma_semaphore, #tpu.memory_space<semaphore_mem>>) src(%dma_wait3A_391 : memref<64x128xf32, #tpu.memory_space<vmem>>) dst(%dma_wait3A_387 : memref<64x128xf32, #tpu.memory_space<vmem_shared>>)
      tpu.yield
    }) : () -> ()
    %add3A_28 = arith.constant 448 : i32
    %add3A_29 = arith.addi %mul3A_8, %add3A_28 : i32
    %run_scoped3A_30 = arith.constant 0 : i32
    "tpu.region"() ({
      %run_scoped3A_367 = tpu.sem_alloc : memref<!tpu.dma_semaphore, #tpu.memory_space<semaphore_mem>>
      %dma_start3A_368 = arith.constant 0 : i32
      %dma_start3A_369 = arith.constant 0 : i32
      %dma_start3A_370 = tpu.memref_slice %arg8[%run_scoped3A_30, %dma_start3A_368, %dma_start3A_369] : memref<4x64x128xf32, #tpu.memory_space<vmem>> -> memref<1x64x128xf32, #tpu.memory_space<vmem>>
      %dma_start3A_371 = tpu.memref_squeeze %dma_start3A_370 : memref<1x64x128xf32, #tpu.memory_space<vmem>> -> memref<64x128xf32, #tpu.memory_space<vmem>>
      %dma_start3A_372 = arith.constant 0 : i32
      %dma_start3A_373 = tpu.memref_slice %arg9[%add3A_29, %dma_start3A_372] : memref<10240x128xf32, #tpu.memory_space<vmem_shared>> -> memref<64x128xf32, #tpu.memory_space<vmem_shared>>
      %dma_start3A_374 = arith.constant 0 : i32
      %dma_start3A_375 = tpu.memref_slice %arg9[%add3A_29, %dma_start3A_374] : memref<10240x128xf32, #tpu.memory_space<vmem_shared>> -> memref<64x128xf32, #tpu.memory_space<vmem_shared>>
      %dma_start3A_376 = arith.constant 0 : i32
      %dma_start3A_377 = arith.constant 0 : i32
      %dma_start3A_378 = tpu.memref_slice %arg8[%run_scoped3A_30, %dma_start3A_376, %dma_start3A_377] : memref<4x64x128xf32, #tpu.memory_space<vmem>> -> memref<1x64x128xf32, #tpu.memory_space<vmem>>
      %dma_start3A_379 = tpu.memref_squeeze %dma_start3A_378 : memref<1x64x128xf32, #tpu.memory_space<vmem>> -> memref<64x128xf32, #tpu.memory_space<vmem>>
      tpu.enqueue_dma source(%dma_start3A_379 : memref<64x128xf32, #tpu.memory_space<vmem>>) target(%dma_start3A_375 : memref<64x128xf32, #tpu.memory_space<vmem_shared>>) target_semaphore(%run_scoped3A_367 : memref<!tpu.dma_semaphore, #tpu.memory_space<semaphore_mem>>)
      %dma_wait3A_380 = arith.constant 0 : i32
      %dma_wait3A_381 = arith.constant 0 : i32
      %dma_wait3A_382 = tpu.memref_slice %arg8[%run_scoped3A_30, %dma_wait3A_380, %dma_wait3A_381] : memref<4x64x128xf32, #tpu.memory_space<vmem>> -> memref<1x64x128xf32, #tpu.memory_space<vmem>>
      %dma_wait3A_383 = tpu.memref_squeeze %dma_wait3A_382 : memref<1x64x128xf32, #tpu.memory_space<vmem>> -> memref<64x128xf32, #tpu.memory_space<vmem>>
      %dma_wait3A_384 = arith.constant 0 : i32
      %dma_wait3A_385 = tpu.memref_slice %arg9[%add3A_29, %dma_wait3A_384] : memref<10240x128xf32, #tpu.memory_space<vmem_shared>> -> memref<64x128xf32, #tpu.memory_space<vmem_shared>>
      %dma_wait3A_386 = arith.constant 0 : i32
      %dma_wait3A_387 = tpu.memref_slice %arg9[%add3A_29, %dma_wait3A_386] : memref<10240x128xf32, #tpu.memory_space<vmem_shared>> -> memref<64x128xf32, #tpu.memory_space<vmem_shared>>
      %dma_wait3A_388 = arith.constant 0 : i32
      %dma_wait3A_389 = arith.constant 0 : i32
      %dma_wait3A_390 = tpu.memref_slice %arg8[%run_scoped3A_30, %dma_wait3A_388, %dma_wait3A_389] : memref<4x64x128xf32, #tpu.memory_space<vmem>> -> memref<1x64x128xf32, #tpu.memory_space<vmem>>
      %dma_wait3A_391 = tpu.memref_squeeze %dma_wait3A_390 : memref<1x64x128xf32, #tpu.memory_space<vmem>> -> memref<64x128xf32, #tpu.memory_space<vmem>>
      tpu.wait_dma2 semaphore(%run_scoped3A_367 : memref<!tpu.dma_semaphore, #tpu.memory_space<semaphore_mem>>) src(%dma_wait3A_391 : memref<64x128xf32, #tpu.memory_space<vmem>>) dst(%dma_wait3A_387 : memref<64x128xf32, #tpu.memory_space<vmem_shared>>)
      tpu.yield
    }) : () -> ()
    %add3A_31 = arith.constant 512 : i32
    %add3A_32 = arith.addi %mul3A_8, %add3A_31 : i32
    %run_scoped3A_33 = arith.constant 0 : i32
    "tpu.region"() ({
      %run_scoped3A_367 = tpu.sem_alloc : memref<!tpu.dma_semaphore, #tpu.memory_space<semaphore_mem>>
      %dma_start3A_368 = arith.constant 0 : i32
      %dma_start3A_369 = arith.constant 0 : i32
      %dma_start3A_370 = tpu.memref_slice %arg8[%run_scoped3A_33, %dma_start3A_368, %dma_start3A_369] : memref<4x64x128xf32, #tpu.memory_space<vmem>> -> memref<1x64x128xf32, #tpu.memory_space<vmem>>
      %dma_start3A_371 = tpu.memref_squeeze %dma_start3A_370 : memref<1x64x128xf32, #tpu.memory_space<vmem>> -> memref<64x128xf32, #tpu.memory_space<vmem>>
      %dma_start3A_372 = arith.constant 0 : i32
      %dma_start3A_373 = tpu.memref_slice %arg9[%add3A_32, %dma_start3A_372] : memref<10240x128xf32, #tpu.memory_space<vmem_shared>> -> memref<64x128xf32, #tpu.memory_space<vmem_shared>>
      %dma_start3A_374 = arith.constant 0 : i32
      %dma_start3A_375 = tpu.memref_slice %arg9[%add3A_32, %dma_start3A_374] : memref<10240x128xf32, #tpu.memory_space<vmem_shared>> -> memref<64x128xf32, #tpu.memory_space<vmem_shared>>
      %dma_start3A_376 = arith.constant 0 : i32
      %dma_start3A_377 = arith.constant 0 : i32
      %dma_start3A_378 = tpu.memref_slice %arg8[%run_scoped3A_33, %dma_start3A_376, %dma_start3A_377] : memref<4x64x128xf32, #tpu.memory_space<vmem>> -> memref<1x64x128xf32, #tpu.memory_space<vmem>>
      %dma_start3A_379 = tpu.memref_squeeze %dma_start3A_378 : memref<1x64x128xf32, #tpu.memory_space<vmem>> -> memref<64x128xf32, #tpu.memory_space<vmem>>
      tpu.enqueue_dma source(%dma_start3A_379 : memref<64x128xf32, #tpu.memory_space<vmem>>) target(%dma_start3A_375 : memref<64x128xf32, #tpu.memory_space<vmem_shared>>) target_semaphore(%run_scoped3A_367 : memref<!tpu.dma_semaphore, #tpu.memory_space<semaphore_mem>>)
      %dma_wait3A_380 = arith.constant 0 : i32
      %dma_wait3A_381 = arith.constant 0 : i32
      %dma_wait3A_382 = tpu.memref_slice %arg8[%run_scoped3A_33, %dma_wait3A_380, %dma_wait3A_381] : memref<4x64x128xf32, #tpu.memory_space<vmem>> -> memref<1x64x128xf32, #tpu.memory_space<vmem>>
      %dma_wait3A_383 = tpu.memref_squeeze %dma_wait3A_382 : memref<1x64x128xf32, #tpu.memory_space<vmem>> -> memref<64x128xf32, #tpu.memory_space<vmem>>
      %dma_wait3A_384 = arith.constant 0 : i32
      %dma_wait3A_385 = tpu.memref_slice %arg9[%add3A_32, %dma_wait3A_384] : memref<10240x128xf32, #tpu.memory_space<vmem_shared>> -> memref<64x128xf32, #tpu.memory_space<vmem_shared>>
      %dma_wait3A_386 = arith.constant 0 : i32
      %dma_wait3A_387 = tpu.memref_slice %arg9[%add3A_32, %dma_wait3A_386] : memref<10240x128xf32, #tpu.memory_space<vmem_shared>> -> memref<64x128xf32, #tpu.memory_space<vmem_shared>>
      %dma_wait3A_388 = arith.constant 0 : i32
      %dma_wait3A_389 = arith.constant 0 : i32
      %dma_wait3A_390 = tpu.memref_slice %arg8[%run_scoped3A_33, %dma_wait3A_388, %dma_wait3A_389] : memref<4x64x128xf32, #tpu.memory_space<vmem>> -> memref<1x64x128xf32, #tpu.memory_space<vmem>>
      %dma_wait3A_391 = tpu.memref_squeeze %dma_wait3A_390 : memref<1x64x128xf32, #tpu.memory_space<vmem>> -> memref<64x128xf32, #tpu.memory_space<vmem>>
      tpu.wait_dma2 semaphore(%run_scoped3A_367 : memref<!tpu.dma_semaphore, #tpu.memory_space<semaphore_mem>>) src(%dma_wait3A_391 : memref<64x128xf32, #tpu.memory_space<vmem>>) dst(%dma_wait3A_387 : memref<64x128xf32, #tpu.memory_space<vmem_shared>>)
      tpu.yield
    }) : () -> ()
    %add3A_34 = arith.constant 576 : i32
    %add3A_35 = arith.addi %mul3A_8, %add3A_34 : i32
    %run_scoped3A_36 = arith.constant 0 : i32
    "tpu.region"() ({
      %run_scoped3A_367 = tpu.sem_alloc : memref<!tpu.dma_semaphore, #tpu.memory_space<semaphore_mem>>
      %dma_start3A_368 = arith.constant 0 : i32
      %dma_start3A_369 = arith.constant 0 : i32
      %dma_start3A_370 = tpu.memref_slice %arg8[%run_scoped3A_36, %dma_start3A_368, %dma_start3A_369] : memref<4x64x128xf32, #tpu.memory_space<vmem>> -> memref<1x64x128xf32, #tpu.memory_space<vmem>>
      %dma_start3A_371 = tpu.memref_squeeze %dma_start3A_370 : memref<1x64x128xf32, #tpu.memory_space<vmem>> -> memref<64x128xf32, #tpu.memory_space<vmem>>
      %dma_start3A_372 = arith.constant 0 : i32
      %dma_start3A_373 = tpu.memref_slice %arg9[%add3A_35, %dma_start3A_372] : memref<10240x128xf32, #tpu.memory_space<vmem_shared>> -> memref<64x128xf32, #tpu.memory_space<vmem_shared>>
      %dma_start3A_374 = arith.constant 0 : i32
      %dma_start3A_375 = tpu.memref_slice %arg9[%add3A_35, %dma_start3A_374] : memref<10240x128xf32, #tpu.memory_space<vmem_shared>> -> memref<64x128xf32, #tpu.memory_space<vmem_shared>>
      %dma_start3A_376 = arith.constant 0 : i32
      %dma_start3A_377 = arith.constant 0 : i32
      %dma_start3A_378 = tpu.memref_slice %arg8[%run_scoped3A_36, %dma_start3A_376, %dma_start3A_377] : memref<4x64x128xf32, #tpu.memory_space<vmem>> -> memref<1x64x128xf32, #tpu.memory_space<vmem>>
      %dma_start3A_379 = tpu.memref_squeeze %dma_start3A_378 : memref<1x64x128xf32, #tpu.memory_space<vmem>> -> memref<64x128xf32, #tpu.memory_space<vmem>>
      tpu.enqueue_dma source(%dma_start3A_379 : memref<64x128xf32, #tpu.memory_space<vmem>>) target(%dma_start3A_375 : memref<64x128xf32, #tpu.memory_space<vmem_shared>>) target_semaphore(%run_scoped3A_367 : memref<!tpu.dma_semaphore, #tpu.memory_space<semaphore_mem>>)
      %dma_wait3A_380 = arith.constant 0 : i32
      %dma_wait3A_381 = arith.constant 0 : i32
      %dma_wait3A_382 = tpu.memref_slice %arg8[%run_scoped3A_36, %dma_wait3A_380, %dma_wait3A_381] : memref<4x64x128xf32, #tpu.memory_space<vmem>> -> memref<1x64x128xf32, #tpu.memory_space<vmem>>
      %dma_wait3A_383 = tpu.memref_squeeze %dma_wait3A_382 : memref<1x64x128xf32, #tpu.memory_space<vmem>> -> memref<64x128xf32, #tpu.memory_space<vmem>>
      %dma_wait3A_384 = arith.constant 0 : i32
      %dma_wait3A_385 = tpu.memref_slice %arg9[%add3A_35, %dma_wait3A_384] : memref<10240x128xf32, #tpu.memory_space<vmem_shared>> -> memref<64x128xf32, #tpu.memory_space<vmem_shared>>
      %dma_wait3A_386 = arith.constant 0 : i32
      %dma_wait3A_387 = tpu.memref_slice %arg9[%add3A_35, %dma_wait3A_386] : memref<10240x128xf32, #tpu.memory_space<vmem_shared>> -> memref<64x128xf32, #tpu.memory_space<vmem_shared>>
      %dma_wait3A_388 = arith.constant 0 : i32
      %dma_wait3A_389 = arith.constant 0 : i32
      %dma_wait3A_390 = tpu.memref_slice %arg8[%run_scoped3A_36, %dma_wait3A_388, %dma_wait3A_389] : memref<4x64x128xf32, #tpu.memory_space<vmem>> -> memref<1x64x128xf32, #tpu.memory_space<vmem>>
      %dma_wait3A_391 = tpu.memref_squeeze %dma_wait3A_390 : memref<1x64x128xf32, #tpu.memory_space<vmem>> -> memref<64x128xf32, #tpu.memory_space<vmem>>
      tpu.wait_dma2 semaphore(%run_scoped3A_367 : memref<!tpu.dma_semaphore, #tpu.memory_space<semaphore_mem>>) src(%dma_wait3A_391 : memref<64x128xf32, #tpu.memory_space<vmem>>) dst(%dma_wait3A_387 : memref<64x128xf32, #tpu.memory_space<vmem_shared>>)
      tpu.yield
    }) : () -> ()
    %barrier3A = arith.constant 0 : index
    tpu.barrier barrier_id(%barrier3A)
    %get3A = arith.constant 0 : i32
    %get3A_37 = arith.index_cast %get3A : i32 to index
    %get3A_38 = arith.constant 0 : index
    %get3A_39 = tpu.vector_load %arg5[%get3A_37, %get3A_38] {strides = array<i32>} : memref<40x128xi32, #tpu.memory_space<vmem>>, vector<1x16xi32>,
    %get3A_40 = vector.shape_cast %get3A_39 : vector<1x16xi32> to vector<16xi32>
    %and3A = arith.constant 65535 : i32
    %and3A_41 = vector.broadcast %and3A : i32 to vector<16xi32>
    %and3A_42 = arith.andi %get3A_40, %and3A_41 : vector<16xi32>
    %swap3A = arith.constant 0 : i32
    %swap3A_43 = arith.index_cast %swap3A : i32 to index
    %swap3A_44 = arith.constant 0 : index
    %swap3A_45 = tpu.vector_load %arg6[%swap3A_43, %swap3A_44] {strides = array<i32>} : memref<8x64xi32, #tpu.memory_space<vmem>>, vector<1x16xi32>,
    %swap3A_46 = vector.shape_cast %swap3A_45 : vector<1x16xi32> to vector<16xi32>
    %swap3A_47 = vector.shape_cast %and3A_42 : vector<16xi32> to vector<1x16xi32>
    tpu.vector_store %arg6[%swap3A_43, %swap3A_44], %swap3A_47 {strides = array<i32>} : memref<8x64xi32, #tpu.memory_space<vmem>>, vector<1x16xi32>,
    %shift_right_arithmetic3A = arith.constant 16 : i32
    %shift_right_arithmetic3A_48 = vector.broadcast %shift_right_arithmetic3A : i32 to vector<16xi32>
    %shift_right_arithmetic3A_49 = arith.shrsi %get3A_40, %shift_right_arithmetic3A_48 : vector<16xi32>
    %swap3A_50 = arith.constant 0 : i32
    %swap3A_51 = arith.index_cast %swap3A_50 : i32 to index
    %swap3A_52 = arith.constant 0 : index
    %swap3A_53 = tpu.vector_load %arg7[%swap3A_51, %swap3A_52] {strides = array<i32>} : memref<8x64xi32, #tpu.memory_space<vmem>>, vector<1x16xi32>,
    %swap3A_54 = vector.shape_cast %swap3A_53 : vector<1x16xi32> to vector<16xi32>
    %swap3A_55 = vector.shape_cast %shift_right_arithmetic3A_49 : vector<16xi32> to vector<1x16xi32>
    tpu.vector_store %arg7[%swap3A_51, %swap3A_52], %swap3A_55 {strides = array<i32>} : memref<8x64xi32, #tpu.memory_space<vmem>>, vector<1x16xi32>,
    %get3A_56 = arith.constant 0 : i32
    %get3A_57 = arith.index_cast %get3A_56 : i32 to index
    %get3A_58 = arith.constant 16 : index
    %get3A_59 = tpu.vector_load %arg5[%get3A_57, %get3A_58] {strides = array<i32>} : memref<40x128xi32, #tpu.memory_space<vmem>>, vector<1x16xi32>,
    %get3A_60 = vector.shape_cast %get3A_59 : vector<1x16xi32> to vector<16xi32>
    %and3A_61 = arith.constant 65535 : i32
    %and3A_62 = vector.broadcast %and3A_61 : i32 to vector<16xi32>
    %and3A_63 = arith.andi %get3A_60, %and3A_62 : vector<16xi32>
    %swap3A_64 = arith.constant 0 : i32
    %swap3A_65 = arith.index_cast %swap3A_64 : i32 to index
    %swap3A_66 = arith.constant 16 : index
    %swap3A_67 = tpu.vector_load %arg6[%swap3A_65, %swap3A_66] {strides = array<i32>} : memref<8x64xi32, #tpu.memory_space<vmem>>, vector<1x16xi32>,
    %swap3A_68 = vector.shape_cast %swap3A_67 : vector<1x16xi32> to vector<16xi32>
    %swap3A_69 = vector.shape_cast %and3A_63 : vector<16xi32> to vector<1x16xi32>
    tpu.vector_store %arg6[%swap3A_65, %swap3A_66], %swap3A_69 {strides = array<i32>} : memref<8x64xi32, #tpu.memory_space<vmem>>, vector<1x16xi32>,
    %shift_right_arithmetic3A_70 = arith.constant 16 : i32
    %shift_right_arithmetic3A_71 = vector.broadcast %shift_right_arithmetic3A_70 : i32 to vector<16xi32>
    %shift_right_arithmetic3A_72 = arith.shrsi %get3A_60, %shift_right_arithmetic3A_71 : vector<16xi32>
    %swap3A_73 = arith.constant 0 : i32
    %swap3A_74 = arith.index_cast %swap3A_73 : i32 to index
    %swap3A_75 = arith.constant 16 : index
    %swap3A_76 = tpu.vector_load %arg7[%swap3A_74, %swap3A_75] {strides = array<i32>} : memref<8x64xi32, #tpu.memory_space<vmem>>, vector<1x16xi32>,
    %swap3A_77 = vector.shape_cast %swap3A_76 : vector<1x16xi32> to vector<16xi32>
    %swap3A_78 = vector.shape_cast %shift_right_arithmetic3A_72 : vector<16xi32> to vector<1x16xi32>
    tpu.vector_store %arg7[%swap3A_74, %swap3A_75], %swap3A_78 {strides = array<i32>} : memref<8x64xi32, #tpu.memory_space<vmem>>, vector<1x16xi32>,
    %get3A_79 = arith.constant 0 : i32
    %get3A_80 = arith.index_cast %get3A_79 : i32 to index
    %get3A_81 = arith.constant 32 : index
    %get3A_82 = tpu.vector_load %arg5[%get3A_80, %get3A_81] {strides = array<i32>} : memref<40x128xi32, #tpu.memory_space<vmem>>, vector<1x16xi32>,
    %get3A_83 = vector.shape_cast %get3A_82 : vector<1x16xi32> to vector<16xi32>
    %and3A_84 = arith.constant 65535 : i32
    %and3A_85 = vector.broadcast %and3A_84 : i32 to vector<16xi32>
    %and3A_86 = arith.andi %get3A_83, %and3A_85 : vector<16xi32>
    %swap3A_87 = arith.constant 0 : i32
    %swap3A_88 = arith.index_cast %swap3A_87 : i32 to index
    %swap3A_89 = arith.constant 32 : index
    %swap3A_90 = tpu.vector_load %arg6[%swap3A_88, %swap3A_89] {strides = array<i32>} : memref<8x64xi32, #tpu.memory_space<vmem>>, vector<1x16xi32>,
    %swap3A_91 = vector.shape_cast %swap3A_90 : vector<1x16xi32> to vector<16xi32>
    %swap3A_92 = vector.shape_cast %and3A_86 : vector<16xi32> to vector<1x16xi32>
    tpu.vector_store %arg6[%swap3A_88, %swap3A_89], %swap3A_92 {strides = array<i32>} : memref<8x64xi32, #tpu.memory_space<vmem>>, vector<1x16xi32>,
    %shift_right_arithmetic3A_93 = arith.constant 16 : i32
    %shift_right_arithmetic3A_94 = vector.broadcast %shift_right_arithmetic3A_93 : i32 to vector<16xi32>
    %shift_right_arithmetic3A_95 = arith.shrsi %get3A_83, %shift_right_arithmetic3A_94 : vector<16xi32>
    %swap3A_96 = arith.constant 0 : i32
    %swap3A_97 = arith.index_cast %swap3A_96 : i32 to index
    %swap3A_98 = arith.constant 32 : index
    %swap3A_99 = tpu.vector_load %arg7[%swap3A_97, %swap3A_98] {strides = array<i32>} : memref<8x64xi32, #tpu.memory_space<vmem>>, vector<1x16xi32>,
    %swap3A_100 = vector.shape_cast %swap3A_99 : vector<1x16xi32> to vector<16xi32>
    %swap3A_101 = vector.shape_cast %shift_right_arithmetic3A_95 : vector<16xi32> to vector<1x16xi32>
    tpu.vector_store %arg7[%swap3A_97, %swap3A_98], %swap3A_101 {strides = array<i32>} : memref<8x64xi32, #tpu.memory_space<vmem>>, vector<1x16xi32>,
    %get3A_102 = arith.constant 0 : i32
    %get3A_103 = arith.index_cast %get3A_102 : i32 to index
    %get3A_104 = arith.constant 48 : index
    %get3A_105 = tpu.vector_load %arg5[%get3A_103, %get3A_104] {strides = array<i32>} : memref<40x128xi32, #tpu.memory_space<vmem>>, vector<1x16xi32>,
    %get3A_106 = vector.shape_cast %get3A_105 : vector<1x16xi32> to vector<16xi32>
    %and3A_107 = arith.constant 65535 : i32
    %and3A_108 = vector.broadcast %and3A_107 : i32 to vector<16xi32>
    %and3A_109 = arith.andi %get3A_106, %and3A_108 : vector<16xi32>
    %swap3A_110 = arith.constant 0 : i32
    %swap3A_111 = arith.index_cast %swap3A_110 : i32 to index
    %swap3A_112 = arith.constant 48 : index
    %swap3A_113 = tpu.vector_load %arg6[%swap3A_111, %swap3A_112] {strides = array<i32>} : memref<8x64xi32, #tpu.memory_space<vmem>>, vector<1x16xi32>,
    %swap3A_114 = vector.shape_cast %swap3A_113 : vector<1x16xi32> to vector<16xi32>
    %swap3A_115 = vector.shape_cast %and3A_109 : vector<16xi32> to vector<1x16xi32>
    tpu.vector_store %arg6[%swap3A_111, %swap3A_112], %swap3A_115 {strides = array<i32>} : memref<8x64xi32, #tpu.memory_space<vmem>>, vector<1x16xi32>,
    %shift_right_arithmetic3A_116 = arith.constant 16 : i32
    %shift_right_arithmetic3A_117 = vector.broadcast %shift_right_arithmetic3A_116 : i32 to vector<16xi32>
    %shift_right_arithmetic3A_118 = arith.shrsi %get3A_106, %shift_right_arithmetic3A_117 : vector<16xi32>
    %swap3A_119 = arith.constant 0 : i32
    %swap3A_120 = arith.index_cast %swap3A_119 : i32 to index
    %swap3A_121 = arith.constant 48 : index
    %swap3A_122 = tpu.vector_load %arg7[%swap3A_120, %swap3A_121] {strides = array<i32>} : memref<8x64xi32, #tpu.memory_space<vmem>>, vector<1x16xi32>,
    %swap3A_123 = vector.shape_cast %swap3A_122 : vector<1x16xi32> to vector<16xi32>
    %swap3A_124 = vector.shape_cast %shift_right_arithmetic3A_118 : vector<16xi32> to vector<1x16xi32>
    tpu.vector_store %arg7[%swap3A_120, %swap3A_121], %swap3A_124 {strides = array<i32>} : memref<8x64xi32, #tpu.memory_space<vmem>>, vector<1x16xi32>,
    %dma_start3A = arith.constant 0 : i32
    %dma_start3A_125 = arith.constant 0 : i32
    %dma_start3A_126 = arith.constant 0 : i32
    %dma_start3A_127 = arith.constant 0 : i32
    %dma_start3A_128 = tpu.memref_slice %arg8[%dma_start3A_125, %dma_start3A_126, %dma_start3A_127] : memref<4x64x128xf32, #tpu.memory_space<vmem>> -> memref<1x64x128xf32, #tpu.memory_space<vmem>>
    %dma_start3A_129 = tpu.memref_squeeze %dma_start3A_128 : memref<1x64x128xf32, #tpu.memory_space<vmem>> -> memref<64x128xf32, #tpu.memory_space<vmem>>
    %dma_start3A_130 = arith.constant 0 : i32
    %dma_start3A_131 = tpu.memref_slice %arg6[%dma_start3A, %dma_start3A_130] : memref<8x64xi32, #tpu.memory_space<vmem>> -> memref<1x64xi32, #tpu.memory_space<vmem>>
    %dma_start3A_132 = tpu.memref_squeeze %dma_start3A_131 : memref<1x64xi32, #tpu.memory_space<vmem>> -> memref<64xi32, #tpu.memory_space<vmem>>
    %dma_start3A_133 = arith.constant 0 : i32
    %dma_start3A_134 = arith.constant 0 : i32
    %dma_start3A_135 = tpu.memref_slice %arg3[%dma_start3A_133, %dma_start3A_134] : memref<10240x128xf32, #tpu.memory_space<hbm>> -> memref<10240x128xf32, #tpu.memory_space<hbm>>
    tpu.enqueue_indirect_dma source(%dma_start3A_135 : memref<10240x128xf32, #tpu.memory_space<hbm>>) target(%dma_start3A_129 : memref<64x128xf32, #tpu.memory_space<vmem>>) offsets(%dma_start3A_132 : memref<64xi32, #tpu.memory_space<vmem>>) semaphore(%arg10 : memref<!tpu.dma_semaphore, #tpu.memory_space<semaphore_mem>>)
    %get3A_136 = arith.constant 0 : i32
    %get3A_137 = arith.index_cast %get3A_136 : i32 to index
    %get3A_138 = arith.constant 64 : index
    %get3A_139 = tpu.vector_load %arg5[%get3A_137, %get3A_138] {strides = array<i32>} : memref<40x128xi32, #tpu.memory_space<vmem>>, vector<1x16xi32>,
    %get3A_140 = vector.shape_cast %get3A_139 : vector<1x16xi32> to vector<16xi32>
    %and3A_141 = arith.constant 65535 : i32
    %and3A_142 = vector.broadcast %and3A_141 : i32 to vector<16xi32>
    %and3A_143 = arith.andi %get3A_140, %and3A_142 : vector<16xi32>
    %swap3A_144 = arith.constant 1 : i32
    %swap3A_145 = arith.index_cast %swap3A_144 : i32 to index
    %swap3A_146 = arith.constant 0 : index
    %swap3A_147 = tpu.vector_load %arg6[%swap3A_145, %swap3A_146] {strides = array<i32>} : memref<8x64xi32, #tpu.memory_space<vmem>>, vector<1x16xi32>,
    %swap3A_148 = vector.shape_cast %swap3A_147 : vector<1x16xi32> to vector<16xi32>
    %swap3A_149 = vector.shape_cast %and3A_143 : vector<16xi32> to vector<1x16xi32>
    tpu.vector_store %arg6[%swap3A_145, %swap3A_146], %swap3A_149 {strides = array<i32>} : memref<8x64xi32, #tpu.memory_space<vmem>>, vector<1x16xi32>,
    %shift_right_arithmetic3A_150 = arith.constant 16 : i32
    %shift_right_arithmetic3A_151 = vector.broadcast %shift_right_arithmetic3A_150 : i32 to vector<16xi32>
    %shift_right_arithmetic3A_152 = arith.shrsi %get3A_140, %shift_right_arithmetic3A_151 : vector<16xi32>
    %swap3A_153 = arith.constant 1 : i32
    %swap3A_154 = arith.index_cast %swap3A_153 : i32 to index
    %swap3A_155 = arith.constant 0 : index
    %swap3A_156 = tpu.vector_load %arg7[%swap3A_154, %swap3A_155] {strides = array<i32>} : memref<8x64xi32, #tpu.memory_space<vmem>>, vector<1x16xi32>,
    %swap3A_157 = vector.shape_cast %swap3A_156 : vector<1x16xi32> to vector<16xi32>
    %swap3A_158 = vector.shape_cast %shift_right_arithmetic3A_152 : vector<16xi32> to vector<1x16xi32>
    tpu.vector_store %arg7[%swap3A_154, %swap3A_155], %swap3A_158 {strides = array<i32>} : memref<8x64xi32, #tpu.memory_space<vmem>>, vector<1x16xi32>,
    %get3A_159 = arith.constant 0 : i32
    %get3A_160 = arith.index_cast %get3A_159 : i32 to index
    %get3A_161 = arith.constant 80 : index
    %get3A_162 = tpu.vector_load %arg5[%get3A_160, %get3A_161] {strides = array<i32>} : memref<40x128xi32, #tpu.memory_space<vmem>>, vector<1x16xi32>,
    %get3A_163 = vector.shape_cast %get3A_162 : vector<1x16xi32> to vector<16xi32>
    %and3A_164 = arith.constant 65535 : i32
    %and3A_165 = vector.broadcast %and3A_164 : i32 to vector<16xi32>
    %and3A_166 = arith.andi %get3A_163, %and3A_165 : vector<16xi32>
    %swap3A_167 = arith.constant 1 : i32
    %swap3A_168 = arith.index_cast %swap3A_167 : i32 to index
    %swap3A_169 = arith.constant 16 : index
    %swap3A_170 = tpu.vector_load %arg6[%swap3A_168, %swap3A_169] {strides = array<i32>} : memref<8x64xi32, #tpu.memory_space<vmem>>, vector<1x16xi32>,
    %swap3A_171 = vector.shape_cast %swap3A_170 : vector<1x16xi32> to vector<16xi32>
    %swap3A_172 = vector.shape_cast %and3A_166 : vector<16xi32> to vector<1x16xi32>
    tpu.vector_store %arg6[%swap3A_168, %swap3A_169], %swap3A_172 {strides = array<i32>} : memref<8x64xi32, #tpu.memory_space<vmem>>, vector<1x16xi32>,
    %shift_right_arithmetic3A_173 = arith.constant 16 : i32
    %shift_right_arithmetic3A_174 = vector.broadcast %shift_right_arithmetic3A_173 : i32 to vector<16xi32>
    %shift_right_arithmetic3A_175 = arith.shrsi %get3A_163, %shift_right_arithmetic3A_174 : vector<16xi32>
    %swap3A_176 = arith.constant 1 : i32
    %swap3A_177 = arith.index_cast %swap3A_176 : i32 to index
    %swap3A_178 = arith.constant 16 : index
    %swap3A_179 = tpu.vector_load %arg7[%swap3A_177, %swap3A_178] {strides = array<i32>} : memref<8x64xi32, #tpu.memory_space<vmem>>, vector<1x16xi32>,
    %swap3A_180 = vector.shape_cast %swap3A_179 : vector<1x16xi32> to vector<16xi32>
    %swap3A_181 = vector.shape_cast %shift_right_arithmetic3A_175 : vector<16xi32> to vector<1x16xi32>
    tpu.vector_store %arg7[%swap3A_177, %swap3A_178], %swap3A_181 {strides = array<i32>} : memref<8x64xi32, #tpu.memory_space<vmem>>, vector<1x16xi32>,
    %get3A_182 = arith.constant 0 : i32
    %get3A_183 = arith.index_cast %get3A_182 : i32 to index
    %get3A_184 = arith.constant 96 : index
    %get3A_185 = tpu.vector_load %arg5[%get3A_183, %get3A_184] {strides = array<i32>} : memref<40x128xi32, #tpu.memory_space<vmem>>, vector<1x16xi32>,
    %get3A_186 = vector.shape_cast %get3A_185 : vector<1x16xi32> to vector<16xi32>
    %and3A_187 = arith.constant 65535 : i32
    %and3A_188 = vector.broadcast %and3A_187 : i32 to vector<16xi32>
    %and3A_189 = arith.andi %get3A_186, %and3A_188 : vector<16xi32>
    %swap3A_190 = arith.constant 1 : i32
    %swap3A_191 = arith.index_cast %swap3A_190 : i32 to index
    %swap3A_192 = arith.constant 32 : index
    %swap3A_193 = tpu.vector_load %arg6[%swap3A_191, %swap3A_192] {strides = array<i32>} : memref<8x64xi32, #tpu.memory_space<vmem>>, vector<1x16xi32>,
    %swap3A_194 = vector.shape_cast %swap3A_193 : vector<1x16xi32> to vector<16xi32>
    %swap3A_195 = vector.shape_cast %and3A_189 : vector<16xi32> to vector<1x16xi32>
    tpu.vector_store %arg6[%swap3A_191, %swap3A_192], %swap3A_195 {strides = array<i32>} : memref<8x64xi32, #tpu.memory_space<vmem>>, vector<1x16xi32>,
    %shift_right_arithmetic3A_196 = arith.constant 16 : i32
    %shift_right_arithmetic3A_197 = vector.broadcast %shift_right_arithmetic3A_196 : i32 to vector<16xi32>
    %shift_right_arithmetic3A_198 = arith.shrsi %get3A_186, %shift_right_arithmetic3A_197 : vector<16xi32>
    %swap3A_199 = arith.constant 1 : i32
    %swap3A_200 = arith.index_cast %swap3A_199 : i32 to index
    %swap3A_201 = arith.constant 32 : index
    %swap3A_202 = tpu.vector_load %arg7[%swap3A_200, %swap3A_201] {strides = array<i32>} : memref<8x64xi32, #tpu.memory_space<vmem>>, vector<1x16xi32>,
    %swap3A_203 = vector.shape_cast %swap3A_202 : vector<1x16xi32> to vector<16xi32>
    %swap3A_204 = vector.shape_cast %shift_right_arithmetic3A_198 : vector<16xi32> to vector<1x16xi32>
    tpu.vector_store %arg7[%swap3A_200, %swap3A_201], %swap3A_204 {strides = array<i32>} : memref<8x64xi32, #tpu.memory_space<vmem>>, vector<1x16xi32>,
    %get3A_205 = arith.constant 0 : i32
    %get3A_206 = arith.index_cast %get3A_205 : i32 to index
    %get3A_207 = arith.constant 112 : index
    %get3A_208 = tpu.vector_load %arg5[%get3A_206, %get3A_207] {strides = array<i32>} : memref<40x128xi32, #tpu.memory_space<vmem>>, vector<1x16xi32>,
    %get3A_209 = vector.shape_cast %get3A_208 : vector<1x16xi32> to vector<16xi32>
    %and3A_210 = arith.constant 65535 : i32
    %and3A_211 = vector.broadcast %and3A_210 : i32 to vector<16xi32>
    %and3A_212 = arith.andi %get3A_209, %and3A_211 : vector<16xi32>
    %swap3A_213 = arith.constant 1 : i32
    %swap3A_214 = arith.index_cast %swap3A_213 : i32 to index
    %swap3A_215 = arith.constant 48 : index
    %swap3A_216 = tpu.vector_load %arg6[%swap3A_214, %swap3A_215] {strides = array<i32>} : memref<8x64xi32, #tpu.memory_space<vmem>>, vector<1x16xi32>,
    %swap3A_217 = vector.shape_cast %swap3A_216 : vector<1x16xi32> to vector<16xi32>
    %swap3A_218 = vector.shape_cast %and3A_212 : vector<16xi32> to vector<1x16xi32>
    tpu.vector_store %arg6[%swap3A_214, %swap3A_215], %swap3A_218 {strides = array<i32>} : memref<8x64xi32, #tpu.memory_space<vmem>>, vector<1x16xi32>,
    %shift_right_arithmetic3A_219 = arith.constant 16 : i32
    %shift_right_arithmetic3A_220 = vector.broadcast %shift_right_arithmetic3A_219 : i32 to vector<16xi32>
    %shift_right_arithmetic3A_221 = arith.shrsi %get3A_209, %shift_right_arithmetic3A_220 : vector<16xi32>
    %swap3A_222 = arith.constant 1 : i32
    %swap3A_223 = arith.index_cast %swap3A_222 : i32 to index
    %swap3A_224 = arith.constant 48 : index
    %swap3A_225 = tpu.vector_load %arg7[%swap3A_223, %swap3A_224] {strides = array<i32>} : memref<8x64xi32, #tpu.memory_space<vmem>>, vector<1x16xi32>,
    %swap3A_226 = vector.shape_cast %swap3A_225 : vector<1x16xi32> to vector<16xi32>
    %swap3A_227 = vector.shape_cast %shift_right_arithmetic3A_221 : vector<16xi32> to vector<1x16xi32>
    tpu.vector_store %arg7[%swap3A_223, %swap3A_224], %swap3A_227 {strides = array<i32>} : memref<8x64xi32, #tpu.memory_space<vmem>>, vector<1x16xi32>,
    %dma_start3A_228 = arith.constant 1 : i32
    %dma_start3A_229 = arith.constant 1 : i32
    %dma_start3A_230 = arith.constant 0 : i32
    %dma_start3A_231 = arith.constant 0 : i32
    %dma_start3A_232 = tpu.memref_slice %arg8[%dma_start3A_229, %dma_start3A_230, %dma_start3A_231] : memref<4x64x128xf32, #tpu.memory_space<vmem>> -> memref<1x64x128xf32, #tpu.memory_space<vmem>>
    %dma_start3A_233 = tpu.memref_squeeze %dma_start3A_232 : memref<1x64x128xf32, #tpu.memory_space<vmem>> -> memref<64x128xf32, #tpu.memory_space<vmem>>
    %dma_start3A_234 = arith.constant 0 : i32
    %dma_start3A_235 = tpu.memref_slice %arg6[%dma_start3A_228, %dma_start3A_234] : memref<8x64xi32, #tpu.memory_space<vmem>> -> memref<1x64xi32, #tpu.memory_space<vmem>>
    %dma_start3A_236 = tpu.memref_squeeze %dma_start3A_235 : memref<1x64xi32, #tpu.memory_space<vmem>> -> memref<64xi32, #tpu.memory_space<vmem>>
    %dma_start3A_237 = arith.constant 0 : i32
    %dma_start3A_238 = arith.constant 0 : i32
    %dma_start3A_239 = tpu.memref_slice %arg3[%dma_start3A_237, %dma_start3A_238] : memref<10240x128xf32, #tpu.memory_space<hbm>> -> memref<10240x128xf32, #tpu.memory_space<hbm>>
    tpu.enqueue_indirect_dma source(%dma_start3A_239 : memref<10240x128xf32, #tpu.memory_space<hbm>>) target(%dma_start3A_233 : memref<64x128xf32, #tpu.memory_space<vmem>>) offsets(%dma_start3A_236 : memref<64xi32, #tpu.memory_space<vmem>>) semaphore(%arg11 : memref<!tpu.dma_semaphore, #tpu.memory_space<semaphore_mem>>)
    %get3A_240 = arith.constant 1 : i32
    %get3A_241 = arith.index_cast %get3A_240 : i32 to index
    %get3A_242 = arith.constant 0 : index
    %get3A_243 = tpu.vector_load %arg5[%get3A_241, %get3A_242] {strides = array<i32>} : memref<40x128xi32, #tpu.memory_space<vmem>>, vector<1x16xi32>,
    %get3A_244 = vector.shape_cast %get3A_243 : vector<1x16xi32> to vector<16xi32>
    %and3A_245 = arith.constant 65535 : i32
    %and3A_246 = vector.broadcast %and3A_245 : i32 to vector<16xi32>
    %and3A_247 = arith.andi %get3A_244, %and3A_246 : vector<16xi32>
    %swap3A_248 = arith.constant 2 : i32
    %swap3A_249 = arith.index_cast %swap3A_248 : i32 to index
    %swap3A_250 = arith.constant 0 : index
    %swap3A_251 = tpu.vector_load %arg6[%swap3A_249, %swap3A_250] {strides = array<i32>} : memref<8x64xi32, #tpu.memory_space<vmem>>, vector<1x16xi32>,
    %swap3A_252 = vector.shape_cast %swap3A_251 : vector<1x16xi32> to vector<16xi32>
    %swap3A_253 = vector.shape_cast %and3A_247 : vector<16xi32> to vector<1x16xi32>
    tpu.vector_store %arg6[%swap3A_249, %swap3A_250], %swap3A_253 {strides = array<i32>} : memref<8x64xi32, #tpu.memory_space<vmem>>, vector<1x16xi32>,
    %shift_right_arithmetic3A_254 = arith.constant 16 : i32
    %shift_right_arithmetic3A_255 = vector.broadcast %shift_right_arithmetic3A_254 : i32 to vector<16xi32>
    %shift_right_arithmetic3A_256 = arith.shrsi %get3A_244, %shift_right_arithmetic3A_255 : vector<16xi32>
    %swap3A_257 = arith.constant 2 : i32
    %swap3A_258 = arith.index_cast %swap3A_257 : i32 to index
    %swap3A_259 = arith.constant 0 : index
    %swap3A_260 = tpu.vector_load %arg7[%swap3A_258, %swap3A_259] {strides = array<i32>} : memref<8x64xi32, #tpu.memory_space<vmem>>, vector<1x16xi32>,
    %swap3A_261 = vector.shape_cast %swap3A_260 : vector<1x16xi32> to vector<16xi32>
    %swap3A_262 = vector.shape_cast %shift_right_arithmetic3A_256 : vector<16xi32> to vector<1x16xi32>
    tpu.vector_store %arg7[%swap3A_258, %swap3A_259], %swap3A_262 {strides = array<i32>} : memref<8x64xi32, #tpu.memory_space<vmem>>, vector<1x16xi32>,
    %get3A_263 = arith.constant 1 : i32
    %get3A_264 = arith.index_cast %get3A_263 : i32 to index
    %get3A_265 = arith.constant 16 : index
    %get3A_266 = tpu.vector_load %arg5[%get3A_264, %get3A_265] {strides = array<i32>} : memref<40x128xi32, #tpu.memory_space<vmem>>, vector<1x16xi32>,
    %get3A_267 = vector.shape_cast %get3A_266 : vector<1x16xi32> to vector<16xi32>
    %and3A_268 = arith.constant 65535 : i32
    %and3A_269 = vector.broadcast %and3A_268 : i32 to vector<16xi32>
    %and3A_270 = arith.andi %get3A_267, %and3A_269 : vector<16xi32>
    %swap3A_271 = arith.constant 2 : i32
    %swap3A_272 = arith.index_cast %swap3A_271 : i32 to index
    %swap3A_273 = arith.constant 16 : index
    %swap3A_274 = tpu.vector_load %arg6[%swap3A_272, %swap3A_273] {strides = array<i32>} : memref<8x64xi32, #tpu.memory_space<vmem>>, vector<1x16xi32>,
    %swap3A_275 = vector.shape_cast %swap3A_274 : vector<1x16xi32> to vector<16xi32>
    %swap3A_276 = vector.shape_cast %and3A_270 : vector<16xi32> to vector<1x16xi32>
    tpu.vector_store %arg6[%swap3A_272, %swap3A_273], %swap3A_276 {strides = array<i32>} : memref<8x64xi32, #tpu.memory_space<vmem>>, vector<1x16xi32>,
    %shift_right_arithmetic3A_277 = arith.constant 16 : i32
    %shift_right_arithmetic3A_278 = vector.broadcast %shift_right_arithmetic3A_277 : i32 to vector<16xi32>
    %shift_right_arithmetic3A_279 = arith.shrsi %get3A_267, %shift_right_arithmetic3A_278 : vector<16xi32>
    %swap3A_280 = arith.constant 2 : i32
    %swap3A_281 = arith.index_cast %swap3A_280 : i32 to index
    %swap3A_282 = arith.constant 16 : index
    %swap3A_283 = tpu.vector_load %arg7[%swap3A_281, %swap3A_282] {strides = array<i32>} : memref<8x64xi32, #tpu.memory_space<vmem>>, vector<1x16xi32>,
    %swap3A_284 = vector.shape_cast %swap3A_283 : vector<1x16xi32> to vector<16xi32>
    %swap3A_285 = vector.shape_cast %shift_right_arithmetic3A_279 : vector<16xi32> to vector<1x16xi32>
    tpu.vector_store %arg7[%swap3A_281, %swap3A_282], %swap3A_285 {strides = array<i32>} : memref<8x64xi32, #tpu.memory_space<vmem>>, vector<1x16xi32>,
    %get3A_286 = arith.constant 1 : i32
    %get3A_287 = arith.index_cast %get3A_286 : i32 to index
    %get3A_288 = arith.constant 32 : index
    %get3A_289 = tpu.vector_load %arg5[%get3A_287, %get3A_288] {strides = array<i32>} : memref<40x128xi32, #tpu.memory_space<vmem>>, vector<1x16xi32>,
    %get3A_290 = vector.shape_cast %get3A_289 : vector<1x16xi32> to vector<16xi32>
    %and3A_291 = arith.constant 65535 : i32
    %and3A_292 = vector.broadcast %and3A_291 : i32 to vector<16xi32>
    %and3A_293 = arith.andi %get3A_290, %and3A_292 : vector<16xi32>
    %swap3A_294 = arith.constant 2 : i32
    %swap3A_295 = arith.index_cast %swap3A_294 : i32 to index
    %swap3A_296 = arith.constant 32 : index
    %swap3A_297 = tpu.vector_load %arg6[%swap3A_295, %swap3A_296] {strides = array<i32>} : memref<8x64xi32, #tpu.memory_space<vmem>>, vector<1x16xi32>,
    %swap3A_298 = vector.shape_cast %swap3A_297 : vector<1x16xi32> to vector<16xi32>
    %swap3A_299 = vector.shape_cast %and3A_293 : vector<16xi32> to vector<1x16xi32>
    tpu.vector_store %arg6[%swap3A_295, %swap3A_296], %swap3A_299 {strides = array<i32>} : memref<8x64xi32, #tpu.memory_space<vmem>>, vector<1x16xi32>,
    %shift_right_arithmetic3A_300 = arith.constant 16 : i32
    %shift_right_arithmetic3A_301 = vector.broadcast %shift_right_arithmetic3A_300 : i32 to vector<16xi32>
    %shift_right_arithmetic3A_302 = arith.shrsi %get3A_290, %shift_right_arithmetic3A_301 : vector<16xi32>
    %swap3A_303 = arith.constant 2 : i32
    %swap3A_304 = arith.index_cast %swap3A_303 : i32 to index
    %swap3A_305 = arith.constant 32 : index
    %swap3A_306 = tpu.vector_load %arg7[%swap3A_304, %swap3A_305] {strides = array<i32>} : memref<8x64xi32, #tpu.memory_space<vmem>>, vector<1x16xi32>,
    %swap3A_307 = vector.shape_cast %swap3A_306 : vector<1x16xi32> to vector<16xi32>
    %swap3A_308 = vector.shape_cast %shift_right_arithmetic3A_302 : vector<16xi32> to vector<1x16xi32>
    tpu.vector_store %arg7[%swap3A_304, %swap3A_305], %swap3A_308 {strides = array<i32>} : memref<8x64xi32, #tpu.memory_space<vmem>>, vector<1x16xi32>,
    %get3A_309 = arith.constant 1 : i32
    %get3A_310 = arith.index_cast %get3A_309 : i32 to index
    %get3A_311 = arith.constant 48 : index
    %get3A_312 = tpu.vector_load %arg5[%get3A_310, %get3A_311] {strides = array<i32>} : memref<40x128xi32, #tpu.memory_space<vmem>>, vector<1x16xi32>,
    %get3A_313 = vector.shape_cast %get3A_312 : vector<1x16xi32> to vector<16xi32>
    %and3A_314 = arith.constant 65535 : i32
    %and3A_315 = vector.broadcast %and3A_314 : i32 to vector<16xi32>
    %and3A_316 = arith.andi %get3A_313, %and3A_315 : vector<16xi32>
    %swap3A_317 = arith.constant 2 : i32
    %swap3A_318 = arith.index_cast %swap3A_317 : i32 to index
    %swap3A_319 = arith.constant 48 : index
    %swap3A_320 = tpu.vector_load %arg6[%swap3A_318, %swap3A_319] {strides = array<i32>} : memref<8x64xi32, #tpu.memory_space<vmem>>, vector<1x16xi32>,
    %swap3A_321 = vector.shape_cast %swap3A_320 : vector<1x16xi32> to vector<16xi32>
    %swap3A_322 = vector.shape_cast %and3A_316 : vector<16xi32> to vector<1x16xi32>
    tpu.vector_store %arg6[%swap3A_318, %swap3A_319], %swap3A_322 {strides = array<i32>} : memref<8x64xi32, #tpu.memory_space<vmem>>, vector<1x16xi32>,
    %shift_right_arithmetic3A_323 = arith.constant 16 : i32
    %shift_right_arithmetic3A_324 = vector.broadcast %shift_right_arithmetic3A_323 : i32 to vector<16xi32>
    %shift_right_arithmetic3A_325 = arith.shrsi %get3A_313, %shift_right_arithmetic3A_324 : vector<16xi32>
    %swap3A_326 = arith.constant 2 : i32
    %swap3A_327 = arith.index_cast %swap3A_326 : i32 to index
    %swap3A_328 = arith.constant 48 : index
    %swap3A_329 = tpu.vector_load %arg7[%swap3A_327, %swap3A_328] {strides = array<i32>} : memref<8x64xi32, #tpu.memory_space<vmem>>, vector<1x16xi32>,
    %swap3A_330 = vector.shape_cast %swap3A_329 : vector<1x16xi32> to vector<16xi32>
    %swap3A_331 = vector.shape_cast %shift_right_arithmetic3A_325 : vector<16xi32> to vector<1x16xi32>
    tpu.vector_store %arg7[%swap3A_327, %swap3A_328], %swap3A_331 {strides = array<i32>} : memref<8x64xi32, #tpu.memory_space<vmem>>, vector<1x16xi32>,
    %dma_start3A_332 = arith.constant 2 : i32
    %dma_start3A_333 = arith.constant 2 : i32
    %dma_start3A_334 = arith.constant 0 : i32
    %dma_start3A_335 = arith.constant 0 : i32
    %dma_start3A_336 = tpu.memref_slice %arg8[%dma_start3A_333, %dma_start3A_334, %dma_start3A_335] : memref<4x64x128xf32, #tpu.memory_space<vmem>> -> memref<1x64x128xf32, #tpu.memory_space<vmem>>
    %dma_start3A_337 = tpu.memref_squeeze %dma_start3A_336 : memref<1x64x128xf32, #tpu.memory_space<vmem>> -> memref<64x128xf32, #tpu.memory_space<vmem>>
    %dma_start3A_338 = arith.constant 0 : i32
    %dma_start3A_339 = tpu.memref_slice %arg6[%dma_start3A_332, %dma_start3A_338] : memref<8x64xi32, #tpu.memory_space<vmem>> -> memref<1x64xi32, #tpu.memory_space<vmem>>
    %dma_start3A_340 = tpu.memref_squeeze %dma_start3A_339 : memref<1x64xi32, #tpu.memory_space<vmem>> -> memref<64xi32, #tpu.memory_space<vmem>>
    %dma_start3A_341 = arith.constant 0 : i32
    %dma_start3A_342 = arith.constant 0 : i32
    %dma_start3A_343 = tpu.memref_slice %arg3[%dma_start3A_341, %dma_start3A_342] : memref<10240x128xf32, #tpu.memory_space<hbm>> -> memref<10240x128xf32, #tpu.memory_space<hbm>>
    tpu.enqueue_indirect_dma source(%dma_start3A_343 : memref<10240x128xf32, #tpu.memory_space<hbm>>) target(%dma_start3A_337 : memref<64x128xf32, #tpu.memory_space<vmem>>) offsets(%dma_start3A_340 : memref<64xi32, #tpu.memory_space<vmem>>) semaphore(%arg12 : memref<!tpu.dma_semaphore, #tpu.memory_space<semaphore_mem>>)
    %scan3A_344 = arith.constant 0 : i32
    %scan3A_345 = arith.constant 0 : i32
    %scan3A_346 = arith.constant 20 : i32
    %scan3A_347 = arith.addi %scan3A_345, %scan3A_346 : i32
    %scan3A_348 = arith.constant 1 : i32
    %scan3A_349 = scf.for %scan3A_367 = %scan3A_345 to %scan3A_347 step %scan3A_348 iter_args(%scan3A_368 = %scan3A_344) -> (i32)  : i32 {
      %mul3A_369 = arith.constant 4 : i32
      %mul3A_370 = arith.muli %scan3A_367, %mul3A_369 : i32
      %add3A_371 = arith.constant 0 : i32
      %add3A_372 = arith.addi %mul3A_370, %add3A_371 : i32
      %lt3A = arith.constant 80 : i32
      %lt3A_373 = arith.cmpi slt, %add3A_372, %lt3A : i32
      %convert_element_type3A = arith.extui %lt3A_373 : i1 to i32
      %cond3A = arith.constant 0 : i32
      %cond3A_374 = arith.cmpi ne, %convert_element_type3A, %cond3A : i32
      scf.if %cond3A_374 {
        %jit3A = arith.constant 8 : i32
        %eq3A = arith.constant 0 : i32
        %eq3A_397 = arith.cmpi eq, %jit3A, %eq3A : i32
        %jit3A_398 = arith.constant 1 : i32
        %select_n3A = arith.select %eq3A_397, %jit3A_398, %jit3A : i32
        %rem3A = arith.remsi %add3A_372, %select_n3A : i32
        %ne3A = arith.constant 0 : i32
        %ne3A_399 = arith.cmpi ne, %rem3A, %ne3A : i32
        %lt3A_400 = arith.constant 0 : i32
        %lt3A_401 = arith.cmpi slt, %rem3A, %lt3A_400 : i32
        %lt3A_402 = arith.constant 0 : i32
        %lt3A_403 = arith.cmpi slt, %select_n3A, %lt3A_402 : i32
        %ne3A_404 = arith.xori %lt3A_401, %lt3A_403 : i1
        %and3A_405 = arith.andi %ne3A_404, %ne3A_399 : i1
        %add3A_406 = arith.addi %rem3A, %select_n3A : i32
        %select_n3A_407 = arith.select %and3A_405, %add3A_406, %rem3A : i32
        %dma_wait3A_408 = arith.constant 0 : i32
        %dma_wait3A_409 = arith.constant 0 : i32
        %dma_wait3A_410 = arith.constant 0 : i32
        %dma_wait3A_411 = tpu.memref_slice %arg8[%dma_wait3A_408, %dma_wait3A_409, %dma_wait3A_410] : memref<4x64x128xf32, #tpu.memory_space<vmem>> -> memref<1x64x128xf32, #tpu.memory_space<vmem>>
        %dma_wait3A_412 = tpu.memref_squeeze %dma_wait3A_411 : memref<1x64x128xf32, #tpu.memory_space<vmem>> -> memref<64x128xf32, #tpu.memory_space<vmem>>
        %dma_wait3A_413 = arith.constant 0 : i32
        %dma_wait3A_414 = tpu.memref_slice %arg6[%select_n3A_407, %dma_wait3A_413] : memref<8x64xi32, #tpu.memory_space<vmem>> -> memref<1x64xi32, #tpu.memory_space<vmem>>
        %dma_wait3A_415 = tpu.memref_squeeze %dma_wait3A_414 : memref<1x64xi32, #tpu.memory_space<vmem>> -> memref<64xi32, #tpu.memory_space<vmem>>
        %dma_wait3A_416 = arith.constant 0 : i32
        %dma_wait3A_417 = arith.constant 0 : i32
        %dma_wait3A_418 = tpu.memref_slice %arg3[%dma_wait3A_416, %dma_wait3A_417] : memref<10240x128xf32, #tpu.memory_space<hbm>> -> memref<10240x128xf32, #tpu.memory_space<hbm>>
        tpu.wait_indirect_dma semaphore(%arg10 : memref<!tpu.dma_semaphore, #tpu.memory_space<semaphore_mem>>) src(%dma_wait3A_418 : memref<10240x128xf32, #tpu.memory_space<hbm>>) dst(%dma_wait3A_412 : memref<64x128xf32, #tpu.memory_space<vmem>>)
        %ge3A = arith.constant 1 : i32
        %ge3A_419 = arith.cmpi sge, %add3A_372, %ge3A : i32
        %convert_element_type3A_420 = arith.extui %ge3A_419 : i1 to i32
        %cond3A_421 = arith.constant 0 : i32
        %cond3A_422 = arith.cmpi ne, %convert_element_type3A_420, %cond3A_421 : i32
        scf.if %cond3A_422 {
          %sub3A = arith.constant 1 : i32
          %sub3A_457 = arith.subi %add3A_372, %sub3A : i32
          %jit3A_458 = arith.constant 8 : i32
          %eq3A_459 = arith.constant 0 : i32
          %eq3A_460 = arith.cmpi eq, %jit3A_458, %eq3A_459 : i32
          %jit3A_461 = arith.constant 1 : i32
          %select_n3A_462 = arith.select %eq3A_460, %jit3A_461, %jit3A_458 : i32
          %rem3A_463 = arith.remsi %sub3A_457, %select_n3A_462 : i32
          %ne3A_464 = arith.constant 0 : i32
          %ne3A_465 = arith.cmpi ne, %rem3A_463, %ne3A_464 : i32
          %lt3A_466 = arith.constant 0 : i32
          %lt3A_467 = arith.cmpi slt, %rem3A_463, %lt3A_466 : i32
          %lt3A_468 = arith.constant 0 : i32
          %lt3A_469 = arith.cmpi slt, %select_n3A_462, %lt3A_468 : i32
          %ne3A_470 = arith.xori %lt3A_467, %lt3A_469 : i1
          %and3A_471 = arith.andi %ne3A_470, %ne3A_465 : i1
          %add3A_472 = arith.addi %rem3A_463, %select_n3A_462 : i32
          %select_n3A_473 = arith.select %and3A_471, %add3A_472, %rem3A_463 : i32
          %dma_wait3A_474 = arith.constant 3 : i32
          %dma_wait3A_475 = arith.constant 0 : i32
          %dma_wait3A_476 = arith.constant 0 : i32
          %dma_wait3A_477 = tpu.memref_slice %arg8[%dma_wait3A_474, %dma_wait3A_475, %dma_wait3A_476] : memref<4x64x128xf32, #tpu.memory_space<vmem>> -> memref<1x64x128xf32, #tpu.memory_space<vmem>>
          %dma_wait3A_478 = tpu.memref_squeeze %dma_wait3A_477 : memref<1x64x128xf32, #tpu.memory_space<vmem>> -> memref<64x128xf32, #tpu.memory_space<vmem>>
          %dma_wait3A_479 = arith.constant 0 : i32
          %dma_wait3A_480 = tpu.memref_slice %arg7[%select_n3A_473, %dma_wait3A_479] : memref<8x64xi32, #tpu.memory_space<vmem>> -> memref<1x64xi32, #tpu.memory_space<vmem>>
          %dma_wait3A_481 = tpu.memref_squeeze %dma_wait3A_480 : memref<1x64xi32, #tpu.memory_space<vmem>> -> memref<64xi32, #tpu.memory_space<vmem>>
          %dma_wait3A_482 = arith.constant 0 : i32
          %dma_wait3A_483 = arith.constant 0 : i32
          %dma_wait3A_484 = tpu.memref_slice %arg9[%dma_wait3A_482, %dma_wait3A_483] : memref<10240x128xf32, #tpu.memory_space<vmem_shared>> -> memref<10240x128xf32, #tpu.memory_space<vmem_shared>>
          tpu.wait_indirect_dma semaphore(%arg17 : memref<!tpu.dma_semaphore, #tpu.memory_space<semaphore_mem>>) src(%dma_wait3A_478 : memref<64x128xf32, #tpu.memory_space<vmem>>) dst(%dma_wait3A_484 : memref<10240x128xf32, #tpu.memory_space<vmem_shared>>)
        } else {
        }
        %add3A_423 = arith.constant 3 : i32
        %add3A_424 = arith.addi %add3A_372, %add3A_423 : i32
        %lt3A_425 = arith.constant 80 : i32
        %lt3A_426 = arith.cmpi slt, %add3A_424, %lt3A_425 : i32
        %convert_element_type3A_427 = arith.extui %lt3A_426 : i1 to i32
        %cond3A_428 = arith.constant 0 : i32
        %cond3A_429 = arith.cmpi ne, %convert_element_type3A_427, %cond3A_428 : i32
        scf.if %cond3A_429 {
          %add3A_457 = arith.constant 3 : i32
          %add3A_458 = arith.addi %add3A_372, %add3A_457 : i32
          %jit3A_459 = arith.constant 8 : i32
          %eq3A_460 = arith.constant 0 : i32
          %eq3A_461 = arith.cmpi eq, %jit3A_459, %eq3A_460 : i32
          %jit3A_462 = arith.constant 1 : i32
          %select_n3A_463 = arith.select %eq3A_461, %jit3A_462, %jit3A_459 : i32
          %rem3A_464 = arith.remsi %add3A_458, %select_n3A_463 : i32
          %ne3A_465 = arith.constant 0 : i32
          %ne3A_466 = arith.cmpi ne, %rem3A_464, %ne3A_465 : i32
          %lt3A_467 = arith.constant 0 : i32
          %lt3A_468 = arith.cmpi slt, %rem3A_464, %lt3A_467 : i32
          %lt3A_469 = arith.constant 0 : i32
          %lt3A_470 = arith.cmpi slt, %select_n3A_463, %lt3A_469 : i32
          %ne3A_471 = arith.xori %lt3A_468, %lt3A_470 : i1
          %and3A_472 = arith.andi %ne3A_471, %ne3A_466 : i1
          %add3A_473 = arith.addi %rem3A_464, %select_n3A_463 : i32
          %select_n3A_474 = arith.select %and3A_472, %add3A_473, %rem3A_464 : i32
          %jit3A_475 = arith.constant 2 : i32
          %div3A = arith.divsi %add3A_458, %jit3A_475 : i32
          %sign3A = arith.constant 0 : i32
          %sign3A_476 = arith.cmpi sgt, %add3A_458, %sign3A : i32
          %sign3A_477 = arith.extui %sign3A_476 : i1 to i32
          %sign3A_478 = arith.constant 0 : i32
          %sign3A_479 = arith.cmpi slt, %add3A_458, %sign3A_478 : i32
          %sign3A_480 = arith.extui %sign3A_479 : i1 to i32
          %sign3A_481 = arith.subi %sign3A_477, %sign3A_480 : i32
          %sign3A_482 = arith.constant 0 : i32
          %sign3A_483 = arith.cmpi sgt, %jit3A_475, %sign3A_482 : i32
          %sign3A_484 = arith.extui %sign3A_483 : i1 to i32
          %sign3A_485 = arith.constant 0 : i32
          %sign3A_486 = arith.cmpi slt, %jit3A_475, %sign3A_485 : i32
          %sign3A_487 = arith.extui %sign3A_486 : i1 to i32
          %sign3A_488 = arith.subi %sign3A_484, %sign3A_487 : i32
          %ne3A_489 = arith.cmpi ne, %sign3A_481, %sign3A_488 : i32
          %rem3A_490 = arith.remsi %add3A_458, %jit3A_475 : i32
          %ne3A_491 = arith.constant 0 : i32
          %ne3A_492 = arith.cmpi ne, %rem3A_490, %ne3A_491 : i32
          %and3A_493 = arith.andi %ne3A_489, %ne3A_492 : i1
          %sub3A = arith.constant 1 : i32
          %sub3A_494 = arith.subi %div3A, %sub3A : i32
          %select_n3A_495 = arith.select %and3A_493, %sub3A_494, %div3A : i32
          %jit3A_496 = arith.constant 2 : i32
          %eq3A_497 = arith.constant 0 : i32
          %eq3A_498 = arith.cmpi eq, %jit3A_496, %eq3A_497 : i32
          %jit3A_499 = arith.constant 1 : i32
          %select_n3A_500 = arith.select %eq3A_498, %jit3A_499, %jit3A_496 : i32
          %rem3A_501 = arith.remsi %add3A_458, %select_n3A_500 : i32
          %ne3A_502 = arith.constant 0 : i32
          %ne3A_503 = arith.cmpi ne, %rem3A_501, %ne3A_502 : i32
          %lt3A_504 = arith.constant 0 : i32
          %lt3A_505 = arith.cmpi slt, %rem3A_501, %lt3A_504 : i32
          %lt3A_506 = arith.constant 0 : i32
          %lt3A_507 = arith.cmpi slt, %select_n3A_500, %lt3A_506 : i32
          %ne3A_508 = arith.xori %lt3A_505, %lt3A_507 : i1
          %and3A_509 = arith.andi %ne3A_508, %ne3A_503 : i1
          %add3A_510 = arith.addi %rem3A_501, %select_n3A_500 : i32
          %select_n3A_511 = arith.select %and3A_509, %add3A_510, %rem3A_501 : i32
          %mul3A_512 = arith.constant 64 : i32
          %mul3A_513 = arith.muli %select_n3A_511, %mul3A_512 : i32
          %add3A_514 = arith.constant 0 : i32
          %add3A_515 = arith.addi %mul3A_513, %add3A_514 : i32
          %get3A_516 = arith.index_cast %select_n3A_495 : i32 to index
          %get3A_517 = arith.index_cast %add3A_515 : i32 to index
          %get3A_518 = tpu.vector_load %arg5[%get3A_516, %get3A_517] {strides = array<i32>} : memref<40x128xi32, #tpu.memory_space<vmem>>, vector<1x16xi32>,
          %get3A_519 = vector.shape_cast %get3A_518 : vector<1x16xi32> to vector<16xi32>
          %and3A_520 = arith.constant 65535 : i32
          %and3A_521 = vector.broadcast %and3A_520 : i32 to vector<16xi32>
          %and3A_522 = arith.andi %get3A_519, %and3A_521 : vector<16xi32>
          %swap3A_523 = arith.index_cast %select_n3A_474 : i32 to index
          %swap3A_524 = arith.constant 0 : index
          %swap3A_525 = tpu.vector_load %arg6[%swap3A_523, %swap3A_524] {strides = array<i32>} : memref<8x64xi32, #tpu.memory_space<vmem>>, vector<1x16xi32>,
          %swap3A_526 = vector.shape_cast %swap3A_525 : vector<1x16xi32> to vector<16xi32>
          %swap3A_527 = vector.shape_cast %and3A_522 : vector<16xi32> to vector<1x16xi32>
          tpu.vector_store %arg6[%swap3A_523, %swap3A_524], %swap3A_527 {strides = array<i32>} : memref<8x64xi32, #tpu.memory_space<vmem>>, vector<1x16xi32>,
          %shift_right_arithmetic3A_528 = arith.constant 16 : i32
          %shift_right_arithmetic3A_529 = vector.broadcast %shift_right_arithmetic3A_528 : i32 to vector<16xi32>
          %shift_right_arithmetic3A_530 = arith.shrsi %get3A_519, %shift_right_arithmetic3A_529 : vector<16xi32>
          %swap3A_531 = arith.index_cast %select_n3A_474 : i32 to index
          %swap3A_532 = arith.constant 0 : index
          %swap3A_533 = tpu.vector_load %arg7[%swap3A_531, %swap3A_532] {strides = array<i32>} : memref<8x64xi32, #tpu.memory_space<vmem>>, vector<1x16xi32>,
          %swap3A_534 = vector.shape_cast %swap3A_533 : vector<1x16xi32> to vector<16xi32>
          %swap3A_535 = vector.shape_cast %shift_right_arithmetic3A_530 : vector<16xi32> to vector<1x16xi32>
          tpu.vector_store %arg7[%swap3A_531, %swap3A_532], %swap3A_535 {strides = array<i32>} : memref<8x64xi32, #tpu.memory_space<vmem>>, vector<1x16xi32>,
          %add3A_536 = arith.constant 16 : i32
          %add3A_537 = arith.addi %mul3A_513, %add3A_536 : i32
          %get3A_538 = arith.index_cast %select_n3A_495 : i32 to index
          %get3A_539 = arith.index_cast %add3A_537 : i32 to index
          %get3A_540 = tpu.vector_load %arg5[%get3A_538, %get3A_539] {strides = array<i32>} : memref<40x128xi32, #tpu.memory_space<vmem>>, vector<1x16xi32>,
          %get3A_541 = vector.shape_cast %get3A_540 : vector<1x16xi32> to vector<16xi32>
          %and3A_542 = arith.constant 65535 : i32
          %and3A_543 = vector.broadcast %and3A_542 : i32 to vector<16xi32>
          %and3A_544 = arith.andi %get3A_541, %and3A_543 : vector<16xi32>
          %swap3A_545 = arith.index_cast %select_n3A_474 : i32 to index
          %swap3A_546 = arith.constant 16 : index
          %swap3A_547 = tpu.vector_load %arg6[%swap3A_545, %swap3A_546] {strides = array<i32>} : memref<8x64xi32, #tpu.memory_space<vmem>>, vector<1x16xi32>,
          %swap3A_548 = vector.shape_cast %swap3A_547 : vector<1x16xi32> to vector<16xi32>
          %swap3A_549 = vector.shape_cast %and3A_544 : vector<16xi32> to vector<1x16xi32>
          tpu.vector_store %arg6[%swap3A_545, %swap3A_546], %swap3A_549 {strides = array<i32>} : memref<8x64xi32, #tpu.memory_space<vmem>>, vector<1x16xi32>,
          %shift_right_arithmetic3A_550 = arith.constant 16 : i32
          %shift_right_arithmetic3A_551 = vector.broadcast %shift_right_arithmetic3A_550 : i32 to vector<16xi32>
          %shift_right_arithmetic3A_552 = arith.shrsi %get3A_541, %shift_right_arithmetic3A_551 : vector<16xi32>
          %swap3A_553 = arith.index_cast %select_n3A_474 : i32 to index
          %swap3A_554 = arith.constant 16 : index
          %swap3A_555 = tpu.vector_load %arg7[%swap3A_553, %swap3A_554] {strides = array<i32>} : memref<8x64xi32, #tpu.memory_space<vmem>>, vector<1x16xi32>,
          %swap3A_556 = vector.shape_cast %swap3A_555 : vector<1x16xi32> to vector<16xi32>
          %swap3A_557 = vector.shape_cast %shift_right_arithmetic3A_552 : vector<16xi32> to vector<1x16xi32>
          tpu.vector_store %arg7[%swap3A_553, %swap3A_554], %swap3A_557 {strides = array<i32>} : memref<8x64xi32, #tpu.memory_space<vmem>>, vector<1x16xi32>,
          %add3A_558 = arith.constant 32 : i32
          %add3A_559 = arith.addi %mul3A_513, %add3A_558 : i32
          %get3A_560 = arith.index_cast %select_n3A_495 : i32 to index
          %get3A_561 = arith.index_cast %add3A_559 : i32 to index
          %get3A_562 = tpu.vector_load %arg5[%get3A_560, %get3A_561] {strides = array<i32>} : memref<40x128xi32, #tpu.memory_space<vmem>>, vector<1x16xi32>,
          %get3A_563 = vector.shape_cast %get3A_562 : vector<1x16xi32> to vector<16xi32>
          %and3A_564 = arith.constant 65535 : i32
          %and3A_565 = vector.broadcast %and3A_564 : i32 to vector<16xi32>
          %and3A_566 = arith.andi %get3A_563, %and3A_565 : vector<16xi32>
          %swap3A_567 = arith.index_cast %select_n3A_474 : i32 to index
          %swap3A_568 = arith.constant 32 : index
          %swap3A_569 = tpu.vector_load %arg6[%swap3A_567, %swap3A_568] {strides = array<i32>} : memref<8x64xi32, #tpu.memory_space<vmem>>, vector<1x16xi32>,
          %swap3A_570 = vector.shape_cast %swap3A_569 : vector<1x16xi32> to vector<16xi32>
          %swap3A_571 = vector.shape_cast %and3A_566 : vector<16xi32> to vector<1x16xi32>
          tpu.vector_store %arg6[%swap3A_567, %swap3A_568], %swap3A_571 {strides = array<i32>} : memref<8x64xi32, #tpu.memory_space<vmem>>, vector<1x16xi32>,
          %shift_right_arithmetic3A_572 = arith.constant 16 : i32
          %shift_right_arithmetic3A_573 = vector.broadcast %shift_right_arithmetic3A_572 : i32 to vector<16xi32>
          %shift_right_arithmetic3A_574 = arith.shrsi %get3A_563, %shift_right_arithmetic3A_573 : vector<16xi32>
          %swap3A_575 = arith.index_cast %select_n3A_474 : i32 to index
          %swap3A_576 = arith.constant 32 : index
          %swap3A_577 = tpu.vector_load %arg7[%swap3A_575, %swap3A_576] {strides = array<i32>} : memref<8x64xi32, #tpu.memory_space<vmem>>, vector<1x16xi32>,
          %swap3A_578 = vector.shape_cast %swap3A_577 : vector<1x16xi32> to vector<16xi32>
          %swap3A_579 = vector.shape_cast %shift_right_arithmetic3A_574 : vector<16xi32> to vector<1x16xi32>
          tpu.vector_store %arg7[%swap3A_575, %swap3A_576], %swap3A_579 {strides = array<i32>} : memref<8x64xi32, #tpu.memory_space<vmem>>, vector<1x16xi32>,
          %add3A_580 = arith.constant 48 : i32
          %add3A_581 = arith.addi %mul3A_513, %add3A_580 : i32
          %get3A_582 = arith.index_cast %select_n3A_495 : i32 to index
          %get3A_583 = arith.index_cast %add3A_581 : i32 to index
          %get3A_584 = tpu.vector_load %arg5[%get3A_582, %get3A_583] {strides = array<i32>} : memref<40x128xi32, #tpu.memory_space<vmem>>, vector<1x16xi32>,
          %get3A_585 = vector.shape_cast %get3A_584 : vector<1x16xi32> to vector<16xi32>
          %and3A_586 = arith.constant 65535 : i32
          %and3A_587 = vector.broadcast %and3A_586 : i32 to vector<16xi32>
          %and3A_588 = arith.andi %get3A_585, %and3A_587 : vector<16xi32>
          %swap3A_589 = arith.index_cast %select_n3A_474 : i32 to index
          %swap3A_590 = arith.constant 48 : index
          %swap3A_591 = tpu.vector_load %arg6[%swap3A_589, %swap3A_590] {strides = array<i32>} : memref<8x64xi32, #tpu.memory_space<vmem>>, vector<1x16xi32>,
          %swap3A_592 = vector.shape_cast %swap3A_591 : vector<1x16xi32> to vector<16xi32>
          %swap3A_593 = vector.shape_cast %and3A_588 : vector<16xi32> to vector<1x16xi32>
          tpu.vector_store %arg6[%swap3A_589, %swap3A_590], %swap3A_593 {strides = array<i32>} : memref<8x64xi32, #tpu.memory_space<vmem>>, vector<1x16xi32>,
          %shift_right_arithmetic3A_594 = arith.constant 16 : i32
          %shift_right_arithmetic3A_595 = vector.broadcast %shift_right_arithmetic3A_594 : i32 to vector<16xi32>
          %shift_right_arithmetic3A_596 = arith.shrsi %get3A_585, %shift_right_arithmetic3A_595 : vector<16xi32>
          %swap3A_597 = arith.index_cast %select_n3A_474 : i32 to index
          %swap3A_598 = arith.constant 48 : index
          %swap3A_599 = tpu.vector_load %arg7[%swap3A_597, %swap3A_598] {strides = array<i32>} : memref<8x64xi32, #tpu.memory_space<vmem>>, vector<1x16xi32>,
          %swap3A_600 = vector.shape_cast %swap3A_599 : vector<1x16xi32> to vector<16xi32>
          %swap3A_601 = vector.shape_cast %shift_right_arithmetic3A_596 : vector<16xi32> to vector<1x16xi32>
          tpu.vector_store %arg7[%swap3A_597, %swap3A_598], %swap3A_601 {strides = array<i32>} : memref<8x64xi32, #tpu.memory_space<vmem>>, vector<1x16xi32>,
          %add3A_602 = arith.constant 3 : i32
          %add3A_603 = arith.addi %add3A_372, %add3A_602 : i32
          %jit3A_604 = arith.constant 8 : i32
          %eq3A_605 = arith.constant 0 : i32
          %eq3A_606 = arith.cmpi eq, %jit3A_604, %eq3A_605 : i32
          %jit3A_607 = arith.constant 1 : i32
          %select_n3A_608 = arith.select %eq3A_606, %jit3A_607, %jit3A_604 : i32
          %rem3A_609 = arith.remsi %add3A_603, %select_n3A_608 : i32
          %ne3A_610 = arith.constant 0 : i32
          %ne3A_611 = arith.cmpi ne, %rem3A_609, %ne3A_610 : i32
          %lt3A_612 = arith.constant 0 : i32
          %lt3A_613 = arith.cmpi slt, %rem3A_609, %lt3A_612 : i32
          %lt3A_614 = arith.constant 0 : i32
          %lt3A_615 = arith.cmpi slt, %select_n3A_608, %lt3A_614 : i32
          %ne3A_616 = arith.xori %lt3A_613, %lt3A_615 : i1
          %and3A_617 = arith.andi %ne3A_616, %ne3A_611 : i1
          %add3A_618 = arith.addi %rem3A_609, %select_n3A_608 : i32
          %select_n3A_619 = arith.select %and3A_617, %add3A_618, %rem3A_609 : i32
          %dma_start3A_620 = arith.constant 3 : i32
          %dma_start3A_621 = arith.constant 0 : i32
          %dma_start3A_622 = arith.constant 0 : i32
          %dma_start3A_623 = tpu.memref_slice %arg8[%dma_start3A_620, %dma_start3A_621, %dma_start3A_622] : memref<4x64x128xf32, #tpu.memory_space<vmem>> -> memref<1x64x128xf32, #tpu.memory_space<vmem>>
          %dma_start3A_624 = tpu.memref_squeeze %dma_start3A_623 : memref<1x64x128xf32, #tpu.memory_space<vmem>> -> memref<64x128xf32, #tpu.memory_space<vmem>>
          %dma_start3A_625 = arith.constant 0 : i32
          %dma_start3A_626 = tpu.memref_slice %arg6[%select_n3A_619, %dma_start3A_625] : memref<8x64xi32, #tpu.memory_space<vmem>> -> memref<1x64xi32, #tpu.memory_space<vmem>>
          %dma_start3A_627 = tpu.memref_squeeze %dma_start3A_626 : memref<1x64xi32, #tpu.memory_space<vmem>> -> memref<64xi32, #tpu.memory_space<vmem>>
          %dma_start3A_628 = arith.constant 0 : i32
          %dma_start3A_629 = arith.constant 0 : i32
          %dma_start3A_630 = tpu.memref_slice %arg3[%dma_start3A_628, %dma_start3A_629] : memref<10240x128xf32, #tpu.memory_space<hbm>> -> memref<10240x128xf32, #tpu.memory_space<hbm>>
          tpu.enqueue_indirect_dma source(%dma_start3A_630 : memref<10240x128xf32, #tpu.memory_space<hbm>>) target(%dma_start3A_624 : memref<64x128xf32, #tpu.memory_space<vmem>>) offsets(%dma_start3A_627 : memref<64xi32, #tpu.memory_space<vmem>>) semaphore(%arg13 : memref<!tpu.dma_semaphore, #tpu.memory_space<semaphore_mem>>)
        } else {
        }
        %jit3A_430 = arith.constant 8 : i32
        %eq3A_431 = arith.constant 0 : i32
        %eq3A_432 = arith.cmpi eq, %jit3A_430, %eq3A_431 : i32
        %jit3A_433 = arith.constant 1 : i32
        %select_n3A_434 = arith.select %eq3A_432, %jit3A_433, %jit3A_430 : i32
        %rem3A_435 = arith.remsi %add3A_372, %select_n3A_434 : i32
        %ne3A_436 = arith.constant 0 : i32
        %ne3A_437 = arith.cmpi ne, %rem3A_435, %ne3A_436 : i32
        %lt3A_438 = arith.constant 0 : i32
        %lt3A_439 = arith.cmpi slt, %rem3A_435, %lt3A_438 : i32
        %lt3A_440 = arith.constant 0 : i32
        %lt3A_441 = arith.cmpi slt, %select_n3A_434, %lt3A_440 : i32
        %ne3A_442 = arith.xori %lt3A_439, %lt3A_441 : i1
        %and3A_443 = arith.andi %ne3A_442, %ne3A_437 : i1
        %add3A_444 = arith.addi %rem3A_435, %select_n3A_434 : i32
        %select_n3A_445 = arith.select %and3A_443, %add3A_444, %rem3A_435 : i32
        %dma_start3A_446 = arith.constant 0 : i32
        %dma_start3A_447 = arith.constant 0 : i32
        %dma_start3A_448 = arith.constant 0 : i32
        %dma_start3A_449 = tpu.memref_slice %arg8[%dma_start3A_446, %dma_start3A_447, %dma_start3A_448] : memref<4x64x128xf32, #tpu.memory_space<vmem>> -> memref<1x64x128xf32, #tpu.memory_space<vmem>>
        %dma_start3A_450 = tpu.memref_squeeze %dma_start3A_449 : memref<1x64x128xf32, #tpu.memory_space<vmem>> -> memref<64x128xf32, #tpu.memory_space<vmem>>
        %dma_start3A_451 = arith.constant 0 : i32
        %dma_start3A_452 = tpu.memref_slice %arg7[%select_n3A_445, %dma_start3A_451] : memref<8x64xi32, #tpu.memory_space<vmem>> -> memref<1x64xi32, #tpu.memory_space<vmem>>
        %dma_start3A_453 = tpu.memref_squeeze %dma_start3A_452 : memref<1x64xi32, #tpu.memory_space<vmem>> -> memref<64xi32, #tpu.memory_space<vmem>>
        %dma_start3A_454 = arith.constant 0 : i32
        %dma_start3A_455 = arith.constant 0 : i32
        %dma_start3A_456 = tpu.memref_slice %arg9[%dma_start3A_454, %dma_start3A_455] : memref<10240x128xf32, #tpu.memory_space<vmem_shared>> -> memref<10240x128xf32, #tpu.memory_space<vmem_shared>>
        tpu.enqueue_indirect_dma source(%dma_start3A_450 : memref<64x128xf32, #tpu.memory_space<vmem>>) target(%dma_start3A_456 : memref<10240x128xf32, #tpu.memory_space<vmem_shared>>) offsets(%dma_start3A_453 : memref<64xi32, #tpu.memory_space<vmem>>) semaphore(%arg14 : memref<!tpu.dma_semaphore, #tpu.memory_space<semaphore_mem>>) {add = true}
      } else {
      }
      %add3A_375 = arith.constant 1 : i32
      %add3A_376 = arith.addi %mul3A_370, %add3A_375 : i32
      %lt3A_377 = arith.constant 80 : i32
      %lt3A_378 = arith.cmpi slt, %add3A_376, %lt3A_377 : i32
      %convert_element_type3A_379 = arith.extui %lt3A_378 : i1 to i32
      %cond3A_380 = arith.constant 0 : i32
      %cond3A_381 = arith.cmpi ne, %convert_element_type3A_379, %cond3A_380 : i32
      scf.if %cond3A_381 {
        %jit3A = arith.constant 8 : i32
        %eq3A = arith.constant 0 : i32
        %eq3A_397 = arith.cmpi eq, %jit3A, %eq3A : i32
        %jit3A_398 = arith.constant 1 : i32
        %select_n3A = arith.select %eq3A_397, %jit3A_398, %jit3A : i32
        %rem3A = arith.remsi %add3A_376, %select_n3A : i32
        %ne3A = arith.constant 0 : i32
        %ne3A_399 = arith.cmpi ne, %rem3A, %ne3A : i32
        %lt3A_400 = arith.constant 0 : i32
        %lt3A_401 = arith.cmpi slt, %rem3A, %lt3A_400 : i32
        %lt3A_402 = arith.constant 0 : i32
        %lt3A_403 = arith.cmpi slt, %select_n3A, %lt3A_402 : i32
        %ne3A_404 = arith.xori %lt3A_401, %lt3A_403 : i1
        %and3A_405 = arith.andi %ne3A_404, %ne3A_399 : i1
        %add3A_406 = arith.addi %rem3A, %select_n3A : i32
        %select_n3A_407 = arith.select %and3A_405, %add3A_406, %rem3A : i32
        %dma_wait3A_408 = arith.constant 1 : i32
        %dma_wait3A_409 = arith.constant 0 : i32
        %dma_wait3A_410 = arith.constant 0 : i32
        %dma_wait3A_411 = tpu.memref_slice %arg8[%dma_wait3A_408, %dma_wait3A_409, %dma_wait3A_410] : memref<4x64x128xf32, #tpu.memory_space<vmem>> -> memref<1x64x128xf32, #tpu.memory_space<vmem>>
        %dma_wait3A_412 = tpu.memref_squeeze %dma_wait3A_411 : memref<1x64x128xf32, #tpu.memory_space<vmem>> -> memref<64x128xf32, #tpu.memory_space<vmem>>
        %dma_wait3A_413 = arith.constant 0 : i32
        %dma_wait3A_414 = tpu.memref_slice %arg6[%select_n3A_407, %dma_wait3A_413] : memref<8x64xi32, #tpu.memory_space<vmem>> -> memref<1x64xi32, #tpu.memory_space<vmem>>
        %dma_wait3A_415 = tpu.memref_squeeze %dma_wait3A_414 : memref<1x64xi32, #tpu.memory_space<vmem>> -> memref<64xi32, #tpu.memory_space<vmem>>
        %dma_wait3A_416 = arith.constant 0 : i32
        %dma_wait3A_417 = arith.constant 0 : i32
        %dma_wait3A_418 = tpu.memref_slice %arg3[%dma_wait3A_416, %dma_wait3A_417] : memref<10240x128xf32, #tpu.memory_space<hbm>> -> memref<10240x128xf32, #tpu.memory_space<hbm>>
        tpu.wait_indirect_dma semaphore(%arg11 : memref<!tpu.dma_semaphore, #tpu.memory_space<semaphore_mem>>) src(%dma_wait3A_418 : memref<10240x128xf32, #tpu.memory_space<hbm>>) dst(%dma_wait3A_412 : memref<64x128xf32, #tpu.memory_space<vmem>>)
        %ge3A = arith.constant 1 : i32
        %ge3A_419 = arith.cmpi sge, %add3A_376, %ge3A : i32
        %convert_element_type3A_420 = arith.extui %ge3A_419 : i1 to i32
        %cond3A_421 = arith.constant 0 : i32
        %cond3A_422 = arith.cmpi ne, %convert_element_type3A_420, %cond3A_421 : i32
        scf.if %cond3A_422 {
          %sub3A = arith.constant 1 : i32
          %sub3A_457 = arith.subi %add3A_376, %sub3A : i32
          %jit3A_458 = arith.constant 8 : i32
          %eq3A_459 = arith.constant 0 : i32
          %eq3A_460 = arith.cmpi eq, %jit3A_458, %eq3A_459 : i32
          %jit3A_461 = arith.constant 1 : i32
          %select_n3A_462 = arith.select %eq3A_460, %jit3A_461, %jit3A_458 : i32
          %rem3A_463 = arith.remsi %sub3A_457, %select_n3A_462 : i32
          %ne3A_464 = arith.constant 0 : i32
          %ne3A_465 = arith.cmpi ne, %rem3A_463, %ne3A_464 : i32
          %lt3A_466 = arith.constant 0 : i32
          %lt3A_467 = arith.cmpi slt, %rem3A_463, %lt3A_466 : i32
          %lt3A_468 = arith.constant 0 : i32
          %lt3A_469 = arith.cmpi slt, %select_n3A_462, %lt3A_468 : i32
          %ne3A_470 = arith.xori %lt3A_467, %lt3A_469 : i1
          %and3A_471 = arith.andi %ne3A_470, %ne3A_465 : i1
          %add3A_472 = arith.addi %rem3A_463, %select_n3A_462 : i32
          %select_n3A_473 = arith.select %and3A_471, %add3A_472, %rem3A_463 : i32
          %dma_wait3A_474 = arith.constant 0 : i32
          %dma_wait3A_475 = arith.constant 0 : i32
          %dma_wait3A_476 = arith.constant 0 : i32
          %dma_wait3A_477 = tpu.memref_slice %arg8[%dma_wait3A_474, %dma_wait3A_475, %dma_wait3A_476] : memref<4x64x128xf32, #tpu.memory_space<vmem>> -> memref<1x64x128xf32, #tpu.memory_space<vmem>>
          %dma_wait3A_478 = tpu.memref_squeeze %dma_wait3A_477 : memref<1x64x128xf32, #tpu.memory_space<vmem>> -> memref<64x128xf32, #tpu.memory_space<vmem>>
          %dma_wait3A_479 = arith.constant 0 : i32
          %dma_wait3A_480 = tpu.memref_slice %arg7[%select_n3A_473, %dma_wait3A_479] : memref<8x64xi32, #tpu.memory_space<vmem>> -> memref<1x64xi32, #tpu.memory_space<vmem>>
          %dma_wait3A_481 = tpu.memref_squeeze %dma_wait3A_480 : memref<1x64xi32, #tpu.memory_space<vmem>> -> memref<64xi32, #tpu.memory_space<vmem>>
          %dma_wait3A_482 = arith.constant 0 : i32
          %dma_wait3A_483 = arith.constant 0 : i32
          %dma_wait3A_484 = tpu.memref_slice %arg9[%dma_wait3A_482, %dma_wait3A_483] : memref<10240x128xf32, #tpu.memory_space<vmem_shared>> -> memref<10240x128xf32, #tpu.memory_space<vmem_shared>>
          tpu.wait_indirect_dma semaphore(%arg14 : memref<!tpu.dma_semaphore, #tpu.memory_space<semaphore_mem>>) src(%dma_wait3A_478 : memref<64x128xf32, #tpu.memory_space<vmem>>) dst(%dma_wait3A_484 : memref<10240x128xf32, #tpu.memory_space<vmem_shared>>)
        } else {
        }
        %add3A_423 = arith.constant 3 : i32
        %add3A_424 = arith.addi %add3A_376, %add3A_423 : i32
        %lt3A_425 = arith.constant 80 : i32
        %lt3A_426 = arith.cmpi slt, %add3A_424, %lt3A_425 : i32
        %convert_element_type3A_427 = arith.extui %lt3A_426 : i1 to i32
        %cond3A_428 = arith.constant 0 : i32
        %cond3A_429 = arith.cmpi ne, %convert_element_type3A_427, %cond3A_428 : i32
        scf.if %cond3A_429 {
          %add3A_457 = arith.constant 3 : i32
          %add3A_458 = arith.addi %add3A_376, %add3A_457 : i32
          %jit3A_459 = arith.constant 8 : i32
          %eq3A_460 = arith.constant 0 : i32
          %eq3A_461 = arith.cmpi eq, %jit3A_459, %eq3A_460 : i32
          %jit3A_462 = arith.constant 1 : i32
          %select_n3A_463 = arith.select %eq3A_461, %jit3A_462, %jit3A_459 : i32
          %rem3A_464 = arith.remsi %add3A_458, %select_n3A_463 : i32
          %ne3A_465 = arith.constant 0 : i32
          %ne3A_466 = arith.cmpi ne, %rem3A_464, %ne3A_465 : i32
          %lt3A_467 = arith.constant 0 : i32
          %lt3A_468 = arith.cmpi slt, %rem3A_464, %lt3A_467 : i32
          %lt3A_469 = arith.constant 0 : i32
          %lt3A_470 = arith.cmpi slt, %select_n3A_463, %lt3A_469 : i32
          %ne3A_471 = arith.xori %lt3A_468, %lt3A_470 : i1
          %and3A_472 = arith.andi %ne3A_471, %ne3A_466 : i1
          %add3A_473 = arith.addi %rem3A_464, %select_n3A_463 : i32
          %select_n3A_474 = arith.select %and3A_472, %add3A_473, %rem3A_464 : i32
          %jit3A_475 = arith.constant 2 : i32
          %div3A = arith.divsi %add3A_458, %jit3A_475 : i32
          %sign3A = arith.constant 0 : i32
          %sign3A_476 = arith.cmpi sgt, %add3A_458, %sign3A : i32
          %sign3A_477 = arith.extui %sign3A_476 : i1 to i32
          %sign3A_478 = arith.constant 0 : i32
          %sign3A_479 = arith.cmpi slt, %add3A_458, %sign3A_478 : i32
          %sign3A_480 = arith.extui %sign3A_479 : i1 to i32
          %sign3A_481 = arith.subi %sign3A_477, %sign3A_480 : i32
          %sign3A_482 = arith.constant 0 : i32
          %sign3A_483 = arith.cmpi sgt, %jit3A_475, %sign3A_482 : i32
          %sign3A_484 = arith.extui %sign3A_483 : i1 to i32
          %sign3A_485 = arith.constant 0 : i32
          %sign3A_486 = arith.cmpi slt, %jit3A_475, %sign3A_485 : i32
          %sign3A_487 = arith.extui %sign3A_486 : i1 to i32
          %sign3A_488 = arith.subi %sign3A_484, %sign3A_487 : i32
          %ne3A_489 = arith.cmpi ne, %sign3A_481, %sign3A_488 : i32
          %rem3A_490 = arith.remsi %add3A_458, %jit3A_475 : i32
          %ne3A_491 = arith.constant 0 : i32
          %ne3A_492 = arith.cmpi ne, %rem3A_490, %ne3A_491 : i32
          %and3A_493 = arith.andi %ne3A_489, %ne3A_492 : i1
          %sub3A = arith.constant 1 : i32
          %sub3A_494 = arith.subi %div3A, %sub3A : i32
          %select_n3A_495 = arith.select %and3A_493, %sub3A_494, %div3A : i32
          %jit3A_496 = arith.constant 2 : i32
          %eq3A_497 = arith.constant 0 : i32
          %eq3A_498 = arith.cmpi eq, %jit3A_496, %eq3A_497 : i32
          %jit3A_499 = arith.constant 1 : i32
          %select_n3A_500 = arith.select %eq3A_498, %jit3A_499, %jit3A_496 : i32
          %rem3A_501 = arith.remsi %add3A_458, %select_n3A_500 : i32
          %ne3A_502 = arith.constant 0 : i32
          %ne3A_503 = arith.cmpi ne, %rem3A_501, %ne3A_502 : i32
          %lt3A_504 = arith.constant 0 : i32
          %lt3A_505 = arith.cmpi slt, %rem3A_501, %lt3A_504 : i32
          %lt3A_506 = arith.constant 0 : i32
          %lt3A_507 = arith.cmpi slt, %select_n3A_500, %lt3A_506 : i32
          %ne3A_508 = arith.xori %lt3A_505, %lt3A_507 : i1
          %and3A_509 = arith.andi %ne3A_508, %ne3A_503 : i1
          %add3A_510 = arith.addi %rem3A_501, %select_n3A_500 : i32
          %select_n3A_511 = arith.select %and3A_509, %add3A_510, %rem3A_501 : i32
          %mul3A_512 = arith.constant 64 : i32
          %mul3A_513 = arith.muli %select_n3A_511, %mul3A_512 : i32
          %add3A_514 = arith.constant 0 : i32
          %add3A_515 = arith.addi %mul3A_513, %add3A_514 : i32
          %get3A_516 = arith.index_cast %select_n3A_495 : i32 to index
          %get3A_517 = arith.index_cast %add3A_515 : i32 to index
          %get3A_518 = tpu.vector_load %arg5[%get3A_516, %get3A_517] {strides = array<i32>} : memref<40x128xi32, #tpu.memory_space<vmem>>, vector<1x16xi32>,
          %get3A_519 = vector.shape_cast %get3A_518 : vector<1x16xi32> to vector<16xi32>
          %and3A_520 = arith.constant 65535 : i32
          %and3A_521 = vector.broadcast %and3A_520 : i32 to vector<16xi32>
          %and3A_522 = arith.andi %get3A_519, %and3A_521 : vector<16xi32>
          %swap3A_523 = arith.index_cast %select_n3A_474 : i32 to index
          %swap3A_524 = arith.constant 0 : index
          %swap3A_525 = tpu.vector_load %arg6[%swap3A_523, %swap3A_524] {strides = array<i32>} : memref<8x64xi32, #tpu.memory_space<vmem>>, vector<1x16xi32>,
          %swap3A_526 = vector.shape_cast %swap3A_525 : vector<1x16xi32> to vector<16xi32>
          %swap3A_527 = vector.shape_cast %and3A_522 : vector<16xi32> to vector<1x16xi32>
          tpu.vector_store %arg6[%swap3A_523, %swap3A_524], %swap3A_527 {strides = array<i32>} : memref<8x64xi32, #tpu.memory_space<vmem>>, vector<1x16xi32>,
          %shift_right_arithmetic3A_528 = arith.constant 16 : i32
          %shift_right_arithmetic3A_529 = vector.broadcast %shift_right_arithmetic3A_528 : i32 to vector<16xi32>
          %shift_right_arithmetic3A_530 = arith.shrsi %get3A_519, %shift_right_arithmetic3A_529 : vector<16xi32>
          %swap3A_531 = arith.index_cast %select_n3A_474 : i32 to index
          %swap3A_532 = arith.constant 0 : index
          %swap3A_533 = tpu.vector_load %arg7[%swap3A_531, %swap3A_532] {strides = array<i32>} : memref<8x64xi32, #tpu.memory_space<vmem>>, vector<1x16xi32>,
          %swap3A_534 = vector.shape_cast %swap3A_533 : vector<1x16xi32> to vector<16xi32>
          %swap3A_535 = vector.shape_cast %shift_right_arithmetic3A_530 : vector<16xi32> to vector<1x16xi32>
          tpu.vector_store %arg7[%swap3A_531, %swap3A_532], %swap3A_535 {strides = array<i32>} : memref<8x64xi32, #tpu.memory_space<vmem>>, vector<1x16xi32>,
          %add3A_536 = arith.constant 16 : i32
          %add3A_537 = arith.addi %mul3A_513, %add3A_536 : i32
          %get3A_538 = arith.index_cast %select_n3A_495 : i32 to index
          %get3A_539 = arith.index_cast %add3A_537 : i32 to index
          %get3A_540 = tpu.vector_load %arg5[%get3A_538, %get3A_539] {strides = array<i32>} : memref<40x128xi32, #tpu.memory_space<vmem>>, vector<1x16xi32>,
          %get3A_541 = vector.shape_cast %get3A_540 : vector<1x16xi32> to vector<16xi32>
          %and3A_542 = arith.constant 65535 : i32
          %and3A_543 = vector.broadcast %and3A_542 : i32 to vector<16xi32>
          %and3A_544 = arith.andi %get3A_541, %and3A_543 : vector<16xi32>
          %swap3A_545 = arith.index_cast %select_n3A_474 : i32 to index
          %swap3A_546 = arith.constant 16 : index
          %swap3A_547 = tpu.vector_load %arg6[%swap3A_545, %swap3A_546] {strides = array<i32>} : memref<8x64xi32, #tpu.memory_space<vmem>>, vector<1x16xi32>,
          %swap3A_548 = vector.shape_cast %swap3A_547 : vector<1x16xi32> to vector<16xi32>
          %swap3A_549 = vector.shape_cast %and3A_544 : vector<16xi32> to vector<1x16xi32>
          tpu.vector_store %arg6[%swap3A_545, %swap3A_546], %swap3A_549 {strides = array<i32>} : memref<8x64xi32, #tpu.memory_space<vmem>>, vector<1x16xi32>,
          %shift_right_arithmetic3A_550 = arith.constant 16 : i32
          %shift_right_arithmetic3A_551 = vector.broadcast %shift_right_arithmetic3A_550 : i32 to vector<16xi32>
          %shift_right_arithmetic3A_552 = arith.shrsi %get3A_541, %shift_right_arithmetic3A_551 : vector<16xi32>
          %swap3A_553 = arith.index_cast %select_n3A_474 : i32 to index
          %swap3A_554 = arith.constant 16 : index
          %swap3A_555 = tpu.vector_load %arg7[%swap3A_553, %swap3A_554] {strides = array<i32>} : memref<8x64xi32, #tpu.memory_space<vmem>>, vector<1x16xi32>,
          %swap3A_556 = vector.shape_cast %swap3A_555 : vector<1x16xi32> to vector<16xi32>
          %swap3A_557 = vector.shape_cast %shift_right_arithmetic3A_552 : vector<16xi32> to vector<1x16xi32>
          tpu.vector_store %arg7[%swap3A_553, %swap3A_554], %swap3A_557 {strides = array<i32>} : memref<8x64xi32, #tpu.memory_space<vmem>>, vector<1x16xi32>,
          %add3A_558 = arith.constant 32 : i32
          %add3A_559 = arith.addi %mul3A_513, %add3A_558 : i32
          %get3A_560 = arith.index_cast %select_n3A_495 : i32 to index
          %get3A_561 = arith.index_cast %add3A_559 : i32 to index
          %get3A_562 = tpu.vector_load %arg5[%get3A_560, %get3A_561] {strides = array<i32>} : memref<40x128xi32, #tpu.memory_space<vmem>>, vector<1x16xi32>,
          %get3A_563 = vector.shape_cast %get3A_562 : vector<1x16xi32> to vector<16xi32>
          %and3A_564 = arith.constant 65535 : i32
          %and3A_565 = vector.broadcast %and3A_564 : i32 to vector<16xi32>
          %and3A_566 = arith.andi %get3A_563, %and3A_565 : vector<16xi32>
          %swap3A_567 = arith.index_cast %select_n3A_474 : i32 to index
          %swap3A_568 = arith.constant 32 : index
          %swap3A_569 = tpu.vector_load %arg6[%swap3A_567, %swap3A_568] {strides = array<i32>} : memref<8x64xi32, #tpu.memory_space<vmem>>, vector<1x16xi32>,
          %swap3A_570 = vector.shape_cast %swap3A_569 : vector<1x16xi32> to vector<16xi32>
          %swap3A_571 = vector.shape_cast %and3A_566 : vector<16xi32> to vector<1x16xi32>
          tpu.vector_store %arg6[%swap3A_567, %swap3A_568], %swap3A_571 {strides = array<i32>} : memref<8x64xi32, #tpu.memory_space<vmem>>, vector<1x16xi32>,
          %shift_right_arithmetic3A_572 = arith.constant 16 : i32
          %shift_right_arithmetic3A_573 = vector.broadcast %shift_right_arithmetic3A_572 : i32 to vector<16xi32>
          %shift_right_arithmetic3A_574 = arith.shrsi %get3A_563, %shift_right_arithmetic3A_573 : vector<16xi32>
          %swap3A_575 = arith.index_cast %select_n3A_474 : i32 to index
          %swap3A_576 = arith.constant 32 : index
          %swap3A_577 = tpu.vector_load %arg7[%swap3A_575, %swap3A_576] {strides = array<i32>} : memref<8x64xi32, #tpu.memory_space<vmem>>, vector<1x16xi32>,
          %swap3A_578 = vector.shape_cast %swap3A_577 : vector<1x16xi32> to vector<16xi32>
          %swap3A_579 = vector.shape_cast %shift_right_arithmetic3A_574 : vector<16xi32> to vector<1x16xi32>
          tpu.vector_store %arg7[%swap3A_575, %swap3A_576], %swap3A_579 {strides = array<i32>} : memref<8x64xi32, #tpu.memory_space<vmem>>, vector<1x16xi32>,
          %add3A_580 = arith.constant 48 : i32
          %add3A_581 = arith.addi %mul3A_513, %add3A_580 : i32
          %get3A_582 = arith.index_cast %select_n3A_495 : i32 to index
          %get3A_583 = arith.index_cast %add3A_581 : i32 to index
          %get3A_584 = tpu.vector_load %arg5[%get3A_582, %get3A_583] {strides = array<i32>} : memref<40x128xi32, #tpu.memory_space<vmem>>, vector<1x16xi32>,
          %get3A_585 = vector.shape_cast %get3A_584 : vector<1x16xi32> to vector<16xi32>
          %and3A_586 = arith.constant 65535 : i32
          %and3A_587 = vector.broadcast %and3A_586 : i32 to vector<16xi32>
          %and3A_588 = arith.andi %get3A_585, %and3A_587 : vector<16xi32>
          %swap3A_589 = arith.index_cast %select_n3A_474 : i32 to index
          %swap3A_590 = arith.constant 48 : index
          %swap3A_591 = tpu.vector_load %arg6[%swap3A_589, %swap3A_590] {strides = array<i32>} : memref<8x64xi32, #tpu.memory_space<vmem>>, vector<1x16xi32>,
          %swap3A_592 = vector.shape_cast %swap3A_591 : vector<1x16xi32> to vector<16xi32>
          %swap3A_593 = vector.shape_cast %and3A_588 : vector<16xi32> to vector<1x16xi32>
          tpu.vector_store %arg6[%swap3A_589, %swap3A_590], %swap3A_593 {strides = array<i32>} : memref<8x64xi32, #tpu.memory_space<vmem>>, vector<1x16xi32>,
          %shift_right_arithmetic3A_594 = arith.constant 16 : i32
          %shift_right_arithmetic3A_595 = vector.broadcast %shift_right_arithmetic3A_594 : i32 to vector<16xi32>
          %shift_right_arithmetic3A_596 = arith.shrsi %get3A_585, %shift_right_arithmetic3A_595 : vector<16xi32>
          %swap3A_597 = arith.index_cast %select_n3A_474 : i32 to index
          %swap3A_598 = arith.constant 48 : index
          %swap3A_599 = tpu.vector_load %arg7[%swap3A_597, %swap3A_598] {strides = array<i32>} : memref<8x64xi32, #tpu.memory_space<vmem>>, vector<1x16xi32>,
          %swap3A_600 = vector.shape_cast %swap3A_599 : vector<1x16xi32> to vector<16xi32>
          %swap3A_601 = vector.shape_cast %shift_right_arithmetic3A_596 : vector<16xi32> to vector<1x16xi32>
          tpu.vector_store %arg7[%swap3A_597, %swap3A_598], %swap3A_601 {strides = array<i32>} : memref<8x64xi32, #tpu.memory_space<vmem>>, vector<1x16xi32>,
          %add3A_602 = arith.constant 3 : i32
          %add3A_603 = arith.addi %add3A_376, %add3A_602 : i32
          %jit3A_604 = arith.constant 8 : i32
          %eq3A_605 = arith.constant 0 : i32
          %eq3A_606 = arith.cmpi eq, %jit3A_604, %eq3A_605 : i32
          %jit3A_607 = arith.constant 1 : i32
          %select_n3A_608 = arith.select %eq3A_606, %jit3A_607, %jit3A_604 : i32
          %rem3A_609 = arith.remsi %add3A_603, %select_n3A_608 : i32
          %ne3A_610 = arith.constant 0 : i32
          %ne3A_611 = arith.cmpi ne, %rem3A_609, %ne3A_610 : i32
          %lt3A_612 = arith.constant 0 : i32
          %lt3A_613 = arith.cmpi slt, %rem3A_609, %lt3A_612 : i32
          %lt3A_614 = arith.constant 0 : i32
          %lt3A_615 = arith.cmpi slt, %select_n3A_608, %lt3A_614 : i32
          %ne3A_616 = arith.xori %lt3A_613, %lt3A_615 : i1
          %and3A_617 = arith.andi %ne3A_616, %ne3A_611 : i1
          %add3A_618 = arith.addi %rem3A_609, %select_n3A_608 : i32
          %select_n3A_619 = arith.select %and3A_617, %add3A_618, %rem3A_609 : i32
          %dma_start3A_620 = arith.constant 0 : i32
          %dma_start3A_621 = arith.constant 0 : i32
          %dma_start3A_622 = arith.constant 0 : i32
          %dma_start3A_623 = tpu.memref_slice %arg8[%dma_start3A_620, %dma_start3A_621, %dma_start3A_622] : memref<4x64x128xf32, #tpu.memory_space<vmem>> -> memref<1x64x128xf32, #tpu.memory_space<vmem>>
          %dma_start3A_624 = tpu.memref_squeeze %dma_start3A_623 : memref<1x64x128xf32, #tpu.memory_space<vmem>> -> memref<64x128xf32, #tpu.memory_space<vmem>>
          %dma_start3A_625 = arith.constant 0 : i32
          %dma_start3A_626 = tpu.memref_slice %arg6[%select_n3A_619, %dma_start3A_625] : memref<8x64xi32, #tpu.memory_space<vmem>> -> memref<1x64xi32, #tpu.memory_space<vmem>>
          %dma_start3A_627 = tpu.memref_squeeze %dma_start3A_626 : memref<1x64xi32, #tpu.memory_space<vmem>> -> memref<64xi32, #tpu.memory_space<vmem>>
          %dma_start3A_628 = arith.constant 0 : i32
          %dma_start3A_629 = arith.constant 0 : i32
          %dma_start3A_630 = tpu.memref_slice %arg3[%dma_start3A_628, %dma_start3A_629] : memref<10240x128xf32, #tpu.memory_space<hbm>> -> memref<10240x128xf32, #tpu.memory_space<hbm>>
          tpu.enqueue_indirect_dma source(%dma_start3A_630 : memref<10240x128xf32, #tpu.memory_space<hbm>>) target(%dma_start3A_624 : memref<64x128xf32, #tpu.memory_space<vmem>>) offsets(%dma_start3A_627 : memref<64xi32, #tpu.memory_space<vmem>>) semaphore(%arg10 : memref<!tpu.dma_semaphore, #tpu.memory_space<semaphore_mem>>)
        } else {
        }
        %jit3A_430 = arith.constant 8 : i32
        %eq3A_431 = arith.constant 0 : i32
        %eq3A_432 = arith.cmpi eq, %jit3A_430, %eq3A_431 : i32
        %jit3A_433 = arith.constant 1 : i32
        %select_n3A_434 = arith.select %eq3A_432, %jit3A_433, %jit3A_430 : i32
        %rem3A_435 = arith.remsi %add3A_376, %select_n3A_434 : i32
        %ne3A_436 = arith.constant 0 : i32
        %ne3A_437 = arith.cmpi ne, %rem3A_435, %ne3A_436 : i32
        %lt3A_438 = arith.constant 0 : i32
        %lt3A_439 = arith.cmpi slt, %rem3A_435, %lt3A_438 : i32
        %lt3A_440 = arith.constant 0 : i32
        %lt3A_441 = arith.cmpi slt, %select_n3A_434, %lt3A_440 : i32
        %ne3A_442 = arith.xori %lt3A_439, %lt3A_441 : i1
        %and3A_443 = arith.andi %ne3A_442, %ne3A_437 : i1
        %add3A_444 = arith.addi %rem3A_435, %select_n3A_434 : i32
        %select_n3A_445 = arith.select %and3A_443, %add3A_444, %rem3A_435 : i32
        %dma_start3A_446 = arith.constant 1 : i32
        %dma_start3A_447 = arith.constant 0 : i32
        %dma_start3A_448 = arith.constant 0 : i32
        %dma_start3A_449 = tpu.memref_slice %arg8[%dma_start3A_446, %dma_start3A_447, %dma_start3A_448] : memref<4x64x128xf32, #tpu.memory_space<vmem>> -> memref<1x64x128xf32, #tpu.memory_space<vmem>>
        %dma_start3A_450 = tpu.memref_squeeze %dma_start3A_449 : memref<1x64x128xf32, #tpu.memory_space<vmem>> -> memref<64x128xf32, #tpu.memory_space<vmem>>
        %dma_start3A_451 = arith.constant 0 : i32
        %dma_start3A_452 = tpu.memref_slice %arg7[%select_n3A_445, %dma_start3A_451] : memref<8x64xi32, #tpu.memory_space<vmem>> -> memref<1x64xi32, #tpu.memory_space<vmem>>
        %dma_start3A_453 = tpu.memref_squeeze %dma_start3A_452 : memref<1x64xi32, #tpu.memory_space<vmem>> -> memref<64xi32, #tpu.memory_space<vmem>>
        %dma_start3A_454 = arith.constant 0 : i32
        %dma_start3A_455 = arith.constant 0 : i32
        %dma_start3A_456 = tpu.memref_slice %arg9[%dma_start3A_454, %dma_start3A_455] : memref<10240x128xf32, #tpu.memory_space<vmem_shared>> -> memref<10240x128xf32, #tpu.memory_space<vmem_shared>>
        tpu.enqueue_indirect_dma source(%dma_start3A_450 : memref<64x128xf32, #tpu.memory_space<vmem>>) target(%dma_start3A_456 : memref<10240x128xf32, #tpu.memory_space<vmem_shared>>) offsets(%dma_start3A_453 : memref<64xi32, #tpu.memory_space<vmem>>) semaphore(%arg15 : memref<!tpu.dma_semaphore, #tpu.memory_space<semaphore_mem>>) {add = true}
      } else {
      }
      %add3A_382 = arith.constant 2 : i32
      %add3A_383 = arith.addi %mul3A_370, %add3A_382 : i32
      %lt3A_384 = arith.constant 80 : i32
      %lt3A_385 = arith.cmpi slt, %add3A_383, %lt3A_384 : i32
      %convert_element_type3A_386 = arith.extui %lt3A_385 : i1 to i32
      %cond3A_387 = arith.constant 0 : i32
      %cond3A_388 = arith.cmpi ne, %convert_element_type3A_386, %cond3A_387 : i32
      scf.if %cond3A_388 {
        %jit3A = arith.constant 8 : i32
        %eq3A = arith.constant 0 : i32
        %eq3A_397 = arith.cmpi eq, %jit3A, %eq3A : i32
        %jit3A_398 = arith.constant 1 : i32
        %select_n3A = arith.select %eq3A_397, %jit3A_398, %jit3A : i32
        %rem3A = arith.remsi %add3A_383, %select_n3A : i32
        %ne3A = arith.constant 0 : i32
        %ne3A_399 = arith.cmpi ne, %rem3A, %ne3A : i32
        %lt3A_400 = arith.constant 0 : i32
        %lt3A_401 = arith.cmpi slt, %rem3A, %lt3A_400 : i32
        %lt3A_402 = arith.constant 0 : i32
        %lt3A_403 = arith.cmpi slt, %select_n3A, %lt3A_402 : i32
        %ne3A_404 = arith.xori %lt3A_401, %lt3A_403 : i1
        %and3A_405 = arith.andi %ne3A_404, %ne3A_399 : i1
        %add3A_406 = arith.addi %rem3A, %select_n3A : i32
        %select_n3A_407 = arith.select %and3A_405, %add3A_406, %rem3A : i32
        %dma_wait3A_408 = arith.constant 2 : i32
        %dma_wait3A_409 = arith.constant 0 : i32
        %dma_wait3A_410 = arith.constant 0 : i32
        %dma_wait3A_411 = tpu.memref_slice %arg8[%dma_wait3A_408, %dma_wait3A_409, %dma_wait3A_410] : memref<4x64x128xf32, #tpu.memory_space<vmem>> -> memref<1x64x128xf32, #tpu.memory_space<vmem>>
        %dma_wait3A_412 = tpu.memref_squeeze %dma_wait3A_411 : memref<1x64x128xf32, #tpu.memory_space<vmem>> -> memref<64x128xf32, #tpu.memory_space<vmem>>
        %dma_wait3A_413 = arith.constant 0 : i32
        %dma_wait3A_414 = tpu.memref_slice %arg6[%select_n3A_407, %dma_wait3A_413] : memref<8x64xi32, #tpu.memory_space<vmem>> -> memref<1x64xi32, #tpu.memory_space<vmem>>
        %dma_wait3A_415 = tpu.memref_squeeze %dma_wait3A_414 : memref<1x64xi32, #tpu.memory_space<vmem>> -> memref<64xi32, #tpu.memory_space<vmem>>
        %dma_wait3A_416 = arith.constant 0 : i32
        %dma_wait3A_417 = arith.constant 0 : i32
        %dma_wait3A_418 = tpu.memref_slice %arg3[%dma_wait3A_416, %dma_wait3A_417] : memref<10240x128xf32, #tpu.memory_space<hbm>> -> memref<10240x128xf32, #tpu.memory_space<hbm>>
        tpu.wait_indirect_dma semaphore(%arg12 : memref<!tpu.dma_semaphore, #tpu.memory_space<semaphore_mem>>) src(%dma_wait3A_418 : memref<10240x128xf32, #tpu.memory_space<hbm>>) dst(%dma_wait3A_412 : memref<64x128xf32, #tpu.memory_space<vmem>>)
        %ge3A = arith.constant 1 : i32
        %ge3A_419 = arith.cmpi sge, %add3A_383, %ge3A : i32
        %convert_element_type3A_420 = arith.extui %ge3A_419 : i1 to i32
        %cond3A_421 = arith.constant 0 : i32
        %cond3A_422 = arith.cmpi ne, %convert_element_type3A_420, %cond3A_421 : i32
        scf.if %cond3A_422 {
          %sub3A = arith.constant 1 : i32
          %sub3A_457 = arith.subi %add3A_383, %sub3A : i32
          %jit3A_458 = arith.constant 8 : i32
          %eq3A_459 = arith.constant 0 : i32
          %eq3A_460 = arith.cmpi eq, %jit3A_458, %eq3A_459 : i32
          %jit3A_461 = arith.constant 1 : i32
          %select_n3A_462 = arith.select %eq3A_460, %jit3A_461, %jit3A_458 : i32
          %rem3A_463 = arith.remsi %sub3A_457, %select_n3A_462 : i32
          %ne3A_464 = arith.constant 0 : i32
          %ne3A_465 = arith.cmpi ne, %rem3A_463, %ne3A_464 : i32
          %lt3A_466 = arith.constant 0 : i32
          %lt3A_467 = arith.cmpi slt, %rem3A_463, %lt3A_466 : i32
          %lt3A_468 = arith.constant 0 : i32
          %lt3A_469 = arith.cmpi slt, %select_n3A_462, %lt3A_468 : i32
          %ne3A_470 = arith.xori %lt3A_467, %lt3A_469 : i1
          %and3A_471 = arith.andi %ne3A_470, %ne3A_465 : i1
          %add3A_472 = arith.addi %rem3A_463, %select_n3A_462 : i32
          %select_n3A_473 = arith.select %and3A_471, %add3A_472, %rem3A_463 : i32
          %dma_wait3A_474 = arith.constant 1 : i32
          %dma_wait3A_475 = arith.constant 0 : i32
          %dma_wait3A_476 = arith.constant 0 : i32
          %dma_wait3A_477 = tpu.memref_slice %arg8[%dma_wait3A_474, %dma_wait3A_475, %dma_wait3A_476] : memref<4x64x128xf32, #tpu.memory_space<vmem>> -> memref<1x64x128xf32, #tpu.memory_space<vmem>>
          %dma_wait3A_478 = tpu.memref_squeeze %dma_wait3A_477 : memref<1x64x128xf32, #tpu.memory_space<vmem>> -> memref<64x128xf32, #tpu.memory_space<vmem>>
          %dma_wait3A_479 = arith.constant 0 : i32
          %dma_wait3A_480 = tpu.memref_slice %arg7[%select_n3A_473, %dma_wait3A_479] : memref<8x64xi32, #tpu.memory_space<vmem>> -> memref<1x64xi32, #tpu.memory_space<vmem>>
          %dma_wait3A_481 = tpu.memref_squeeze %dma_wait3A_480 : memref<1x64xi32, #tpu.memory_space<vmem>> -> memref<64xi32, #tpu.memory_space<vmem>>
          %dma_wait3A_482 = arith.constant 0 : i32
          %dma_wait3A_483 = arith.constant 0 : i32
          %dma_wait3A_484 = tpu.memref_slice %arg9[%dma_wait3A_482, %dma_wait3A_483] : memref<10240x128xf32, #tpu.memory_space<vmem_shared>> -> memref<10240x128xf32, #tpu.memory_space<vmem_shared>>
          tpu.wait_indirect_dma semaphore(%arg15 : memref<!tpu.dma_semaphore, #tpu.memory_space<semaphore_mem>>) src(%dma_wait3A_478 : memref<64x128xf32, #tpu.memory_space<vmem>>) dst(%dma_wait3A_484 : memref<10240x128xf32, #tpu.memory_space<vmem_shared>>)
        } else {
        }
        %add3A_423 = arith.constant 3 : i32
        %add3A_424 = arith.addi %add3A_383, %add3A_423 : i32
        %lt3A_425 = arith.constant 80 : i32
        %lt3A_426 = arith.cmpi slt, %add3A_424, %lt3A_425 : i32
        %convert_element_type3A_427 = arith.extui %lt3A_426 : i1 to i32
        %cond3A_428 = arith.constant 0 : i32
        %cond3A_429 = arith.cmpi ne, %convert_element_type3A_427, %cond3A_428 : i32
        scf.if %cond3A_429 {
          %add3A_457 = arith.constant 3 : i32
          %add3A_458 = arith.addi %add3A_383, %add3A_457 : i32
          %jit3A_459 = arith.constant 8 : i32
          %eq3A_460 = arith.constant 0 : i32
          %eq3A_461 = arith.cmpi eq, %jit3A_459, %eq3A_460 : i32
          %jit3A_462 = arith.constant 1 : i32
          %select_n3A_463 = arith.select %eq3A_461, %jit3A_462, %jit3A_459 : i32
          %rem3A_464 = arith.remsi %add3A_458, %select_n3A_463 : i32
          %ne3A_465 = arith.constant 0 : i32
          %ne3A_466 = arith.cmpi ne, %rem3A_464, %ne3A_465 : i32
          %lt3A_467 = arith.constant 0 : i32
          %lt3A_468 = arith.cmpi slt, %rem3A_464, %lt3A_467 : i32
          %lt3A_469 = arith.constant 0 : i32
          %lt3A_470 = arith.cmpi slt, %select_n3A_463, %lt3A_469 : i32
          %ne3A_471 = arith.xori %lt3A_468, %lt3A_470 : i1
          %and3A_472 = arith.andi %ne3A_471, %ne3A_466 : i1
          %add3A_473 = arith.addi %rem3A_464, %select_n3A_463 : i32
          %select_n3A_474 = arith.select %and3A_472, %add3A_473, %rem3A_464 : i32
          %jit3A_475 = arith.constant 2 : i32
          %div3A = arith.divsi %add3A_458, %jit3A_475 : i32
          %sign3A = arith.constant 0 : i32
          %sign3A_476 = arith.cmpi sgt, %add3A_458, %sign3A : i32
          %sign3A_477 = arith.extui %sign3A_476 : i1 to i32
          %sign3A_478 = arith.constant 0 : i32
          %sign3A_479 = arith.cmpi slt, %add3A_458, %sign3A_478 : i32
          %sign3A_480 = arith.extui %sign3A_479 : i1 to i32
          %sign3A_481 = arith.subi %sign3A_477, %sign3A_480 : i32
          %sign3A_482 = arith.constant 0 : i32
          %sign3A_483 = arith.cmpi sgt, %jit3A_475, %sign3A_482 : i32
          %sign3A_484 = arith.extui %sign3A_483 : i1 to i32
          %sign3A_485 = arith.constant 0 : i32
          %sign3A_486 = arith.cmpi slt, %jit3A_475, %sign3A_485 : i32
          %sign3A_487 = arith.extui %sign3A_486 : i1 to i32
          %sign3A_488 = arith.subi %sign3A_484, %sign3A_487 : i32
          %ne3A_489 = arith.cmpi ne, %sign3A_481, %sign3A_488 : i32
          %rem3A_490 = arith.remsi %add3A_458, %jit3A_475 : i32
          %ne3A_491 = arith.constant 0 : i32
          %ne3A_492 = arith.cmpi ne, %rem3A_490, %ne3A_491 : i32
          %and3A_493 = arith.andi %ne3A_489, %ne3A_492 : i1
          %sub3A = arith.constant 1 : i32
          %sub3A_494 = arith.subi %div3A, %sub3A : i32
          %select_n3A_495 = arith.select %and3A_493, %sub3A_494, %div3A : i32
          %jit3A_496 = arith.constant 2 : i32
          %eq3A_497 = arith.constant 0 : i32
          %eq3A_498 = arith.cmpi eq, %jit3A_496, %eq3A_497 : i32
          %jit3A_499 = arith.constant 1 : i32
          %select_n3A_500 = arith.select %eq3A_498, %jit3A_499, %jit3A_496 : i32
          %rem3A_501 = arith.remsi %add3A_458, %select_n3A_500 : i32
          %ne3A_502 = arith.constant 0 : i32
          %ne3A_503 = arith.cmpi ne, %rem3A_501, %ne3A_502 : i32
          %lt3A_504 = arith.constant 0 : i32
          %lt3A_505 = arith.cmpi slt, %rem3A_501, %lt3A_504 : i32
          %lt3A_506 = arith.constant 0 : i32
          %lt3A_507 = arith.cmpi slt, %select_n3A_500, %lt3A_506 : i32
          %ne3A_508 = arith.xori %lt3A_505, %lt3A_507 : i1
          %and3A_509 = arith.andi %ne3A_508, %ne3A_503 : i1
          %add3A_510 = arith.addi %rem3A_501, %select_n3A_500 : i32
          %select_n3A_511 = arith.select %and3A_509, %add3A_510, %rem3A_501 : i32
          %mul3A_512 = arith.constant 64 : i32
          %mul3A_513 = arith.muli %select_n3A_511, %mul3A_512 : i32
          %add3A_514 = arith.constant 0 : i32
          %add3A_515 = arith.addi %mul3A_513, %add3A_514 : i32
          %get3A_516 = arith.index_cast %select_n3A_495 : i32 to index
          %get3A_517 = arith.index_cast %add3A_515 : i32 to index
          %get3A_518 = tpu.vector_load %arg5[%get3A_516, %get3A_517] {strides = array<i32>} : memref<40x128xi32, #tpu.memory_space<vmem>>, vector<1x16xi32>,
          %get3A_519 = vector.shape_cast %get3A_518 : vector<1x16xi32> to vector<16xi32>
          %and3A_520 = arith.constant 65535 : i32
          %and3A_521 = vector.broadcast %and3A_520 : i32 to vector<16xi32>
          %and3A_522 = arith.andi %get3A_519, %and3A_521 : vector<16xi32>
          %swap3A_523 = arith.index_cast %select_n3A_474 : i32 to index
          %swap3A_524 = arith.constant 0 : index
          %swap3A_525 = tpu.vector_load %arg6[%swap3A_523, %swap3A_524] {strides = array<i32>} : memref<8x64xi32, #tpu.memory_space<vmem>>, vector<1x16xi32>,
          %swap3A_526 = vector.shape_cast %swap3A_525 : vector<1x16xi32> to vector<16xi32>
          %swap3A_527 = vector.shape_cast %and3A_522 : vector<16xi32> to vector<1x16xi32>
          tpu.vector_store %arg6[%swap3A_523, %swap3A_524], %swap3A_527 {strides = array<i32>} : memref<8x64xi32, #tpu.memory_space<vmem>>, vector<1x16xi32>,
          %shift_right_arithmetic3A_528 = arith.constant 16 : i32
          %shift_right_arithmetic3A_529 = vector.broadcast %shift_right_arithmetic3A_528 : i32 to vector<16xi32>
          %shift_right_arithmetic3A_530 = arith.shrsi %get3A_519, %shift_right_arithmetic3A_529 : vector<16xi32>
          %swap3A_531 = arith.index_cast %select_n3A_474 : i32 to index
          %swap3A_532 = arith.constant 0 : index
          %swap3A_533 = tpu.vector_load %arg7[%swap3A_531, %swap3A_532] {strides = array<i32>} : memref<8x64xi32, #tpu.memory_space<vmem>>, vector<1x16xi32>,
          %swap3A_534 = vector.shape_cast %swap3A_533 : vector<1x16xi32> to vector<16xi32>
          %swap3A_535 = vector.shape_cast %shift_right_arithmetic3A_530 : vector<16xi32> to vector<1x16xi32>
          tpu.vector_store %arg7[%swap3A_531, %swap3A_532], %swap3A_535 {strides = array<i32>} : memref<8x64xi32, #tpu.memory_space<vmem>>, vector<1x16xi32>,
          %add3A_536 = arith.constant 16 : i32
          %add3A_537 = arith.addi %mul3A_513, %add3A_536 : i32
          %get3A_538 = arith.index_cast %select_n3A_495 : i32 to index
          %get3A_539 = arith.index_cast %add3A_537 : i32 to index
          %get3A_540 = tpu.vector_load %arg5[%get3A_538, %get3A_539] {strides = array<i32>} : memref<40x128xi32, #tpu.memory_space<vmem>>, vector<1x16xi32>,
          %get3A_541 = vector.shape_cast %get3A_540 : vector<1x16xi32> to vector<16xi32>
          %and3A_542 = arith.constant 65535 : i32
          %and3A_543 = vector.broadcast %and3A_542 : i32 to vector<16xi32>
          %and3A_544 = arith.andi %get3A_541, %and3A_543 : vector<16xi32>
          %swap3A_545 = arith.index_cast %select_n3A_474 : i32 to index
          %swap3A_546 = arith.constant 16 : index
          %swap3A_547 = tpu.vector_load %arg6[%swap3A_545, %swap3A_546] {strides = array<i32>} : memref<8x64xi32, #tpu.memory_space<vmem>>, vector<1x16xi32>,
          %swap3A_548 = vector.shape_cast %swap3A_547 : vector<1x16xi32> to vector<16xi32>
          %swap3A_549 = vector.shape_cast %and3A_544 : vector<16xi32> to vector<1x16xi32>
          tpu.vector_store %arg6[%swap3A_545, %swap3A_546], %swap3A_549 {strides = array<i32>} : memref<8x64xi32, #tpu.memory_space<vmem>>, vector<1x16xi32>,
          %shift_right_arithmetic3A_550 = arith.constant 16 : i32
          %shift_right_arithmetic3A_551 = vector.broadcast %shift_right_arithmetic3A_550 : i32 to vector<16xi32>
          %shift_right_arithmetic3A_552 = arith.shrsi %get3A_541, %shift_right_arithmetic3A_551 : vector<16xi32>
          %swap3A_553 = arith.index_cast %select_n3A_474 : i32 to index
          %swap3A_554 = arith.constant 16 : index
          %swap3A_555 = tpu.vector_load %arg7[%swap3A_553, %swap3A_554] {strides = array<i32>} : memref<8x64xi32, #tpu.memory_space<vmem>>, vector<1x16xi32>,
          %swap3A_556 = vector.shape_cast %swap3A_555 : vector<1x16xi32> to vector<16xi32>
          %swap3A_557 = vector.shape_cast %shift_right_arithmetic3A_552 : vector<16xi32> to vector<1x16xi32>
          tpu.vector_store %arg7[%swap3A_553, %swap3A_554], %swap3A_557 {strides = array<i32>} : memref<8x64xi32, #tpu.memory_space<vmem>>, vector<1x16xi32>,
          %add3A_558 = arith.constant 32 : i32
          %add3A_559 = arith.addi %mul3A_513, %add3A_558 : i32
          %get3A_560 = arith.index_cast %select_n3A_495 : i32 to index
          %get3A_561 = arith.index_cast %add3A_559 : i32 to index
          %get3A_562 = tpu.vector_load %arg5[%get3A_560, %get3A_561] {strides = array<i32>} : memref<40x128xi32, #tpu.memory_space<vmem>>, vector<1x16xi32>,
          %get3A_563 = vector.shape_cast %get3A_562 : vector<1x16xi32> to vector<16xi32>
          %and3A_564 = arith.constant 65535 : i32
          %and3A_565 = vector.broadcast %and3A_564 : i32 to vector<16xi32>
          %and3A_566 = arith.andi %get3A_563, %and3A_565 : vector<16xi32>
          %swap3A_567 = arith.index_cast %select_n3A_474 : i32 to index
          %swap3A_568 = arith.constant 32 : index
          %swap3A_569 = tpu.vector_load %arg6[%swap3A_567, %swap3A_568] {strides = array<i32>} : memref<8x64xi32, #tpu.memory_space<vmem>>, vector<1x16xi32>,
          %swap3A_570 = vector.shape_cast %swap3A_569 : vector<1x16xi32> to vector<16xi32>
          %swap3A_571 = vector.shape_cast %and3A_566 : vector<16xi32> to vector<1x16xi32>
          tpu.vector_store %arg6[%swap3A_567, %swap3A_568], %swap3A_571 {strides = array<i32>} : memref<8x64xi32, #tpu.memory_space<vmem>>, vector<1x16xi32>,
          %shift_right_arithmetic3A_572 = arith.constant 16 : i32
          %shift_right_arithmetic3A_573 = vector.broadcast %shift_right_arithmetic3A_572 : i32 to vector<16xi32>
          %shift_right_arithmetic3A_574 = arith.shrsi %get3A_563, %shift_right_arithmetic3A_573 : vector<16xi32>
          %swap3A_575 = arith.index_cast %select_n3A_474 : i32 to index
          %swap3A_576 = arith.constant 32 : index
          %swap3A_577 = tpu.vector_load %arg7[%swap3A_575, %swap3A_576] {strides = array<i32>} : memref<8x64xi32, #tpu.memory_space<vmem>>, vector<1x16xi32>,
          %swap3A_578 = vector.shape_cast %swap3A_577 : vector<1x16xi32> to vector<16xi32>
          %swap3A_579 = vector.shape_cast %shift_right_arithmetic3A_574 : vector<16xi32> to vector<1x16xi32>
          tpu.vector_store %arg7[%swap3A_575, %swap3A_576], %swap3A_579 {strides = array<i32>} : memref<8x64xi32, #tpu.memory_space<vmem>>, vector<1x16xi32>,
          %add3A_580 = arith.constant 48 : i32
          %add3A_581 = arith.addi %mul3A_513, %add3A_580 : i32
          %get3A_582 = arith.index_cast %select_n3A_495 : i32 to index
          %get3A_583 = arith.index_cast %add3A_581 : i32 to index
          %get3A_584 = tpu.vector_load %arg5[%get3A_582, %get3A_583] {strides = array<i32>} : memref<40x128xi32, #tpu.memory_space<vmem>>, vector<1x16xi32>,
          %get3A_585 = vector.shape_cast %get3A_584 : vector<1x16xi32> to vector<16xi32>
          %and3A_586 = arith.constant 65535 : i32
          %and3A_587 = vector.broadcast %and3A_586 : i32 to vector<16xi32>
          %and3A_588 = arith.andi %get3A_585, %and3A_587 : vector<16xi32>
          %swap3A_589 = arith.index_cast %select_n3A_474 : i32 to index
          %swap3A_590 = arith.constant 48 : index
          %swap3A_591 = tpu.vector_load %arg6[%swap3A_589, %swap3A_590] {strides = array<i32>} : memref<8x64xi32, #tpu.memory_space<vmem>>, vector<1x16xi32>,
          %swap3A_592 = vector.shape_cast %swap3A_591 : vector<1x16xi32> to vector<16xi32>
          %swap3A_593 = vector.shape_cast %and3A_588 : vector<16xi32> to vector<1x16xi32>
          tpu.vector_store %arg6[%swap3A_589, %swap3A_590], %swap3A_593 {strides = array<i32>} : memref<8x64xi32, #tpu.memory_space<vmem>>, vector<1x16xi32>,
          %shift_right_arithmetic3A_594 = arith.constant 16 : i32
          %shift_right_arithmetic3A_595 = vector.broadcast %shift_right_arithmetic3A_594 : i32 to vector<16xi32>
          %shift_right_arithmetic3A_596 = arith.shrsi %get3A_585, %shift_right_arithmetic3A_595 : vector<16xi32>
          %swap3A_597 = arith.index_cast %select_n3A_474 : i32 to index
          %swap3A_598 = arith.constant 48 : index
          %swap3A_599 = tpu.vector_load %arg7[%swap3A_597, %swap3A_598] {strides = array<i32>} : memref<8x64xi32, #tpu.memory_space<vmem>>, vector<1x16xi32>,
          %swap3A_600 = vector.shape_cast %swap3A_599 : vector<1x16xi32> to vector<16xi32>
          %swap3A_601 = vector.shape_cast %shift_right_arithmetic3A_596 : vector<16xi32> to vector<1x16xi32>
          tpu.vector_store %arg7[%swap3A_597, %swap3A_598], %swap3A_601 {strides = array<i32>} : memref<8x64xi32, #tpu.memory_space<vmem>>, vector<1x16xi32>,
          %add3A_602 = arith.constant 3 : i32
          %add3A_603 = arith.addi %add3A_383, %add3A_602 : i32
          %jit3A_604 = arith.constant 8 : i32
          %eq3A_605 = arith.constant 0 : i32
          %eq3A_606 = arith.cmpi eq, %jit3A_604, %eq3A_605 : i32
          %jit3A_607 = arith.constant 1 : i32
          %select_n3A_608 = arith.select %eq3A_606, %jit3A_607, %jit3A_604 : i32
          %rem3A_609 = arith.remsi %add3A_603, %select_n3A_608 : i32
          %ne3A_610 = arith.constant 0 : i32
          %ne3A_611 = arith.cmpi ne, %rem3A_609, %ne3A_610 : i32
          %lt3A_612 = arith.constant 0 : i32
          %lt3A_613 = arith.cmpi slt, %rem3A_609, %lt3A_612 : i32
          %lt3A_614 = arith.constant 0 : i32
          %lt3A_615 = arith.cmpi slt, %select_n3A_608, %lt3A_614 : i32
          %ne3A_616 = arith.xori %lt3A_613, %lt3A_615 : i1
          %and3A_617 = arith.andi %ne3A_616, %ne3A_611 : i1
          %add3A_618 = arith.addi %rem3A_609, %select_n3A_608 : i32
          %select_n3A_619 = arith.select %and3A_617, %add3A_618, %rem3A_609 : i32
          %dma_start3A_620 = arith.constant 1 : i32
          %dma_start3A_621 = arith.constant 0 : i32
          %dma_start3A_622 = arith.constant 0 : i32
          %dma_start3A_623 = tpu.memref_slice %arg8[%dma_start3A_620, %dma_start3A_621, %dma_start3A_622] : memref<4x64x128xf32, #tpu.memory_space<vmem>> -> memref<1x64x128xf32, #tpu.memory_space<vmem>>
          %dma_start3A_624 = tpu.memref_squeeze %dma_start3A_623 : memref<1x64x128xf32, #tpu.memory_space<vmem>> -> memref<64x128xf32, #tpu.memory_space<vmem>>
          %dma_start3A_625 = arith.constant 0 : i32
          %dma_start3A_626 = tpu.memref_slice %arg6[%select_n3A_619, %dma_start3A_625] : memref<8x64xi32, #tpu.memory_space<vmem>> -> memref<1x64xi32, #tpu.memory_space<vmem>>
          %dma_start3A_627 = tpu.memref_squeeze %dma_start3A_626 : memref<1x64xi32, #tpu.memory_space<vmem>> -> memref<64xi32, #tpu.memory_space<vmem>>
          %dma_start3A_628 = arith.constant 0 : i32
          %dma_start3A_629 = arith.constant 0 : i32
          %dma_start3A_630 = tpu.memref_slice %arg3[%dma_start3A_628, %dma_start3A_629] : memref<10240x128xf32, #tpu.memory_space<hbm>> -> memref<10240x128xf32, #tpu.memory_space<hbm>>
          tpu.enqueue_indirect_dma source(%dma_start3A_630 : memref<10240x128xf32, #tpu.memory_space<hbm>>) target(%dma_start3A_624 : memref<64x128xf32, #tpu.memory_space<vmem>>) offsets(%dma_start3A_627 : memref<64xi32, #tpu.memory_space<vmem>>) semaphore(%arg11 : memref<!tpu.dma_semaphore, #tpu.memory_space<semaphore_mem>>)
        } else {
        }
        %jit3A_430 = arith.constant 8 : i32
        %eq3A_431 = arith.constant 0 : i32
        %eq3A_432 = arith.cmpi eq, %jit3A_430, %eq3A_431 : i32
        %jit3A_433 = arith.constant 1 : i32
        %select_n3A_434 = arith.select %eq3A_432, %jit3A_433, %jit3A_430 : i32
        %rem3A_435 = arith.remsi %add3A_383, %select_n3A_434 : i32
        %ne3A_436 = arith.constant 0 : i32
        %ne3A_437 = arith.cmpi ne, %rem3A_435, %ne3A_436 : i32
        %lt3A_438 = arith.constant 0 : i32
        %lt3A_439 = arith.cmpi slt, %rem3A_435, %lt3A_438 : i32
        %lt3A_440 = arith.constant 0 : i32
        %lt3A_441 = arith.cmpi slt, %select_n3A_434, %lt3A_440 : i32
        %ne3A_442 = arith.xori %lt3A_439, %lt3A_441 : i1
        %and3A_443 = arith.andi %ne3A_442, %ne3A_437 : i1
        %add3A_444 = arith.addi %rem3A_435, %select_n3A_434 : i32
        %select_n3A_445 = arith.select %and3A_443, %add3A_444, %rem3A_435 : i32
        %dma_start3A_446 = arith.constant 2 : i32
        %dma_start3A_447 = arith.constant 0 : i32
        %dma_start3A_448 = arith.constant 0 : i32
        %dma_start3A_449 = tpu.memref_slice %arg8[%dma_start3A_446, %dma_start3A_447, %dma_start3A_448] : memref<4x64x128xf32, #tpu.memory_space<vmem>> -> memref<1x64x128xf32, #tpu.memory_space<vmem>>
        %dma_start3A_450 = tpu.memref_squeeze %dma_start3A_449 : memref<1x64x128xf32, #tpu.memory_space<vmem>> -> memref<64x128xf32, #tpu.memory_space<vmem>>
        %dma_start3A_451 = arith.constant 0 : i32
        %dma_start3A_452 = tpu.memref_slice %arg7[%select_n3A_445, %dma_start3A_451] : memref<8x64xi32, #tpu.memory_space<vmem>> -> memref<1x64xi32, #tpu.memory_space<vmem>>
        %dma_start3A_453 = tpu.memref_squeeze %dma_start3A_452 : memref<1x64xi32, #tpu.memory_space<vmem>> -> memref<64xi32, #tpu.memory_space<vmem>>
        %dma_start3A_454 = arith.constant 0 : i32
        %dma_start3A_455 = arith.constant 0 : i32
        %dma_start3A_456 = tpu.memref_slice %arg9[%dma_start3A_454, %dma_start3A_455] : memref<10240x128xf32, #tpu.memory_space<vmem_shared>> -> memref<10240x128xf32, #tpu.memory_space<vmem_shared>>
        tpu.enqueue_indirect_dma source(%dma_start3A_450 : memref<64x128xf32, #tpu.memory_space<vmem>>) target(%dma_start3A_456 : memref<10240x128xf32, #tpu.memory_space<vmem_shared>>) offsets(%dma_start3A_453 : memref<64xi32, #tpu.memory_space<vmem>>) semaphore(%arg16 : memref<!tpu.dma_semaphore, #tpu.memory_space<semaphore_mem>>) {add = true}
      } else {
      }
      %add3A_389 = arith.constant 3 : i32
      %add3A_390 = arith.addi %mul3A_370, %add3A_389 : i32
      %lt3A_391 = arith.constant 80 : i32
      %lt3A_392 = arith.cmpi slt, %add3A_390, %lt3A_391 : i32
      %convert_element_type3A_393 = arith.extui %lt3A_392 : i1 to i32
      %cond3A_394 = arith.constant 0 : i32
      %cond3A_395 = arith.cmpi ne, %convert_element_type3A_393, %cond3A_394 : i32
      scf.if %cond3A_395 {
        %jit3A = arith.constant 8 : i32
        %eq3A = arith.constant 0 : i32
        %eq3A_397 = arith.cmpi eq, %jit3A, %eq3A : i32
        %jit3A_398 = arith.constant 1 : i32
        %select_n3A = arith.select %eq3A_397, %jit3A_398, %jit3A : i32
        %rem3A = arith.remsi %add3A_390, %select_n3A : i32
        %ne3A = arith.constant 0 : i32
        %ne3A_399 = arith.cmpi ne, %rem3A, %ne3A : i32
        %lt3A_400 = arith.constant 0 : i32
        %lt3A_401 = arith.cmpi slt, %rem3A, %lt3A_400 : i32
        %lt3A_402 = arith.constant 0 : i32
        %lt3A_403 = arith.cmpi slt, %select_n3A, %lt3A_402 : i32
        %ne3A_404 = arith.xori %lt3A_401, %lt3A_403 : i1
        %and3A_405 = arith.andi %ne3A_404, %ne3A_399 : i1
        %add3A_406 = arith.addi %rem3A, %select_n3A : i32
        %select_n3A_407 = arith.select %and3A_405, %add3A_406, %rem3A : i32
        %dma_wait3A_408 = arith.constant 3 : i32
        %dma_wait3A_409 = arith.constant 0 : i32
        %dma_wait3A_410 = arith.constant 0 : i32
        %dma_wait3A_411 = tpu.memref_slice %arg8[%dma_wait3A_408, %dma_wait3A_409, %dma_wait3A_410] : memref<4x64x128xf32, #tpu.memory_space<vmem>> -> memref<1x64x128xf32, #tpu.memory_space<vmem>>
        %dma_wait3A_412 = tpu.memref_squeeze %dma_wait3A_411 : memref<1x64x128xf32, #tpu.memory_space<vmem>> -> memref<64x128xf32, #tpu.memory_space<vmem>>
        %dma_wait3A_413 = arith.constant 0 : i32
        %dma_wait3A_414 = tpu.memref_slice %arg6[%select_n3A_407, %dma_wait3A_413] : memref<8x64xi32, #tpu.memory_space<vmem>> -> memref<1x64xi32, #tpu.memory_space<vmem>>
        %dma_wait3A_415 = tpu.memref_squeeze %dma_wait3A_414 : memref<1x64xi32, #tpu.memory_space<vmem>> -> memref<64xi32, #tpu.memory_space<vmem>>
        %dma_wait3A_416 = arith.constant 0 : i32
        %dma_wait3A_417 = arith.constant 0 : i32
        %dma_wait3A_418 = tpu.memref_slice %arg3[%dma_wait3A_416, %dma_wait3A_417] : memref<10240x128xf32, #tpu.memory_space<hbm>> -> memref<10240x128xf32, #tpu.memory_space<hbm>>
        tpu.wait_indirect_dma semaphore(%arg13 : memref<!tpu.dma_semaphore, #tpu.memory_space<semaphore_mem>>) src(%dma_wait3A_418 : memref<10240x128xf32, #tpu.memory_space<hbm>>) dst(%dma_wait3A_412 : memref<64x128xf32, #tpu.memory_space<vmem>>)
        %ge3A = arith.constant 1 : i32
        %ge3A_419 = arith.cmpi sge, %add3A_390, %ge3A : i32
        %convert_element_type3A_420 = arith.extui %ge3A_419 : i1 to i32
        %cond3A_421 = arith.constant 0 : i32
        %cond3A_422 = arith.cmpi ne, %convert_element_type3A_420, %cond3A_421 : i32
        scf.if %cond3A_422 {
          %sub3A = arith.constant 1 : i32
          %sub3A_457 = arith.subi %add3A_390, %sub3A : i32
          %jit3A_458 = arith.constant 8 : i32
          %eq3A_459 = arith.constant 0 : i32
          %eq3A_460 = arith.cmpi eq, %jit3A_458, %eq3A_459 : i32
          %jit3A_461 = arith.constant 1 : i32
          %select_n3A_462 = arith.select %eq3A_460, %jit3A_461, %jit3A_458 : i32
          %rem3A_463 = arith.remsi %sub3A_457, %select_n3A_462 : i32
          %ne3A_464 = arith.constant 0 : i32
          %ne3A_465 = arith.cmpi ne, %rem3A_463, %ne3A_464 : i32
          %lt3A_466 = arith.constant 0 : i32
          %lt3A_467 = arith.cmpi slt, %rem3A_463, %lt3A_466 : i32
          %lt3A_468 = arith.constant 0 : i32
          %lt3A_469 = arith.cmpi slt, %select_n3A_462, %lt3A_468 : i32
          %ne3A_470 = arith.xori %lt3A_467, %lt3A_469 : i1
          %and3A_471 = arith.andi %ne3A_470, %ne3A_465 : i1
          %add3A_472 = arith.addi %rem3A_463, %select_n3A_462 : i32
          %select_n3A_473 = arith.select %and3A_471, %add3A_472, %rem3A_463 : i32
          %dma_wait3A_474 = arith.constant 2 : i32
          %dma_wait3A_475 = arith.constant 0 : i32
          %dma_wait3A_476 = arith.constant 0 : i32
          %dma_wait3A_477 = tpu.memref_slice %arg8[%dma_wait3A_474, %dma_wait3A_475, %dma_wait3A_476] : memref<4x64x128xf32, #tpu.memory_space<vmem>> -> memref<1x64x128xf32, #tpu.memory_space<vmem>>
          %dma_wait3A_478 = tpu.memref_squeeze %dma_wait3A_477 : memref<1x64x128xf32, #tpu.memory_space<vmem>> -> memref<64x128xf32, #tpu.memory_space<vmem>>
          %dma_wait3A_479 = arith.constant 0 : i32
          %dma_wait3A_480 = tpu.memref_slice %arg7[%select_n3A_473, %dma_wait3A_479] : memref<8x64xi32, #tpu.memory_space<vmem>> -> memref<1x64xi32, #tpu.memory_space<vmem>>
          %dma_wait3A_481 = tpu.memref_squeeze %dma_wait3A_480 : memref<1x64xi32, #tpu.memory_space<vmem>> -> memref<64xi32, #tpu.memory_space<vmem>>
          %dma_wait3A_482 = arith.constant 0 : i32
          %dma_wait3A_483 = arith.constant 0 : i32
          %dma_wait3A_484 = tpu.memref_slice %arg9[%dma_wait3A_482, %dma_wait3A_483] : memref<10240x128xf32, #tpu.memory_space<vmem_shared>> -> memref<10240x128xf32, #tpu.memory_space<vmem_shared>>
          tpu.wait_indirect_dma semaphore(%arg16 : memref<!tpu.dma_semaphore, #tpu.memory_space<semaphore_mem>>) src(%dma_wait3A_478 : memref<64x128xf32, #tpu.memory_space<vmem>>) dst(%dma_wait3A_484 : memref<10240x128xf32, #tpu.memory_space<vmem_shared>>)
        } else {
        }
        %add3A_423 = arith.constant 3 : i32
        %add3A_424 = arith.addi %add3A_390, %add3A_423 : i32
        %lt3A_425 = arith.constant 80 : i32
        %lt3A_426 = arith.cmpi slt, %add3A_424, %lt3A_425 : i32
        %convert_element_type3A_427 = arith.extui %lt3A_426 : i1 to i32
        %cond3A_428 = arith.constant 0 : i32
        %cond3A_429 = arith.cmpi ne, %convert_element_type3A_427, %cond3A_428 : i32
        scf.if %cond3A_429 {
          %add3A_457 = arith.constant 3 : i32
          %add3A_458 = arith.addi %add3A_390, %add3A_457 : i32
          %jit3A_459 = arith.constant 8 : i32
          %eq3A_460 = arith.constant 0 : i32
          %eq3A_461 = arith.cmpi eq, %jit3A_459, %eq3A_460 : i32
          %jit3A_462 = arith.constant 1 : i32
          %select_n3A_463 = arith.select %eq3A_461, %jit3A_462, %jit3A_459 : i32
          %rem3A_464 = arith.remsi %add3A_458, %select_n3A_463 : i32
          %ne3A_465 = arith.constant 0 : i32
          %ne3A_466 = arith.cmpi ne, %rem3A_464, %ne3A_465 : i32
          %lt3A_467 = arith.constant 0 : i32
          %lt3A_468 = arith.cmpi slt, %rem3A_464, %lt3A_467 : i32
          %lt3A_469 = arith.constant 0 : i32
          %lt3A_470 = arith.cmpi slt, %select_n3A_463, %lt3A_469 : i32
          %ne3A_471 = arith.xori %lt3A_468, %lt3A_470 : i1
          %and3A_472 = arith.andi %ne3A_471, %ne3A_466 : i1
          %add3A_473 = arith.addi %rem3A_464, %select_n3A_463 : i32
          %select_n3A_474 = arith.select %and3A_472, %add3A_473, %rem3A_464 : i32
          %jit3A_475 = arith.constant 2 : i32
          %div3A = arith.divsi %add3A_458, %jit3A_475 : i32
          %sign3A = arith.constant 0 : i32
          %sign3A_476 = arith.cmpi sgt, %add3A_458, %sign3A : i32
          %sign3A_477 = arith.extui %sign3A_476 : i1 to i32
          %sign3A_478 = arith.constant 0 : i32
          %sign3A_479 = arith.cmpi slt, %add3A_458, %sign3A_478 : i32
          %sign3A_480 = arith.extui %sign3A_479 : i1 to i32
          %sign3A_481 = arith.subi %sign3A_477, %sign3A_480 : i32
          %sign3A_482 = arith.constant 0 : i32
          %sign3A_483 = arith.cmpi sgt, %jit3A_475, %sign3A_482 : i32
          %sign3A_484 = arith.extui %sign3A_483 : i1 to i32
          %sign3A_485 = arith.constant 0 : i32
          %sign3A_486 = arith.cmpi slt, %jit3A_475, %sign3A_485 : i32
          %sign3A_487 = arith.extui %sign3A_486 : i1 to i32
          %sign3A_488 = arith.subi %sign3A_484, %sign3A_487 : i32
          %ne3A_489 = arith.cmpi ne, %sign3A_481, %sign3A_488 : i32
          %rem3A_490 = arith.remsi %add3A_458, %jit3A_475 : i32
          %ne3A_491 = arith.constant 0 : i32
          %ne3A_492 = arith.cmpi ne, %rem3A_490, %ne3A_491 : i32
          %and3A_493 = arith.andi %ne3A_489, %ne3A_492 : i1
          %sub3A = arith.constant 1 : i32
          %sub3A_494 = arith.subi %div3A, %sub3A : i32
          %select_n3A_495 = arith.select %and3A_493, %sub3A_494, %div3A : i32
          %jit3A_496 = arith.constant 2 : i32
          %eq3A_497 = arith.constant 0 : i32
          %eq3A_498 = arith.cmpi eq, %jit3A_496, %eq3A_497 : i32
          %jit3A_499 = arith.constant 1 : i32
          %select_n3A_500 = arith.select %eq3A_498, %jit3A_499, %jit3A_496 : i32
          %rem3A_501 = arith.remsi %add3A_458, %select_n3A_500 : i32
          %ne3A_502 = arith.constant 0 : i32
          %ne3A_503 = arith.cmpi ne, %rem3A_501, %ne3A_502 : i32
          %lt3A_504 = arith.constant 0 : i32
          %lt3A_505 = arith.cmpi slt, %rem3A_501, %lt3A_504 : i32
          %lt3A_506 = arith.constant 0 : i32
          %lt3A_507 = arith.cmpi slt, %select_n3A_500, %lt3A_506 : i32
          %ne3A_508 = arith.xori %lt3A_505, %lt3A_507 : i1
          %and3A_509 = arith.andi %ne3A_508, %ne3A_503 : i1
          %add3A_510 = arith.addi %rem3A_501, %select_n3A_500 : i32
          %select_n3A_511 = arith.select %and3A_509, %add3A_510, %rem3A_501 : i32
          %mul3A_512 = arith.constant 64 : i32
          %mul3A_513 = arith.muli %select_n3A_511, %mul3A_512 : i32
          %add3A_514 = arith.constant 0 : i32
          %add3A_515 = arith.addi %mul3A_513, %add3A_514 : i32
          %get3A_516 = arith.index_cast %select_n3A_495 : i32 to index
          %get3A_517 = arith.index_cast %add3A_515 : i32 to index
          %get3A_518 = tpu.vector_load %arg5[%get3A_516, %get3A_517] {strides = array<i32>} : memref<40x128xi32, #tpu.memory_space<vmem>>, vector<1x16xi32>,
          %get3A_519 = vector.shape_cast %get3A_518 : vector<1x16xi32> to vector<16xi32>
          %and3A_520 = arith.constant 65535 : i32
          %and3A_521 = vector.broadcast %and3A_520 : i32 to vector<16xi32>
          %and3A_522 = arith.andi %get3A_519, %and3A_521 : vector<16xi32>
          %swap3A_523 = arith.index_cast %select_n3A_474 : i32 to index
          %swap3A_524 = arith.constant 0 : index
          %swap3A_525 = tpu.vector_load %arg6[%swap3A_523, %swap3A_524] {strides = array<i32>} : memref<8x64xi32, #tpu.memory_space<vmem>>, vector<1x16xi32>,
          %swap3A_526 = vector.shape_cast %swap3A_525 : vector<1x16xi32> to vector<16xi32>
          %swap3A_527 = vector.shape_cast %and3A_522 : vector<16xi32> to vector<1x16xi32>
          tpu.vector_store %arg6[%swap3A_523, %swap3A_524], %swap3A_527 {strides = array<i32>} : memref<8x64xi32, #tpu.memory_space<vmem>>, vector<1x16xi32>,
          %shift_right_arithmetic3A_528 = arith.constant 16 : i32
          %shift_right_arithmetic3A_529 = vector.broadcast %shift_right_arithmetic3A_528 : i32 to vector<16xi32>
          %shift_right_arithmetic3A_530 = arith.shrsi %get3A_519, %shift_right_arithmetic3A_529 : vector<16xi32>
          %swap3A_531 = arith.index_cast %select_n3A_474 : i32 to index
          %swap3A_532 = arith.constant 0 : index
          %swap3A_533 = tpu.vector_load %arg7[%swap3A_531, %swap3A_532] {strides = array<i32>} : memref<8x64xi32, #tpu.memory_space<vmem>>, vector<1x16xi32>,
          %swap3A_534 = vector.shape_cast %swap3A_533 : vector<1x16xi32> to vector<16xi32>
          %swap3A_535 = vector.shape_cast %shift_right_arithmetic3A_530 : vector<16xi32> to vector<1x16xi32>
          tpu.vector_store %arg7[%swap3A_531, %swap3A_532], %swap3A_535 {strides = array<i32>} : memref<8x64xi32, #tpu.memory_space<vmem>>, vector<1x16xi32>,
          %add3A_536 = arith.constant 16 : i32
          %add3A_537 = arith.addi %mul3A_513, %add3A_536 : i32
          %get3A_538 = arith.index_cast %select_n3A_495 : i32 to index
          %get3A_539 = arith.index_cast %add3A_537 : i32 to index
          %get3A_540 = tpu.vector_load %arg5[%get3A_538, %get3A_539] {strides = array<i32>} : memref<40x128xi32, #tpu.memory_space<vmem>>, vector<1x16xi32>,
          %get3A_541 = vector.shape_cast %get3A_540 : vector<1x16xi32> to vector<16xi32>
          %and3A_542 = arith.constant 65535 : i32
          %and3A_543 = vector.broadcast %and3A_542 : i32 to vector<16xi32>
          %and3A_544 = arith.andi %get3A_541, %and3A_543 : vector<16xi32>
          %swap3A_545 = arith.index_cast %select_n3A_474 : i32 to index
          %swap3A_546 = arith.constant 16 : index
          %swap3A_547 = tpu.vector_load %arg6[%swap3A_545, %swap3A_546] {strides = array<i32>} : memref<8x64xi32, #tpu.memory_space<vmem>>, vector<1x16xi32>,
          %swap3A_548 = vector.shape_cast %swap3A_547 : vector<1x16xi32> to vector<16xi32>
          %swap3A_549 = vector.shape_cast %and3A_544 : vector<16xi32> to vector<1x16xi32>
          tpu.vector_store %arg6[%swap3A_545, %swap3A_546], %swap3A_549 {strides = array<i32>} : memref<8x64xi32, #tpu.memory_space<vmem>>, vector<1x16xi32>,
          %shift_right_arithmetic3A_550 = arith.constant 16 : i32
          %shift_right_arithmetic3A_551 = vector.broadcast %shift_right_arithmetic3A_550 : i32 to vector<16xi32>
          %shift_right_arithmetic3A_552 = arith.shrsi %get3A_541, %shift_right_arithmetic3A_551 : vector<16xi32>
          %swap3A_553 = arith.index_cast %select_n3A_474 : i32 to index
          %swap3A_554 = arith.constant 16 : index
          %swap3A_555 = tpu.vector_load %arg7[%swap3A_553, %swap3A_554] {strides = array<i32>} : memref<8x64xi32, #tpu.memory_space<vmem>>, vector<1x16xi32>,
          %swap3A_556 = vector.shape_cast %swap3A_555 : vector<1x16xi32> to vector<16xi32>
          %swap3A_557 = vector.shape_cast %shift_right_arithmetic3A_552 : vector<16xi32> to vector<1x16xi32>
          tpu.vector_store %arg7[%swap3A_553, %swap3A_554], %swap3A_557 {strides = array<i32>} : memref<8x64xi32, #tpu.memory_space<vmem>>, vector<1x16xi32>,
          %add3A_558 = arith.constant 32 : i32
          %add3A_559 = arith.addi %mul3A_513, %add3A_558 : i32
          %get3A_560 = arith.index_cast %select_n3A_495 : i32 to index
          %get3A_561 = arith.index_cast %add3A_559 : i32 to index
          %get3A_562 = tpu.vector_load %arg5[%get3A_560, %get3A_561] {strides = array<i32>} : memref<40x128xi32, #tpu.memory_space<vmem>>, vector<1x16xi32>,
          %get3A_563 = vector.shape_cast %get3A_562 : vector<1x16xi32> to vector<16xi32>
          %and3A_564 = arith.constant 65535 : i32
          %and3A_565 = vector.broadcast %and3A_564 : i32 to vector<16xi32>
          %and3A_566 = arith.andi %get3A_563, %and3A_565 : vector<16xi32>
          %swap3A_567 = arith.index_cast %select_n3A_474 : i32 to index
          %swap3A_568 = arith.constant 32 : index
          %swap3A_569 = tpu.vector_load %arg6[%swap3A_567, %swap3A_568] {strides = array<i32>} : memref<8x64xi32, #tpu.memory_space<vmem>>, vector<1x16xi32>,
          %swap3A_570 = vector.shape_cast %swap3A_569 : vector<1x16xi32> to vector<16xi32>
          %swap3A_571 = vector.shape_cast %and3A_566 : vector<16xi32> to vector<1x16xi32>
          tpu.vector_store %arg6[%swap3A_567, %swap3A_568], %swap3A_571 {strides = array<i32>} : memref<8x64xi32, #tpu.memory_space<vmem>>, vector<1x16xi32>,
          %shift_right_arithmetic3A_572 = arith.constant 16 : i32
          %shift_right_arithmetic3A_573 = vector.broadcast %shift_right_arithmetic3A_572 : i32 to vector<16xi32>
          %shift_right_arithmetic3A_574 = arith.shrsi %get3A_563, %shift_right_arithmetic3A_573 : vector<16xi32>
          %swap3A_575 = arith.index_cast %select_n3A_474 : i32 to index
          %swap3A_576 = arith.constant 32 : index
          %swap3A_577 = tpu.vector_load %arg7[%swap3A_575, %swap3A_576] {strides = array<i32>} : memref<8x64xi32, #tpu.memory_space<vmem>>, vector<1x16xi32>,
          %swap3A_578 = vector.shape_cast %swap3A_577 : vector<1x16xi32> to vector<16xi32>
          %swap3A_579 = vector.shape_cast %shift_right_arithmetic3A_574 : vector<16xi32> to vector<1x16xi32>
          tpu.vector_store %arg7[%swap3A_575, %swap3A_576], %swap3A_579 {strides = array<i32>} : memref<8x64xi32, #tpu.memory_space<vmem>>, vector<1x16xi32>,
          %add3A_580 = arith.constant 48 : i32
          %add3A_581 = arith.addi %mul3A_513, %add3A_580 : i32
          %get3A_582 = arith.index_cast %select_n3A_495 : i32 to index
          %get3A_583 = arith.index_cast %add3A_581 : i32 to index
          %get3A_584 = tpu.vector_load %arg5[%get3A_582, %get3A_583] {strides = array<i32>} : memref<40x128xi32, #tpu.memory_space<vmem>>, vector<1x16xi32>,
          %get3A_585 = vector.shape_cast %get3A_584 : vector<1x16xi32> to vector<16xi32>
          %and3A_586 = arith.constant 65535 : i32
          %and3A_587 = vector.broadcast %and3A_586 : i32 to vector<16xi32>
          %and3A_588 = arith.andi %get3A_585, %and3A_587 : vector<16xi32>
          %swap3A_589 = arith.index_cast %select_n3A_474 : i32 to index
          %swap3A_590 = arith.constant 48 : index
          %swap3A_591 = tpu.vector_load %arg6[%swap3A_589, %swap3A_590] {strides = array<i32>} : memref<8x64xi32, #tpu.memory_space<vmem>>, vector<1x16xi32>,
          %swap3A_592 = vector.shape_cast %swap3A_591 : vector<1x16xi32> to vector<16xi32>
          %swap3A_593 = vector.shape_cast %and3A_588 : vector<16xi32> to vector<1x16xi32>
          tpu.vector_store %arg6[%swap3A_589, %swap3A_590], %swap3A_593 {strides = array<i32>} : memref<8x64xi32, #tpu.memory_space<vmem>>, vector<1x16xi32>,
          %shift_right_arithmetic3A_594 = arith.constant 16 : i32
          %shift_right_arithmetic3A_595 = vector.broadcast %shift_right_arithmetic3A_594 : i32 to vector<16xi32>
          %shift_right_arithmetic3A_596 = arith.shrsi %get3A_585, %shift_right_arithmetic3A_595 : vector<16xi32>
          %swap3A_597 = arith.index_cast %select_n3A_474 : i32 to index
          %swap3A_598 = arith.constant 48 : index
          %swap3A_599 = tpu.vector_load %arg7[%swap3A_597, %swap3A_598] {strides = array<i32>} : memref<8x64xi32, #tpu.memory_space<vmem>>, vector<1x16xi32>,
          %swap3A_600 = vector.shape_cast %swap3A_599 : vector<1x16xi32> to vector<16xi32>
          %swap3A_601 = vector.shape_cast %shift_right_arithmetic3A_596 : vector<16xi32> to vector<1x16xi32>
          tpu.vector_store %arg7[%swap3A_597, %swap3A_598], %swap3A_601 {strides = array<i32>} : memref<8x64xi32, #tpu.memory_space<vmem>>, vector<1x16xi32>,
          %add3A_602 = arith.constant 3 : i32
          %add3A_603 = arith.addi %add3A_390, %add3A_602 : i32
          %jit3A_604 = arith.constant 8 : i32
          %eq3A_605 = arith.constant 0 : i32
          %eq3A_606 = arith.cmpi eq, %jit3A_604, %eq3A_605 : i32
          %jit3A_607 = arith.constant 1 : i32
          %select_n3A_608 = arith.select %eq3A_606, %jit3A_607, %jit3A_604 : i32
          %rem3A_609 = arith.remsi %add3A_603, %select_n3A_608 : i32
          %ne3A_610 = arith.constant 0 : i32
          %ne3A_611 = arith.cmpi ne, %rem3A_609, %ne3A_610 : i32
          %lt3A_612 = arith.constant 0 : i32
          %lt3A_613 = arith.cmpi slt, %rem3A_609, %lt3A_612 : i32
          %lt3A_614 = arith.constant 0 : i32
          %lt3A_615 = arith.cmpi slt, %select_n3A_608, %lt3A_614 : i32
          %ne3A_616 = arith.xori %lt3A_613, %lt3A_615 : i1
          %and3A_617 = arith.andi %ne3A_616, %ne3A_611 : i1
          %add3A_618 = arith.addi %rem3A_609, %select_n3A_608 : i32
          %select_n3A_619 = arith.select %and3A_617, %add3A_618, %rem3A_609 : i32
          %dma_start3A_620 = arith.constant 2 : i32
          %dma_start3A_621 = arith.constant 0 : i32
          %dma_start3A_622 = arith.constant 0 : i32
          %dma_start3A_623 = tpu.memref_slice %arg8[%dma_start3A_620, %dma_start3A_621, %dma_start3A_622] : memref<4x64x128xf32, #tpu.memory_space<vmem>> -> memref<1x64x128xf32, #tpu.memory_space<vmem>>
          %dma_start3A_624 = tpu.memref_squeeze %dma_start3A_623 : memref<1x64x128xf32, #tpu.memory_space<vmem>> -> memref<64x128xf32, #tpu.memory_space<vmem>>
          %dma_start3A_625 = arith.constant 0 : i32
          %dma_start3A_626 = tpu.memref_slice %arg6[%select_n3A_619, %dma_start3A_625] : memref<8x64xi32, #tpu.memory_space<vmem>> -> memref<1x64xi32, #tpu.memory_space<vmem>>
          %dma_start3A_627 = tpu.memref_squeeze %dma_start3A_626 : memref<1x64xi32, #tpu.memory_space<vmem>> -> memref<64xi32, #tpu.memory_space<vmem>>
          %dma_start3A_628 = arith.constant 0 : i32
          %dma_start3A_629 = arith.constant 0 : i32
          %dma_start3A_630 = tpu.memref_slice %arg3[%dma_start3A_628, %dma_start3A_629] : memref<10240x128xf32, #tpu.memory_space<hbm>> -> memref<10240x128xf32, #tpu.memory_space<hbm>>
          tpu.enqueue_indirect_dma source(%dma_start3A_630 : memref<10240x128xf32, #tpu.memory_space<hbm>>) target(%dma_start3A_624 : memref<64x128xf32, #tpu.memory_space<vmem>>) offsets(%dma_start3A_627 : memref<64xi32, #tpu.memory_space<vmem>>) semaphore(%arg12 : memref<!tpu.dma_semaphore, #tpu.memory_space<semaphore_mem>>)
        } else {
        }
        %jit3A_430 = arith.constant 8 : i32
        %eq3A_431 = arith.constant 0 : i32
        %eq3A_432 = arith.cmpi eq, %jit3A_430, %eq3A_431 : i32
        %jit3A_433 = arith.constant 1 : i32
        %select_n3A_434 = arith.select %eq3A_432, %jit3A_433, %jit3A_430 : i32
        %rem3A_435 = arith.remsi %add3A_390, %select_n3A_434 : i32
        %ne3A_436 = arith.constant 0 : i32
        %ne3A_437 = arith.cmpi ne, %rem3A_435, %ne3A_436 : i32
        %lt3A_438 = arith.constant 0 : i32
        %lt3A_439 = arith.cmpi slt, %rem3A_435, %lt3A_438 : i32
        %lt3A_440 = arith.constant 0 : i32
        %lt3A_441 = arith.cmpi slt, %select_n3A_434, %lt3A_440 : i32
        %ne3A_442 = arith.xori %lt3A_439, %lt3A_441 : i1
        %and3A_443 = arith.andi %ne3A_442, %ne3A_437 : i1
        %add3A_444 = arith.addi %rem3A_435, %select_n3A_434 : i32
        %select_n3A_445 = arith.select %and3A_443, %add3A_444, %rem3A_435 : i32
        %dma_start3A_446 = arith.constant 3 : i32
        %dma_start3A_447 = arith.constant 0 : i32
        %dma_start3A_448 = arith.constant 0 : i32
        %dma_start3A_449 = tpu.memref_slice %arg8[%dma_start3A_446, %dma_start3A_447, %dma_start3A_448] : memref<4x64x128xf32, #tpu.memory_space<vmem>> -> memref<1x64x128xf32, #tpu.memory_space<vmem>>
        %dma_start3A_450 = tpu.memref_squeeze %dma_start3A_449 : memref<1x64x128xf32, #tpu.memory_space<vmem>> -> memref<64x128xf32, #tpu.memory_space<vmem>>
        %dma_start3A_451 = arith.constant 0 : i32
        %dma_start3A_452 = tpu.memref_slice %arg7[%select_n3A_445, %dma_start3A_451] : memref<8x64xi32, #tpu.memory_space<vmem>> -> memref<1x64xi32, #tpu.memory_space<vmem>>
        %dma_start3A_453 = tpu.memref_squeeze %dma_start3A_452 : memref<1x64xi32, #tpu.memory_space<vmem>> -> memref<64xi32, #tpu.memory_space<vmem>>
        %dma_start3A_454 = arith.constant 0 : i32
        %dma_start3A_455 = arith.constant 0 : i32
        %dma_start3A_456 = tpu.memref_slice %arg9[%dma_start3A_454, %dma_start3A_455] : memref<10240x128xf32, #tpu.memory_space<vmem_shared>> -> memref<10240x128xf32, #tpu.memory_space<vmem_shared>>
        tpu.enqueue_indirect_dma source(%dma_start3A_450 : memref<64x128xf32, #tpu.memory_space<vmem>>) target(%dma_start3A_456 : memref<10240x128xf32, #tpu.memory_space<vmem_shared>>) offsets(%dma_start3A_453 : memref<64xi32, #tpu.memory_space<vmem>>) semaphore(%arg17 : memref<!tpu.dma_semaphore, #tpu.memory_space<semaphore_mem>>) {add = true}
      } else {
      }
      %scan3A_396 = arith.constant 0 : i32
      scf.yield %scan3A_396 : i32
    }
    %scan3A_350 = arith.constant 20 : i32
    %dma_wait3A = arith.constant 3 : i32
    %dma_wait3A_351 = arith.constant 7 : i32
    %dma_wait3A_352 = arith.constant 0 : i32
    %dma_wait3A_353 = arith.constant 0 : i32
    %dma_wait3A_354 = tpu.memref_slice %arg8[%dma_wait3A, %dma_wait3A_352, %dma_wait3A_353] : memref<4x64x128xf32, #tpu.memory_space<vmem>> -> memref<1x64x128xf32, #tpu.memory_space<vmem>>
    %dma_wait3A_355 = tpu.memref_squeeze %dma_wait3A_354 : memref<1x64x128xf32, #tpu.memory_space<vmem>> -> memref<64x128xf32, #tpu.memory_space<vmem>>
    %dma_wait3A_356 = arith.constant 0 : i32
    %dma_wait3A_357 = tpu.memref_slice %arg7[%dma_wait3A_351, %dma_wait3A_356] : memref<8x64xi32, #tpu.memory_space<vmem>> -> memref<1x64xi32, #tpu.memory_space<vmem>>
    %dma_wait3A_358 = tpu.memref_squeeze %dma_wait3A_357 : memref<1x64xi32, #tpu.memory_space<vmem>> -> memref<64xi32, #tpu.memory_space<vmem>>
    %dma_wait3A_359 = arith.constant 0 : i32
    %dma_wait3A_360 = arith.constant 0 : i32
    %dma_wait3A_361 = tpu.memref_slice %arg9[%dma_wait3A_359, %dma_wait3A_360] : memref<10240x128xf32, #tpu.memory_space<vmem_shared>> -> memref<10240x128xf32, #tpu.memory_space<vmem_shared>>
    tpu.wait_indirect_dma semaphore(%arg17 : memref<!tpu.dma_semaphore, #tpu.memory_space<semaphore_mem>>) src(%dma_wait3A_355 : memref<64x128xf32, #tpu.memory_space<vmem>>) dst(%dma_wait3A_361 : memref<10240x128xf32, #tpu.memory_space<vmem_shared>>)
    %barrier3A_362 = arith.constant 0 : index
    tpu.barrier barrier_id(%barrier3A_362)
    %mul3A_363 = arith.constant 640 : i32
    %mul3A_364 = arith.muli %arg1, %mul3A_363 : i32
    %mul3A_365 = arith.constant 640 : i32
    %mul3A_366 = arith.muli %arg1, %mul3A_365 : i32
    "tpu.region"() ({
      %run_scoped3A_367 = tpu.sem_alloc : memref<!tpu.dma_semaphore, #tpu.memory_space<semaphore_mem>>
      %dma_start3A_368 = arith.constant 0 : i32
      %dma_start3A_369 = tpu.memref_slice %arg4[%arg0, %mul3A_366, %dma_start3A_368] : memref<2x10240x128xf32, #tpu.memory_space<hbm>> -> memref<1x640x128xf32, #tpu.memory_space<hbm>>
      %dma_start3A_370 = tpu.memref_squeeze %dma_start3A_369 : memref<1x640x128xf32, #tpu.memory_space<hbm>> -> memref<640x128xf32, #tpu.memory_space<hbm>>
      %dma_start3A_371 = arith.constant 0 : i32
      %dma_start3A_372 = tpu.memref_slice %arg9[%mul3A_364, %dma_start3A_371] : memref<10240x128xf32, #tpu.memory_space<vmem_shared>> -> memref<640x128xf32, #tpu.memory_space<vmem_shared>>
      tpu.enqueue_dma source(%dma_start3A_372 : memref<640x128xf32, #tpu.memory_space<vmem_shared>>) target(%dma_start3A_370 : memref<640x128xf32, #tpu.memory_space<hbm>>) target_semaphore(%run_scoped3A_367 : memref<!tpu.dma_semaphore, #tpu.memory_space<semaphore_mem>>)
      %dma_wait3A_373 = arith.constant 0 : i32
      %dma_wait3A_374 = tpu.memref_slice %arg4[%arg0, %mul3A_366, %dma_wait3A_373] : memref<2x10240x128xf32, #tpu.memory_space<hbm>> -> memref<1x640x128xf32, #tpu.memory_space<hbm>>
      %dma_wait3A_375 = tpu.memref_squeeze %dma_wait3A_374 : memref<1x640x128xf32, #tpu.memory_space<hbm>> -> memref<640x128xf32, #tpu.memory_space<hbm>>
      %dma_wait3A_376 = arith.constant 0 : i32
      %dma_wait3A_377 = tpu.memref_slice %arg9[%mul3A_364, %dma_wait3A_376] : memref<10240x128xf32, #tpu.memory_space<vmem_shared>> -> memref<640x128xf32, #tpu.memory_space<vmem_shared>>
      tpu.wait_dma2 semaphore(%run_scoped3A_367 : memref<!tpu.dma_semaphore, #tpu.memory_space<semaphore_mem>>) src(%dma_wait3A_377 : memref<640x128xf32, #tpu.memory_space<vmem_shared>>) dst(%dma_wait3A_375 : memref<640x128xf32, #tpu.memory_space<hbm>>)
      tpu.yield
    }) : () -> ()
    return
  }
}

#map = affine_map<(d0, d1) -> (0, 0, 0, 0)>
#map1 = affine_map<(d0, d1) -> (0, 0, 0)>
module attributes {stable_mosaic.version = 14 : i64} {
  func.func @k(%arg0: i32, %arg1: i32, %arg2: memref<2x16x40x128xi32, #tpu.memory_space<hbm>>, %arg3: memref<2x10240x128xf32, #tpu.memory_space<hbm>>, %arg4: memref<40x128xi32, #tpu.memory_space<vmem>>, %arg5: memref<128x128xf32, #tpu.memory_space<vmem>>, %arg6: memref<10240x128xf32, #tpu.memory_space<vmem_shared>>, %arg7: memref<!tpu.dma_semaphore, #tpu.memory_space<semaphore_mem>>, %arg8: memref<!tpu.dma_semaphore, #tpu.memory_space<semaphore_mem>>, %arg9: memref<!tpu.dma_semaphore, #tpu.memory_space<semaphore_mem>>, %arg10: memref<!tpu.dma_semaphore, #tpu.memory_space<semaphore_mem>>) attributes {dimension_semantics = [#tpu.dimension_semantics<core_parallel>, #tpu.dimension_semantics<subcore_parallel>], iteration_bounds = array<i64: 2, 16>, scalar_prefetch = 0 : i64, scratch_operands = 7 : i64, tpu.core_type = #tpu.core_type<sc_vector_subcore>, window_params = [{transform_indices = #map}, {transform_indices = #map1}]} {
    "tpu.region"() ({
      %run_scoped3A = tpu.sem_alloc : memref<!tpu.dma_semaphore, #tpu.memory_space<semaphore_mem>>
      %dma_start3A = arith.constant 0 : i32
      %dma_start3A_65 = arith.constant 0 : i32
      %dma_start3A_66 = tpu.memref_slice %arg2[%arg0, %arg1, %dma_start3A, %dma_start3A_65] : memref<2x16x40x128xi32, #tpu.memory_space<hbm>> -> memref<1x1x40x128xi32, #tpu.memory_space<hbm>>
      %dma_start3A_67 = tpu.memref_squeeze %dma_start3A_66 : memref<1x1x40x128xi32, #tpu.memory_space<hbm>> -> memref<40x128xi32, #tpu.memory_space<hbm>>
      %dma_start3A_68 = arith.constant 0 : i32
      %dma_start3A_69 = arith.constant 0 : i32
      %dma_start3A_70 = tpu.memref_slice %arg2[%arg0, %arg1, %dma_start3A_68, %dma_start3A_69] : memref<2x16x40x128xi32, #tpu.memory_space<hbm>> -> memref<1x1x40x128xi32, #tpu.memory_space<hbm>>
      %dma_start3A_71 = tpu.memref_squeeze %dma_start3A_70 : memref<1x1x40x128xi32, #tpu.memory_space<hbm>> -> memref<40x128xi32, #tpu.memory_space<hbm>>
      tpu.enqueue_dma source(%dma_start3A_71 : memref<40x128xi32, #tpu.memory_space<hbm>>) target(%arg4 : memref<40x128xi32, #tpu.memory_space<vmem>>) target_semaphore(%run_scoped3A : memref<!tpu.dma_semaphore, #tpu.memory_space<semaphore_mem>>)
      %dma_wait3A_72 = arith.constant 0 : i32
      %dma_wait3A_73 = arith.constant 0 : i32
      %dma_wait3A_74 = tpu.memref_slice %arg2[%arg0, %arg1, %dma_wait3A_72, %dma_wait3A_73] : memref<2x16x40x128xi32, #tpu.memory_space<hbm>> -> memref<1x1x40x128xi32, #tpu.memory_space<hbm>>
      %dma_wait3A_75 = tpu.memref_squeeze %dma_wait3A_74 : memref<1x1x40x128xi32, #tpu.memory_space<hbm>> -> memref<40x128xi32, #tpu.memory_space<hbm>>
      %dma_wait3A_76 = arith.constant 0 : i32
      %dma_wait3A_77 = arith.constant 0 : i32
      %dma_wait3A_78 = tpu.memref_slice %arg2[%arg0, %arg1, %dma_wait3A_76, %dma_wait3A_77] : memref<2x16x40x128xi32, #tpu.memory_space<hbm>> -> memref<1x1x40x128xi32, #tpu.memory_space<hbm>>
      %dma_wait3A_79 = tpu.memref_squeeze %dma_wait3A_78 : memref<1x1x40x128xi32, #tpu.memory_space<hbm>> -> memref<40x128xi32, #tpu.memory_space<hbm>>
      tpu.wait_dma2 semaphore(%run_scoped3A : memref<!tpu.dma_semaphore, #tpu.memory_space<semaphore_mem>>) src(%dma_wait3A_79 : memref<40x128xi32, #tpu.memory_space<hbm>>) dst(%arg4 : memref<40x128xi32, #tpu.memory_space<vmem>>)
      tpu.yield
    }) : () -> ()
    %broadcast_in_dim3A = arith.constant 0.000000e+00 : f32
    %broadcast_in_dim3A_0 = vector.broadcast %broadcast_in_dim3A : f32 to vector<16xf32>
    %scan3A = arith.constant 0 : i32
    %scan3A_1 = arith.constant 0 : i32
    %scan3A_2 = arith.constant 1024 : i32
    %scan3A_3 = arith.addi %scan3A_1, %scan3A_2 : i32
    %scan3A_4 = arith.constant 1 : i32
    %scan3A_5 = scf.for %scan3A_65 = %scan3A_1 to %scan3A_3 step %scan3A_4 iter_args(%scan3A_66 = %scan3A) -> (i32)  : i32 {
      %jit3A = arith.constant 8 : i32
      %div3A = arith.divsi %scan3A_65, %jit3A : i32
      %sign3A = arith.constant 0 : i32
      %sign3A_67 = arith.cmpi sgt, %scan3A_65, %sign3A : i32
      %sign3A_68 = arith.extui %sign3A_67 : i1 to i32
      %sign3A_69 = arith.constant 0 : i32
      %sign3A_70 = arith.cmpi slt, %scan3A_65, %sign3A_69 : i32
      %sign3A_71 = arith.extui %sign3A_70 : i1 to i32
      %sign3A_72 = arith.subi %sign3A_68, %sign3A_71 : i32
      %sign3A_73 = arith.constant 0 : i32
      %sign3A_74 = arith.cmpi sgt, %jit3A, %sign3A_73 : i32
      %sign3A_75 = arith.extui %sign3A_74 : i1 to i32
      %sign3A_76 = arith.constant 0 : i32
      %sign3A_77 = arith.cmpi slt, %jit3A, %sign3A_76 : i32
      %sign3A_78 = arith.extui %sign3A_77 : i1 to i32
      %sign3A_79 = arith.subi %sign3A_75, %sign3A_78 : i32
      %ne3A = arith.cmpi ne, %sign3A_72, %sign3A_79 : i32
      %rem3A = arith.remsi %scan3A_65, %jit3A : i32
      %ne3A_80 = arith.constant 0 : i32
      %ne3A_81 = arith.cmpi ne, %rem3A, %ne3A_80 : i32
      %and3A = arith.andi %ne3A, %ne3A_81 : i1
      %sub3A = arith.constant 1 : i32
      %sub3A_82 = arith.subi %div3A, %sub3A : i32
      %select_n3A = arith.select %and3A, %sub3A_82, %div3A : i32
      %jit3A_83 = arith.constant 8 : i32
      %eq3A = arith.constant 0 : i32
      %eq3A_84 = arith.cmpi eq, %jit3A_83, %eq3A : i32
      %jit3A_85 = arith.constant 1 : i32
      %select_n3A_86 = arith.select %eq3A_84, %jit3A_85, %jit3A_83 : i32
      %rem3A_87 = arith.remsi %scan3A_65, %select_n3A_86 : i32
      %ne3A_88 = arith.constant 0 : i32
      %ne3A_89 = arith.cmpi ne, %rem3A_87, %ne3A_88 : i32
      %lt3A = arith.constant 0 : i32
      %lt3A_90 = arith.cmpi slt, %rem3A_87, %lt3A : i32
      %lt3A_91 = arith.constant 0 : i32
      %lt3A_92 = arith.cmpi slt, %select_n3A_86, %lt3A_91 : i32
      %ne3A_93 = arith.xori %lt3A_90, %lt3A_92 : i1
      %and3A_94 = arith.andi %ne3A_93, %ne3A_89 : i1
      %add3A_95 = arith.addi %rem3A_87, %select_n3A_86 : i32
      %select_n3A_96 = arith.select %and3A_94, %add3A_95, %rem3A_87 : i32
      %mul3A_97 = arith.constant 16 : i32
      %mul3A_98 = arith.muli %select_n3A_96, %mul3A_97 : i32
      %swap3A = arith.index_cast %select_n3A : i32 to index
      %swap3A_99 = arith.index_cast %mul3A_98 : i32 to index
      %swap3A_100 = tpu.vector_load %arg5[%swap3A, %swap3A_99] {strides = array<i32>} : memref<128x128xf32, #tpu.memory_space<vmem>>, vector<1x16xf32>,
      %swap3A_101 = vector.shape_cast %swap3A_100 : vector<1x16xf32> to vector<16xf32>
      %swap3A_102 = vector.shape_cast %broadcast_in_dim3A_0 : vector<16xf32> to vector<1x16xf32>
      tpu.vector_store %arg5[%swap3A, %swap3A_99], %swap3A_102 {strides = array<i32>} : memref<128x128xf32, #tpu.memory_space<vmem>>, vector<1x16xf32>,
      %scan3A_103 = arith.constant 0 : i32
      scf.yield %scan3A_103 : i32
    }
    %scan3A_6 = arith.constant 1024 : i32
    %mul3A = arith.constant 640 : i32
    %mul3A_7 = arith.muli %arg1, %mul3A : i32
    %add3A = arith.constant 0 : i32
    %add3A_8 = arith.addi %mul3A_7, %add3A : i32
    "tpu.region"() ({
      %run_scoped3A = tpu.sem_alloc : memref<!tpu.dma_semaphore, #tpu.memory_space<semaphore_mem>>
      %dma_start3A = arith.constant 0 : i32
      %dma_start3A_65 = tpu.memref_slice %arg6[%add3A_8, %dma_start3A] : memref<10240x128xf32, #tpu.memory_space<vmem_shared>> -> memref<128x128xf32, #tpu.memory_space<vmem_shared>>
      %dma_start3A_66 = arith.constant 0 : i32
      %dma_start3A_67 = tpu.memref_slice %arg6[%add3A_8, %dma_start3A_66] : memref<10240x128xf32, #tpu.memory_space<vmem_shared>> -> memref<128x128xf32, #tpu.memory_space<vmem_shared>>
      tpu.enqueue_dma source(%arg5 : memref<128x128xf32, #tpu.memory_space<vmem>>) target(%dma_start3A_67 : memref<128x128xf32, #tpu.memory_space<vmem_shared>>) target_semaphore(%run_scoped3A : memref<!tpu.dma_semaphore, #tpu.memory_space<semaphore_mem>>)
      %dma_wait3A_68 = arith.constant 0 : i32
      %dma_wait3A_69 = tpu.memref_slice %arg6[%add3A_8, %dma_wait3A_68] : memref<10240x128xf32, #tpu.memory_space<vmem_shared>> -> memref<128x128xf32, #tpu.memory_space<vmem_shared>>
      %dma_wait3A_70 = arith.constant 0 : i32
      %dma_wait3A_71 = tpu.memref_slice %arg6[%add3A_8, %dma_wait3A_70] : memref<10240x128xf32, #tpu.memory_space<vmem_shared>> -> memref<128x128xf32, #tpu.memory_space<vmem_shared>>
      tpu.wait_dma2 semaphore(%run_scoped3A : memref<!tpu.dma_semaphore, #tpu.memory_space<semaphore_mem>>) src(%arg5 : memref<128x128xf32, #tpu.memory_space<vmem>>) dst(%dma_wait3A_71 : memref<128x128xf32, #tpu.memory_space<vmem_shared>>)
      tpu.yield
    }) : () -> ()
    %add3A_9 = arith.constant 128 : i32
    %add3A_10 = arith.addi %mul3A_7, %add3A_9 : i32
    "tpu.region"() ({
      %run_scoped3A = tpu.sem_alloc : memref<!tpu.dma_semaphore, #tpu.memory_space<semaphore_mem>>
      %dma_start3A = arith.constant 0 : i32
      %dma_start3A_65 = tpu.memref_slice %arg6[%add3A_10, %dma_start3A] : memref<10240x128xf32, #tpu.memory_space<vmem_shared>> -> memref<128x128xf32, #tpu.memory_space<vmem_shared>>
      %dma_start3A_66 = arith.constant 0 : i32
      %dma_start3A_67 = tpu.memref_slice %arg6[%add3A_10, %dma_start3A_66] : memref<10240x128xf32, #tpu.memory_space<vmem_shared>> -> memref<128x128xf32, #tpu.memory_space<vmem_shared>>
      tpu.enqueue_dma source(%arg5 : memref<128x128xf32, #tpu.memory_space<vmem>>) target(%dma_start3A_67 : memref<128x128xf32, #tpu.memory_space<vmem_shared>>) target_semaphore(%run_scoped3A : memref<!tpu.dma_semaphore, #tpu.memory_space<semaphore_mem>>)
      %dma_wait3A_68 = arith.constant 0 : i32
      %dma_wait3A_69 = tpu.memref_slice %arg6[%add3A_10, %dma_wait3A_68] : memref<10240x128xf32, #tpu.memory_space<vmem_shared>> -> memref<128x128xf32, #tpu.memory_space<vmem_shared>>
      %dma_wait3A_70 = arith.constant 0 : i32
      %dma_wait3A_71 = tpu.memref_slice %arg6[%add3A_10, %dma_wait3A_70] : memref<10240x128xf32, #tpu.memory_space<vmem_shared>> -> memref<128x128xf32, #tpu.memory_space<vmem_shared>>
      tpu.wait_dma2 semaphore(%run_scoped3A : memref<!tpu.dma_semaphore, #tpu.memory_space<semaphore_mem>>) src(%arg5 : memref<128x128xf32, #tpu.memory_space<vmem>>) dst(%dma_wait3A_71 : memref<128x128xf32, #tpu.memory_space<vmem_shared>>)
      tpu.yield
    }) : () -> ()
    %add3A_11 = arith.constant 256 : i32
    %add3A_12 = arith.addi %mul3A_7, %add3A_11 : i32
    "tpu.region"() ({
      %run_scoped3A = tpu.sem_alloc : memref<!tpu.dma_semaphore, #tpu.memory_space<semaphore_mem>>
      %dma_start3A = arith.constant 0 : i32
      %dma_start3A_65 = tpu.memref_slice %arg6[%add3A_12, %dma_start3A] : memref<10240x128xf32, #tpu.memory_space<vmem_shared>> -> memref<128x128xf32, #tpu.memory_space<vmem_shared>>
      %dma_start3A_66 = arith.constant 0 : i32
      %dma_start3A_67 = tpu.memref_slice %arg6[%add3A_12, %dma_start3A_66] : memref<10240x128xf32, #tpu.memory_space<vmem_shared>> -> memref<128x128xf32, #tpu.memory_space<vmem_shared>>
      tpu.enqueue_dma source(%arg5 : memref<128x128xf32, #tpu.memory_space<vmem>>) target(%dma_start3A_67 : memref<128x128xf32, #tpu.memory_space<vmem_shared>>) target_semaphore(%run_scoped3A : memref<!tpu.dma_semaphore, #tpu.memory_space<semaphore_mem>>)
      %dma_wait3A_68 = arith.constant 0 : i32
      %dma_wait3A_69 = tpu.memref_slice %arg6[%add3A_12, %dma_wait3A_68] : memref<10240x128xf32, #tpu.memory_space<vmem_shared>> -> memref<128x128xf32, #tpu.memory_space<vmem_shared>>
      %dma_wait3A_70 = arith.constant 0 : i32
      %dma_wait3A_71 = tpu.memref_slice %arg6[%add3A_12, %dma_wait3A_70] : memref<10240x128xf32, #tpu.memory_space<vmem_shared>> -> memref<128x128xf32, #tpu.memory_space<vmem_shared>>
      tpu.wait_dma2 semaphore(%run_scoped3A : memref<!tpu.dma_semaphore, #tpu.memory_space<semaphore_mem>>) src(%arg5 : memref<128x128xf32, #tpu.memory_space<vmem>>) dst(%dma_wait3A_71 : memref<128x128xf32, #tpu.memory_space<vmem_shared>>)
      tpu.yield
    }) : () -> ()
    %add3A_13 = arith.constant 384 : i32
    %add3A_14 = arith.addi %mul3A_7, %add3A_13 : i32
    "tpu.region"() ({
      %run_scoped3A = tpu.sem_alloc : memref<!tpu.dma_semaphore, #tpu.memory_space<semaphore_mem>>
      %dma_start3A = arith.constant 0 : i32
      %dma_start3A_65 = tpu.memref_slice %arg6[%add3A_14, %dma_start3A] : memref<10240x128xf32, #tpu.memory_space<vmem_shared>> -> memref<128x128xf32, #tpu.memory_space<vmem_shared>>
      %dma_start3A_66 = arith.constant 0 : i32
      %dma_start3A_67 = tpu.memref_slice %arg6[%add3A_14, %dma_start3A_66] : memref<10240x128xf32, #tpu.memory_space<vmem_shared>> -> memref<128x128xf32, #tpu.memory_space<vmem_shared>>
      tpu.enqueue_dma source(%arg5 : memref<128x128xf32, #tpu.memory_space<vmem>>) target(%dma_start3A_67 : memref<128x128xf32, #tpu.memory_space<vmem_shared>>) target_semaphore(%run_scoped3A : memref<!tpu.dma_semaphore, #tpu.memory_space<semaphore_mem>>)
      %dma_wait3A_68 = arith.constant 0 : i32
      %dma_wait3A_69 = tpu.memref_slice %arg6[%add3A_14, %dma_wait3A_68] : memref<10240x128xf32, #tpu.memory_space<vmem_shared>> -> memref<128x128xf32, #tpu.memory_space<vmem_shared>>
      %dma_wait3A_70 = arith.constant 0 : i32
      %dma_wait3A_71 = tpu.memref_slice %arg6[%add3A_14, %dma_wait3A_70] : memref<10240x128xf32, #tpu.memory_space<vmem_shared>> -> memref<128x128xf32, #tpu.memory_space<vmem_shared>>
      tpu.wait_dma2 semaphore(%run_scoped3A : memref<!tpu.dma_semaphore, #tpu.memory_space<semaphore_mem>>) src(%arg5 : memref<128x128xf32, #tpu.memory_space<vmem>>) dst(%dma_wait3A_71 : memref<128x128xf32, #tpu.memory_space<vmem_shared>>)
      tpu.yield
    }) : () -> ()
    %add3A_15 = arith.constant 512 : i32
    %add3A_16 = arith.addi %mul3A_7, %add3A_15 : i32
    "tpu.region"() ({
      %run_scoped3A = tpu.sem_alloc : memref<!tpu.dma_semaphore, #tpu.memory_space<semaphore_mem>>
      %dma_start3A = arith.constant 0 : i32
      %dma_start3A_65 = tpu.memref_slice %arg6[%add3A_16, %dma_start3A] : memref<10240x128xf32, #tpu.memory_space<vmem_shared>> -> memref<128x128xf32, #tpu.memory_space<vmem_shared>>
      %dma_start3A_66 = arith.constant 0 : i32
      %dma_start3A_67 = tpu.memref_slice %arg6[%add3A_16, %dma_start3A_66] : memref<10240x128xf32, #tpu.memory_space<vmem_shared>> -> memref<128x128xf32, #tpu.memory_space<vmem_shared>>
      tpu.enqueue_dma source(%arg5 : memref<128x128xf32, #tpu.memory_space<vmem>>) target(%dma_start3A_67 : memref<128x128xf32, #tpu.memory_space<vmem_shared>>) target_semaphore(%run_scoped3A : memref<!tpu.dma_semaphore, #tpu.memory_space<semaphore_mem>>)
      %dma_wait3A_68 = arith.constant 0 : i32
      %dma_wait3A_69 = tpu.memref_slice %arg6[%add3A_16, %dma_wait3A_68] : memref<10240x128xf32, #tpu.memory_space<vmem_shared>> -> memref<128x128xf32, #tpu.memory_space<vmem_shared>>
      %dma_wait3A_70 = arith.constant 0 : i32
      %dma_wait3A_71 = tpu.memref_slice %arg6[%add3A_16, %dma_wait3A_70] : memref<10240x128xf32, #tpu.memory_space<vmem_shared>> -> memref<128x128xf32, #tpu.memory_space<vmem_shared>>
      tpu.wait_dma2 semaphore(%run_scoped3A : memref<!tpu.dma_semaphore, #tpu.memory_space<semaphore_mem>>) src(%arg5 : memref<128x128xf32, #tpu.memory_space<vmem>>) dst(%dma_wait3A_71 : memref<128x128xf32, #tpu.memory_space<vmem_shared>>)
      tpu.yield
    }) : () -> ()
    %broadcast_in_dim3A_17 = arith.constant 1.000000e+00 : f32
    %broadcast_in_dim3A_18 = vector.broadcast %broadcast_in_dim3A_17 : f32 to vector<16xf32>
    %scan3A_19 = arith.constant 0 : i32
    %scan3A_20 = arith.constant 0 : i32
    %scan3A_21 = arith.constant 1024 : i32
    %scan3A_22 = arith.addi %scan3A_20, %scan3A_21 : i32
    %scan3A_23 = arith.constant 1 : i32
    %scan3A_24 = scf.for %scan3A_65 = %scan3A_20 to %scan3A_22 step %scan3A_23 iter_args(%scan3A_66 = %scan3A_19) -> (i32)  : i32 {
      %jit3A = arith.constant 8 : i32
      %div3A = arith.divsi %scan3A_65, %jit3A : i32
      %sign3A = arith.constant 0 : i32
      %sign3A_67 = arith.cmpi sgt, %scan3A_65, %sign3A : i32
      %sign3A_68 = arith.extui %sign3A_67 : i1 to i32
      %sign3A_69 = arith.constant 0 : i32
      %sign3A_70 = arith.cmpi slt, %scan3A_65, %sign3A_69 : i32
      %sign3A_71 = arith.extui %sign3A_70 : i1 to i32
      %sign3A_72 = arith.subi %sign3A_68, %sign3A_71 : i32
      %sign3A_73 = arith.constant 0 : i32
      %sign3A_74 = arith.cmpi sgt, %jit3A, %sign3A_73 : i32
      %sign3A_75 = arith.extui %sign3A_74 : i1 to i32
      %sign3A_76 = arith.constant 0 : i32
      %sign3A_77 = arith.cmpi slt, %jit3A, %sign3A_76 : i32
      %sign3A_78 = arith.extui %sign3A_77 : i1 to i32
      %sign3A_79 = arith.subi %sign3A_75, %sign3A_78 : i32
      %ne3A = arith.cmpi ne, %sign3A_72, %sign3A_79 : i32
      %rem3A = arith.remsi %scan3A_65, %jit3A : i32
      %ne3A_80 = arith.constant 0 : i32
      %ne3A_81 = arith.cmpi ne, %rem3A, %ne3A_80 : i32
      %and3A = arith.andi %ne3A, %ne3A_81 : i1
      %sub3A = arith.constant 1 : i32
      %sub3A_82 = arith.subi %div3A, %sub3A : i32
      %select_n3A = arith.select %and3A, %sub3A_82, %div3A : i32
      %jit3A_83 = arith.constant 8 : i32
      %eq3A = arith.constant 0 : i32
      %eq3A_84 = arith.cmpi eq, %jit3A_83, %eq3A : i32
      %jit3A_85 = arith.constant 1 : i32
      %select_n3A_86 = arith.select %eq3A_84, %jit3A_85, %jit3A_83 : i32
      %rem3A_87 = arith.remsi %scan3A_65, %select_n3A_86 : i32
      %ne3A_88 = arith.constant 0 : i32
      %ne3A_89 = arith.cmpi ne, %rem3A_87, %ne3A_88 : i32
      %lt3A = arith.constant 0 : i32
      %lt3A_90 = arith.cmpi slt, %rem3A_87, %lt3A : i32
      %lt3A_91 = arith.constant 0 : i32
      %lt3A_92 = arith.cmpi slt, %select_n3A_86, %lt3A_91 : i32
      %ne3A_93 = arith.xori %lt3A_90, %lt3A_92 : i1
      %and3A_94 = arith.andi %ne3A_93, %ne3A_89 : i1
      %add3A_95 = arith.addi %rem3A_87, %select_n3A_86 : i32
      %select_n3A_96 = arith.select %and3A_94, %add3A_95, %rem3A_87 : i32
      %mul3A_97 = arith.constant 16 : i32
      %mul3A_98 = arith.muli %select_n3A_96, %mul3A_97 : i32
      %swap3A = arith.index_cast %select_n3A : i32 to index
      %swap3A_99 = arith.index_cast %mul3A_98 : i32 to index
      %swap3A_100 = tpu.vector_load %arg5[%swap3A, %swap3A_99] {strides = array<i32>} : memref<128x128xf32, #tpu.memory_space<vmem>>, vector<1x16xf32>,
      %swap3A_101 = vector.shape_cast %swap3A_100 : vector<1x16xf32> to vector<16xf32>
      %swap3A_102 = vector.shape_cast %broadcast_in_dim3A_18 : vector<16xf32> to vector<1x16xf32>
      tpu.vector_store %arg5[%swap3A, %swap3A_99], %swap3A_102 {strides = array<i32>} : memref<128x128xf32, #tpu.memory_space<vmem>>, vector<1x16xf32>,
      %scan3A_103 = arith.constant 0 : i32
      scf.yield %scan3A_103 : i32
    }
    %scan3A_25 = arith.constant 1024 : i32
    %barrier3A = arith.constant 0 : index
    tpu.barrier barrier_id(%barrier3A)
    %scan3A_26 = arith.constant 0 : i32
    %scan3A_27 = arith.constant 0 : i32
    %scan3A_28 = arith.constant 10 : i32
    %scan3A_29 = arith.addi %scan3A_27, %scan3A_28 : i32
    %scan3A_30 = arith.constant 1 : i32
    %scan3A_31 = scf.for %scan3A_65 = %scan3A_27 to %scan3A_29 step %scan3A_30 iter_args(%scan3A_66 = %scan3A_26) -> (i32)  : i32 {
      %mul3A_67 = arith.constant 4 : i32
      %mul3A_68 = arith.muli %scan3A_65, %mul3A_67 : i32
      %add3A_69 = arith.constant 0 : i32
      %add3A_70 = arith.addi %mul3A_68, %add3A_69 : i32
      %lt3A = arith.constant 40 : i32
      %lt3A_71 = arith.cmpi slt, %add3A_70, %lt3A : i32
      %convert_element_type3A = arith.extui %lt3A_71 : i1 to i32
      %cond3A = arith.constant 0 : i32
      %cond3A_72 = arith.cmpi ne, %convert_element_type3A, %cond3A : i32
      scf.if %cond3A_72 {
        %ge3A = arith.constant 4 : i32
        %ge3A_95 = arith.cmpi sge, %add3A_70, %ge3A : i32
        %convert_element_type3A_96 = arith.extui %ge3A_95 : i1 to i32
        %cond3A_97 = arith.constant 0 : i32
        %cond3A_98 = arith.cmpi ne, %convert_element_type3A_96, %cond3A_97 : i32
        scf.if %cond3A_98 {
          %sub3A = arith.constant 4 : i32
          %sub3A_104 = arith.subi %add3A_70, %sub3A : i32
          %dma_wait3A_105 = arith.constant 0 : i32
          %dma_wait3A_106 = tpu.memref_slice %arg4[%sub3A_104, %dma_wait3A_105] : memref<40x128xi32, #tpu.memory_space<vmem>> -> memref<1x128xi32, #tpu.memory_space<vmem>>
          %dma_wait3A_107 = tpu.memref_squeeze %dma_wait3A_106 : memref<1x128xi32, #tpu.memory_space<vmem>> -> memref<128xi32, #tpu.memory_space<vmem>>
          %dma_wait3A_108 = arith.constant 0 : i32
          %dma_wait3A_109 = arith.constant 0 : i32
          %dma_wait3A_110 = tpu.memref_slice %arg6[%dma_wait3A_108, %dma_wait3A_109] : memref<10240x128xf32, #tpu.memory_space<vmem_shared>> -> memref<10240x128xf32, #tpu.memory_space<vmem_shared>>
          tpu.wait_indirect_dma semaphore(%arg7 : memref<!tpu.dma_semaphore, #tpu.memory_space<semaphore_mem>>) src(%arg5 : memref<128x128xf32, #tpu.memory_space<vmem>>) dst(%dma_wait3A_110 : memref<10240x128xf32, #tpu.memory_space<vmem_shared>>)
        } else {
        }
        %dma_start3A = arith.constant 0 : i32
        %dma_start3A_99 = tpu.memref_slice %arg4[%add3A_70, %dma_start3A] : memref<40x128xi32, #tpu.memory_space<vmem>> -> memref<1x128xi32, #tpu.memory_space<vmem>>
        %dma_start3A_100 = tpu.memref_squeeze %dma_start3A_99 : memref<1x128xi32, #tpu.memory_space<vmem>> -> memref<128xi32, #tpu.memory_space<vmem>>
        %dma_start3A_101 = arith.constant 0 : i32
        %dma_start3A_102 = arith.constant 0 : i32
        %dma_start3A_103 = tpu.memref_slice %arg6[%dma_start3A_101, %dma_start3A_102] : memref<10240x128xf32, #tpu.memory_space<vmem_shared>> -> memref<10240x128xf32, #tpu.memory_space<vmem_shared>>
        tpu.enqueue_indirect_dma source(%arg5 : memref<128x128xf32, #tpu.memory_space<vmem>>) target(%dma_start3A_103 : memref<10240x128xf32, #tpu.memory_space<vmem_shared>>) offsets(%dma_start3A_100 : memref<128xi32, #tpu.memory_space<vmem>>) semaphore(%arg7 : memref<!tpu.dma_semaphore, #tpu.memory_space<semaphore_mem>>) {add = true}
      } else {
      }
      %add3A_73 = arith.constant 1 : i32
      %add3A_74 = arith.addi %mul3A_68, %add3A_73 : i32
      %lt3A_75 = arith.constant 40 : i32
      %lt3A_76 = arith.cmpi slt, %add3A_74, %lt3A_75 : i32
      %convert_element_type3A_77 = arith.extui %lt3A_76 : i1 to i32
      %cond3A_78 = arith.constant 0 : i32
      %cond3A_79 = arith.cmpi ne, %convert_element_type3A_77, %cond3A_78 : i32
      scf.if %cond3A_79 {
        %ge3A = arith.constant 4 : i32
        %ge3A_95 = arith.cmpi sge, %add3A_74, %ge3A : i32
        %convert_element_type3A_96 = arith.extui %ge3A_95 : i1 to i32
        %cond3A_97 = arith.constant 0 : i32
        %cond3A_98 = arith.cmpi ne, %convert_element_type3A_96, %cond3A_97 : i32
        scf.if %cond3A_98 {
          %sub3A = arith.constant 4 : i32
          %sub3A_104 = arith.subi %add3A_74, %sub3A : i32
          %dma_wait3A_105 = arith.constant 0 : i32
          %dma_wait3A_106 = tpu.memref_slice %arg4[%sub3A_104, %dma_wait3A_105] : memref<40x128xi32, #tpu.memory_space<vmem>> -> memref<1x128xi32, #tpu.memory_space<vmem>>
          %dma_wait3A_107 = tpu.memref_squeeze %dma_wait3A_106 : memref<1x128xi32, #tpu.memory_space<vmem>> -> memref<128xi32, #tpu.memory_space<vmem>>
          %dma_wait3A_108 = arith.constant 0 : i32
          %dma_wait3A_109 = arith.constant 0 : i32
          %dma_wait3A_110 = tpu.memref_slice %arg6[%dma_wait3A_108, %dma_wait3A_109] : memref<10240x128xf32, #tpu.memory_space<vmem_shared>> -> memref<10240x128xf32, #tpu.memory_space<vmem_shared>>
          tpu.wait_indirect_dma semaphore(%arg8 : memref<!tpu.dma_semaphore, #tpu.memory_space<semaphore_mem>>) src(%arg5 : memref<128x128xf32, #tpu.memory_space<vmem>>) dst(%dma_wait3A_110 : memref<10240x128xf32, #tpu.memory_space<vmem_shared>>)
        } else {
        }
        %dma_start3A = arith.constant 0 : i32
        %dma_start3A_99 = tpu.memref_slice %arg4[%add3A_74, %dma_start3A] : memref<40x128xi32, #tpu.memory_space<vmem>> -> memref<1x128xi32, #tpu.memory_space<vmem>>
        %dma_start3A_100 = tpu.memref_squeeze %dma_start3A_99 : memref<1x128xi32, #tpu.memory_space<vmem>> -> memref<128xi32, #tpu.memory_space<vmem>>
        %dma_start3A_101 = arith.constant 0 : i32
        %dma_start3A_102 = arith.constant 0 : i32
        %dma_start3A_103 = tpu.memref_slice %arg6[%dma_start3A_101, %dma_start3A_102] : memref<10240x128xf32, #tpu.memory_space<vmem_shared>> -> memref<10240x128xf32, #tpu.memory_space<vmem_shared>>
        tpu.enqueue_indirect_dma source(%arg5 : memref<128x128xf32, #tpu.memory_space<vmem>>) target(%dma_start3A_103 : memref<10240x128xf32, #tpu.memory_space<vmem_shared>>) offsets(%dma_start3A_100 : memref<128xi32, #tpu.memory_space<vmem>>) semaphore(%arg8 : memref<!tpu.dma_semaphore, #tpu.memory_space<semaphore_mem>>) {add = true}
      } else {
      }
      %add3A_80 = arith.constant 2 : i32
      %add3A_81 = arith.addi %mul3A_68, %add3A_80 : i32
      %lt3A_82 = arith.constant 40 : i32
      %lt3A_83 = arith.cmpi slt, %add3A_81, %lt3A_82 : i32
      %convert_element_type3A_84 = arith.extui %lt3A_83 : i1 to i32
      %cond3A_85 = arith.constant 0 : i32
      %cond3A_86 = arith.cmpi ne, %convert_element_type3A_84, %cond3A_85 : i32
      scf.if %cond3A_86 {
        %ge3A = arith.constant 4 : i32
        %ge3A_95 = arith.cmpi sge, %add3A_81, %ge3A : i32
        %convert_element_type3A_96 = arith.extui %ge3A_95 : i1 to i32
        %cond3A_97 = arith.constant 0 : i32
        %cond3A_98 = arith.cmpi ne, %convert_element_type3A_96, %cond3A_97 : i32
        scf.if %cond3A_98 {
          %sub3A = arith.constant 4 : i32
          %sub3A_104 = arith.subi %add3A_81, %sub3A : i32
          %dma_wait3A_105 = arith.constant 0 : i32
          %dma_wait3A_106 = tpu.memref_slice %arg4[%sub3A_104, %dma_wait3A_105] : memref<40x128xi32, #tpu.memory_space<vmem>> -> memref<1x128xi32, #tpu.memory_space<vmem>>
          %dma_wait3A_107 = tpu.memref_squeeze %dma_wait3A_106 : memref<1x128xi32, #tpu.memory_space<vmem>> -> memref<128xi32, #tpu.memory_space<vmem>>
          %dma_wait3A_108 = arith.constant 0 : i32
          %dma_wait3A_109 = arith.constant 0 : i32
          %dma_wait3A_110 = tpu.memref_slice %arg6[%dma_wait3A_108, %dma_wait3A_109] : memref<10240x128xf32, #tpu.memory_space<vmem_shared>> -> memref<10240x128xf32, #tpu.memory_space<vmem_shared>>
          tpu.wait_indirect_dma semaphore(%arg9 : memref<!tpu.dma_semaphore, #tpu.memory_space<semaphore_mem>>) src(%arg5 : memref<128x128xf32, #tpu.memory_space<vmem>>) dst(%dma_wait3A_110 : memref<10240x128xf32, #tpu.memory_space<vmem_shared>>)
        } else {
        }
        %dma_start3A = arith.constant 0 : i32
        %dma_start3A_99 = tpu.memref_slice %arg4[%add3A_81, %dma_start3A] : memref<40x128xi32, #tpu.memory_space<vmem>> -> memref<1x128xi32, #tpu.memory_space<vmem>>
        %dma_start3A_100 = tpu.memref_squeeze %dma_start3A_99 : memref<1x128xi32, #tpu.memory_space<vmem>> -> memref<128xi32, #tpu.memory_space<vmem>>
        %dma_start3A_101 = arith.constant 0 : i32
        %dma_start3A_102 = arith.constant 0 : i32
        %dma_start3A_103 = tpu.memref_slice %arg6[%dma_start3A_101, %dma_start3A_102] : memref<10240x128xf32, #tpu.memory_space<vmem_shared>> -> memref<10240x128xf32, #tpu.memory_space<vmem_shared>>
        tpu.enqueue_indirect_dma source(%arg5 : memref<128x128xf32, #tpu.memory_space<vmem>>) target(%dma_start3A_103 : memref<10240x128xf32, #tpu.memory_space<vmem_shared>>) offsets(%dma_start3A_100 : memref<128xi32, #tpu.memory_space<vmem>>) semaphore(%arg9 : memref<!tpu.dma_semaphore, #tpu.memory_space<semaphore_mem>>) {add = true}
      } else {
      }
      %add3A_87 = arith.constant 3 : i32
      %add3A_88 = arith.addi %mul3A_68, %add3A_87 : i32
      %lt3A_89 = arith.constant 40 : i32
      %lt3A_90 = arith.cmpi slt, %add3A_88, %lt3A_89 : i32
      %convert_element_type3A_91 = arith.extui %lt3A_90 : i1 to i32
      %cond3A_92 = arith.constant 0 : i32
      %cond3A_93 = arith.cmpi ne, %convert_element_type3A_91, %cond3A_92 : i32
      scf.if %cond3A_93 {
        %ge3A = arith.constant 4 : i32
        %ge3A_95 = arith.cmpi sge, %add3A_88, %ge3A : i32
        %convert_element_type3A_96 = arith.extui %ge3A_95 : i1 to i32
        %cond3A_97 = arith.constant 0 : i32
        %cond3A_98 = arith.cmpi ne, %convert_element_type3A_96, %cond3A_97 : i32
        scf.if %cond3A_98 {
          %sub3A = arith.constant 4 : i32
          %sub3A_104 = arith.subi %add3A_88, %sub3A : i32
          %dma_wait3A_105 = arith.constant 0 : i32
          %dma_wait3A_106 = tpu.memref_slice %arg4[%sub3A_104, %dma_wait3A_105] : memref<40x128xi32, #tpu.memory_space<vmem>> -> memref<1x128xi32, #tpu.memory_space<vmem>>
          %dma_wait3A_107 = tpu.memref_squeeze %dma_wait3A_106 : memref<1x128xi32, #tpu.memory_space<vmem>> -> memref<128xi32, #tpu.memory_space<vmem>>
          %dma_wait3A_108 = arith.constant 0 : i32
          %dma_wait3A_109 = arith.constant 0 : i32
          %dma_wait3A_110 = tpu.memref_slice %arg6[%dma_wait3A_108, %dma_wait3A_109] : memref<10240x128xf32, #tpu.memory_space<vmem_shared>> -> memref<10240x128xf32, #tpu.memory_space<vmem_shared>>
          tpu.wait_indirect_dma semaphore(%arg10 : memref<!tpu.dma_semaphore, #tpu.memory_space<semaphore_mem>>) src(%arg5 : memref<128x128xf32, #tpu.memory_space<vmem>>) dst(%dma_wait3A_110 : memref<10240x128xf32, #tpu.memory_space<vmem_shared>>)
        } else {
        }
        %dma_start3A = arith.constant 0 : i32
        %dma_start3A_99 = tpu.memref_slice %arg4[%add3A_88, %dma_start3A] : memref<40x128xi32, #tpu.memory_space<vmem>> -> memref<1x128xi32, #tpu.memory_space<vmem>>
        %dma_start3A_100 = tpu.memref_squeeze %dma_start3A_99 : memref<1x128xi32, #tpu.memory_space<vmem>> -> memref<128xi32, #tpu.memory_space<vmem>>
        %dma_start3A_101 = arith.constant 0 : i32
        %dma_start3A_102 = arith.constant 0 : i32
        %dma_start3A_103 = tpu.memref_slice %arg6[%dma_start3A_101, %dma_start3A_102] : memref<10240x128xf32, #tpu.memory_space<vmem_shared>> -> memref<10240x128xf32, #tpu.memory_space<vmem_shared>>
        tpu.enqueue_indirect_dma source(%arg5 : memref<128x128xf32, #tpu.memory_space<vmem>>) target(%dma_start3A_103 : memref<10240x128xf32, #tpu.memory_space<vmem_shared>>) offsets(%dma_start3A_100 : memref<128xi32, #tpu.memory_space<vmem>>) semaphore(%arg10 : memref<!tpu.dma_semaphore, #tpu.memory_space<semaphore_mem>>) {add = true}
      } else {
      }
      %scan3A_94 = arith.constant 0 : i32
      scf.yield %scan3A_94 : i32
    }
    %scan3A_32 = arith.constant 10 : i32
    %dma_wait3A = arith.constant 36 : i32
    %dma_wait3A_33 = arith.constant 0 : i32
    %dma_wait3A_34 = tpu.memref_slice %arg4[%dma_wait3A, %dma_wait3A_33] : memref<40x128xi32, #tpu.memory_space<vmem>> -> memref<1x128xi32, #tpu.memory_space<vmem>>
    %dma_wait3A_35 = tpu.memref_squeeze %dma_wait3A_34 : memref<1x128xi32, #tpu.memory_space<vmem>> -> memref<128xi32, #tpu.memory_space<vmem>>
    %dma_wait3A_36 = arith.constant 0 : i32
    %dma_wait3A_37 = arith.constant 0 : i32
    %dma_wait3A_38 = tpu.memref_slice %arg6[%dma_wait3A_36, %dma_wait3A_37] : memref<10240x128xf32, #tpu.memory_space<vmem_shared>> -> memref<10240x128xf32, #tpu.memory_space<vmem_shared>>
    tpu.wait_indirect_dma semaphore(%arg7 : memref<!tpu.dma_semaphore, #tpu.memory_space<semaphore_mem>>) src(%arg5 : memref<128x128xf32, #tpu.memory_space<vmem>>) dst(%dma_wait3A_38 : memref<10240x128xf32, #tpu.memory_space<vmem_shared>>)
    %dma_wait3A_39 = arith.constant 37 : i32
    %dma_wait3A_40 = arith.constant 0 : i32
    %dma_wait3A_41 = tpu.memref_slice %arg4[%dma_wait3A_39, %dma_wait3A_40] : memref<40x128xi32, #tpu.memory_space<vmem>> -> memref<1x128xi32, #tpu.memory_space<vmem>>
    %dma_wait3A_42 = tpu.memref_squeeze %dma_wait3A_41 : memref<1x128xi32, #tpu.memory_space<vmem>> -> memref<128xi32, #tpu.memory_space<vmem>>
    %dma_wait3A_43 = arith.constant 0 : i32
    %dma_wait3A_44 = arith.constant 0 : i32
    %dma_wait3A_45 = tpu.memref_slice %arg6[%dma_wait3A_43, %dma_wait3A_44] : memref<10240x128xf32, #tpu.memory_space<vmem_shared>> -> memref<10240x128xf32, #tpu.memory_space<vmem_shared>>
    tpu.wait_indirect_dma semaphore(%arg8 : memref<!tpu.dma_semaphore, #tpu.memory_space<semaphore_mem>>) src(%arg5 : memref<128x128xf32, #tpu.memory_space<vmem>>) dst(%dma_wait3A_45 : memref<10240x128xf32, #tpu.memory_space<vmem_shared>>)
    %dma_wait3A_46 = arith.constant 38 : i32
    %dma_wait3A_47 = arith.constant 0 : i32
    %dma_wait3A_48 = tpu.memref_slice %arg4[%dma_wait3A_46, %dma_wait3A_47] : memref<40x128xi32, #tpu.memory_space<vmem>> -> memref<1x128xi32, #tpu.memory_space<vmem>>
    %dma_wait3A_49 = tpu.memref_squeeze %dma_wait3A_48 : memref<1x128xi32, #tpu.memory_space<vmem>> -> memref<128xi32, #tpu.memory_space<vmem>>
    %dma_wait3A_50 = arith.constant 0 : i32
    %dma_wait3A_51 = arith.constant 0 : i32
    %dma_wait3A_52 = tpu.memref_slice %arg6[%dma_wait3A_50, %dma_wait3A_51] : memref<10240x128xf32, #tpu.memory_space<vmem_shared>> -> memref<10240x128xf32, #tpu.memory_space<vmem_shared>>
    tpu.wait_indirect_dma semaphore(%arg9 : memref<!tpu.dma_semaphore, #tpu.memory_space<semaphore_mem>>) src(%arg5 : memref<128x128xf32, #tpu.memory_space<vmem>>) dst(%dma_wait3A_52 : memref<10240x128xf32, #tpu.memory_space<vmem_shared>>)
    %dma_wait3A_53 = arith.constant 39 : i32
    %dma_wait3A_54 = arith.constant 0 : i32
    %dma_wait3A_55 = tpu.memref_slice %arg4[%dma_wait3A_53, %dma_wait3A_54] : memref<40x128xi32, #tpu.memory_space<vmem>> -> memref<1x128xi32, #tpu.memory_space<vmem>>
    %dma_wait3A_56 = tpu.memref_squeeze %dma_wait3A_55 : memref<1x128xi32, #tpu.memory_space<vmem>> -> memref<128xi32, #tpu.memory_space<vmem>>
    %dma_wait3A_57 = arith.constant 0 : i32
    %dma_wait3A_58 = arith.constant 0 : i32
    %dma_wait3A_59 = tpu.memref_slice %arg6[%dma_wait3A_57, %dma_wait3A_58] : memref<10240x128xf32, #tpu.memory_space<vmem_shared>> -> memref<10240x128xf32, #tpu.memory_space<vmem_shared>>
    tpu.wait_indirect_dma semaphore(%arg10 : memref<!tpu.dma_semaphore, #tpu.memory_space<semaphore_mem>>) src(%arg5 : memref<128x128xf32, #tpu.memory_space<vmem>>) dst(%dma_wait3A_59 : memref<10240x128xf32, #tpu.memory_space<vmem_shared>>)
    %barrier3A_60 = arith.constant 0 : index
    tpu.barrier barrier_id(%barrier3A_60)
    %mul3A_61 = arith.constant 640 : i32
    %mul3A_62 = arith.muli %arg1, %mul3A_61 : i32
    %mul3A_63 = arith.constant 640 : i32
    %mul3A_64 = arith.muli %arg1, %mul3A_63 : i32
    "tpu.region"() ({
      %run_scoped3A = tpu.sem_alloc : memref<!tpu.dma_semaphore, #tpu.memory_space<semaphore_mem>>
      %dma_start3A = arith.constant 0 : i32
      %dma_start3A_65 = tpu.memref_slice %arg3[%arg0, %mul3A_64, %dma_start3A] : memref<2x10240x128xf32, #tpu.memory_space<hbm>> -> memref<1x640x128xf32, #tpu.memory_space<hbm>>
      %dma_start3A_66 = tpu.memref_squeeze %dma_start3A_65 : memref<1x640x128xf32, #tpu.memory_space<hbm>> -> memref<640x128xf32, #tpu.memory_space<hbm>>
      %dma_start3A_67 = arith.constant 0 : i32
      %dma_start3A_68 = tpu.memref_slice %arg6[%mul3A_62, %dma_start3A_67] : memref<10240x128xf32, #tpu.memory_space<vmem_shared>> -> memref<640x128xf32, #tpu.memory_space<vmem_shared>>
      tpu.enqueue_dma source(%dma_start3A_68 : memref<640x128xf32, #tpu.memory_space<vmem_shared>>) target(%dma_start3A_66 : memref<640x128xf32, #tpu.memory_space<hbm>>) target_semaphore(%run_scoped3A : memref<!tpu.dma_semaphore, #tpu.memory_space<semaphore_mem>>)
      %dma_wait3A_69 = arith.constant 0 : i32
      %dma_wait3A_70 = tpu.memref_slice %arg3[%arg0, %mul3A_64, %dma_wait3A_69] : memref<2x10240x128xf32, #tpu.memory_space<hbm>> -> memref<1x640x128xf32, #tpu.memory_space<hbm>>
      %dma_wait3A_71 = tpu.memref_squeeze %dma_wait3A_70 : memref<1x640x128xf32, #tpu.memory_space<hbm>> -> memref<640x128xf32, #tpu.memory_space<hbm>>
      %dma_wait3A_72 = arith.constant 0 : i32
      %dma_wait3A_73 = tpu.memref_slice %arg6[%mul3A_62, %dma_wait3A_72] : memref<10240x128xf32, #tpu.memory_space<vmem_shared>> -> memref<640x128xf32, #tpu.memory_space<vmem_shared>>
      tpu.wait_dma2 semaphore(%run_scoped3A : memref<!tpu.dma_semaphore, #tpu.memory_space<semaphore_mem>>) src(%dma_wait3A_73 : memref<640x128xf32, #tpu.memory_space<vmem_shared>>) dst(%dma_wait3A_71 : memref<640x128xf32, #tpu.memory_space<hbm>>)
      tpu.yield
    }) : () -> ()
    return
  }
}

module attributes {stable_mosaic.version = 14 : i64} {
  func.func @body(%arg0: i32, %arg1: memref<1024x256xf32, #tpu.memory_space<vmem>>, %arg2: memref<256x128xf32, #tpu.memory_space<vmem>>, %arg3: memref<1024x1xf32, #tpu.memory_space<vmem>>, %arg4: memref<1024x1xf32, #tpu.memory_space<vmem>>, %arg5: memref<1024x128xf32, #tpu.memory_space<vmem>>) attributes {dimension_semantics = [#tpu.dimension_semantics<arbitrary>], iteration_bounds = array<i64: 10>, scalar_prefetch = 0 : i64, scratch_operands = 0 : i64, tpu.core_type = #tpu.core_type<tc>, window_params = [{transform_indices = @transform_0, window_bounds = array<i64: 1024, 256>}, {pipeline_mode = #tpu.pipeline_mode<synchronous>, transform_indices = @transform_1, window_bounds = array<i64: 256, 128>}, {transform_indices = @transform_2, window_bounds = array<i64: 1024, 1>}, {transform_indices = @transform_3, window_bounds = array<i64: 1024, 1>}, {transform_indices = @transform_4, window_bounds = array<i64: 1024, 128>}]} {
    %get3A = arith.constant 0 : index
    %get3A_0 = arith.constant 0 : index
    %get3A_1 = vector.load %arg3[%get3A, %get3A_0] : memref<1024x1xf32, #tpu.memory_space<vmem>>, vector<1024x1xf32>
    %get3A_2 = arith.constant 0 : index
    %get3A_3 = arith.constant 0 : index
    %get3A_4 = vector.load %arg4[%get3A_2, %get3A_3] : memref<1024x1xf32, #tpu.memory_space<vmem>>, vector<1024x1xf32>
    %add3A = arith.addf %get3A_1, %get3A_4 : vector<1024x1xf32>
    %add3A_5 = arith.constant 1.000000e+00 : f32
    %add3A_6 = vector.broadcast %add3A_5 : f32 to vector<1024x1xf32>
    %add3A_7 = arith.addf %add3A, %add3A_6 : vector<1024x1xf32>
    %rsqrt3A = math.rsqrt %add3A_7 : vector<1024x1xf32>
    %get3A_8 = arith.constant 0 : index
    %get3A_9 = arith.constant 0 : index
    %get3A_10 = vector.load %arg1[%get3A_8, %get3A_9] : memref<1024x256xf32, #tpu.memory_space<vmem>>, vector<1024x256xf32>
    %get3A_11 = arith.constant 0 : index
    %get3A_12 = arith.constant 0 : index
    %get3A_13 = vector.load %arg2[%get3A_11, %get3A_12] : memref<256x128xf32, #tpu.memory_space<vmem>>, vector<256x128xf32>
    %dot_general3A = arith.constant dense<0.000000e+00> : vector<1024x128xf32>
    %dot_general3A_14 = tpu.matmul %get3A_10, %get3A_13, %dot_general3A {dimension_numbers = #tpu.dot_dimension_numbers<[1], [0], [0], [1], [0, 0, 1, 1], [], []>, transpose_lhs_hint = false} : vector<1024x256xf32>, vector<256x128xf32>, vector<1024x128xf32> -> vector<1024x128xf32>
    %mul3A = vector.broadcast %rsqrt3A : vector<1024x1xf32> to vector<1024x128xf32>
    %mul3A_15 = arith.mulf %dot_general3A_14, %mul3A : vector<1024x128xf32>
    %swap3A = arith.constant 0 : index
    %swap3A_16 = arith.constant 0 : index
    %swap3A_17 = vector.load %arg5[%swap3A, %swap3A_16] : memref<1024x128xf32, #tpu.memory_space<vmem>>, vector<1024x128xf32>
    tpu.vector_store %arg5[%swap3A, %swap3A_16], %mul3A_15 {strides = array<i32>} : memref<1024x128xf32, #tpu.memory_space<vmem>>, vector<1024x128xf32>,
    return
  }
  func.func @transform_0(%arg0: i32) -> (i32, i32) {
    %c0_i32 = arith.constant 0 : i32
    %c0_i32_0 = arith.constant 0 : i32
    return %arg0, %c0_i32 : i32, i32
  }
  func.func @transform_1(%arg0: i32) -> (i32, i32) {
    %c0_i32 = arith.constant 0 : i32
    %c0_i32_0 = arith.constant 0 : i32
    %c0_i32_1 = arith.constant 0 : i32
    return %c0_i32, %c0_i32_0 : i32, i32
  }
  func.func @transform_2(%arg0: i32) -> (i32, i32) {
    %c0_i32 = arith.constant 0 : i32
    %c0_i32_0 = arith.constant 0 : i32
    return %arg0, %c0_i32 : i32, i32
  }
  func.func @transform_3(%arg0: i32) -> (i32, i32) {
    %c0_i32 = arith.constant 0 : i32
    %c0_i32_0 = arith.constant 0 : i32
    return %arg0, %c0_i32 : i32, i32
  }
  func.func @transform_4(%arg0: i32) -> (i32, i32) {
    %c0_i32 = arith.constant 0 : i32
    %c0_i32_0 = arith.constant 0 : i32
    return %arg0, %c0_i32 : i32, i32
  }
}

module attributes {stable_mosaic.version = 14 : i64} {
  func.func @body(%arg0: i32, %arg1: memref<2x1024x128xf32, #tpu.memory_space<vmem>>, %arg2: memref<1024x128xf32, #tpu.memory_space<vmem>>, %arg3: memref<1024x1xf32, #tpu.memory_space<vmem>>, %arg4: memref<1024x1xf32, #tpu.memory_space<vmem>>, %arg5: memref<1x128xf32, #tpu.memory_space<vmem>>, %arg6: memref<128x64xf32, #tpu.memory_space<vmem>>, %arg7: memref<1024x128xf32, #tpu.memory_space<vmem>>) attributes {dimension_semantics = [#tpu.dimension_semantics<arbitrary>], iteration_bounds = array<i64: 10>, scalar_prefetch = 0 : i64, scratch_operands = 0 : i64, tpu.core_type = #tpu.core_type<tc>, window_params = [{transform_indices = @transform_0, window_bounds = array<i64: 2, 1024, 128>}, {transform_indices = @transform_1, window_bounds = array<i64: 1024, 128>}, {transform_indices = @transform_2, window_bounds = array<i64: 1024, 1>}, {transform_indices = @transform_3, window_bounds = array<i64: 1024, 1>}, {pipeline_mode = #tpu.pipeline_mode<synchronous>, transform_indices = @transform_4, window_bounds = array<i64: 1, 128>}, {pipeline_mode = #tpu.pipeline_mode<synchronous>, transform_indices = @transform_5, window_bounds = array<i64: 128, 64>}, {transform_indices = @transform_6, window_bounds = array<i64: 1024, 128>}]} {
    %get3A = arith.constant 0 : index
    %get3A_0 = arith.constant 0 : index
    %get3A_1 = vector.load %arg3[%get3A, %get3A_0] : memref<1024x1xf32, #tpu.memory_space<vmem>>, vector<1024x1xf32>
    %get3A_2 = arith.constant 0 : index
    %get3A_3 = arith.constant 0 : index
    %get3A_4 = vector.load %arg4[%get3A_2, %get3A_3] : memref<1024x1xf32, #tpu.memory_space<vmem>>, vector<1024x1xf32>
    %add3A = arith.addf %get3A_1, %get3A_4 : vector<1024x1xf32>
    %add3A_5 = arith.constant 1.000000e+00 : f32
    %add3A_6 = vector.broadcast %add3A_5 : f32 to vector<1024x1xf32>
    %add3A_7 = arith.addf %add3A, %add3A_6 : vector<1024x1xf32>
    %rsqrt3A = math.rsqrt %add3A_7 : vector<1024x1xf32>
    %get3A_8 = arith.constant 0 : index
    %get3A_9 = arith.constant 0 : index
    %get3A_10 = arith.constant 0 : index
    %get3A_11 = vector.load %arg1[%get3A_8, %get3A_9, %get3A_10] : memref<2x1024x128xf32, #tpu.memory_space<vmem>>, vector<1x1024x128xf32>
    %get3A_12 = vector.shape_cast %get3A_11 : vector<1x1024x128xf32> to vector<1024x128xf32>
    %get3A_13 = arith.constant 1 : index
    %get3A_14 = arith.constant 0 : index
    %get3A_15 = arith.constant 0 : index
    %get3A_16 = vector.load %arg1[%get3A_13, %get3A_14, %get3A_15] : memref<2x1024x128xf32, #tpu.memory_space<vmem>>, vector<1x1024x128xf32>
    %get3A_17 = vector.shape_cast %get3A_16 : vector<1x1024x128xf32> to vector<1024x128xf32>
    %add3A_18 = arith.addf %get3A_12, %get3A_17 : vector<1024x128xf32>
    %get3A_19 = arith.constant 0 : index
    %get3A_20 = arith.constant 0 : index
    %get3A_21 = vector.load %arg2[%get3A_19, %get3A_20] : memref<1024x128xf32, #tpu.memory_space<vmem>>, vector<1024x128xf32>
    %add3A_22 = arith.addf %add3A_18, %get3A_21 : vector<1024x128xf32>
    %mul3A = vector.broadcast %rsqrt3A : vector<1024x1xf32> to vector<1024x128xf32>
    %mul3A_23 = arith.mulf %add3A_22, %mul3A : vector<1024x128xf32>
    %get3A_24 = arith.constant 0 : index
    %get3A_25 = arith.constant 0 : index
    %get3A_26 = vector.load %arg5[%get3A_24, %get3A_25] : memref<1x128xf32, #tpu.memory_space<vmem>>, vector<1x128xf32>
    %add3A_27 = vector.broadcast %get3A_26 : vector<1x128xf32> to vector<1024x128xf32>
    %add3A_28 = arith.addf %mul3A_23, %add3A_27 : vector<1024x128xf32>
    %max3A = arith.constant 0.000000e+00 : f32
    %max3A_29 = vector.broadcast %max3A : f32 to vector<1024x128xf32>
    %max3A_30 = arith.maximumf %add3A_28, %max3A_29 : vector<1024x128xf32>
    %get3A_31 = arith.constant 0 : index
    %get3A_32 = arith.constant 0 : index
    %get3A_33 = vector.load %arg6[%get3A_31, %get3A_32] : memref<128x64xf32, #tpu.memory_space<vmem>>, vector<128x64xf32>
    %dot_general3A = arith.constant dense<0.000000e+00> : vector<1024x64xf32>
    %dot_general3A_34 = tpu.matmul %max3A_30, %get3A_33, %dot_general3A {dimension_numbers = #tpu.dot_dimension_numbers<[1], [0], [0], [1], [0, 0, 1, 1], [], []>, transpose_lhs_hint = false} : vector<1024x128xf32>, vector<128x64xf32>, vector<1024x64xf32> -> vector<1024x64xf32>
    %mul3A_35 = vector.broadcast %rsqrt3A : vector<1024x1xf32> to vector<1024x64xf32>
    %mul3A_36 = arith.mulf %dot_general3A_34, %mul3A_35 : vector<1024x64xf32>
    %broadcast_in_dim3A = arith.constant 0.000000e+00 : f32
    %broadcast_in_dim3A_37 = vector.broadcast %broadcast_in_dim3A : f32 to vector<1024x64xf32>
    %concatenate3A = tpu.concatenate %mul3A_36, %broadcast_in_dim3A_37 in 1 : vector<1024x64xf32>, vector<1024x64xf32> -> vector<1024x128xf32>
    %swap3A = arith.constant 0 : index
    %swap3A_38 = arith.constant 0 : index
    %swap3A_39 = vector.load %arg7[%swap3A, %swap3A_38] : memref<1024x128xf32, #tpu.memory_space<vmem>>, vector<1024x128xf32>
    tpu.vector_store %arg7[%swap3A, %swap3A_38], %concatenate3A {strides = array<i32>} : memref<1024x128xf32, #tpu.memory_space<vmem>>, vector<1024x128xf32>,
    return
  }
  func.func @transform_0(%arg0: i32) -> (i32, i32, i32) {
    %c0_i32 = arith.constant 0 : i32
    %c0_i32_0 = arith.constant 0 : i32
    %c0_i32_1 = arith.constant 0 : i32
    return %c0_i32, %arg0, %c0_i32_0 : i32, i32, i32
  }
  func.func @transform_1(%arg0: i32) -> (i32, i32) {
    %c0_i32 = arith.constant 0 : i32
    %c0_i32_0 = arith.constant 0 : i32
    return %arg0, %c0_i32 : i32, i32
  }
  func.func @transform_2(%arg0: i32) -> (i32, i32) {
    %c0_i32 = arith.constant 0 : i32
    %c0_i32_0 = arith.constant 0 : i32
    return %arg0, %c0_i32 : i32, i32
  }
  func.func @transform_3(%arg0: i32) -> (i32, i32) {
    %c0_i32 = arith.constant 0 : i32
    %c0_i32_0 = arith.constant 0 : i32
    return %arg0, %c0_i32 : i32, i32
  }
  func.func @transform_4(%arg0: i32) -> (i32, i32) {
    %c0_i32 = arith.constant 0 : i32
    %c0_i32_0 = arith.constant 0 : i32
    %c0_i32_1 = arith.constant 0 : i32
    return %c0_i32, %c0_i32_0 : i32, i32
  }
  func.func @transform_5(%arg0: i32) -> (i32, i32) {
    %c0_i32 = arith.constant 0 : i32
    %c0_i32_0 = arith.constant 0 : i32
    %c0_i32_1 = arith.constant 0 : i32
    return %c0_i32, %c0_i32_0 : i32, i32
  }
  func.func @transform_6(%arg0: i32) -> (i32, i32) {
    %c0_i32 = arith.constant 0 : i32
    %c0_i32_0 = arith.constant 0 : i32
    return %arg0, %c0_i32 : i32, i32
  }
}

module attributes {stable_mosaic.version = 14 : i64} {
  func.func @body(%arg0: i32, %arg1: memref<2x1024x128xf32, #tpu.memory_space<vmem>>, %arg2: memref<1024x128xf32, #tpu.memory_space<vmem>>, %arg3: memref<1024x1xf32, #tpu.memory_space<vmem>>, %arg4: memref<1024x1xf32, #tpu.memory_space<vmem>>, %arg5: memref<1x64xf32, #tpu.memory_space<vmem>>, %arg6: memref<1024x64xf32, #tpu.memory_space<vmem>>) attributes {dimension_semantics = [#tpu.dimension_semantics<arbitrary>], iteration_bounds = array<i64: 10>, scalar_prefetch = 0 : i64, scratch_operands = 0 : i64, tpu.core_type = #tpu.core_type<tc>, window_params = [{transform_indices = @transform_0, window_bounds = array<i64: 2, 1024, 128>}, {transform_indices = @transform_1, window_bounds = array<i64: 1024, 128>}, {transform_indices = @transform_2, window_bounds = array<i64: 1024, 1>}, {transform_indices = @transform_3, window_bounds = array<i64: 1024, 1>}, {pipeline_mode = #tpu.pipeline_mode<synchronous>, transform_indices = @transform_4, window_bounds = array<i64: 1, 64>}, {transform_indices = @transform_5, window_bounds = array<i64: 1024, 64>}]} {
    %get3A = arith.constant 0 : index
    %get3A_0 = arith.constant 0 : index
    %get3A_1 = vector.load %arg3[%get3A, %get3A_0] : memref<1024x1xf32, #tpu.memory_space<vmem>>, vector<1024x1xf32>
    %get3A_2 = arith.constant 0 : index
    %get3A_3 = arith.constant 0 : index
    %get3A_4 = vector.load %arg4[%get3A_2, %get3A_3] : memref<1024x1xf32, #tpu.memory_space<vmem>>, vector<1024x1xf32>
    %add3A = arith.addf %get3A_1, %get3A_4 : vector<1024x1xf32>
    %add3A_5 = arith.constant 1.000000e+00 : f32
    %add3A_6 = vector.broadcast %add3A_5 : f32 to vector<1024x1xf32>
    %add3A_7 = arith.addf %add3A, %add3A_6 : vector<1024x1xf32>
    %rsqrt3A = math.rsqrt %add3A_7 : vector<1024x1xf32>
    %get3A_8 = arith.constant 0 : index
    %get3A_9 = arith.constant 0 : index
    %get3A_10 = arith.constant 0 : index
    %get3A_11 = vector.load %arg1[%get3A_8, %get3A_9, %get3A_10] : memref<2x1024x128xf32, #tpu.memory_space<vmem>>, vector<1x1024x128xf32>
    %get3A_12 = vector.shape_cast %get3A_11 : vector<1x1024x128xf32> to vector<1024x128xf32>
    %slice3A = vector.extract_strided_slice %get3A_12 {offsets = [0, 0], sizes = [1024, 64], strides = [1, 1]} : vector<1024x128xf32> to vector<1024x64xf32>
    %get3A_13 = arith.constant 1 : index
    %get3A_14 = arith.constant 0 : index
    %get3A_15 = arith.constant 0 : index
    %get3A_16 = vector.load %arg1[%get3A_13, %get3A_14, %get3A_15] : memref<2x1024x128xf32, #tpu.memory_space<vmem>>, vector<1x1024x128xf32>
    %get3A_17 = vector.shape_cast %get3A_16 : vector<1x1024x128xf32> to vector<1024x128xf32>
    %slice3A_18 = vector.extract_strided_slice %get3A_17 {offsets = [0, 0], sizes = [1024, 64], strides = [1, 1]} : vector<1024x128xf32> to vector<1024x64xf32>
    %add3A_19 = arith.addf %slice3A, %slice3A_18 : vector<1024x64xf32>
    %get3A_20 = arith.constant 0 : index
    %get3A_21 = arith.constant 0 : index
    %get3A_22 = vector.load %arg2[%get3A_20, %get3A_21] : memref<1024x128xf32, #tpu.memory_space<vmem>>, vector<1024x64xf32>
    %add3A_23 = arith.addf %add3A_19, %get3A_22 : vector<1024x64xf32>
    %mul3A = vector.broadcast %rsqrt3A : vector<1024x1xf32> to vector<1024x64xf32>
    %mul3A_24 = arith.mulf %add3A_23, %mul3A : vector<1024x64xf32>
    %get3A_25 = arith.constant 0 : index
    %get3A_26 = arith.constant 0 : index
    %get3A_27 = vector.load %arg5[%get3A_25, %get3A_26] : memref<1x64xf32, #tpu.memory_space<vmem>>, vector<1x64xf32>
    %add3A_28 = vector.broadcast %get3A_27 : vector<1x64xf32> to vector<1024x64xf32>
    %add3A_29 = arith.addf %mul3A_24, %add3A_28 : vector<1024x64xf32>
    %swap3A = arith.constant 0 : index
    %swap3A_30 = arith.constant 0 : index
    %swap3A_31 = vector.load %arg6[%swap3A, %swap3A_30] : memref<1024x64xf32, #tpu.memory_space<vmem>>, vector<1024x64xf32>
    tpu.vector_store %arg6[%swap3A, %swap3A_30], %add3A_29 {strides = array<i32>} : memref<1024x64xf32, #tpu.memory_space<vmem>>, vector<1024x64xf32>,
    return
  }
  func.func @transform_0(%arg0: i32) -> (i32, i32, i32) {
    %c0_i32 = arith.constant 0 : i32
    %c0_i32_0 = arith.constant 0 : i32
    %c0_i32_1 = arith.constant 0 : i32
    return %c0_i32, %arg0, %c0_i32_0 : i32, i32, i32
  }
  func.func @transform_1(%arg0: i32) -> (i32, i32) {
    %c0_i32 = arith.constant 0 : i32
    %c0_i32_0 = arith.constant 0 : i32
    return %arg0, %c0_i32 : i32, i32
  }
  func.func @transform_2(%arg0: i32) -> (i32, i32) {
    %c0_i32 = arith.constant 0 : i32
    %c0_i32_0 = arith.constant 0 : i32
    return %arg0, %c0_i32 : i32, i32
  }
  func.func @transform_3(%arg0: i32) -> (i32, i32) {
    %c0_i32 = arith.constant 0 : i32
    %c0_i32_0 = arith.constant 0 : i32
    return %arg0, %c0_i32 : i32, i32
  }
  func.func @transform_4(%arg0: i32) -> (i32, i32) {
    %c0_i32 = arith.constant 0 : i32
    %c0_i32_0 = arith.constant 0 : i32
    %c0_i32_1 = arith.constant 0 : i32
    return %c0_i32, %c0_i32_0 : i32, i32
  }
  func.func @transform_5(%arg0: i32) -> (i32, i32) {
    %c0_i32 = arith.constant 0 : i32
    %c0_i32_0 = arith.constant 0 : i32
    return %arg0, %c0_i32 : i32, i32
  }
}

</mosaic_0001>

<sc_bundles>
// kernel: kernel.11.cloned.1.call-start
scs
__scs_entry_jumppad:
0x0: {  	(pc) =	sbr.rel $0x88, $3  }
0x1: {  	(tag) =	ssettag $0x0;
	lr =	simm.s32 $0x1  }
0x2: {  	[smem:$0x3F9B] =	sst lr;
	_ =	strace $0xD0000000  }
0x3: {  	_ = 	snop  }
0x4: {  	_ = 	snop  }
0x5: {  	_ = 	snop  }
0x6: {  	_ = 	snop  }
0x7: {  	_ = 	snop  }
__scs_overlays_trampoline_lowered:
0x8: {  	[smem:$0x3FAA] =	sst s0  }
0x9: {  	[smem:$0x3FAB] =	sst s1  }
0xa: {  	[smem:$0x3FAC] =	sst s2  }
0xb: {  	[smem:$0x3FAD] =	sst s3  }
0xc: {  	[smem:$0x3FAE] =	sst s4  }
0xd: {  	[smem:$0x3FAF] =	sst s5  }
0xe: {  	[smem:$0x3FB0] =	sst s6  }
0xf: {  	[smem:$0x3FB1] =	sst s7  }
0x10: {  	[smem:$0x3FB2] =	sst s8  }
0x11: {  	[smem:$0x3FB3] =	sst s9;
	s0 =	simm.s32 @!p0 $0x0  }
0x12: {  	s1 =	sld [smem:$0x3F99];
	s0 =	simm.s32 @p0 $0x1  }
0x13: {  	[smem:$0x3FB4] =	sst s0;
	s0 =	simm.s32 @!p1 $0x0  }
0x14: {  	s2 =	sld [smem:$0x3F98];
	s0 =	simm.s32 @p1 $0x1  }
0x15: {  	[smem:$0x3FB5] =	sst s0;
	s0 =	simm.s32 @!p2 $0x0  }
0x16: {  	s3 =	sld [smem:$0x3FDB];
	s0 =	simm.s32 @p2 $0x1  }
0x17: {  	s4 =	simm.s32 $0x1BF5;
	[smem:$0x3FB7] =	sst s0  }
0x18: {  	s0 =	sld [smem:$0x3F9A];
	_ =	swait.ge [sflag:s4], $0x0  }
0x19: {  	s7 =	sld [smem:$0x3F9B]  }
0x1a: {  	s8 =	sadd.s32 $0xFFFFE003, lr  }
0x1b: {  	s9 =	sadd.s32 $0xFFFFFEF7, lr;
	s5 =	simm.s32 $0xFFFFFFFF;
	p2 =	slt.u32 s8, $0xFFFFF086  }
0x1c: {  	p1 =	slt.u32 s9, $0xF7A;
	s5 =	simm.s32 @!p2 $0x0  }
0x1d: {  	s5 =	simm.s32 @p1 $0x1;
	p0 =	seq.s32 s7, s2  }
0x1e: {  	s7 =	smul.u32 @!p0 $0xF7A, s2;
	p2 =	seq.s32 @!p0 s5, $0x0  }
0x1f: {  	s9 =	smul.u32 $0xF7A, s1;
	s8 =	simm.s32 @!p0 $0x1BF5;
	p2 =	por !p2, p0  }
0x20: {  	[sflag:s8] =	ssyncset.s32 @!p0 $0xFFFFF086;
	s6 =	sadd.s32 @!p0 s3, s7;
	s7 =	simm.s32 @!p0 $0x108  }
0x21: {  	s3 =	sadd.s32 s3, s9;
	s6 =	sadd.s32 @!p0 $0x88, s6;
	s7 =	simm.s32 @p2 $0x1082  }
0x22: {  	[simem:s7], [sflag:s8] =	dma.local @!p0 [hbm:s6], $0xF7A  }
0x23: {  	s9 =	sor.u32 $0xD0000000, s2;
	s6 =	simm.s32 $0x108;
	_ =	swait.ge @!p0 [sflag:s8], $0x0  }
0x24: {  	s3 =	sadd.s32 $0x88, s3;
	s6 =	simm.s32 @!p1 $0x1082;
	[sflag:s4] =	ssyncset.s32 $0xFFFFF086  }
0x25: {  	[simem:s6], [sflag:s4] =	dma.local [hbm:s3], $0xF7A  }
0x26: {  	[smem:$0x3F9B] =	sst s1;
	(tag) =	ssettag s2;
	_ =	strace s9  }
0x27: {  	s1 =	sld [smem:$0x3FAB]  }
0x28: {  	s2 =	sld [smem:$0x3FAC]  }
0x29: {  	s4 =	sld [smem:$0x3FAE]  }
0x2a: {  	p0 =	seq.s32 s5, $0x0;
	s5 =	sld [smem:$0x3FAF]  }
0x2b: {  	s6 =	sld [smem:$0x3FB0]  }
0x2c: {  	s7 =	sld [smem:$0x3FB1]  }
0x2d: {  	s3 =	simm.s32 $0x108;
	s8 =	sld [smem:$0x3FB2]  }
0x2e: {  	s3 =	simm.s32 @!p0 $0x1082;
	s9 =	sld [smem:$0x3FB3]  }
0x2f: {  	lr =	sadd.s32 s0, s3;
	s0 =	sld [smem:$0x3FAA]  }
0x30: {  	s3 =	sld [smem:$0x3FAD]  }
0x31: {  	[smem:$0x3FB6] =	sst s10  }
0x32: {  	s10 =	sld [smem:$0x3FB4];
	_ =	sdelay $0x3  }
0x33: {  	p0 =	seq.s32 s10, $0x1;
	s10 =	sld [smem:$0x3FB6];
	_ =	sdelay $0x3  }
0x34: {  	[smem:$0x3FB6] =	sst s10  }
0x35: {  	s10 =	sld [smem:$0x3FB5];
	_ =	sdelay $0x3  }
0x36: {  	p1 =	seq.s32 s10, $0x1;
	s10 =	sld [smem:$0x3FB6];
	_ =	sdelay $0x3  }
0x37: {  	[smem:$0x3FB6] =	sst s10  }
0x38: {  	s10 =	sld [smem:$0x3FB7]  }
0x39: {  	_ = 	snop;
	(pc) =	sbr.ind lr, $3  }
0x3a: {  	_ = 	snop  }
0x3b: {  	_ = 	snop  }
0x3c: {  	p2 =	seq.s32 s10, $0x1;
	s10 =	sld [smem:$0x3FB6]  }
0x3d: {  	_ =	shalt  }
0x3e: {  	_ =	shalt  }
0x3f: {  	_ =	shalt  }
0x40: {  	_ =	shalt  }
0x41: {  	_ =	shalt  }
0x42: {  	_ =	shalt  }
0x43: {  	_ =	shalt  }
0x44: {  	_ =	shalt  }
0x45: {  	_ =	shalt  }
0x46: {  	_ =	shalt  }
0x47: {  	_ =	shalt  }
0x48: {  	_ =	shalt  }
0x49: {  	_ =	shalt  }
0x4a: {  	_ =	shalt  }
0x4b: {  	_ =	shalt  }
0x4c: {  	_ =	shalt  }
0x4d: {  	_ =	shalt  }
0x4e: {  	_ =	shalt  }
0x4f: {  	_ =	shalt  }
0x50: {  	_ =	shalt  }
0x51: {  	_ =	shalt  }
0x52: {  	_ =	shalt  }
0x53: {  	_ =	shalt  }
0x54: {  	_ =	shalt  }
0x55: {  	_ =	shalt  }
0x56: {  	_ =	shalt  }
0x57: {  	_ =	shalt  }
0x58: {  	_ =	shalt  }
0x59: {  	_ =	shalt  }
0x5a: {  	_ =	shalt  }
0x5b: {  	_ =	shalt  }
0x5c: {  	_ =	shalt  }
0x5d: {  	_ =	shalt  }
0x5e: {  	_ =	shalt  }
0x5f: {  	_ =	shalt  }
0x60: {  	_ =	shalt  }
0x61: {  	_ =	shalt  }
0x62: {  	_ =	shalt  }
0x63: {  	_ =	shalt  }
0x64: {  	_ =	shalt  }
0x65: {  	_ =	shalt  }
0x66: {  	_ =	shalt  }
0x67: {  	_ =	shalt  }
0x68: {  	_ =	shalt  }
0x69: {  	_ =	shalt  }
0x6a: {  	_ =	shalt  }
0x6b: {  	_ =	shalt  }
0x6c: {  	_ =	shalt  }
0x6d: {  	_ =	shalt  }
0x6e: {  	_ =	shalt  }
0x6f: {  	_ =	shalt  }
0x70: {  	_ =	shalt  }
0x71: {  	_ =	shalt  }
0x72: {  	_ =	shalt  }
0x73: {  	_ =	shalt  }
0x74: {  	_ =	shalt  }
0x75: {  	_ =	shalt  }
0x76: {  	_ =	shalt  }
0x77: {  	_ =	shalt  }
0x78: {  	_ =	shalt  }
0x79: {  	_ =	shalt  }
0x7a: {  	_ =	shalt  }
0x7b: {  	_ =	shalt  }
0x7c: {  	_ =	shalt  }
0x7d: {  	_ =	shalt  }
0x7e: {  	_ =	shalt  }
0x7f: {  	_ =	shalt  }
0x80: {  	_ =	shalt  }
0x81: {  	_ =	shalt  }
0x82: {  	_ =	shalt  }
0x83: {  	_ =	shalt  }
0x84: {  	_ =	shalt  }
0x85: {  	_ =	shalt  }
0x86: {  	_ =	shalt  }
0x87: {  	_ =	shalt  }
.Lfunc_end0:
.L_simem_size_0:
called_computation.1_lowered:
.L_overlay_start_0:
0x88: {  	s2 =	sld [smem:$0x3FD9]  }
0x89: {  	s3 =	sld [smem:$0x3FFE];
	_ =	sdelay $0x1  }
0x8a: {  	s1 =	srdreg.scid  }
0x8b: {  	s0 =	sand.u32 $0x1, s1  }
0x8c: {  	s16 =	sshll.u32 s0, $0xA;
	s2 =	sadd.s32 s3, s2  }
0x8d: {  	s2 =	sadd.s32 s2, s16  }
0x8e: {  	[smem:$0x3FC2] =	sst s2  }
0x8f: {  	_ = 	snop  }
0x90: {  	(tm) =	ssettm $0x1  }
0x91: {  	s17 =	sld [smem:$0x3FFB];
	_ =	sdelay $0x3  }
0x92: {  	_ =	strace s17  }
0x93: {  	s2 =	sld [smem:$0x3FFC];
	_ =	sdelay $0x3  }
0x94: {  	_ =	strace s2  }
0x95: {  	s2 =	sld [smem:$0x3FFD];
	_ =	sdelay $0x3  }
0x96: {  	_ =	strace s2  }
0x97: {  	_ =	strace $0x8FFFFFFF  }
0x98: {  	s18 =	sld [smem:$0x3FDB];
	_ =	sdelay $0x1  }
0x99: {  	s19 =	simm.s32 $_scs_section_size  }
0x9a: {  	s4 =	simm.s32 $_size__tile_overlayer_lowered;
	s5 =	simm.s32 $_tile_overlayer_lowered  }
0x9b: {  	s22 =	simm.s32 $0x1BFF;
	s21 =	sshll.u32 s5, $0x1;
	s2 =	sadd.s32 s19, s18  }
0x9c: {  	s6 =	simm.s32 $0x0;
	s20 =	sshll.u32 s4, $0x1;
	s4 =	sadd.s32 s21, s2  }
0x9d: {  	[timem:s6], [sflag:s22] =	dma.local [hbm:s4], s20  }
0x9e: {  	_ =	swait.ge [sflag:s22], s20  }
0x9f: {  	s3 =	ssub.s32 $0x0, s20;
	[sflag:s22] =	ssyncset.done $0x0  }
0xa0: {  	[sflag:s22] =	ssyncadd.s32 s3;
	_ =	sdelay $0x1  }
0xa1: {  	s23 =	simm.s32 $0x1B8B  }
0xa2: {  	_ =	swait.ge [sflag:s23], $0x1  }
0xa3: {  	[sflag:s23] =	ssyncset.done $0x0  }
0xa4: {  	s25 =	simm.s32 $0x1B8E;
	s24 =	sld [smem:$0x3FFE];
	[sflag:s23] =	ssyncadd.s32 $0xFFFFFFFF  }
0xa5: {  	s26 =	simm.s32 $execute0_lowered;
	[smem:$0x3FD2] =	sst s25  }
0xa6: {  	s4 =	sshll.u32 s26, $0x1;
	_ =	strace $0x80000049;
	[dreg:$0x1] =	wrdreg $0xFFFFFFFF  }
0xa7: {  	s28 =	simm.s32 $_size_execute0_lowered;
	s2 =	sadd.s32 s2, s4;
	[dreg:$0x0] =	wrdreg $0x0  }
0xa8: {  	s4 =	sshll.u32 s28, $0x1;
	[dreg:$0x2] =	wrdreg s2  }
0xa9: {  	[dreg:$0x3] =	wrdreg s4  }
0xaa: {  	[dreg:$0x4] =	wrdreg $0xC0  }
0xab: {  	_ =	task [dreg:s6], $0x5FFFF  }
0xac: {  	[dreg:$0x1] =	wrdreg $0xFFFFFFFF  }
0xad: {  	[dreg:$0x0] =	wrdreg $0x60  }
0xae: {  	[dreg:$0x2] =	wrdreg s24  }
0xaf: {  	[dreg:$0x3] =	wrdreg $0x9C000  }
0xb0: {  	[dreg:$0x4] =	wrdreg $0x9  }
0xb1: {  	_ =	task.clear_ibuf [dreg:s6], $0x5FFFF;
	_ =	strace $0x90000049  }
0xb2: {  	s29 =	simm.s32 $0x9;
	_ =	strace $0x8000004B  }
0xb3: {  	_ =	swait.ge [sflag:s29], $0x1  }
0xb4: {  	[sflag:s29] =	ssyncadd.s32 $0xFFFFFFFF  }
0xb5: {  	_ =	strace $0x9000004B  }
0xb6: {  	_ =	sfence  }
0xb7: {  	s30 =	sld [smem:$0x0];
	_ =	sdelay $0x2  }
0xb8: {  	s31 =	sshll.u32 s1, $0xD;
	s1 =	sshrl.u32 s1, $0x2  }
0xb9: {  	s3 =	sand.u32 $0x4000, s31;
	s1 =	sadd.s32 s1, s30  }
0xba: {  	s0 =	sor.u32 s3, s0;
	s1 =	sshll.u32 s1, $0x11  }
0xbb: {  	s0 =	sor.u32 s1, s0  }
0xbc: {  	s0 =	sadd.s32 $0x8F2B, s0  }
0xbd: {  	[sflag:s0] =	ssyncadd.remote.s32 $0x1  }
0xbe: {  	_ =	sfence.sel $0xFFFF  }
0xbf: {  	[dreg:$0x0] =	wrdreg $0xFFFFFFFF;
	(pc) =	sbr.abs _section_cstart, $3  }
0xc0: {  	[dreg:$0x1] =	wrdreg $0xFFFFFFFF  }
0xc1: {  	_ =	task.clear_ibuf [dreg:s6], $0x2FFFF;
	_ =	strace $0x9FFFFFFF  }
0xc2: {  	(tm) =	ssettm $0x7FFFFFFF  }
0xc3: {  	_ =	shalt  }
tec
execute0_lowered:
.L_overlay_start_1:
0x0: {  	(tag) =	ssettag $0x1  }
0x1: {  	s0 =	srdreg.scid  }
0x2: {  	s1 =	rddreg [dreg:$0x0];
	s8 =	stileid.u32  }
0x3: {  	s2 =	rddreg [dreg:$0x1];
	s3 =	simm.s32 $0x0;
	s5 =	smul.u32 $0x1400, s8  }
0x4: {  	s18 =	simm.s32 $0x9;
	s19 =	simm.s32 $0x1C00;
	s20 =	smul.u32 $0x14000, s8  }
0x5: {  	s28 =	simm.s32 $0x7C00;
	s0 =	sand.u32 $0x1, s0;
	s21 =	smul.u32 $0x50000, s8  }
0x6: {  	s29 =	simm.s32 $0x2;
	s30 =	simm.s32 $0x5;
	s4 =	smul.u32 $0x14000, s0  }
0x7: {  	[smem:$0x7FF] =	sst s3;
	s6 =	smul.u32 $0x140000, s0;
	s0 =	ssub.s32 $0x2, s0  }
0x8: {  	s31 =	simm.s32 $0x4;
	_ =	strace $0x8000004A;
	s22 =	sshrl.u32 s0, $0x1  }
0x9: {  	s4 =	sadd.s32 s5, s4;
	s5 =	sadd.s32 s20, s6;
	s6 =	sshrl.u32 s21, $0x2  }
0xa: {  	s0 =	ssub.s32 s0, s22;
	s20 =	simm.s32 $0x40;
	s21 =	simm.s32 $0x8  }
0xb: {  	s4 =	sshrl.u32 s4, $0x3;
	s5 =	sshrl.u32 s5, $0x3;
	s6 =	sadd.s32 s6, s2  }
0xc: {  	s17 =	smax.u32 s0, $0x1;
	s0 =	simm.s32 $0x0;
	s7 =	sadd.s32 s4, s1  }
0xd: {  	s4 =	sadd.s32 $0x2600, s1;
	s1 =	sadd.s32 s5, s1;
	s24 =	sadd.s32 $0x2000, s6  }
0xe: {  	s25 =	sadd.s32 $0x4000, s6;
	s26 =	sadd.s32 $0x6000, s6;
	s10 =	sadd.s32 $0x8000, s6  }
.Ltmp0:
0xf: {  	s11 =	sadd.s32 $0xA000, s6;
	s12 =	sadd.s32 $0xC000, s6;
	(pc) =	sbr.rel .LBB2_1-.Ltmp0, $4  }
0x10: {  	s13 =	sadd.s32 $0xE000, s6;
	s14 =	sadd.s32 $0x10000, s6;
	[dreg:$0x4] =	wrdreg s24  }
0x11: {  	s15 =	sadd.s32 $0x12000, s6;
	s23 =	sadd.s32 $0xA2600, s7;
	[dreg:$0x5] =	wrdreg s25  }
0x12: {  	[dreg:$0x6] =	wrdreg s26;
	s16 =	sadd.s32 $0x2A600, s1;
	s25 =	simm.s32 $0x5C00  }
0x13: {  	v0 =	vimm.f32 $0.0e+00;
	s26 =	simm.s32 $0x1;
	s1 =	simm.s32 $0x7;
	[dreg:$0x3] =	wrdreg s23  }
.LBB2_6:
0x14: {  	[spmem:s2] =	stream.indirect.scatter.add.f32 [tilespmem:s28], [sflag:$0x8], $0x80, s24, s20, $0xb8;
	[tilespmem:$0x1DC00] =	vst v63  }
0x15: {  	s5 =	stileid.u32;
	_ =	swait.ge [sflag:s21], $0x2000  }
0x16: {  	s7 =	sshrl.u32 s6, $0x3;
	s0 =	sadd.s32 $0x1, s0;
	[sflag:s21] =	ssyncset.done $0x0  }
0x17: {  	s5 =	sshll.u32 s5, $0x6;
	p0 =	sne.s32 s0, s17;
	[sflag:s21] =	ssyncadd.s32 $0xFFFFE000  }
.Ltmp1:
0x18: {  	s5 =	sor.u32 $0x1C09, s5;
	[bflag:$0x0] =	sbarrier.arrive $0xFFFF;
	(pc) =	sbr.rel @!p0 .LBB2_7-.Ltmp1, $4  }
0x19: {  	[hbm:s16], [sflag:s5] =	dma.local [spmem:s7], $0x2800  }
0x1a: {  	_ =	swait.ge [sflag:s18], $0x2800  }
0x1b: {  	[sflag:s18] =	ssyncset.done $0x0  }
0x1c: {  	[sflag:s18] =	ssyncadd.s32 $0xFFFFD800  }
.LBB2_1:
0x1d: {  	s5 =	rddreg [dreg:$0x3]  }
0x1e: {  	[tilespmem:s3], [sflag:$0x9] =	stream.linear.gather [hbm4b:s5+s3], $0x1400, $0x38;
	[tilespmem:$0x1DC00] =	vst v63  }
0x1f: {  	s22 =	sand.u32 $0x7E00, s3;
	s23 =	sand.u32 $0x70, s3;
	_ =	swait.ge [sflag:s18], $0x1400  }
0x20: {  	s24 =	sshrl.u32 s22, $0x2;
	s22 =	simm.s32 $0x40;
	[sflag:s18] =	ssyncset.done $0x0  }
0x21: {  	s24 =	sor.u32 s23, s24;
	s23 =	simm.s32 $0x0;
	[sflag:s18] =	ssyncadd.s32 $0xFFFFEC00  }
.LBB2_2:
0x22: {  	p0 =	sne.s32 s22, $0x7FC0  }
0x23: {  	[tilespmem:s24+$0x1C00] =	vst v0;
	s23 =	sadd.s32 $0x10, s23;
	s24 =	smov.u32 s22;
	s22 =	sadd.s32 $0x40, s22  }
.Ltmp2:
0x24: {  	(pc) =	sbr.rel @p0 .LBB2_2-.Ltmp2, $4  }
0x25: {  	_ = 	snop  }
0x26: {  	s24 =	sand.u32 $0x7E00, s24  }
0x27: {  	s5 =	sand.u32 $0x70, s23;
	s24 =	sshrl.u32 s24, $0x2  }
0x28: {  	s24 =	sor.u32 s5, s24  }
0x29: {  	[tilespmem:s24+$0x1C00] =	vst v0  }
0x2a: {  	[spmem:s6] =	stream.linear.scatter [tilespmem:s19], [sflag:$0x9], $0x2000, $0x38;
	[tilespmem:$0x1DC00] =	vst v63  }
0x2b: {  	_ =	swait.ge [sflag:s18], $0x2000  }
0x2c: {  	[sflag:s18] =	ssyncset.done $0x0  }
0x2d: {  	s5 =	rddreg [dreg:$0x4];
	[sflag:s18] =	ssyncadd.s32 $0xFFFFE000  }
0x2e: {  	[spmem:s5] =	stream.linear.scatter [tilespmem:s19], [sflag:$0x9], $0x2000, $0x38;
	[tilespmem:$0x1DC00] =	vst v63  }
0x2f: {  	_ =	swait.ge [sflag:s18], $0x2000  }
0x30: {  	[sflag:s18] =	ssyncset.done $0x0  }
0x31: {  	s8 =	rddreg [dreg:$0x5];
	[sflag:s18] =	ssyncadd.s32 $0xFFFFE000  }
0x32: {  	[spmem:s8] =	stream.linear.scatter [tilespmem:s19], [sflag:$0x9], $0x2000, $0x38;
	[tilespmem:$0x1DC00] =	vst v63  }
0x33: {  	_ =	swait.ge [sflag:s18], $0x2000  }
0x34: {  	[sflag:s18] =	ssyncset.done $0x0  }
0x35: {  	s9 =	rddreg [dreg:$0x6];
	[sflag:s18] =	ssyncadd.s32 $0xFFFFE000  }
0x36: {  	[spmem:s9] =	stream.linear.scatter [tilespmem:s19], [sflag:$0x9], $0x2000, $0x38;
	[tilespmem:$0x1DC00] =	vst v63  }
0x37: {  	_ =	swait.ge [sflag:s18], $0x2000  }
0x38: {  	[sflag:s18] =	ssyncset.done $0x0  }
0x39: {  	[sflag:s18] =	ssyncadd.s32 $0xFFFFE000  }
0x3a: {  	[spmem:s10] =	stream.linear.scatter [tilespmem:s19], [sflag:$0x9], $0x2000, $0x38;
	[tilespmem:$0x1DC00] =	vst v63  }
0x3b: {  	_ =	swait.ge [sflag:s18], $0x2000  }
0x3c: {  	[sflag:s18] =	ssyncset.done $0x0  }
0x3d: {  	[sflag:s18] =	ssyncadd.s32 $0xFFFFE000  }
0x3e: {  	[spmem:s11] =	stream.linear.scatter [tilespmem:s19], [sflag:$0x9], $0x2000, $0x38;
	[tilespmem:$0x1DC00] =	vst v63  }
0x3f: {  	_ =	swait.ge [sflag:s18], $0x2000  }
0x40: {  	[sflag:s18] =	ssyncset.done $0x0  }
0x41: {  	[sflag:s18] =	ssyncadd.s32 $0xFFFFE000  }
0x42: {  	[spmem:s12] =	stream.linear.scatter [tilespmem:s19], [sflag:$0x9], $0x2000, $0x38;
	[tilespmem:$0x1DC00] =	vst v63  }
0x43: {  	_ =	swait.ge [sflag:s18], $0x2000  }
0x44: {  	[sflag:s18] =	ssyncset.done $0x0  }
0x45: {  	[sflag:s18] =	ssyncadd.s32 $0xFFFFE000  }
0x46: {  	[spmem:s13] =	stream.linear.scatter [tilespmem:s19], [sflag:$0x9], $0x2000, $0x38;
	[tilespmem:$0x1DC00] =	vst v63  }
0x47: {  	_ =	swait.ge [sflag:s18], $0x2000  }
0x48: {  	[sflag:s18] =	ssyncset.done $0x0  }
0x49: {  	[sflag:s18] =	ssyncadd.s32 $0xFFFFE000  }
0x4a: {  	[spmem:s14] =	stream.linear.scatter [tilespmem:s19], [sflag:$0x9], $0x2000, $0x38;
	[tilespmem:$0x1DC00] =	vst v63  }
0x4b: {  	_ =	swait.ge [sflag:s18], $0x2000  }
0x4c: {  	[sflag:s18] =	ssyncset.done $0x0  }
0x4d: {  	[sflag:s18] =	ssyncadd.s32 $0xFFFFE000  }
0x4e: {  	[spmem:s15] =	stream.linear.scatter [tilespmem:s19], [sflag:$0x9], $0x2000, $0x38;
	[tilespmem:$0x1DC00] =	vst v63  }
0x4f: {  	_ =	swait.ge [sflag:s18], $0x2000  }
0x50: {  	[sflag:s18] =	ssyncset.done $0x0  }
0x51: {  	[sflag:s18] =	ssyncadd.s32 $0xFFFFE000  }
0x52: {  	[bflag:$0x0] =	sbarrier.arrive $0xFFFF  }
0x53: {  	v1 =	vld [tilespmem:$0x0];
	_ =	sdelay $0x1  }
0x54: {  	v2 =	vld [tilespmem:$0x10];
	_ =	sdelay $0x1  }
0x55: {  	v3 =	vld [tilespmem:$0x20]  }
0x56: {  	v4 =	vand.u32 $0xFFFF, v1  }
0x57: {  	v59 =	vld [tilespmem:$0x30];
	v1 =	vshra.s32 v1, $0x10;
	[tilespmem:$0x1400] =	vst v4  }
0x58: {  	[tilespmem:$0x1800] =	vst v1;
	v1 =	vand.u32 $0xFFFF, v2  }
0x59: {  	[tilespmem:$0x1410] =	vst v1;
	v1 =	vshra.s32 v2, $0x10  }
0x5a: {  	[tilespmem:$0x1810] =	vst v1;
	v1 =	vand.u32 $0xFFFF, v3  }
0x5b: {  	[tilespmem:$0x1420] =	vst v1;
	v1 =	vshra.s32 v3, $0x10  }
0x5c: {  	[tilespmem:$0x1820] =	vst v1;
	v1 =	vand.u32 $0xFFFF, v59  }
0x5d: {  	[tilespmem:$0x1430] =	vst v1;
	v1 =	vshra.s32 v59, $0x10  }
0x5e: {  	s22 =	simm.s32 $0x1400;
	[tilespmem:$0x1830] =	vst v1  }
0x5f: {  	[tilespmem:s19], [sflag:$0x1] =	stream.indirect.gather [hbm4b:s4+s20], $0x80, s22, s20, $0xb8;
	[tilespmem:$0x1DC00] =	vst v63  }
0x60: {  	v1 =	vld [tilespmem:$0x40];
	_ =	sdelay $0x1  }
0x61: {  	v2 =	vld [tilespmem:$0x50];
	_ =	sdelay $0x1  }
0x62: {  	v3 =	vld [tilespmem:$0x60]  }
0x63: {  	v60 =	vand.u32 $0xFFFF, v1  }
0x64: {  	v61 =	vld [tilespmem:$0x70];
	v1 =	vshra.s32 v1, $0x10;
	[tilespmem:$0x1480] =	vst v60  }
0x65: {  	[tilespmem:$0x1880] =	vst v1;
	v1 =	vand.u32 $0xFFFF, v2  }
0x66: {  	[tilespmem:$0x1490] =	vst v1;
	v1 =	vshra.s32 v2, $0x10  }
0x67: {  	[tilespmem:$0x1890] =	vst v1;
	v1 =	vand.u32 $0xFFFF, v3  }
0x68: {  	[tilespmem:$0x14A0] =	vst v1;
	v1 =	vshra.s32 v3, $0x10  }
0x69: {  	[tilespmem:$0x18A0] =	vst v1;
	v1 =	vand.u32 $0xFFFF, v61  }
0x6a: {  	[tilespmem:$0x14B0] =	vst v1;
	v1 =	vshra.s32 v61, $0x10  }
0x6b: {  	s23 =	simm.s32 $0x1480;
	s7 =	simm.s32 $0x3C00;
	[tilespmem:$0x18B0] =	vst v1  }
0x6c: {  	[tilespmem:s7], [sflag:$0x2] =	stream.indirect.gather [hbm4b:s4+s20], $0x80, s23, s20, $0xb8;
	[tilespmem:$0x1DC00] =	vst v63  }
0x6d: {  	v1 =	vld [tilespmem:$0x80];
	_ =	sdelay $0x1  }
0x6e: {  	v2 =	vld [tilespmem:$0x90];
	_ =	sdelay $0x1  }
0x6f: {  	v3 =	vld [tilespmem:$0xA0]  }
0x70: {  	v62 =	vand.u32 $0xFFFF, v1  }
0x71: {  	v63 =	vld [tilespmem:$0xB0];
	v1 =	vshra.s32 v1, $0x10;
	[tilespmem:$0x1500] =	vst v62  }
0x72: {  	[tilespmem:$0x1900] =	vst v1;
	v1 =	vand.u32 $0xFFFF, v2  }
0x73: {  	[tilespmem:$0x1510] =	vst v1;
	v1 =	vshra.s32 v2, $0x10  }
0x74: {  	[tilespmem:$0x1910] =	vst v1;
	v1 =	vand.u32 $0xFFFF, v3  }
0x75: {  	[tilespmem:$0x1520] =	vst v1;
	v1 =	vshra.s32 v3, $0x10  }
0x76: {  	[tilespmem:$0x1920] =	vst v1;
	v1 =	vand.u32 $0xFFFF, v63  }
0x77: {  	[tilespmem:$0x1530] =	vst v1;
	v1 =	vshra.s32 v63, $0x10  }
0x78: {  	s24 =	simm.s32 $0x1500;
	s22 =	simm.s32 $0x0;
	s23 =	simm.s32 $0xE0;
	[tilespmem:$0x1930] =	vst v1  }
0x79: {  	[tilespmem:s25], [sflag:$0x3] =	stream.indirect.gather [hbm4b:s4+s20], $0x80, s24, s20, $0xb8;
	[tilespmem:$0x1DC00] =	vst v63  }
.LBB2_4:
0x7a: {  	_ =	swait.ge [sflag:s26], $0x2000  }
0x7b: {  	p0 =	seq.s32 s22, $0x0;
	[sflag:s26] =	ssyncset.done $0x0  }
0x7c: {  	s5 =	simm.s32 @!p0 $0x8;
	[sflag:s26] =	ssyncadd.s32 $0xFFFFE000  }
0x7d: {  	_ =	swait.ge @!p0 [sflag:s5], $0x2000  }
0x7e: {  	[sflag:s5] =	ssyncset.done @!p0 $0x0  }
0x7f: {  	[sflag:s5] =	ssyncadd.s32 @!p0 $0xFFFFE000  }
0x80: {  	v1 =	vld [tilespmem:s23+$0xFFFFFFE0];
	_ =	sdelay $0x3  }
0x81: {  	s7 =	sadd.s32 $0x180, s22  }
0x82: {  	s5 =	sand.u32 $0x380, s7;
	v2 =	vand.u32 $0xFFFF, v1  }
0x83: {  	v1 =	vshra.s32 v1, $0x10;
	[tilespmem:s5+$0x1400] =	vst v2  }
0x84: {  	[tilespmem:s5+$0x1800] =	vst v1  }
0x85: {  	v1 =	vld [tilespmem:s23+$0xFFFFFFF0];
	_ =	sdelay $0x4  }
0x86: {  	v2 =	vand.u32 $0xFFFF, v1  }
0x87: {  	v1 =	vshra.s32 v1, $0x10;
	[tilespmem:s5+$0x1410] =	vst v2  }
0x88: {  	[tilespmem:s5+$0x1810] =	vst v1  }
0x89: {  	v1 =	vld [tilespmem:s23+$0x0];
	_ =	sdelay $0x4  }
0x8a: {  	v2 =	vand.u32 $0xFFFF, v1  }
0x8b: {  	v1 =	vshra.s32 v1, $0x10;
	[tilespmem:s5+$0x1420] =	vst v2  }
0x8c: {  	[tilespmem:s5+$0x1820] =	vst v1  }
0x8d: {  	v1 =	vld [tilespmem:s23+$0x10];
	_ =	sdelay $0x4  }
0x8e: {  	v2 =	vand.u32 $0xFFFF, v1  }
0x8f: {  	v1 =	vshra.s32 v1, $0x10;
	[tilespmem:s5+$0x1430] =	vst v2  }
0x90: {  	s24 =	sor.u32 $0x1400, s5;
	[tilespmem:s5+$0x1830] =	vst v1  }
0x91: {  	[tilespmem:s28], [sflag:$0x4] =	stream.indirect.gather [hbm4b:s4+s20], $0x80, s24, s20, $0xb8;
	[tilespmem:$0x1DC00] =	vst v63  }
0x92: {  	s24 =	sand.u32 $0x200, s22  }
0x93: {  	s8 =	sor.u32 $0x1800, s24  }
0x94: {  	[spmem:s2] =	stream.indirect.scatter.add.f32 [tilespmem:s19], [sflag:$0x5], $0x80, s8, s20, $0xb8;
	[tilespmem:$0x1DC00] =	vst v63  }
0x95: {  	_ =	swait.ge [sflag:s29], $0x2000  }
0x96: {  	[sflag:s29] =	ssyncset.done $0x0  }
0x97: {  	[sflag:s29] =	ssyncadd.s32 $0xFFFFE000  }
0x98: {  	p0 =	seq.s32 s22, $0x2600;
	_ =	swait.ge [sflag:s30], $0x2000  }
0x99: {  	s7 =	simm.s32 @p0 $0x40;
	[sflag:s30] =	ssyncset.done $0x0  }
0x9a: {  	s5 =	sadd.s32 @p0 $0x1880, s24;
	s8 =	simm.s32 @p0 $0x3C00;
	[sflag:s30] =	ssyncadd.s32 $0xFFFFE000  }
0x9b: {  	[spmem:s2] =	stream.indirect.scatter.add.f32 @p0 [tilespmem:s8], [sflag:$0x6], $0x80, s5, s7, $0xb8;
	[tilespmem:$0x1DC00] =	vst v63  }
0x9c: {  	s5 =	simm.s32 @p0 $0x3  }
0x9d: {  	_ =	swait.ge @p0 [sflag:s5], $0x2000  }
0x9e: {  	[sflag:s5] =	ssyncset.done @p0 $0x0  }
0x9f: {  	[sflag:s5] =	ssyncadd.s32 @p0 $0xFFFFE000;
	s5 =	simm.s32 @p0 $0x6  }
0xa0: {  	_ =	swait.ge @p0 [sflag:s5], $0x2000  }
0xa1: {  	[sflag:s5] =	ssyncset.done @p0 $0x0  }
0xa2: {  	[sflag:s5] =	ssyncadd.s32 @p0 $0xFFFFE000  }
0xa3: {  	v1 =	vld @!p0 [tilespmem:s23+$0x20];
	_ =	sdelay $0x3  }
0xa4: {  	s5 =	sxor.u32 @!p0 $0xFFFFFFFF, s22  }
0xa5: {  	s5 =	sand.u32 @!p0 $0x200, s5;
	v2 =	vand.u32 @!p0 $0xFFFF, v1  }
0xa6: {  	v1 =	vshra.s32 @!p0 v1, $0x10;
	[tilespmem:s5+$0x1400] =	vst @!p0 v2  }
0xa7: {  	[tilespmem:s5+$0x1800] =	vst @!p0 v1  }
0xa8: {  	v1 =	vld @!p0 [tilespmem:s23+$0x30];
	_ =	sdelay $0x4  }
0xa9: {  	v2 =	vand.u32 @!p0 $0xFFFF, v1  }
0xaa: {  	v1 =	vshra.s32 @!p0 v1, $0x10;
	[tilespmem:s5+$0x1410] =	vst @!p0 v2  }
0xab: {  	[tilespmem:s5+$0x1810] =	vst @!p0 v1  }
0xac: {  	v1 =	vld @!p0 [tilespmem:s23+$0x40];
	_ =	sdelay $0x4  }
0xad: {  	v2 =	vand.u32 @!p0 $0xFFFF, v1  }
0xae: {  	v1 =	vshra.s32 @!p0 v1, $0x10;
	[tilespmem:s5+$0x1420] =	vst @!p0 v2  }
0xaf: {  	[tilespmem:s5+$0x1820] =	vst @!p0 v1  }
0xb0: {  	v1 =	vld @!p0 [tilespmem:s23+$0x50];
	_ =	sdelay $0x4  }
0xb1: {  	v2 =	vand.u32 @!p0 $0xFFFF, v1  }
0xb2: {  	v1 =	vshra.s32 @!p0 v1, $0x10;
	[tilespmem:s5+$0x1430] =	vst @!p0 v2  }
0xb3: {  	s8 =	simm.s32 @!p0 $0x1C00;
	s7 =	sor.u32 @!p0 $0x1400, s5;
	[tilespmem:s5+$0x1830] =	vst @!p0 v1;
	s5 =	simm.s32 @!p0 $0x40  }
0xb4: {  	[tilespmem:s8], [sflag:$0x1] =	stream.indirect.gather @!p0 [hbm4b:s4+s5], $0x80, s7, s5, $0xb8;
	[tilespmem:$0x1DC00] =	vst v63  }
0xb5: {  	s7 =	sadd.s32 @!p0 $0x1880, s24;
	s8 =	simm.s32 @!p0 $0x3C00  }
0xb6: {  	[spmem:s2] =	stream.indirect.scatter.add.f32 @!p0 [tilespmem:s8], [sflag:$0x6], $0x80, s7, s5, $0xb8;
	[tilespmem:$0x1DC00] =	vst v63  }
0xb7: {  	s7 =	simm.s32 @!p0 $0x3  }
0xb8: {  	_ =	swait.ge @!p0 [sflag:s7], $0x2000  }
0xb9: {  	[sflag:s7] =	ssyncset.done @!p0 $0x0  }
0xba: {  	[sflag:s7] =	ssyncadd.s32 @!p0 $0xFFFFE000;
	s7 =	simm.s32 @!p0 $0x6  }
0xbb: {  	_ =	swait.ge @!p0 [sflag:s7], $0x2000  }
0xbc: {  	[sflag:s7] =	ssyncset.done @!p0 $0x0  }
0xbd: {  	[sflag:s7] =	ssyncadd.s32 @!p0 $0xFFFFE000  }
0xbe: {  	v1 =	vld @!p0 [tilespmem:s23+$0x60];
	_ =	sdelay $0x3  }
0xbf: {  	s7 =	sadd.s32 @!p0 $0x280, s22  }
0xc0: {  	s7 =	sand.u32 @!p0 $0x280, s7;
	v2 =	vand.u32 @!p0 $0xFFFF, v1  }
0xc1: {  	v1 =	vshra.s32 @!p0 v1, $0x10;
	[tilespmem:s7+$0x1400] =	vst @!p0 v2  }
0xc2: {  	[tilespmem:s7+$0x1800] =	vst @!p0 v1  }
0xc3: {  	v1 =	vld @!p0 [tilespmem:s23+$0x70];
	_ =	sdelay $0x4  }
0xc4: {  	v2 =	vand.u32 @!p0 $0xFFFF, v1  }
0xc5: {  	v1 =	vshra.s32 @!p0 v1, $0x10;
	[tilespmem:s7+$0x1410] =	vst @!p0 v2  }
0xc6: {  	[tilespmem:s7+$0x1810] =	vst @!p0 v1  }
0xc7: {  	v1 =	vld @!p0 [tilespmem:s23+$0x80];
	_ =	sdelay $0x4  }
0xc8: {  	v2 =	vand.u32 @!p0 $0xFFFF, v1  }
0xc9: {  	v1 =	vshra.s32 @!p0 v1, $0x10;
	[tilespmem:s7+$0x1420] =	vst @!p0 v2  }
0xca: {  	[tilespmem:s7+$0x1820] =	vst @!p0 v1  }
0xcb: {  	v1 =	vld @!p0 [tilespmem:s23+$0x90];
	_ =	sdelay $0x4  }
0xcc: {  	v2 =	vand.u32 @!p0 $0xFFFF, v1  }
0xcd: {  	v1 =	vshra.s32 @!p0 v1, $0x10;
	[tilespmem:s7+$0x1430] =	vst @!p0 v2  }
0xce: {  	s9 =	sor.u32 @!p0 $0x1400, s7;
	[tilespmem:s7+$0x1830] =	vst @!p0 v1  }
0xcf: {  	[tilespmem:s8], [sflag:$0x2] =	stream.indirect.gather @!p0 [hbm4b:s4+s5], $0x80, s9, s5, $0xb8;
	[tilespmem:$0x1DC00] =	vst v63  }
0xd0: {  	s9 =	sadd.s32 $0x1900, s24  }
0xd1: {  	[spmem:s2] =	stream.indirect.scatter.add.f32 [tilespmem:s25], [sflag:$0x7], $0x80, s9, s20, $0xb8;
	[tilespmem:$0x1DC00] =	vst v63  }
0xd2: {  	_ =	swait.ge [sflag:s31], $0x2000  }
.Ltmp3:
0xd3: {  	[sflag:s31] =	ssyncset.done $0x0;
	(pc) =	sbr.rel @p0 .LBB2_6-.Ltmp3, $4  }
0xd4: {  	[sflag:s31] =	ssyncadd.s32 $0xFFFFE000  }
0xd5: {  	_ =	swait.ge [sflag:s1], $0x2000  }
0xd6: {  	[sflag:s1] =	ssyncset.done $0x0  }
0xd7: {  	s24 =	sadd.s32 $0x1980, s24;
	[sflag:s1] =	ssyncadd.s32 $0xFFFFE000  }
0xd8: {  	v1 =	vld [tilespmem:s23+$0xA0];
	_ =	sdelay $0x3  }
0xd9: {  	s5 =	sadd.s32 $0x300, s22  }
0xda: {  	s5 =	sand.u32 $0x300, s5;
	v2 =	vand.u32 $0xFFFF, v1  }
0xdb: {  	v1 =	vshra.s32 v1, $0x10;
	[tilespmem:s5+$0x1400] =	vst v2  }
0xdc: {  	[tilespmem:s5+$0x1800] =	vst v1  }
0xdd: {  	v1 =	vld [tilespmem:s23+$0xB0];
	_ =	sdelay $0x4  }
0xde: {  	v2 =	vand.u32 $0xFFFF, v1  }
0xdf: {  	v1 =	vshra.s32 v1, $0x10;
	[tilespmem:s5+$0x1410] =	vst v2  }
0xe0: {  	[tilespmem:s5+$0x1810] =	vst v1  }
0xe1: {  	v1 =	vld [tilespmem:s23+$0xC0];
	_ =	sdelay $0x4  }
0xe2: {  	v2 =	vand.u32 $0xFFFF, v1  }
0xe3: {  	v1 =	vshra.s32 v1, $0x10;
	[tilespmem:s5+$0x1420] =	vst v2  }
0xe4: {  	[tilespmem:s5+$0x1820] =	vst v1  }
0xe5: {  	v1 =	vld [tilespmem:s23+$0xD0];
	_ =	sdelay $0x4  }
0xe6: {  	v2 =	vand.u32 $0xFFFF, v1  }
.Ltmp4:
0xe7: {  	v1 =	vshra.s32 v1, $0x10;
	[tilespmem:s5+$0x1430] =	vst v2;
	(pc) =	sbr.rel .LBB2_4-.Ltmp4, $4  }
0xe8: {  	s7 =	sor.u32 $0x1400, s5;
	[tilespmem:s5+$0x1830] =	vst v1  }
0xe9: {  	[tilespmem:s25], [sflag:$0x3] =	stream.indirect.gather [hbm4b:s4+s20], $0x80, s7, s20, $0xb8;
	[tilespmem:$0x1DC00] =	vst v63  }
0xea: {  	s22 =	sadd.s32 $0x200, s22;
	s23 =	sadd.s32 $0x100, s23  }
0xeb: {  	[spmem:s2] =	stream.indirect.scatter.add.f32 [tilespmem:s28], [sflag:$0x8], $0x80, s24, s20, $0xb8;
	[tilespmem:$0x1DC00] =	vst v63  }
.LBB2_7:
0xec: {  	_ =	sfence.sel $0x180000  }
0xed: {  	[bflag:$0x0] =	sbarrier.arrive $0xFFFF  }
0xee: {  	_ =	strace $0x9000004A  }
0xef: {  	s0 =	stileid.u32;
	[bflag:$0x2] =	sbarrier.arrive $0xFFFF  }
0xf0: {  	p0 =	sne.s32 s0, $0x0;
	s0 =	rddreg [dreg:$0x2]  }
0xf1: {  	s0 =	sadd.s32 @!p0 $0x100000, s0  }
0xf2: {  	[sflag:s0] =	ssyncadd.tile.s32 @!p0 $0x1;
	_ =	shalt  }
.Lfunc_end2:
_tile_overlayer_lowered:
.L_overlay_start_2:
0xf3: {  	(tag) =	ssettag $0x2  }
0xf4: {  	s0 =	rddreg [dreg:$0x0];
	s2 =	stileid.u32  }
0xf5: {  	s1 =	rddreg [dreg:$0x1];
	p0 =	sne.s32 s2, $0x0  }
0xf6: {  	s3 =	rddreg [dreg:$0x2];
	[bflag:$0x3] =	sbarrier.arrive $0xFFFF;
	s2 =	simm.s32 @!p0 $0x1C09  }
0xf7: {  	[timem:s3], [sflag:s2] =	dma.local @!p0 [hbm:s0], s1  }
0xf8: {  	s0 =	simm.s32 @!p0 $0x9  }
0xf9: {  	_ =	swait.ge @!p0 [sflag:s0], s1  }
0xfa: {  	s1 =	ssub.s32 @!p0 $0x0, s1;
	[sflag:s0] =	ssyncset.done @!p0 $0x0  }
0xfb: {  	[sflag:s0] =	ssyncadd.s32 @!p0 s1  }
0xfc: {  	[bflag:$0x3] =	sbarrier.arrive $0xFFFF  }
0xfd: {  	_ =	shalt  }

// kernel: kernel.14.cloned.1.call-start
scs
__scs_entry_jumppad:
0x0: {  	(pc) =	sbr.rel $0x88, $3  }
0x1: {  	(tag) =	ssettag $0x0;
	lr =	simm.s32 $0x1  }
0x2: {  	[smem:$0x3F9B] =	sst lr;
	_ =	strace $0xD0000000  }
0x3: {  	_ = 	snop  }
0x4: {  	_ = 	snop  }
0x5: {  	_ = 	snop  }
0x6: {  	_ = 	snop  }
0x7: {  	_ = 	snop  }
__scs_overlays_trampoline_lowered:
0x8: {  	[smem:$0x3FAA] =	sst s0  }
0x9: {  	[smem:$0x3FAB] =	sst s1  }
0xa: {  	[smem:$0x3FAC] =	sst s2  }
0xb: {  	[smem:$0x3FAD] =	sst s3  }
0xc: {  	[smem:$0x3FAE] =	sst s4  }
0xd: {  	[smem:$0x3FAF] =	sst s5  }
0xe: {  	[smem:$0x3FB0] =	sst s6  }
0xf: {  	[smem:$0x3FB1] =	sst s7  }
0x10: {  	[smem:$0x3FB2] =	sst s8  }
0x11: {  	[smem:$0x3FB3] =	sst s9;
	s0 =	simm.s32 @!p0 $0x0  }
0x12: {  	s1 =	sld [smem:$0x3F99];
	s0 =	simm.s32 @p0 $0x1  }
0x13: {  	[smem:$0x3FB4] =	sst s0;
	s0 =	simm.s32 @!p1 $0x0  }
0x14: {  	s2 =	sld [smem:$0x3F98];
	s0 =	simm.s32 @p1 $0x1  }
0x15: {  	[smem:$0x3FB5] =	sst s0;
	s0 =	simm.s32 @!p2 $0x0  }
0x16: {  	s3 =	sld [smem:$0x3FDB];
	s0 =	simm.s32 @p2 $0x1  }
0x17: {  	s4 =	simm.s32 $0x1BF5;
	[smem:$0x3FB7] =	sst s0  }
0x18: {  	s0 =	sld [smem:$0x3F9A];
	_ =	swait.ge [sflag:s4], $0x0  }
0x19: {  	s7 =	sld [smem:$0x3F9B]  }
0x1a: {  	s8 =	sadd.s32 $0xFFFFE003, lr  }
0x1b: {  	s9 =	sadd.s32 $0xFFFFFEF7, lr;
	s5 =	simm.s32 $0xFFFFFFFF;
	p2 =	slt.u32 s8, $0xFFFFF086  }
0x1c: {  	p1 =	slt.u32 s9, $0xF7A;
	s5 =	simm.s32 @!p2 $0x0  }
0x1d: {  	s5 =	simm.s32 @p1 $0x1;
	p0 =	seq.s32 s7, s2  }
0x1e: {  	s7 =	smul.u32 @!p0 $0xF7A, s2;
	p2 =	seq.s32 @!p0 s5, $0x0  }
0x1f: {  	s9 =	smul.u32 $0xF7A, s1;
	s8 =	simm.s32 @!p0 $0x1BF5;
	p2 =	por !p2, p0  }
0x20: {  	[sflag:s8] =	ssyncset.s32 @!p0 $0xFFFFF086;
	s6 =	sadd.s32 @!p0 s3, s7;
	s7 =	simm.s32 @!p0 $0x108  }
0x21: {  	s3 =	sadd.s32 s3, s9;
	s6 =	sadd.s32 @!p0 $0x88, s6;
	s7 =	simm.s32 @p2 $0x1082  }
0x22: {  	[simem:s7], [sflag:s8] =	dma.local @!p0 [hbm:s6], $0xF7A  }
0x23: {  	s9 =	sor.u32 $0xD0000000, s2;
	s6 =	simm.s32 $0x108;
	_ =	swait.ge @!p0 [sflag:s8], $0x0  }
0x24: {  	s3 =	sadd.s32 $0x88, s3;
	s6 =	simm.s32 @!p1 $0x1082;
	[sflag:s4] =	ssyncset.s32 $0xFFFFF086  }
0x25: {  	[simem:s6], [sflag:s4] =	dma.local [hbm:s3], $0xF7A  }
0x26: {  	[smem:$0x3F9B] =	sst s1;
	(tag) =	ssettag s2;
	_ =	strace s9  }
0x27: {  	s1 =	sld [smem:$0x3FAB]  }
0x28: {  	s2 =	sld [smem:$0x3FAC]  }
0x29: {  	s4 =	sld [smem:$0x3FAE]  }
0x2a: {  	p0 =	seq.s32 s5, $0x0;
	s5 =	sld [smem:$0x3FAF]  }
0x2b: {  	s6 =	sld [smem:$0x3FB0]  }
0x2c: {  	s7 =	sld [smem:$0x3FB1]  }
0x2d: {  	s3 =	simm.s32 $0x108;
	s8 =	sld [smem:$0x3FB2]  }
0x2e: {  	s3 =	simm.s32 @!p0 $0x1082;
	s9 =	sld [smem:$0x3FB3]  }
0x2f: {  	lr =	sadd.s32 s0, s3;
	s0 =	sld [smem:$0x3FAA]  }
0x30: {  	s3 =	sld [smem:$0x3FAD]  }
0x31: {  	[smem:$0x3FB6] =	sst s10  }
0x32: {  	s10 =	sld [smem:$0x3FB4];
	_ =	sdelay $0x3  }
0x33: {  	p0 =	seq.s32 s10, $0x1;
	s10 =	sld [smem:$0x3FB6];
	_ =	sdelay $0x3  }
0x34: {  	[smem:$0x3FB6] =	sst s10  }
0x35: {  	s10 =	sld [smem:$0x3FB5];
	_ =	sdelay $0x3  }
0x36: {  	p1 =	seq.s32 s10, $0x1;
	s10 =	sld [smem:$0x3FB6];
	_ =	sdelay $0x3  }
0x37: {  	[smem:$0x3FB6] =	sst s10  }
0x38: {  	s10 =	sld [smem:$0x3FB7]  }
0x39: {  	_ = 	snop;
	(pc) =	sbr.ind lr, $3  }
0x3a: {  	_ = 	snop  }
0x3b: {  	_ = 	snop  }
0x3c: {  	p2 =	seq.s32 s10, $0x1;
	s10 =	sld [smem:$0x3FB6]  }
0x3d: {  	_ =	shalt  }
0x3e: {  	_ =	shalt  }
0x3f: {  	_ =	shalt  }
0x40: {  	_ =	shalt  }
0x41: {  	_ =	shalt  }
0x42: {  	_ =	shalt  }
0x43: {  	_ =	shalt  }
0x44: {  	_ =	shalt  }
0x45: {  	_ =	shalt  }
0x46: {  	_ =	shalt  }
0x47: {  	_ =	shalt  }
0x48: {  	_ =	shalt  }
0x49: {  	_ =	shalt  }
0x4a: {  	_ =	shalt  }
0x4b: {  	_ =	shalt  }
0x4c: {  	_ =	shalt  }
0x4d: {  	_ =	shalt  }
0x4e: {  	_ =	shalt  }
0x4f: {  	_ =	shalt  }
0x50: {  	_ =	shalt  }
0x51: {  	_ =	shalt  }
0x52: {  	_ =	shalt  }
0x53: {  	_ =	shalt  }
0x54: {  	_ =	shalt  }
0x55: {  	_ =	shalt  }
0x56: {  	_ =	shalt  }
0x57: {  	_ =	shalt  }
0x58: {  	_ =	shalt  }
0x59: {  	_ =	shalt  }
0x5a: {  	_ =	shalt  }
0x5b: {  	_ =	shalt  }
0x5c: {  	_ =	shalt  }
0x5d: {  	_ =	shalt  }
0x5e: {  	_ =	shalt  }
0x5f: {  	_ =	shalt  }
0x60: {  	_ =	shalt  }
0x61: {  	_ =	shalt  }
0x62: {  	_ =	shalt  }
0x63: {  	_ =	shalt  }
0x64: {  	_ =	shalt  }
0x65: {  	_ =	shalt  }
0x66: {  	_ =	shalt  }
0x67: {  	_ =	shalt  }
0x68: {  	_ =	shalt  }
0x69: {  	_ =	shalt  }
0x6a: {  	_ =	shalt  }
0x6b: {  	_ =	shalt  }
0x6c: {  	_ =	shalt  }
0x6d: {  	_ =	shalt  }
0x6e: {  	_ =	shalt  }
0x6f: {  	_ =	shalt  }
0x70: {  	_ =	shalt  }
0x71: {  	_ =	shalt  }
0x72: {  	_ =	shalt  }
0x73: {  	_ =	shalt  }
0x74: {  	_ =	shalt  }
0x75: {  	_ =	shalt  }
0x76: {  	_ =	shalt  }
0x77: {  	_ =	shalt  }
0x78: {  	_ =	shalt  }
0x79: {  	_ =	shalt  }
0x7a: {  	_ =	shalt  }
0x7b: {  	_ =	shalt  }
0x7c: {  	_ =	shalt  }
0x7d: {  	_ =	shalt  }
0x7e: {  	_ =	shalt  }
0x7f: {  	_ =	shalt  }
0x80: {  	_ =	shalt  }
0x81: {  	_ =	shalt  }
0x82: {  	_ =	shalt  }
0x83: {  	_ =	shalt  }
0x84: {  	_ =	shalt  }
0x85: {  	_ =	shalt  }
0x86: {  	_ =	shalt  }
0x87: {  	_ =	shalt  }
.Lfunc_end0:
.L_simem_size_0:
called_computation.2_lowered:
.L_overlay_start_0:
0x88: {  	s2 =	sld [smem:$0x3FD9]  }
0x89: {  	s3 =	sld [smem:$0x3FFE];
	_ =	sdelay $0x1  }
0x8a: {  	s1 =	srdreg.scid  }
0x8b: {  	s0 =	sand.u32 $0x1, s1  }
0x8c: {  	s16 =	sshll.u32 s0, $0xA;
	s2 =	sadd.s32 s3, s2  }
0x8d: {  	s2 =	sadd.s32 s2, s16  }
0x8e: {  	[smem:$0x3FC2] =	sst s2  }
0x8f: {  	_ = 	snop  }
0x90: {  	(tm) =	ssettm $0x1  }
0x91: {  	s17 =	sld [smem:$0x3FFB];
	_ =	sdelay $0x3  }
0x92: {  	_ =	strace s17  }
0x93: {  	s2 =	sld [smem:$0x3FFC];
	_ =	sdelay $0x3  }
0x94: {  	_ =	strace s2  }
0x95: {  	s2 =	sld [smem:$0x3FFD];
	_ =	sdelay $0x3  }
0x96: {  	_ =	strace s2  }
0x97: {  	_ =	strace $0x8FFFFFFF  }
0x98: {  	s18 =	sld [smem:$0x3FDB];
	_ =	sdelay $0x1  }
0x99: {  	s19 =	simm.s32 $_scs_section_size  }
0x9a: {  	s4 =	simm.s32 $_size__tile_overlayer_lowered;
	s5 =	simm.s32 $_tile_overlayer_lowered  }
0x9b: {  	s22 =	simm.s32 $0x1BFF;
	s21 =	sshll.u32 s5, $0x1;
	s2 =	sadd.s32 s19, s18  }
0x9c: {  	s6 =	simm.s32 $0x0;
	s20 =	sshll.u32 s4, $0x1;
	s4 =	sadd.s32 s21, s2  }
0x9d: {  	[timem:s6], [sflag:s22] =	dma.local [hbm:s4], s20  }
0x9e: {  	_ =	swait.ge [sflag:s22], s20  }
0x9f: {  	s3 =	ssub.s32 $0x0, s20;
	[sflag:s22] =	ssyncset.done $0x0  }
0xa0: {  	[sflag:s22] =	ssyncadd.s32 s3;
	_ =	sdelay $0x1  }
0xa1: {  	s23 =	simm.s32 $0x1B8B  }
0xa2: {  	_ =	swait.ge [sflag:s23], $0x1  }
0xa3: {  	[sflag:s23] =	ssyncset.done $0x0  }
0xa4: {  	s25 =	simm.s32 $0x1B8E;
	s24 =	sld [smem:$0x3FFE];
	[sflag:s23] =	ssyncadd.s32 $0xFFFFFFFF  }
0xa5: {  	s26 =	simm.s32 $execute0_lowered;
	[smem:$0x3FD2] =	sst s25  }
0xa6: {  	s4 =	sshll.u32 s26, $0x1;
	_ =	strace $0x8000004C;
	[dreg:$0x1] =	wrdreg $0xFFFFFFFF  }
0xa7: {  	s28 =	simm.s32 $_size_execute0_lowered;
	s2 =	sadd.s32 s2, s4;
	[dreg:$0x0] =	wrdreg $0x0  }
0xa8: {  	s4 =	sshll.u32 s28, $0x1;
	[dreg:$0x2] =	wrdreg s2  }
0xa9: {  	[dreg:$0x3] =	wrdreg s4  }
0xaa: {  	[dreg:$0x4] =	wrdreg $0xC0  }
0xab: {  	_ =	task [dreg:s6], $0x5FFFF  }
0xac: {  	[dreg:$0x1] =	wrdreg $0xFFFFFFFF  }
0xad: {  	[dreg:$0x0] =	wrdreg $0x60  }
0xae: {  	[dreg:$0x2] =	wrdreg s24  }
0xaf: {  	[dreg:$0x3] =	wrdreg $0x9C000  }
0xb0: {  	[dreg:$0x4] =	wrdreg $0x9  }
0xb1: {  	_ =	task.clear_ibuf [dreg:s6], $0x5FFFF;
	_ =	strace $0x9000004C  }
0xb2: {  	s29 =	simm.s32 $0x9;
	_ =	strace $0x8000004E  }
0xb3: {  	_ =	swait.ge [sflag:s29], $0x1  }
0xb4: {  	[sflag:s29] =	ssyncadd.s32 $0xFFFFFFFF  }
0xb5: {  	_ =	strace $0x9000004E  }
0xb6: {  	_ =	sfence  }
0xb7: {  	s30 =	sld [smem:$0x0];
	_ =	sdelay $0x2  }
0xb8: {  	s31 =	sshll.u32 s1, $0xD;
	s1 =	sshrl.u32 s1, $0x2  }
0xb9: {  	s3 =	sand.u32 $0x4000, s31;
	s1 =	sadd.s32 s1, s30  }
0xba: {  	s0 =	sor.u32 s3, s0;
	s1 =	sshll.u32 s1, $0x11  }
0xbb: {  	s0 =	sor.u32 s1, s0  }
0xbc: {  	s0 =	sadd.s32 $0x8F2B, s0  }
0xbd: {  	[sflag:s0] =	ssyncadd.remote.s32 $0x1  }
0xbe: {  	_ =	sfence.sel $0xFFFF  }
0xbf: {  	[dreg:$0x0] =	wrdreg $0xFFFFFFFF;
	(pc) =	sbr.abs _section_cstart, $3  }
0xc0: {  	[dreg:$0x1] =	wrdreg $0xFFFFFFFF  }
0xc1: {  	_ =	task.clear_ibuf [dreg:s6], $0x2FFFF;
	_ =	strace $0x9FFFFFFF  }
0xc2: {  	(tm) =	ssettm $0x7FFFFFFF  }
0xc3: {  	_ =	shalt  }
tec
execute0_lowered:
.L_overlay_start_1:
0x0: {  	(tag) =	ssettag $0x1  }
0x1: {  	s0 =	srdreg.scid  }
0x2: {  	s1 =	rddreg [dreg:$0x0];
	s8 =	stileid.u32  }
0x3: {  	s2 =	rddreg [dreg:$0x1];
	s3 =	simm.s32 $0x0;
	s5 =	smul.u32 $0x1400, s8  }
0x4: {  	s18 =	simm.s32 $0x9;
	s19 =	simm.s32 $0x1C00;
	s20 =	smul.u32 $0x14000, s8  }
0x5: {  	s28 =	simm.s32 $0x7C00;
	s0 =	sand.u32 $0x1, s0;
	s21 =	smul.u32 $0x50000, s8  }
0x6: {  	s29 =	simm.s32 $0x2;
	s30 =	simm.s32 $0x5;
	s4 =	smul.u32 $0x14000, s0  }
0x7: {  	[smem:$0x7FF] =	sst s3;
	s6 =	smul.u32 $0x140000, s0;
	s0 =	ssub.s32 $0x2, s0  }
0x8: {  	s31 =	simm.s32 $0x4;
	_ =	strace $0x8000004D;
	s22 =	sshrl.u32 s0, $0x1  }
0x9: {  	s4 =	sadd.s32 s5, s4;
	s5 =	sadd.s32 s20, s6;
	s6 =	sshrl.u32 s21, $0x2  }
0xa: {  	s0 =	ssub.s32 s0, s22;
	s20 =	simm.s32 $0x40;
	s21 =	simm.s32 $0x8  }
0xb: {  	s4 =	sshrl.u32 s4, $0x3;
	s5 =	sshrl.u32 s5, $0x3;
	s6 =	sadd.s32 s6, s2  }
0xc: {  	s17 =	smax.u32 s0, $0x1;
	s0 =	simm.s32 $0x0;
	s7 =	sadd.s32 s4, s1  }
0xd: {  	s4 =	sadd.s32 $0x2600, s1;
	s1 =	sadd.s32 s5, s1;
	s24 =	sadd.s32 $0x2000, s6  }
0xe: {  	s25 =	sadd.s32 $0x4000, s6;
	s26 =	sadd.s32 $0x6000, s6;
	s10 =	sadd.s32 $0x8000, s6  }
.Ltmp0:
0xf: {  	s11 =	sadd.s32 $0xA000, s6;
	s12 =	sadd.s32 $0xC000, s6;
	(pc) =	sbr.rel .LBB2_1-.Ltmp0, $4  }
0x10: {  	s13 =	sadd.s32 $0xE000, s6;
	s14 =	sadd.s32 $0x10000, s6;
	[dreg:$0x4] =	wrdreg s24  }
0x11: {  	s15 =	sadd.s32 $0x12000, s6;
	s23 =	sadd.s32 $0xA2600, s7;
	[dreg:$0x5] =	wrdreg s25  }
0x12: {  	[dreg:$0x6] =	wrdreg s26;
	s16 =	sadd.s32 $0x2A600, s1;
	s25 =	simm.s32 $0x5C00  }
0x13: {  	v0 =	vimm.f32 $0.0e+00;
	s26 =	simm.s32 $0x1;
	s1 =	simm.s32 $0x7;
	[dreg:$0x3] =	wrdreg s23  }
.LBB2_6:
0x14: {  	[spmem:s2] =	stream.indirect.scatter.add.f32 [tilespmem:s28], [sflag:$0x8], $0x80, s24, s20, $0xb8;
	[tilespmem:$0x1DC00] =	vst v63  }
0x15: {  	s5 =	stileid.u32;
	_ =	swait.ge [sflag:s21], $0x2000  }
0x16: {  	s7 =	sshrl.u32 s6, $0x3;
	s0 =	sadd.s32 $0x1, s0;
	[sflag:s21] =	ssyncset.done $0x0  }
0x17: {  	s5 =	sshll.u32 s5, $0x6;
	p0 =	sne.s32 s0, s17;
	[sflag:s21] =	ssyncadd.s32 $0xFFFFE000  }
.Ltmp1:
0x18: {  	s5 =	sor.u32 $0x1C09, s5;
	[bflag:$0x0] =	sbarrier.arrive $0xFFFF;
	(pc) =	sbr.rel @!p0 .LBB2_7-.Ltmp1, $4  }
0x19: {  	[hbm:s16], [sflag:s5] =	dma.local [spmem:s7], $0x2800  }
0x1a: {  	_ =	swait.ge [sflag:s18], $0x2800  }
0x1b: {  	[sflag:s18] =	ssyncset.done $0x0  }
0x1c: {  	[sflag:s18] =	ssyncadd.s32 $0xFFFFD800  }
.LBB2_1:
0x1d: {  	s5 =	rddreg [dreg:$0x3]  }
0x1e: {  	[tilespmem:s3], [sflag:$0x9] =	stream.linear.gather [hbm4b:s5+s3], $0x1400, $0x38;
	[tilespmem:$0x1DC00] =	vst v63  }
0x1f: {  	s22 =	sand.u32 $0x7E00, s3;
	s23 =	sand.u32 $0x70, s3;
	_ =	swait.ge [sflag:s18], $0x1400  }
0x20: {  	s24 =	sshrl.u32 s22, $0x2;
	s22 =	simm.s32 $0x40;
	[sflag:s18] =	ssyncset.done $0x0  }
0x21: {  	s24 =	sor.u32 s23, s24;
	s23 =	simm.s32 $0x0;
	[sflag:s18] =	ssyncadd.s32 $0xFFFFEC00  }
.LBB2_2:
0x22: {  	p0 =	sne.s32 s22, $0x7FC0  }
0x23: {  	[tilespmem:s24+$0x1C00] =	vst v0;
	s23 =	sadd.s32 $0x10, s23;
	s24 =	smov.u32 s22;
	s22 =	sadd.s32 $0x40, s22  }
.Ltmp2:
0x24: {  	(pc) =	sbr.rel @p0 .LBB2_2-.Ltmp2, $4  }
0x25: {  	_ = 	snop  }
0x26: {  	s24 =	sand.u32 $0x7E00, s24  }
0x27: {  	s5 =	sand.u32 $0x70, s23;
	s24 =	sshrl.u32 s24, $0x2  }
0x28: {  	s24 =	sor.u32 s5, s24  }
0x29: {  	[tilespmem:s24+$0x1C00] =	vst v0  }
0x2a: {  	[spmem:s6] =	stream.linear.scatter [tilespmem:s19], [sflag:$0x9], $0x2000, $0x38;
	[tilespmem:$0x1DC00] =	vst v63  }
0x2b: {  	_ =	swait.ge [sflag:s18], $0x2000  }
0x2c: {  	[sflag:s18] =	ssyncset.done $0x0  }
0x2d: {  	s5 =	rddreg [dreg:$0x4];
	[sflag:s18] =	ssyncadd.s32 $0xFFFFE000  }
0x2e: {  	[spmem:s5] =	stream.linear.scatter [tilespmem:s19], [sflag:$0x9], $0x2000, $0x38;
	[tilespmem:$0x1DC00] =	vst v63  }
0x2f: {  	_ =	swait.ge [sflag:s18], $0x2000  }
0x30: {  	[sflag:s18] =	ssyncset.done $0x0  }
0x31: {  	s8 =	rddreg [dreg:$0x5];
	[sflag:s18] =	ssyncadd.s32 $0xFFFFE000  }
0x32: {  	[spmem:s8] =	stream.linear.scatter [tilespmem:s19], [sflag:$0x9], $0x2000, $0x38;
	[tilespmem:$0x1DC00] =	vst v63  }
0x33: {  	_ =	swait.ge [sflag:s18], $0x2000  }
0x34: {  	[sflag:s18] =	ssyncset.done $0x0  }
0x35: {  	s9 =	rddreg [dreg:$0x6];
	[sflag:s18] =	ssyncadd.s32 $0xFFFFE000  }
0x36: {  	[spmem:s9] =	stream.linear.scatter [tilespmem:s19], [sflag:$0x9], $0x2000, $0x38;
	[tilespmem:$0x1DC00] =	vst v63  }
0x37: {  	_ =	swait.ge [sflag:s18], $0x2000  }
0x38: {  	[sflag:s18] =	ssyncset.done $0x0  }
0x39: {  	[sflag:s18] =	ssyncadd.s32 $0xFFFFE000  }
0x3a: {  	[spmem:s10] =	stream.linear.scatter [tilespmem:s19], [sflag:$0x9], $0x2000, $0x38;
	[tilespmem:$0x1DC00] =	vst v63  }
0x3b: {  	_ =	swait.ge [sflag:s18], $0x2000  }
0x3c: {  	[sflag:s18] =	ssyncset.done $0x0  }
0x3d: {  	[sflag:s18] =	ssyncadd.s32 $0xFFFFE000  }
0x3e: {  	[spmem:s11] =	stream.linear.scatter [tilespmem:s19], [sflag:$0x9], $0x2000, $0x38;
	[tilespmem:$0x1DC00] =	vst v63  }
0x3f: {  	_ =	swait.ge [sflag:s18], $0x2000  }
0x40: {  	[sflag:s18] =	ssyncset.done $0x0  }
0x41: {  	[sflag:s18] =	ssyncadd.s32 $0xFFFFE000  }
0x42: {  	[spmem:s12] =	stream.linear.scatter [tilespmem:s19], [sflag:$0x9], $0x2000, $0x38;
	[tilespmem:$0x1DC00] =	vst v63  }
0x43: {  	_ =	swait.ge [sflag:s18], $0x2000  }
0x44: {  	[sflag:s18] =	ssyncset.done $0x0  }
0x45: {  	[sflag:s18] =	ssyncadd.s32 $0xFFFFE000  }
0x46: {  	[spmem:s13] =	stream.linear.scatter [tilespmem:s19], [sflag:$0x9], $0x2000, $0x38;
	[tilespmem:$0x1DC00] =	vst v63  }
0x47: {  	_ =	swait.ge [sflag:s18], $0x2000  }
0x48: {  	[sflag:s18] =	ssyncset.done $0x0  }
0x49: {  	[sflag:s18] =	ssyncadd.s32 $0xFFFFE000  }
0x4a: {  	[spmem:s14] =	stream.linear.scatter [tilespmem:s19], [sflag:$0x9], $0x2000, $0x38;
	[tilespmem:$0x1DC00] =	vst v63  }
0x4b: {  	_ =	swait.ge [sflag:s18], $0x2000  }
0x4c: {  	[sflag:s18] =	ssyncset.done $0x0  }
0x4d: {  	[sflag:s18] =	ssyncadd.s32 $0xFFFFE000  }
0x4e: {  	[spmem:s15] =	stream.linear.scatter [tilespmem:s19], [sflag:$0x9], $0x2000, $0x38;
	[tilespmem:$0x1DC00] =	vst v63  }
0x4f: {  	_ =	swait.ge [sflag:s18], $0x2000  }
0x50: {  	[sflag:s18] =	ssyncset.done $0x0  }
0x51: {  	[sflag:s18] =	ssyncadd.s32 $0xFFFFE000  }
0x52: {  	[bflag:$0x0] =	sbarrier.arrive $0xFFFF  }
0x53: {  	v1 =	vld [tilespmem:$0x0];
	_ =	sdelay $0x1  }
0x54: {  	v2 =	vld [tilespmem:$0x10];
	_ =	sdelay $0x1  }
0x55: {  	v3 =	vld [tilespmem:$0x20]  }
0x56: {  	v4 =	vand.u32 $0xFFFF, v1  }
0x57: {  	v59 =	vld [tilespmem:$0x30];
	v1 =	vshra.s32 v1, $0x10;
	[tilespmem:$0x1400] =	vst v4  }
0x58: {  	[tilespmem:$0x1800] =	vst v1;
	v1 =	vand.u32 $0xFFFF, v2  }
0x59: {  	[tilespmem:$0x1410] =	vst v1;
	v1 =	vshra.s32 v2, $0x10  }
0x5a: {  	[tilespmem:$0x1810] =	vst v1;
	v1 =	vand.u32 $0xFFFF, v3  }
0x5b: {  	[tilespmem:$0x1420] =	vst v1;
	v1 =	vshra.s32 v3, $0x10  }
0x5c: {  	[tilespmem:$0x1820] =	vst v1;
	v1 =	vand.u32 $0xFFFF, v59  }
0x5d: {  	[tilespmem:$0x1430] =	vst v1;
	v1 =	vshra.s32 v59, $0x10  }
0x5e: {  	s22 =	simm.s32 $0x1400;
	[tilespmem:$0x1830] =	vst v1  }
0x5f: {  	[tilespmem:s19], [sflag:$0x1] =	stream.indirect.gather [hbm4b:s4+s20], $0x80, s22, s20, $0xb8;
	[tilespmem:$0x1DC00] =	vst v63  }
0x60: {  	v1 =	vld [tilespmem:$0x40];
	_ =	sdelay $0x1  }
0x61: {  	v2 =	vld [tilespmem:$0x50];
	_ =	sdelay $0x1  }
0x62: {  	v3 =	vld [tilespmem:$0x60]  }
0x63: {  	v60 =	vand.u32 $0xFFFF, v1  }
0x64: {  	v61 =	vld [tilespmem:$0x70];
	v1 =	vshra.s32 v1, $0x10;
	[tilespmem:$0x1480] =	vst v60  }
0x65: {  	[tilespmem:$0x1880] =	vst v1;
	v1 =	vand.u32 $0xFFFF, v2  }
0x66: {  	[tilespmem:$0x1490] =	vst v1;
	v1 =	vshra.s32 v2, $0x10  }
0x67: {  	[tilespmem:$0x1890] =	vst v1;
	v1 =	vand.u32 $0xFFFF, v3  }
0x68: {  	[tilespmem:$0x14A0] =	vst v1;
	v1 =	vshra.s32 v3, $0x10  }
0x69: {  	[tilespmem:$0x18A0] =	vst v1;
	v1 =	vand.u32 $0xFFFF, v61  }
0x6a: {  	[tilespmem:$0x14B0] =	vst v1;
	v1 =	vshra.s32 v61, $0x10  }
0x6b: {  	s23 =	simm.s32 $0x1480;
	s7 =	simm.s32 $0x3C00;
	[tilespmem:$0x18B0] =	vst v1  }
0x6c: {  	[tilespmem:s7], [sflag:$0x2] =	stream.indirect.gather [hbm4b:s4+s20], $0x80, s23, s20, $0xb8;
	[tilespmem:$0x1DC00] =	vst v63  }
0x6d: {  	v1 =	vld [tilespmem:$0x80];
	_ =	sdelay $0x1  }
0x6e: {  	v2 =	vld [tilespmem:$0x90];
	_ =	sdelay $0x1  }
0x6f: {  	v3 =	vld [tilespmem:$0xA0]  }
0x70: {  	v62 =	vand.u32 $0xFFFF, v1  }
0x71: {  	v63 =	vld [tilespmem:$0xB0];
	v1 =	vshra.s32 v1, $0x10;
	[tilespmem:$0x1500] =	vst v62  }
0x72: {  	[tilespmem:$0x1900] =	vst v1;
	v1 =	vand.u32 $0xFFFF, v2  }
0x73: {  	[tilespmem:$0x1510] =	vst v1;
	v1 =	vshra.s32 v2, $0x10  }
0x74: {  	[tilespmem:$0x1910] =	vst v1;
	v1 =	vand.u32 $0xFFFF, v3  }
0x75: {  	[tilespmem:$0x1520] =	vst v1;
	v1 =	vshra.s32 v3, $0x10  }
0x76: {  	[tilespmem:$0x1920] =	vst v1;
	v1 =	vand.u32 $0xFFFF, v63  }
0x77: {  	[tilespmem:$0x1530] =	vst v1;
	v1 =	vshra.s32 v63, $0x10  }
0x78: {  	s24 =	simm.s32 $0x1500;
	s22 =	simm.s32 $0x0;
	s23 =	simm.s32 $0xE0;
	[tilespmem:$0x1930] =	vst v1  }
0x79: {  	[tilespmem:s25], [sflag:$0x3] =	stream.indirect.gather [hbm4b:s4+s20], $0x80, s24, s20, $0xb8;
	[tilespmem:$0x1DC00] =	vst v63  }
.LBB2_4:
0x7a: {  	_ =	swait.ge [sflag:s26], $0x2000  }
0x7b: {  	p0 =	seq.s32 s22, $0x0;
	[sflag:s26] =	ssyncset.done $0x0  }
0x7c: {  	s5 =	simm.s32 @!p0 $0x8;
	[sflag:s26] =	ssyncadd.s32 $0xFFFFE000  }
0x7d: {  	_ =	swait.ge @!p0 [sflag:s5], $0x2000  }
0x7e: {  	[sflag:s5] =	ssyncset.done @!p0 $0x0  }
0x7f: {  	[sflag:s5] =	ssyncadd.s32 @!p0 $0xFFFFE000  }
0x80: {  	v1 =	vld [tilespmem:s23+$0xFFFFFFE0];
	_ =	sdelay $0x3  }
0x81: {  	s7 =	sadd.s32 $0x180, s22  }
0x82: {  	s5 =	sand.u32 $0x380, s7;
	v2 =	vand.u32 $0xFFFF, v1  }
0x83: {  	v1 =	vshra.s32 v1, $0x10;
	[tilespmem:s5+$0x1400] =	vst v2  }
0x84: {  	[tilespmem:s5+$0x1800] =	vst v1  }
0x85: {  	v1 =	vld [tilespmem:s23+$0xFFFFFFF0];
	_ =	sdelay $0x4  }
0x86: {  	v2 =	vand.u32 $0xFFFF, v1  }
0x87: {  	v1 =	vshra.s32 v1, $0x10;
	[tilespmem:s5+$0x1410] =	vst v2  }
0x88: {  	[tilespmem:s5+$0x1810] =	vst v1  }
0x89: {  	v1 =	vld [tilespmem:s23+$0x0];
	_ =	sdelay $0x4  }
0x8a: {  	v2 =	vand.u32 $0xFFFF, v1  }
0x8b: {  	v1 =	vshra.s32 v1, $0x10;
	[tilespmem:s5+$0x1420] =	vst v2  }
0x8c: {  	[tilespmem:s5+$0x1820] =	vst v1  }
0x8d: {  	v1 =	vld [tilespmem:s23+$0x10];
	_ =	sdelay $0x4  }
0x8e: {  	v2 =	vand.u32 $0xFFFF, v1  }
0x8f: {  	v1 =	vshra.s32 v1, $0x10;
	[tilespmem:s5+$0x1430] =	vst v2  }
0x90: {  	s24 =	sor.u32 $0x1400, s5;
	[tilespmem:s5+$0x1830] =	vst v1  }
0x91: {  	[tilespmem:s28], [sflag:$0x4] =	stream.indirect.gather [hbm4b:s4+s20], $0x80, s24, s20, $0xb8;
	[tilespmem:$0x1DC00] =	vst v63  }
0x92: {  	s24 =	sand.u32 $0x200, s22  }
0x93: {  	s8 =	sor.u32 $0x1800, s24  }
0x94: {  	[spmem:s2] =	stream.indirect.scatter.add.f32 [tilespmem:s19], [sflag:$0x5], $0x80, s8, s20, $0xb8;
	[tilespmem:$0x1DC00] =	vst v63  }
0x95: {  	_ =	swait.ge [sflag:s29], $0x2000  }
0x96: {  	[sflag:s29] =	ssyncset.done $0x0  }
0x97: {  	[sflag:s29] =	ssyncadd.s32 $0xFFFFE000  }
0x98: {  	p0 =	seq.s32 s22, $0x2600;
	_ =	swait.ge [sflag:s30], $0x2000  }
0x99: {  	s7 =	simm.s32 @p0 $0x40;
	[sflag:s30] =	ssyncset.done $0x0  }
0x9a: {  	s5 =	sadd.s32 @p0 $0x1880, s24;
	s8 =	simm.s32 @p0 $0x3C00;
	[sflag:s30] =	ssyncadd.s32 $0xFFFFE000  }
0x9b: {  	[spmem:s2] =	stream.indirect.scatter.add.f32 @p0 [tilespmem:s8], [sflag:$0x6], $0x80, s5, s7, $0xb8;
	[tilespmem:$0x1DC00] =	vst v63  }
0x9c: {  	s5 =	simm.s32 @p0 $0x3  }
0x9d: {  	_ =	swait.ge @p0 [sflag:s5], $0x2000  }
0x9e: {  	[sflag:s5] =	ssyncset.done @p0 $0x0  }
0x9f: {  	[sflag:s5] =	ssyncadd.s32 @p0 $0xFFFFE000;
	s5 =	simm.s32 @p0 $0x6  }
0xa0: {  	_ =	swait.ge @p0 [sflag:s5], $0x2000  }
0xa1: {  	[sflag:s5] =	ssyncset.done @p0 $0x0  }
0xa2: {  	[sflag:s5] =	ssyncadd.s32 @p0 $0xFFFFE000  }
0xa3: {  	v1 =	vld @!p0 [tilespmem:s23+$0x20];
	_ =	sdelay $0x3  }
0xa4: {  	s5 =	sxor.u32 @!p0 $0xFFFFFFFF, s22  }
0xa5: {  	s5 =	sand.u32 @!p0 $0x200, s5;
	v2 =	vand.u32 @!p0 $0xFFFF, v1  }
0xa6: {  	v1 =	vshra.s32 @!p0 v1, $0x10;
	[tilespmem:s5+$0x1400] =	vst @!p0 v2  }
0xa7: {  	[tilespmem:s5+$0x1800] =	vst @!p0 v1  }
0xa8: {  	v1 =	vld @!p0 [tilespmem:s23+$0x30];
	_ =	sdelay $0x4  }
0xa9: {  	v2 =	vand.u32 @!p0 $0xFFFF, v1  }
0xaa: {  	v1 =	vshra.s32 @!p0 v1, $0x10;
	[tilespmem:s5+$0x1410] =	vst @!p0 v2  }
0xab: {  	[tilespmem:s5+$0x1810] =	vst @!p0 v1  }
0xac: {  	v1 =	vld @!p0 [tilespmem:s23+$0x40];
	_ =	sdelay $0x4  }
0xad: {  	v2 =	vand.u32 @!p0 $0xFFFF, v1  }
0xae: {  	v1 =	vshra.s32 @!p0 v1, $0x10;
	[tilespmem:s5+$0x1420] =	vst @!p0 v2  }
0xaf: {  	[tilespmem:s5+$0x1820] =	vst @!p0 v1  }
0xb0: {  	v1 =	vld @!p0 [tilespmem:s23+$0x50];
	_ =	sdelay $0x4  }
0xb1: {  	v2 =	vand.u32 @!p0 $0xFFFF, v1  }
0xb2: {  	v1 =	vshra.s32 @!p0 v1, $0x10;
	[tilespmem:s5+$0x1430] =	vst @!p0 v2  }
0xb3: {  	s8 =	simm.s32 @!p0 $0x1C00;
	s7 =	sor.u32 @!p0 $0x1400, s5;
	[tilespmem:s5+$0x1830] =	vst @!p0 v1;
	s5 =	simm.s32 @!p0 $0x40  }
0xb4: {  	[tilespmem:s8], [sflag:$0x1] =	stream.indirect.gather @!p0 [hbm4b:s4+s5], $0x80, s7, s5, $0xb8;
	[tilespmem:$0x1DC00] =	vst v63  }
0xb5: {  	s7 =	sadd.s32 @!p0 $0x1880, s24;
	s8 =	simm.s32 @!p0 $0x3C00  }
0xb6: {  	[spmem:s2] =	stream.indirect.scatter.add.f32 @!p0 [tilespmem:s8], [sflag:$0x6], $0x80, s7, s5, $0xb8;
	[tilespmem:$0x1DC00] =	vst v63  }
0xb7: {  	s7 =	simm.s32 @!p0 $0x3  }
0xb8: {  	_ =	swait.ge @!p0 [sflag:s7], $0x2000  }
0xb9: {  	[sflag:s7] =	ssyncset.done @!p0 $0x0  }
0xba: {  	[sflag:s7] =	ssyncadd.s32 @!p0 $0xFFFFE000;
	s7 =	simm.s32 @!p0 $0x6  }
0xbb: {  	_ =	swait.ge @!p0 [sflag:s7], $0x2000  }
0xbc: {  	[sflag:s7] =	ssyncset.done @!p0 $0x0  }
0xbd: {  	[sflag:s7] =	ssyncadd.s32 @!p0 $0xFFFFE000  }
0xbe: {  	v1 =	vld @!p0 [tilespmem:s23+$0x60];
	_ =	sdelay $0x3  }
0xbf: {  	s7 =	sadd.s32 @!p0 $0x280, s22  }
0xc0: {  	s7 =	sand.u32 @!p0 $0x280, s7;
	v2 =	vand.u32 @!p0 $0xFFFF, v1  }
0xc1: {  	v1 =	vshra.s32 @!p0 v1, $0x10;
	[tilespmem:s7+$0x1400] =	vst @!p0 v2  }
0xc2: {  	[tilespmem:s7+$0x1800] =	vst @!p0 v1  }
0xc3: {  	v1 =	vld @!p0 [tilespmem:s23+$0x70];
	_ =	sdelay $0x4  }
0xc4: {  	v2 =	vand.u32 @!p0 $0xFFFF, v1  }
0xc5: {  	v1 =	vshra.s32 @!p0 v1, $0x10;
	[tilespmem:s7+$0x1410] =	vst @!p0 v2  }
0xc6: {  	[tilespmem:s7+$0x1810] =	vst @!p0 v1  }
0xc7: {  	v1 =	vld @!p0 [tilespmem:s23+$0x80];
	_ =	sdelay $0x4  }
0xc8: {  	v2 =	vand.u32 @!p0 $0xFFFF, v1  }
0xc9: {  	v1 =	vshra.s32 @!p0 v1, $0x10;
	[tilespmem:s7+$0x1420] =	vst @!p0 v2  }
0xca: {  	[tilespmem:s7+$0x1820] =	vst @!p0 v1  }
0xcb: {  	v1 =	vld @!p0 [tilespmem:s23+$0x90];
	_ =	sdelay $0x4  }
0xcc: {  	v2 =	vand.u32 @!p0 $0xFFFF, v1  }
0xcd: {  	v1 =	vshra.s32 @!p0 v1, $0x10;
	[tilespmem:s7+$0x1430] =	vst @!p0 v2  }
0xce: {  	s9 =	sor.u32 @!p0 $0x1400, s7;
	[tilespmem:s7+$0x1830] =	vst @!p0 v1  }
0xcf: {  	[tilespmem:s8], [sflag:$0x2] =	stream.indirect.gather @!p0 [hbm4b:s4+s5], $0x80, s9, s5, $0xb8;
	[tilespmem:$0x1DC00] =	vst v63  }
0xd0: {  	s9 =	sadd.s32 $0x1900, s24  }
0xd1: {  	[spmem:s2] =	stream.indirect.scatter.add.f32 [tilespmem:s25], [sflag:$0x7], $0x80, s9, s20, $0xb8;
	[tilespmem:$0x1DC00] =	vst v63  }
0xd2: {  	_ =	swait.ge [sflag:s31], $0x2000  }
.Ltmp3:
0xd3: {  	[sflag:s31] =	ssyncset.done $0x0;
	(pc) =	sbr.rel @p0 .LBB2_6-.Ltmp3, $4  }
0xd4: {  	[sflag:s31] =	ssyncadd.s32 $0xFFFFE000  }
0xd5: {  	_ =	swait.ge [sflag:s1], $0x2000  }
0xd6: {  	[sflag:s1] =	ssyncset.done $0x0  }
0xd7: {  	s24 =	sadd.s32 $0x1980, s24;
	[sflag:s1] =	ssyncadd.s32 $0xFFFFE000  }
0xd8: {  	v1 =	vld [tilespmem:s23+$0xA0];
	_ =	sdelay $0x3  }
0xd9: {  	s5 =	sadd.s32 $0x300, s22  }
0xda: {  	s5 =	sand.u32 $0x300, s5;
	v2 =	vand.u32 $0xFFFF, v1  }
0xdb: {  	v1 =	vshra.s32 v1, $0x10;
	[tilespmem:s5+$0x1400] =	vst v2  }
0xdc: {  	[tilespmem:s5+$0x1800] =	vst v1  }
0xdd: {  	v1 =	vld [tilespmem:s23+$0xB0];
	_ =	sdelay $0x4  }
0xde: {  	v2 =	vand.u32 $0xFFFF, v1  }
0xdf: {  	v1 =	vshra.s32 v1, $0x10;
	[tilespmem:s5+$0x1410] =	vst v2  }
0xe0: {  	[tilespmem:s5+$0x1810] =	vst v1  }
0xe1: {  	v1 =	vld [tilespmem:s23+$0xC0];
	_ =	sdelay $0x4  }
0xe2: {  	v2 =	vand.u32 $0xFFFF, v1  }
0xe3: {  	v1 =	vshra.s32 v1, $0x10;
	[tilespmem:s5+$0x1420] =	vst v2  }
0xe4: {  	[tilespmem:s5+$0x1820] =	vst v1  }
0xe5: {  	v1 =	vld [tilespmem:s23+$0xD0];
	_ =	sdelay $0x4  }
0xe6: {  	v2 =	vand.u32 $0xFFFF, v1  }
.Ltmp4:
0xe7: {  	v1 =	vshra.s32 v1, $0x10;
	[tilespmem:s5+$0x1430] =	vst v2;
	(pc) =	sbr.rel .LBB2_4-.Ltmp4, $4  }
0xe8: {  	s7 =	sor.u32 $0x1400, s5;
	[tilespmem:s5+$0x1830] =	vst v1  }
0xe9: {  	[tilespmem:s25], [sflag:$0x3] =	stream.indirect.gather [hbm4b:s4+s20], $0x80, s7, s20, $0xb8;
	[tilespmem:$0x1DC00] =	vst v63  }
0xea: {  	s22 =	sadd.s32 $0x200, s22;
	s23 =	sadd.s32 $0x100, s23  }
0xeb: {  	[spmem:s2] =	stream.indirect.scatter.add.f32 [tilespmem:s28], [sflag:$0x8], $0x80, s24, s20, $0xb8;
	[tilespmem:$0x1DC00] =	vst v63  }
.LBB2_7:
0xec: {  	_ =	sfence.sel $0x180000  }
0xed: {  	[bflag:$0x0] =	sbarrier.arrive $0xFFFF  }
0xee: {  	_ =	strace $0x9000004D  }
0xef: {  	s0 =	stileid.u32;
	[bflag:$0x2] =	sbarrier.arrive $0xFFFF  }
0xf0: {  	p0 =	sne.s32 s0, $0x0;
	s0 =	rddreg [dreg:$0x2]  }
0xf1: {  	s0 =	sadd.s32 @!p0 $0x100000, s0  }
0xf2: {  	[sflag:s0] =	ssyncadd.tile.s32 @!p0 $0x1;
	_ =	shalt  }
.Lfunc_end2:
_tile_overlayer_lowered:
.L_overlay_start_2:
0xf3: {  	(tag) =	ssettag $0x2  }
0xf4: {  	s0 =	rddreg [dreg:$0x0];
	s2 =	stileid.u32  }
0xf5: {  	s1 =	rddreg [dreg:$0x1];
	p0 =	sne.s32 s2, $0x0  }
0xf6: {  	s3 =	rddreg [dreg:$0x2];
	[bflag:$0x3] =	sbarrier.arrive $0xFFFF;
	s2 =	simm.s32 @!p0 $0x1C09  }
0xf7: {  	[timem:s3], [sflag:s2] =	dma.local @!p0 [hbm:s0], s1  }
0xf8: {  	s0 =	simm.s32 @!p0 $0x9  }
0xf9: {  	_ =	swait.ge @!p0 [sflag:s0], s1  }
0xfa: {  	s1 =	ssub.s32 @!p0 $0x0, s1;
	[sflag:s0] =	ssyncset.done @!p0 $0x0  }
0xfb: {  	[sflag:s0] =	ssyncadd.s32 @!p0 s1  }
0xfc: {  	[bflag:$0x3] =	sbarrier.arrive $0xFFFF  }
0xfd: {  	_ =	shalt  }

// kernel: kernel.8.cloned.1.call-start
scs
__scs_entry_jumppad:
0x0: {  	(pc) =	sbr.rel $0x88, $3  }
0x1: {  	(tag) =	ssettag $0x0;
	lr =	simm.s32 $0x1  }
0x2: {  	[smem:$0x3F9B] =	sst lr;
	_ =	strace $0xD0000000  }
0x3: {  	_ = 	snop  }
0x4: {  	_ = 	snop  }
0x5: {  	_ = 	snop  }
0x6: {  	_ = 	snop  }
0x7: {  	_ = 	snop  }
__scs_overlays_trampoline_lowered:
0x8: {  	[smem:$0x3FAA] =	sst s0  }
0x9: {  	[smem:$0x3FAB] =	sst s1  }
0xa: {  	[smem:$0x3FAC] =	sst s2  }
0xb: {  	[smem:$0x3FAD] =	sst s3  }
0xc: {  	[smem:$0x3FAE] =	sst s4  }
0xd: {  	[smem:$0x3FAF] =	sst s5  }
0xe: {  	[smem:$0x3FB0] =	sst s6  }
0xf: {  	[smem:$0x3FB1] =	sst s7  }
0x10: {  	[smem:$0x3FB2] =	sst s8  }
0x11: {  	[smem:$0x3FB3] =	sst s9;
	s0 =	simm.s32 @!p0 $0x0  }
0x12: {  	s1 =	sld [smem:$0x3F99];
	s0 =	simm.s32 @p0 $0x1  }
0x13: {  	[smem:$0x3FB4] =	sst s0;
	s0 =	simm.s32 @!p1 $0x0  }
0x14: {  	s2 =	sld [smem:$0x3F98];
	s0 =	simm.s32 @p1 $0x1  }
0x15: {  	[smem:$0x3FB5] =	sst s0;
	s0 =	simm.s32 @!p2 $0x0  }
0x16: {  	s3 =	sld [smem:$0x3FDB];
	s0 =	simm.s32 @p2 $0x1  }
0x17: {  	s4 =	simm.s32 $0x1BF5;
	[smem:$0x3FB7] =	sst s0  }
0x18: {  	s0 =	sld [smem:$0x3F9A];
	_ =	swait.ge [sflag:s4], $0x0  }
0x19: {  	s7 =	sld [smem:$0x3F9B]  }
0x1a: {  	s8 =	sadd.s32 $0xFFFFE003, lr  }
0x1b: {  	s9 =	sadd.s32 $0xFFFFFEF7, lr;
	s5 =	simm.s32 $0xFFFFFFFF;
	p2 =	slt.u32 s8, $0xFFFFF086  }
0x1c: {  	p1 =	slt.u32 s9, $0xF7A;
	s5 =	simm.s32 @!p2 $0x0  }
0x1d: {  	s5 =	simm.s32 @p1 $0x1;
	p0 =	seq.s32 s7, s2  }
0x1e: {  	s7 =	smul.u32 @!p0 $0xF7A, s2;
	p2 =	seq.s32 @!p0 s5, $0x0  }
0x1f: {  	s9 =	smul.u32 $0xF7A, s1;
	s8 =	simm.s32 @!p0 $0x1BF5;
	p2 =	por !p2, p0  }
0x20: {  	[sflag:s8] =	ssyncset.s32 @!p0 $0xFFFFF086;
	s6 =	sadd.s32 @!p0 s3, s7;
	s7 =	simm.s32 @!p0 $0x108  }
0x21: {  	s3 =	sadd.s32 s3, s9;
	s6 =	sadd.s32 @!p0 $0x88, s6;
	s7 =	simm.s32 @p2 $0x1082  }
0x22: {  	[simem:s7], [sflag:s8] =	dma.local @!p0 [hbm:s6], $0xF7A  }
0x23: {  	s9 =	sor.u32 $0xD0000000, s2;
	s6 =	simm.s32 $0x108;
	_ =	swait.ge @!p0 [sflag:s8], $0x0  }
0x24: {  	s3 =	sadd.s32 $0x88, s3;
	s6 =	simm.s32 @!p1 $0x1082;
	[sflag:s4] =	ssyncset.s32 $0xFFFFF086  }
0x25: {  	[simem:s6], [sflag:s4] =	dma.local [hbm:s3], $0xF7A  }
0x26: {  	[smem:$0x3F9B] =	sst s1;
	(tag) =	ssettag s2;
	_ =	strace s9  }
0x27: {  	s1 =	sld [smem:$0x3FAB]  }
0x28: {  	s2 =	sld [smem:$0x3FAC]  }
0x29: {  	s4 =	sld [smem:$0x3FAE]  }
0x2a: {  	p0 =	seq.s32 s5, $0x0;
	s5 =	sld [smem:$0x3FAF]  }
0x2b: {  	s6 =	sld [smem:$0x3FB0]  }
0x2c: {  	s7 =	sld [smem:$0x3FB1]  }
0x2d: {  	s3 =	simm.s32 $0x108;
	s8 =	sld [smem:$0x3FB2]  }
0x2e: {  	s3 =	simm.s32 @!p0 $0x1082;
	s9 =	sld [smem:$0x3FB3]  }
0x2f: {  	lr =	sadd.s32 s0, s3;
	s0 =	sld [smem:$0x3FAA]  }
0x30: {  	s3 =	sld [smem:$0x3FAD]  }
0x31: {  	[smem:$0x3FB6] =	sst s10  }
0x32: {  	s10 =	sld [smem:$0x3FB4];
	_ =	sdelay $0x3  }
0x33: {  	p0 =	seq.s32 s10, $0x1;
	s10 =	sld [smem:$0x3FB6];
	_ =	sdelay $0x3  }
0x34: {  	[smem:$0x3FB6] =	sst s10  }
0x35: {  	s10 =	sld [smem:$0x3FB5];
	_ =	sdelay $0x3  }
0x36: {  	p1 =	seq.s32 s10, $0x1;
	s10 =	sld [smem:$0x3FB6];
	_ =	sdelay $0x3  }
0x37: {  	[smem:$0x3FB6] =	sst s10  }
0x38: {  	s10 =	sld [smem:$0x3FB7]  }
0x39: {  	_ = 	snop;
	(pc) =	sbr.ind lr, $3  }
0x3a: {  	_ = 	snop  }
0x3b: {  	_ = 	snop  }
0x3c: {  	p2 =	seq.s32 s10, $0x1;
	s10 =	sld [smem:$0x3FB6]  }
0x3d: {  	_ =	shalt  }
0x3e: {  	_ =	shalt  }
0x3f: {  	_ =	shalt  }
0x40: {  	_ =	shalt  }
0x41: {  	_ =	shalt  }
0x42: {  	_ =	shalt  }
0x43: {  	_ =	shalt  }
0x44: {  	_ =	shalt  }
0x45: {  	_ =	shalt  }
0x46: {  	_ =	shalt  }
0x47: {  	_ =	shalt  }
0x48: {  	_ =	shalt  }
0x49: {  	_ =	shalt  }
0x4a: {  	_ =	shalt  }
0x4b: {  	_ =	shalt  }
0x4c: {  	_ =	shalt  }
0x4d: {  	_ =	shalt  }
0x4e: {  	_ =	shalt  }
0x4f: {  	_ =	shalt  }
0x50: {  	_ =	shalt  }
0x51: {  	_ =	shalt  }
0x52: {  	_ =	shalt  }
0x53: {  	_ =	shalt  }
0x54: {  	_ =	shalt  }
0x55: {  	_ =	shalt  }
0x56: {  	_ =	shalt  }
0x57: {  	_ =	shalt  }
0x58: {  	_ =	shalt  }
0x59: {  	_ =	shalt  }
0x5a: {  	_ =	shalt  }
0x5b: {  	_ =	shalt  }
0x5c: {  	_ =	shalt  }
0x5d: {  	_ =	shalt  }
0x5e: {  	_ =	shalt  }
0x5f: {  	_ =	shalt  }
0x60: {  	_ =	shalt  }
0x61: {  	_ =	shalt  }
0x62: {  	_ =	shalt  }
0x63: {  	_ =	shalt  }
0x64: {  	_ =	shalt  }
0x65: {  	_ =	shalt  }
0x66: {  	_ =	shalt  }
0x67: {  	_ =	shalt  }
0x68: {  	_ =	shalt  }
0x69: {  	_ =	shalt  }
0x6a: {  	_ =	shalt  }
0x6b: {  	_ =	shalt  }
0x6c: {  	_ =	shalt  }
0x6d: {  	_ =	shalt  }
0x6e: {  	_ =	shalt  }
0x6f: {  	_ =	shalt  }
0x70: {  	_ =	shalt  }
0x71: {  	_ =	shalt  }
0x72: {  	_ =	shalt  }
0x73: {  	_ =	shalt  }
0x74: {  	_ =	shalt  }
0x75: {  	_ =	shalt  }
0x76: {  	_ =	shalt  }
0x77: {  	_ =	shalt  }
0x78: {  	_ =	shalt  }
0x79: {  	_ =	shalt  }
0x7a: {  	_ =	shalt  }
0x7b: {  	_ =	shalt  }
0x7c: {  	_ =	shalt  }
0x7d: {  	_ =	shalt  }
0x7e: {  	_ =	shalt  }
0x7f: {  	_ =	shalt  }
0x80: {  	_ =	shalt  }
0x81: {  	_ =	shalt  }
0x82: {  	_ =	shalt  }
0x83: {  	_ =	shalt  }
0x84: {  	_ =	shalt  }
0x85: {  	_ =	shalt  }
0x86: {  	_ =	shalt  }
0x87: {  	_ =	shalt  }
.Lfunc_end0:
.L_simem_size_0:
called_computation_lowered:
.L_overlay_start_0:
0x88: {  	s2 =	sld [smem:$0x3FD9]  }
0x89: {  	s3 =	sld [smem:$0x3FFE];
	_ =	sdelay $0x1  }
0x8a: {  	s1 =	srdreg.scid  }
0x8b: {  	s0 =	sand.u32 $0x1, s1  }
0x8c: {  	s17 =	sshll.u32 s0, $0xA;
	s2 =	sadd.s32 s3, s2  }
0x8d: {  	s2 =	sadd.s32 s2, s17  }
0x8e: {  	[smem:$0x3FC2] =	sst s2  }
0x8f: {  	_ = 	snop  }
0x90: {  	s2 =	sld [smem:$0x3FD0];
	(tm) =	ssettm $0x1  }
0x91: {  	s18 =	sld [smem:$0x3FFB];
	_ =	sdelay $0x3  }
0x92: {  	_ =	strace s18  }
0x93: {  	s3 =	sld [smem:$0x3FFC];
	_ =	sdelay $0x3  }
0x94: {  	_ =	strace s3  }
0x95: {  	s3 =	sld [smem:$0x3FFD];
	_ =	sdelay $0x3  }
0x96: {  	_ =	strace s3  }
0x97: {  	_ =	strace $0x8FFFFFFF  }
0x98: {  	s19 =	sld [smem:$0x3FDB];
	_ =	sdelay $0x1  }
0x99: {  	s4 =	simm.s32 $_scs_section_size  }
0x9a: {  	s5 =	simm.s32 $_size__tile_overlayer_lowered;
	s6 =	simm.s32 $_tile_overlayer_lowered  }
0x9b: {  	s22 =	simm.s32 $0x1BFF;
	s21 =	sshll.u32 s6, $0x1;
	s3 =	sadd.s32 s4, s19  }
0x9c: {  	s7 =	simm.s32 $0x0;
	s20 =	sshll.u32 s5, $0x1;
	s5 =	sadd.s32 s21, s3  }
0x9d: {  	[timem:s7], [sflag:s22] =	dma.local [hbm:s5], s20  }
0x9e: {  	_ =	swait.ge [sflag:s22], s20  }
0x9f: {  	s4 =	ssub.s32 $0x0, s20;
	[sflag:s22] =	ssyncset.done $0x0  }
0xa0: {  	[sflag:s22] =	ssyncadd.s32 s4;
	_ =	sdelay $0x1  }
0xa1: {  	s23 =	simm.s32 $0x1B8B  }
0xa2: {  	_ =	swait.ge [sflag:s23], $0x1  }
0xa3: {  	[sflag:s23] =	ssyncset.done $0x0  }
0xa4: {  	s25 =	simm.s32 $0x1B8E;
	s24 =	sld [smem:$0x3FFE];
	[sflag:s23] =	ssyncadd.s32 $0xFFFFFFFF  }
0xa5: {  	s26 =	simm.s32 $execute0_lowered;
	[smem:$0x3FD2] =	sst s25  }
0xa6: {  	s5 =	sshll.u32 s26, $0x1;
	_ =	strace $0x80000046;
	[dreg:$0x1] =	wrdreg $0xFFFFFFFF  }
0xa7: {  	s28 =	simm.s32 $_size_execute0_lowered;
	s3 =	sadd.s32 s3, s5;
	[dreg:$0x0] =	wrdreg $0x0  }
0xa8: {  	s5 =	sshll.u32 s28, $0x1;
	[dreg:$0x2] =	wrdreg s3  }
0xa9: {  	[dreg:$0x3] =	wrdreg s5  }
0xaa: {  	[dreg:$0x4] =	wrdreg $0xC0  }
0xab: {  	_ =	task [dreg:s7], $0x5FFFF  }
0xac: {  	[dreg:$0x1] =	wrdreg $0xFFFFFFFF  }
0xad: {  	[dreg:$0x0] =	wrdreg $0x60  }
0xae: {  	[dreg:$0x2] =	wrdreg s2  }
0xaf: {  	[dreg:$0x3] =	wrdreg s24  }
0xb0: {  	[dreg:$0x4] =	wrdreg $0x54000  }
0xb1: {  	[dreg:$0x5] =	wrdreg $0x9  }
0xb2: {  	_ =	task.clear_ibuf [dreg:s7], $0x6FFFF;
	_ =	strace $0x90000046  }
0xb3: {  	s29 =	simm.s32 $0x9;
	_ =	strace $0x80000048  }
0xb4: {  	_ =	swait.ge [sflag:s29], $0x1  }
0xb5: {  	[sflag:s29] =	ssyncadd.s32 $0xFFFFFFFF  }
0xb6: {  	_ =	strace $0x90000048  }
0xb7: {  	_ =	sfence  }
0xb8: {  	s30 =	sld [smem:$0x0];
	_ =	sdelay $0x2  }
0xb9: {  	s31 =	sshll.u32 s1, $0xD;
	s1 =	sshrl.u32 s1, $0x2  }
0xba: {  	s3 =	sand.u32 $0x4000, s31;
	s1 =	sadd.s32 s1, s30  }
0xbb: {  	s0 =	sor.u32 s3, s0;
	s1 =	sshll.u32 s1, $0x11  }
0xbc: {  	s0 =	sor.u32 s1, s0  }
0xbd: {  	s0 =	sadd.s32 $0x8F2B, s0  }
0xbe: {  	[sflag:s0] =	ssyncadd.remote.s32 $0x1  }
0xbf: {  	_ =	sfence.sel $0xFFFF  }
0xc0: {  	[dreg:$0x0] =	wrdreg $0xFFFFFFFF;
	(pc) =	sbr.abs _section_cstart, $3  }
0xc1: {  	[dreg:$0x1] =	wrdreg $0xFFFFFFFF  }
0xc2: {  	_ =	task.clear_ibuf [dreg:s7], $0x2FFFF;
	_ =	strace $0x9FFFFFFF  }
0xc3: {  	(tm) =	ssettm $0x7FFFFFFF  }
tec
execute0_lowered:
.L_overlay_start_1:
0x0: {  	(tag) =	ssettag $0x1  }
0x1: {  	s0 =	rddreg [dreg:$0x0]  }
0x2: {  	s1 =	srdreg.scid;
	s4 =	rddreg [dreg:$0x1]  }
0x3: {  	s8 =	stileid.u32;
	s2 =	rddreg [dreg:$0x2];
	s3 =	simm.s32 $0x0  }
0x4: {  	s12 =	simm.s32 $0x5;
	s13 =	simm.s32 $0x1400;
	s14 =	simm.s32 $0x80  }
0x5: {  	s17 =	simm.s32 $0x1;
	s19 =	simm.s32 $0x2;
	s21 =	simm.s32 $0x3  }
0x6: {  	s23 =	simm.s32 $0x4;
	s18 =	simm.s32 $0xF80;
	s6 =	smul.u32 $0x14000, s8  }
0x7: {  	s20 =	simm.s32 $0x1080;
	s22 =	simm.s32 $0x1100;
	s24 =	smul.u32 $0x1400, s8  }
0x8: {  	s28 =	simm.s32 $0x1300;
	s1 =	sand.u32 $0x1, s1;
	s8 =	smul.u32 $0x50000, s8  }
0x9: {  	s29 =	simm.s32 $0x1380;
	s30 =	simm.s32 $0x0;
	s5 =	smul.u32 $0x140000, s1  }
0xa: {  	[smem:$0x7FF] =	sst s3;
	s7 =	smul.u32 $0x14000, s1;
	s1 =	ssub.s32 $0x2, s1  }
0xb: {  	_ =	strace $0x80000047;
	s26 =	sshrl.u32 s8, $0x2;
	s31 =	sshrl.u32 s1, $0x1  }
0xc: {  	s5 =	sadd.s32 s6, s5;
	s25 =	sadd.s32 s24, s7;
	s1 =	ssub.s32 s1, s31  }
0xd: {  	s24 =	simm.s32 $0x1180;
	s5 =	sshrl.u32 s5, $0x3;
	s7 =	sshrl.u32 s25, $0x3  }
0xe: {  	s11 =	smax.u32 s1, $0x1;
	s25 =	simm.s32 $0x1200;
	s10 =	sadd.s32 s5, s4  }
0xf: {  	s4 =	sadd.s32 s26, s2;
	s5 =	sadd.s32 s0, s7;
	s0 =	simm.s32 $0x1000  }
0x10: {  	s26 =	simm.s32 $0x1280;
	s6 =	sadd.s32 $0x4000, s4;
	s7 =	sadd.s32 $0x8000, s4  }
0x11: {  	v0 =	vimm.f32 $0.0e+00;
	v1 =	vimm.f32 $1.000000000e+00;
	s8 =	sadd.s32 $0xC000, s4;
	s9 =	sadd.s32 $0x10000, s4;
	s10 =	sadd.s32 $0x2600, s10  }
.LBB2_1:
0x12: {  	[tilespmem:s3], [sflag:$0x5] =	stream.linear.gather [hbm4b:s5+s3], $0x1400, $0x38;
	[tilespmem:$0x19400] =	vst v63  }
0x13: {  	s1 =	sand.u32 $0xFE00, s3;
	s15 =	sand.u32 $0x70, s3;
	_ =	swait.ge [sflag:s12], $0x1400  }
0x14: {  	s31 =	simm.s32 $0x40;
	s1 =	sshrl.u32 s1, $0x2;
	[sflag:s12] =	ssyncset.done $0x0  }
0x15: {  	s15 =	sor.u32 s15, s1;
	s1 =	simm.s32 $0x0;
	[sflag:s12] =	ssyncadd.s32 $0xFFFFEC00  }
.LBB2_2:
0x16: {  	p0 =	sne.s32 s31, $0xFFC0  }
0x17: {  	[tilespmem:s15+$0x1400] =	vst v0;
	s1 =	sadd.s32 $0x10, s1;
	s15 =	smov.u32 s31;
	s31 =	sadd.s32 $0x40, s31  }
.Ltmp0:
0x18: {  	(pc) =	sbr.rel @p0 .LBB2_2-.Ltmp0, $4  }
0x19: {  	_ = 	snop  }
0x1a: {  	s15 =	sand.u32 $0xFE00, s15  }
0x1b: {  	s16 =	sand.u32 $0x70, s1;
	s15 =	sshrl.u32 s15, $0x2  }
0x1c: {  	s15 =	sor.u32 s16, s15  }
0x1d: {  	[tilespmem:s15+$0x1400] =	vst v0  }
0x1e: {  	[spmem:s4] =	stream.linear.scatter [tilespmem:s13], [sflag:$0x5], $0x4000, $0x38;
	[tilespmem:$0x19400] =	vst v63  }
0x1f: {  	_ =	swait.ge [sflag:s12], $0x4000  }
0x20: {  	[sflag:s12] =	ssyncset.done $0x0  }
0x21: {  	[sflag:s12] =	ssyncadd.s32 $0xFFFFC000  }
0x22: {  	[spmem:s6] =	stream.linear.scatter [tilespmem:s13], [sflag:$0x5], $0x4000, $0x38;
	[tilespmem:$0x19400] =	vst v63  }
0x23: {  	_ =	swait.ge [sflag:s12], $0x4000  }
0x24: {  	[sflag:s12] =	ssyncset.done $0x0  }
0x25: {  	[sflag:s12] =	ssyncadd.s32 $0xFFFFC000  }
0x26: {  	[spmem:s7] =	stream.linear.scatter [tilespmem:s13], [sflag:$0x5], $0x4000, $0x38;
	[tilespmem:$0x19400] =	vst v63  }
0x27: {  	_ =	swait.ge [sflag:s12], $0x4000  }
0x28: {  	[sflag:s12] =	ssyncset.done $0x0  }
0x29: {  	[sflag:s12] =	ssyncadd.s32 $0xFFFFC000  }
0x2a: {  	[spmem:s8] =	stream.linear.scatter [tilespmem:s13], [sflag:$0x5], $0x4000, $0x38;
	[tilespmem:$0x19400] =	vst v63  }
0x2b: {  	_ =	swait.ge [sflag:s12], $0x4000  }
0x2c: {  	[sflag:s12] =	ssyncset.done $0x0  }
0x2d: {  	s31 =	simm.s32 $0x0;
	[sflag:s12] =	ssyncadd.s32 $0xFFFFC000  }
0x2e: {  	[spmem:s9] =	stream.linear.scatter [tilespmem:s13], [sflag:$0x5], $0x4000, $0x38;
	[tilespmem:$0x19400] =	vst v63  }
0x2f: {  	s1 =	sand.u32 $0xFE00, s31;
	_ =	swait.ge [sflag:s12], $0x4000  }
0x30: {  	s15 =	sand.u32 $0x70, s31;
	s16 =	sshrl.u32 s1, $0x2;
	[sflag:s12] =	ssyncset.done $0x0  }
0x31: {  	s1 =	simm.s32 $0x40;
	s15 =	sor.u32 s15, s16;
	[sflag:s12] =	ssyncadd.s32 $0xFFFFC000  }
.LBB2_4:
0x32: {  	p0 =	sne.s32 s1, $0xFFC0  }
0x33: {  	[tilespmem:s15+$0x1400] =	vst v1;
	s31 =	sadd.s32 $0x10, s31;
	s15 =	smov.u32 s1;
	s1 =	sadd.s32 $0x40, s1  }
.Ltmp1:
0x34: {  	(pc) =	sbr.rel @p0 .LBB2_4-.Ltmp1, $4  }
0x35: {  	_ = 	snop  }
0x36: {  	s15 =	sand.u32 $0xFE00, s15  }
0x37: {  	s16 =	sand.u32 $0x70, s31;
	s15 =	sshrl.u32 s15, $0x2  }
0x38: {  	s15 =	sor.u32 s16, s15  }
0x39: {  	[tilespmem:s15+$0x1400] =	vst v1  }
0x3a: {  	[bflag:$0x0] =	sbarrier.arrive $0xFFFF  }
0x3b: {  	[spmem:s2] =	stream.indirect.scatter.add.f32 [tilespmem:s13], [sflag:$0x1], $0x80, s3, s14, $0xb8;
	[tilespmem:$0x19400] =	vst v63  }
0x3c: {  	_ = 	snop  }
0x3d: {  	[spmem:s2] =	stream.indirect.scatter.add.f32 [tilespmem:s13], [sflag:$0x2], $0x80, s14, s14, $0xb8;
	[tilespmem:$0x19400] =	vst v63  }
0x3e: {  	s1 =	simm.s32 $0x100  }
0x3f: {  	[spmem:s2] =	stream.indirect.scatter.add.f32 [tilespmem:s13], [sflag:$0x3], $0x80, s1, s14, $0xb8;
	[tilespmem:$0x19400] =	vst v63  }
0x40: {  	s15 =	simm.s32 $0x180  }
0x41: {  	[spmem:s2] =	stream.indirect.scatter.add.f32 [tilespmem:s13], [sflag:$0x4], $0x80, s15, s14, $0xb8;
	[tilespmem:$0x19400] =	vst v63  }
0x42: {  	_ =	swait.ge [sflag:s17], $0x4000  }
0x43: {  	[sflag:s17] =	ssyncset.done $0x0  }
0x44: {  	s16 =	simm.s32 $0x200;
	[sflag:s17] =	ssyncadd.s32 $0xFFFFC000  }
0x45: {  	[spmem:s2] =	stream.indirect.scatter.add.f32 [tilespmem:s13], [sflag:$0x1], $0x80, s16, s14, $0xb8;
	[tilespmem:$0x19400] =	vst v63  }
0x46: {  	_ =	swait.ge [sflag:s19], $0x4000  }
0x47: {  	[sflag:s19] =	ssyncset.done $0x0  }
0x48: {  	s31 =	simm.s32 $0x280;
	[sflag:s19] =	ssyncadd.s32 $0xFFFFC000  }
0x49: {  	[spmem:s2] =	stream.indirect.scatter.add.f32 [tilespmem:s13], [sflag:$0x2], $0x80, s31, s14, $0xb8;
	[tilespmem:$0x19400] =	vst v63  }
0x4a: {  	_ =	swait.ge [sflag:s21], $0x4000  }
0x4b: {  	[sflag:s21] =	ssyncset.done $0x0  }
0x4c: {  	s15 =	simm.s32 $0x300;
	[sflag:s21] =	ssyncadd.s32 $0xFFFFC000  }
0x4d: {  	[spmem:s2] =	stream.indirect.scatter.add.f32 [tilespmem:s13], [sflag:$0x3], $0x80, s15, s14, $0xb8;
	[tilespmem:$0x19400] =	vst v63  }
0x4e: {  	_ =	swait.ge [sflag:s23], $0x4000  }
0x4f: {  	[sflag:s23] =	ssyncset.done $0x0  }
0x50: {  	s16 =	simm.s32 $0x380;
	[sflag:s23] =	ssyncadd.s32 $0xFFFFC000  }
0x51: {  	[spmem:s2] =	stream.indirect.scatter.add.f32 [tilespmem:s13], [sflag:$0x4], $0x80, s16, s14, $0xb8;
	[tilespmem:$0x19400] =	vst v63  }
0x52: {  	_ =	swait.ge [sflag:s17], $0x4000  }
0x53: {  	[sflag:s17] =	ssyncset.done $0x0  }
0x54: {  	s31 =	simm.s32 $0x400;
	[sflag:s17] =	ssyncadd.s32 $0xFFFFC000  }
0x55: {  	[spmem:s2] =	stream.indirect.scatter.add.f32 [tilespmem:s13], [sflag:$0x1], $0x80, s31, s14, $0xb8;
	[tilespmem:$0x19400] =	vst v63  }
0x56: {  	_ =	swait.ge [sflag:s19], $0x4000  }
0x57: {  	[sflag:s19] =	ssyncset.done $0x0  }
0x58: {  	s15 =	simm.s32 $0x480;
	[sflag:s19] =	ssyncadd.s32 $0xFFFFC000  }
0x59: {  	[spmem:s2] =	stream.indirect.scatter.add.f32 [tilespmem:s13], [sflag:$0x2], $0x80, s15, s14, $0xb8;
	[tilespmem:$0x19400] =	vst v63  }
0x5a: {  	_ =	swait.ge [sflag:s21], $0x4000  }
0x5b: {  	[sflag:s21] =	ssyncset.done $0x0  }
0x5c: {  	s16 =	simm.s32 $0x500;
	[sflag:s21] =	ssyncadd.s32 $0xFFFFC000  }
0x5d: {  	[spmem:s2] =	stream.indirect.scatter.add.f32 [tilespmem:s13], [sflag:$0x3], $0x80, s16, s14, $0xb8;
	[tilespmem:$0x19400] =	vst v63  }
0x5e: {  	_ =	swait.ge [sflag:s23], $0x4000  }
0x5f: {  	[sflag:s23] =	ssyncset.done $0x0  }
0x60: {  	s31 =	simm.s32 $0x580;
	[sflag:s23] =	ssyncadd.s32 $0xFFFFC000  }
0x61: {  	[spmem:s2] =	stream.indirect.scatter.add.f32 [tilespmem:s13], [sflag:$0x4], $0x80, s31, s14, $0xb8;
	[tilespmem:$0x19400] =	vst v63  }
0x62: {  	_ =	swait.ge [sflag:s17], $0x4000  }
0x63: {  	[sflag:s17] =	ssyncset.done $0x0  }
0x64: {  	s15 =	simm.s32 $0x600;
	[sflag:s17] =	ssyncadd.s32 $0xFFFFC000  }
0x65: {  	[spmem:s2] =	stream.indirect.scatter.add.f32 [tilespmem:s13], [sflag:$0x1], $0x80, s15, s14, $0xb8;
	[tilespmem:$0x19400] =	vst v63  }
0x66: {  	_ =	swait.ge [sflag:s19], $0x4000  }
0x67: {  	[sflag:s19] =	ssyncset.done $0x0  }
0x68: {  	s16 =	simm.s32 $0x680;
	[sflag:s19] =	ssyncadd.s32 $0xFFFFC000  }
0x69: {  	[spmem:s2] =	stream.indirect.scatter.add.f32 [tilespmem:s13], [sflag:$0x2], $0x80, s16, s14, $0xb8;
	[tilespmem:$0x19400] =	vst v63  }
0x6a: {  	_ =	swait.ge [sflag:s21], $0x4000  }
0x6b: {  	[sflag:s21] =	ssyncset.done $0x0  }
0x6c: {  	s31 =	simm.s32 $0x700;
	[sflag:s21] =	ssyncadd.s32 $0xFFFFC000  }
0x6d: {  	[spmem:s2] =	stream.indirect.scatter.add.f32 [tilespmem:s13], [sflag:$0x3], $0x80, s31, s14, $0xb8;
	[tilespmem:$0x19400] =	vst v63  }
0x6e: {  	_ =	swait.ge [sflag:s23], $0x4000  }
0x6f: {  	[sflag:s23] =	ssyncset.done $0x0  }
0x70: {  	s15 =	simm.s32 $0x780;
	[sflag:s23] =	ssyncadd.s32 $0xFFFFC000  }
0x71: {  	[spmem:s2] =	stream.indirect.scatter.add.f32 [tilespmem:s13], [sflag:$0x4], $0x80, s15, s14, $0xb8;
	[tilespmem:$0x19400] =	vst v63  }
0x72: {  	_ =	swait.ge [sflag:s17], $0x4000  }
0x73: {  	[sflag:s17] =	ssyncset.done $0x0  }
0x74: {  	s16 =	simm.s32 $0x800;
	[sflag:s17] =	ssyncadd.s32 $0xFFFFC000  }
0x75: {  	[spmem:s2] =	stream.indirect.scatter.add.f32 [tilespmem:s13], [sflag:$0x1], $0x80, s16, s14, $0xb8;
	[tilespmem:$0x19400] =	vst v63  }
0x76: {  	_ =	swait.ge [sflag:s19], $0x4000  }
0x77: {  	[sflag:s19] =	ssyncset.done $0x0  }
0x78: {  	s31 =	simm.s32 $0x880;
	[sflag:s19] =	ssyncadd.s32 $0xFFFFC000  }
0x79: {  	[spmem:s2] =	stream.indirect.scatter.add.f32 [tilespmem:s13], [sflag:$0x2], $0x80, s31, s14, $0xb8;
	[tilespmem:$0x19400] =	vst v63  }
0x7a: {  	_ =	swait.ge [sflag:s21], $0x4000  }
0x7b: {  	[sflag:s21] =	ssyncset.done $0x0  }
0x7c: {  	s15 =	simm.s32 $0x900;
	[sflag:s21] =	ssyncadd.s32 $0xFFFFC000  }
0x7d: {  	[spmem:s2] =	stream.indirect.scatter.add.f32 [tilespmem:s13], [sflag:$0x3], $0x80, s15, s14, $0xb8;
	[tilespmem:$0x19400] =	vst v63  }
0x7e: {  	_ =	swait.ge [sflag:s23], $0x4000  }
0x7f: {  	[sflag:s23] =	ssyncset.done $0x0  }
0x80: {  	s16 =	simm.s32 $0x980;
	[sflag:s23] =	ssyncadd.s32 $0xFFFFC000  }
0x81: {  	[spmem:s2] =	stream.indirect.scatter.add.f32 [tilespmem:s13], [sflag:$0x4], $0x80, s16, s14, $0xb8;
	[tilespmem:$0x19400] =	vst v63  }
0x82: {  	_ =	swait.ge [sflag:s17], $0x4000  }
0x83: {  	[sflag:s17] =	ssyncset.done $0x0  }
0x84: {  	s31 =	simm.s32 $0xA00;
	[sflag:s17] =	ssyncadd.s32 $0xFFFFC000  }
0x85: {  	[spmem:s2] =	stream.indirect.scatter.add.f32 [tilespmem:s13], [sflag:$0x1], $0x80, s31, s14, $0xb8;
	[tilespmem:$0x19400] =	vst v63  }
0x86: {  	_ =	swait.ge [sflag:s19], $0x4000  }
0x87: {  	[sflag:s19] =	ssyncset.done $0x0  }
0x88: {  	s15 =	simm.s32 $0xA80;
	[sflag:s19] =	ssyncadd.s32 $0xFFFFC000  }
0x89: {  	[spmem:s2] =	stream.indirect.scatter.add.f32 [tilespmem:s13], [sflag:$0x2], $0x80, s15, s14, $0xb8;
	[tilespmem:$0x19400] =	vst v63  }
0x8a: {  	_ =	swait.ge [sflag:s21], $0x4000  }
0x8b: {  	[sflag:s21] =	ssyncset.done $0x0  }
0x8c: {  	s16 =	simm.s32 $0xB00;
	[sflag:s21] =	ssyncadd.s32 $0xFFFFC000  }
0x8d: {  	[spmem:s2] =	stream.indirect.scatter.add.f32 [tilespmem:s13], [sflag:$0x3], $0x80, s16, s14, $0xb8;
	[tilespmem:$0x19400] =	vst v63  }
0x8e: {  	_ =	swait.ge [sflag:s23], $0x4000  }
0x8f: {  	[sflag:s23] =	ssyncset.done $0x0  }
0x90: {  	s31 =	simm.s32 $0xB80;
	[sflag:s23] =	ssyncadd.s32 $0xFFFFC000  }
0x91: {  	[spmem:s2] =	stream.indirect.scatter.add.f32 [tilespmem:s13], [sflag:$0x4], $0x80, s31, s14, $0xb8;
	[tilespmem:$0x19400] =	vst v63  }
0x92: {  	_ =	swait.ge [sflag:s17], $0x4000  }
0x93: {  	[sflag:s17] =	ssyncset.done $0x0  }
0x94: {  	s15 =	simm.s32 $0xC00;
	[sflag:s17] =	ssyncadd.s32 $0xFFFFC000  }
0x95: {  	[spmem:s2] =	stream.indirect.scatter.add.f32 [tilespmem:s13], [sflag:$0x1], $0x80, s15, s14, $0xb8;
	[tilespmem:$0x19400] =	vst v63  }
0x96: {  	_ =	swait.ge [sflag:s19], $0x4000  }
0x97: {  	[sflag:s19] =	ssyncset.done $0x0  }
0x98: {  	s16 =	simm.s32 $0xC80;
	[sflag:s19] =	ssyncadd.s32 $0xFFFFC000  }
0x99: {  	[spmem:s2] =	stream.indirect.scatter.add.f32 [tilespmem:s13], [sflag:$0x2], $0x80, s16, s14, $0xb8;
	[tilespmem:$0x19400] =	vst v63  }
0x9a: {  	_ =	swait.ge [sflag:s21], $0x4000  }
0x9b: {  	[sflag:s21] =	ssyncset.done $0x0  }
0x9c: {  	s31 =	simm.s32 $0xD00;
	[sflag:s21] =	ssyncadd.s32 $0xFFFFC000  }
0x9d: {  	[spmem:s2] =	stream.indirect.scatter.add.f32 [tilespmem:s13], [sflag:$0x3], $0x80, s31, s14, $0xb8;
	[tilespmem:$0x19400] =	vst v63  }
0x9e: {  	_ =	swait.ge [sflag:s23], $0x4000  }
0x9f: {  	[sflag:s23] =	ssyncset.done $0x0  }
0xa0: {  	s15 =	simm.s32 $0xD80;
	[sflag:s23] =	ssyncadd.s32 $0xFFFFC000  }
0xa1: {  	[spmem:s2] =	stream.indirect.scatter.add.f32 [tilespmem:s13], [sflag:$0x4], $0x80, s15, s14, $0xb8;
	[tilespmem:$0x19400] =	vst v63  }
0xa2: {  	_ =	swait.ge [sflag:s17], $0x4000  }
0xa3: {  	[sflag:s17] =	ssyncset.done $0x0  }
0xa4: {  	s16 =	simm.s32 $0xE00;
	[sflag:s17] =	ssyncadd.s32 $0xFFFFC000  }
0xa5: {  	[spmem:s2] =	stream.indirect.scatter.add.f32 [tilespmem:s13], [sflag:$0x1], $0x80, s16, s14, $0xb8;
	[tilespmem:$0x19400] =	vst v63  }
0xa6: {  	_ =	swait.ge [sflag:s19], $0x4000  }
0xa7: {  	[sflag:s19] =	ssyncset.done $0x0  }
0xa8: {  	s31 =	simm.s32 $0xE80;
	[sflag:s19] =	ssyncadd.s32 $0xFFFFC000  }
0xa9: {  	[spmem:s2] =	stream.indirect.scatter.add.f32 [tilespmem:s13], [sflag:$0x2], $0x80, s31, s14, $0xb8;
	[tilespmem:$0x19400] =	vst v63  }
0xaa: {  	_ =	swait.ge [sflag:s21], $0x4000  }
0xab: {  	[sflag:s21] =	ssyncset.done $0x0  }
0xac: {  	s15 =	simm.s32 $0xF00;
	[sflag:s21] =	ssyncadd.s32 $0xFFFFC000  }
0xad: {  	[spmem:s2] =	stream.indirect.scatter.add.f32 [tilespmem:s13], [sflag:$0x3], $0x80, s15, s14, $0xb8;
	[tilespmem:$0x19400] =	vst v63  }
0xae: {  	_ =	swait.ge [sflag:s23], $0x4000  }
0xaf: {  	[sflag:s23] =	ssyncset.done $0x0  }
0xb0: {  	[sflag:s23] =	ssyncadd.s32 $0xFFFFC000  }
0xb1: {  	[spmem:s2] =	stream.indirect.scatter.add.f32 [tilespmem:s13], [sflag:$0x4], $0x80, s18, s14, $0xb8;
	[tilespmem:$0x19400] =	vst v63  }
0xb2: {  	_ =	swait.ge [sflag:s17], $0x4000  }
0xb3: {  	[sflag:s17] =	ssyncset.done $0x0  }
0xb4: {  	[sflag:s17] =	ssyncadd.s32 $0xFFFFC000  }
0xb5: {  	[spmem:s2] =	stream.indirect.scatter.add.f32 [tilespmem:s13], [sflag:$0x1], $0x80, s0, s14, $0xb8;
	[tilespmem:$0x19400] =	vst v63  }
0xb6: {  	_ =	swait.ge [sflag:s19], $0x4000  }
0xb7: {  	[sflag:s19] =	ssyncset.done $0x0  }
0xb8: {  	[sflag:s19] =	ssyncadd.s32 $0xFFFFC000  }
0xb9: {  	[spmem:s2] =	stream.indirect.scatter.add.f32 [tilespmem:s13], [sflag:$0x2], $0x80, s20, s14, $0xb8;
	[tilespmem:$0x19400] =	vst v63  }
0xba: {  	_ =	swait.ge [sflag:s21], $0x4000  }
0xbb: {  	[sflag:s21] =	ssyncset.done $0x0  }
0xbc: {  	[sflag:s21] =	ssyncadd.s32 $0xFFFFC000  }
0xbd: {  	[spmem:s2] =	stream.indirect.scatter.add.f32 [tilespmem:s13], [sflag:$0x3], $0x80, s22, s14, $0xb8;
	[tilespmem:$0x19400] =	vst v63  }
0xbe: {  	_ =	swait.ge [sflag:s23], $0x4000  }
0xbf: {  	[sflag:s23] =	ssyncset.done $0x0  }
0xc0: {  	[sflag:s23] =	ssyncadd.s32 $0xFFFFC000  }
0xc1: {  	[spmem:s2] =	stream.indirect.scatter.add.f32 [tilespmem:s13], [sflag:$0x4], $0x80, s24, s14, $0xb8;
	[tilespmem:$0x19400] =	vst v63  }
0xc2: {  	_ =	swait.ge [sflag:s17], $0x4000  }
0xc3: {  	[sflag:s17] =	ssyncset.done $0x0  }
0xc4: {  	[sflag:s17] =	ssyncadd.s32 $0xFFFFC000  }
0xc5: {  	[spmem:s2] =	stream.indirect.scatter.add.f32 [tilespmem:s13], [sflag:$0x1], $0x80, s25, s14, $0xb8;
	[tilespmem:$0x19400] =	vst v63  }
0xc6: {  	_ =	swait.ge [sflag:s19], $0x4000  }
0xc7: {  	[sflag:s19] =	ssyncset.done $0x0  }
0xc8: {  	[sflag:s19] =	ssyncadd.s32 $0xFFFFC000  }
0xc9: {  	[spmem:s2] =	stream.indirect.scatter.add.f32 [tilespmem:s13], [sflag:$0x2], $0x80, s26, s14, $0xb8;
	[tilespmem:$0x19400] =	vst v63  }
0xca: {  	_ =	swait.ge [sflag:s21], $0x4000  }
0xcb: {  	[sflag:s21] =	ssyncset.done $0x0  }
0xcc: {  	[sflag:s21] =	ssyncadd.s32 $0xFFFFC000  }
0xcd: {  	[spmem:s2] =	stream.indirect.scatter.add.f32 [tilespmem:s13], [sflag:$0x3], $0x80, s28, s14, $0xb8;
	[tilespmem:$0x19400] =	vst v63  }
0xce: {  	_ =	swait.ge [sflag:s23], $0x4000  }
0xcf: {  	[sflag:s23] =	ssyncset.done $0x0  }
0xd0: {  	[sflag:s23] =	ssyncadd.s32 $0xFFFFC000  }
0xd1: {  	[spmem:s2] =	stream.indirect.scatter.add.f32 [tilespmem:s13], [sflag:$0x4], $0x80, s29, s14, $0xb8;
	[tilespmem:$0x19400] =	vst v63  }
0xd2: {  	_ =	swait.ge [sflag:s17], $0x4000  }
0xd3: {  	[sflag:s17] =	ssyncset.done $0x0  }
0xd4: {  	[sflag:s17] =	ssyncadd.s32 $0xFFFFC000  }
0xd5: {  	_ =	swait.ge [sflag:s19], $0x4000  }
0xd6: {  	[sflag:s19] =	ssyncset.done $0x0  }
0xd7: {  	[sflag:s19] =	ssyncadd.s32 $0xFFFFC000  }
0xd8: {  	_ =	swait.ge [sflag:s21], $0x4000  }
0xd9: {  	[sflag:s21] =	ssyncset.done $0x0  }
0xda: {  	[sflag:s21] =	ssyncadd.s32 $0xFFFFC000  }
0xdb: {  	s16 =	stileid.u32;
	_ =	swait.ge [sflag:s23], $0x4000  }
0xdc: {  	s30 =	sadd.s32 $0x1, s30;
	s1 =	sshll.u32 s16, $0x6;
	[sflag:s23] =	ssyncset.done $0x0  }
0xdd: {  	p0 =	sne.s32 s30, s11;
	s1 =	sor.u32 $0x1C05, s1;
	[sflag:s23] =	ssyncadd.s32 $0xFFFFC000  }
.Ltmp2:
0xde: {  	s31 =	sshrl.u32 s4, $0x3;
	[bflag:$0x0] =	sbarrier.arrive $0xFFFF;
	(pc) =	sbr.rel @p0 .LBB2_1-.Ltmp2, $4  }
0xdf: {  	[hbm:s10], [sflag:s1] =	dma.local [spmem:s31], $0x2800  }
0xe0: {  	_ =	swait.ge [sflag:s12], $0x2800  }
0xe1: {  	[sflag:s12] =	ssyncset.done $0x0  }
0xe2: {  	[sflag:s12] =	ssyncadd.s32 $0xFFFFD800  }
0xe3: {  	_ =	sfence.sel $0x180000  }
0xe4: {  	[bflag:$0x0] =	sbarrier.arrive $0xFFFF  }
0xe5: {  	_ =	strace $0x90000047  }
0xe6: {  	s0 =	stileid.u32;
	[bflag:$0x2] =	sbarrier.arrive $0xFFFF  }
0xe7: {  	p0 =	sne.s32 s0, $0x0;
	s0 =	rddreg [dreg:$0x3]  }
0xe8: {  	s0 =	sadd.s32 @!p0 $0x100000, s0  }
0xe9: {  	[sflag:s0] =	ssyncadd.tile.s32 @!p0 $0x1;
	_ =	shalt  }
.Lfunc_end2:
_tile_overlayer_lowered:
.L_overlay_start_2:
0xea: {  	(tag) =	ssettag $0x2  }
0xeb: {  	s0 =	rddreg [dreg:$0x0];
	s2 =	stileid.u32  }
0xec: {  	s1 =	rddreg [dreg:$0x1];
	p0 =	sne.s32 s2, $0x0  }
0xed: {  	s3 =	rddreg [dreg:$0x2];
	[bflag:$0x3] =	sbarrier.arrive $0xFFFF;
	s2 =	simm.s32 @!p0 $0x1C05  }
0xee: {  	[timem:s3], [sflag:s2] =	dma.local @!p0 [hbm:s0], s1  }
0xef: {  	s0 =	simm.s32 @!p0 $0x5  }
0xf0: {  	_ =	swait.ge @!p0 [sflag:s0], s1  }
0xf1: {  	s1 =	ssub.s32 @!p0 $0x0, s1;
	[sflag:s0] =	ssyncset.done @!p0 $0x0  }
0xf2: {  	[sflag:s0] =	ssyncadd.s32 @!p0 s1  }
0xf3: {  	[bflag:$0x3] =	sbarrier.arrive $0xFFFF  }
0xf4: {  	_ =	shalt  }

</sc_bundles>
